<compile_context>
chip_gen: v7x
topology: tpu7x:2x2x1
jax: 0.10.2.dev20260603
libtpu: 0.0.44.dev20260713+nightly
codegen_flags: <defaults>
</compile_context>

<pallas_src>
import jax
import jax.numpy as jnp
from jax import lax
from jax.experimental import pallas as pl
from jax.experimental.pallas import tpu as pltpu
from jax.experimental.pallas import tpu_sc as plsc

_B, _S, _L, _V, _D = 1024, 5, 20, 1024, 64
_MAX_NORM = 20.0
_K_NEG = 3
_LP = 24
_NC, _NS = 2, 16
_NW = _NC * _NS
_DPW = _B // _NW
_EXT = _K_NEG
_NDOC = _DPW + _EXT
_W = 2 * _L
_RPT = _V // _NS
_DOC_CH = 3
_CHUNKS = [(c * _DOC_CH, min(_DOC_CH, _NDOC - c * _DOC_CH))
           for c in range((_NDOC + _DOC_CH - 1) // _DOC_CH)]
_GROUPS = 3
_NCMP = (_NDOC * _W + 15) // 16


def _sc_body(docs_hbm, tbl_hbm, l_hbm, r_hbm, neg_hbm,
             dv_v, ab_v, tt_v, trow_v, scales_v, rows_v, lt_v, rt_v, nt_v,
             tn_sh, sem_i, sem_t, sem_o, *sem_g):
    cid = lax.axis_index("c")
    sid = lax.axis_index("s")
    wid = sid * _NC + cid
    base = wid * _DPW
    b2 = lax.rem(base + _DPW, _B)

    st_t = pltpu.async_copy(tbl_hbm.at[:, pl.ds(sid * _RPT, _RPT)], tt_v,
                            sem_t)
    st_d0 = pltpu.async_copy(docs_hbm.at[:, :, pl.ds(base, _DPW)],
                             dv_v.at[:, :, pl.ds(0, _DPW)], sem_i)
    st_d1 = pltpu.async_copy(docs_hbm.at[:, :, pl.ds(b2, 8)],
                             dv_v.at[:, :, pl.ds(_DPW, 8)], sem_i)

    with jax.named_scope("wait_t"):
        st_t.wait()

    def ssbody(d, accs):
        xs = [tt_v[d, pl.ds(vc * 16, 16)] for vc in range(4)]
        return tuple(accs[vc] + xs[vc] * xs[vc] for vc in range(4))

    with jax.named_scope("ss"):
        sss = lax.fori_loop(0, _D, ssbody,
                            tuple(jnp.zeros((16,), jnp.float32)
                                  for _ in range(4)), unroll=8)
    for vc in range(4):
        ssv = sss[vc]
        yi = plsc.bitcast(ssv, jnp.int32)
        yi = 0x5F3759DF - lax.shift_right_logical(yi, 1)
        y = plsc.bitcast(yi, jnp.float32)
        h = 0.5 * ssv
        for _ in range(3):
            y = y * (1.5 - h * y * y)
        scales_v[pl.ds(vc * 16, 16)] = jnp.minimum(1.0, _MAX_NORM * y)

    def scbody(d, carry):
        dvec = jnp.full((16,), d, jnp.int32)
        for vc in range(4):
            vvec = lax.iota(jnp.int32, 16) + vc * 16
            x = tt_v[d, pl.ds(vc * 16, 16)] * scales_v[pl.ds(vc * 16, 16)]
            plsc.store_scatter(trow_v, [vvec, dvec], x)
        return carry

    with jax.named_scope("tscale"):
        lax.fori_loop(0, _D, scbody, 0, unroll=2)
    with jax.named_scope("publish"):
        pltpu.sync_copy(trow_v.at[:, pl.ds(0, _D)],
                        tn_sh.at[pl.ds(sid * _RPT, _RPT)])
        plsc.subcore_barrier()

    with jax.named_scope("wait_docs"):
        st_d0.wait()
        st_d1.wait()

    with jax.named_scope("compact"):
        iota = lax.iota(jnp.int32, 16)
        patt = []
        for u in range(5):
            m0, r0 = divmod(16 * u, _W)
            offv = iota + r0
            wrap = (offv >= _W).astype(jnp.int32)
            off2 = offv - _W * wrap
            sv = (off2 >= _L).astype(jnp.int32)
            patt.append((u, m0 + wrap, sv, off2 - _L * sv))

        def cbody(sb, carry):
            w0 = sb * 80
            for u, mrel, sv, tv in patt:
                ab_v[pl.ds(w0 + 16 * u, 16)] = plsc.load_gather(
                    dv_v, [sv, tv, 2 * sb + mrel])
            return carry

        lax.fori_loop(0, 17, cbody, 0)
        for g in range(85, _NCMP):
            w0 = 16 * g
            offv = iota + (w0 - 34 * _W)
            wrap = (offv >= _W).astype(jnp.int32)
            off2 = offv - _W * wrap
            sv = (off2 >= _L).astype(jnp.int32)
            tv = jnp.where(offv < _W, off2 - _L * sv, 0)
            mv = jnp.full((16,), _NDOC - 1, jnp.int32)
            sv = jnp.where(offv < _W, sv, 0)
            ab_v[pl.ds(w0, 16)] = plsc.load_gather(dv_v, [sv, tv, mv])

    cps = []
    for ci, (doc0, nd) in enumerate(_CHUNKS):
        cps.append(pltpu.async_copy(
            tn_sh.at[ab_v.at[pl.ds(doc0 * _W, nd * _W)]],
            rows_v.at[pl.ds(doc0 * _W, nd * _W)], sem_g[ci]))

    dvecs = [lax.iota(jnp.int32, 16) + dc * 16 for dc in range(4)]

    def full_body(j, carry):
        rb = j * _W
        jvec = jnp.full((16,), jnp.minimum(j, _DPW + 1), jnp.int32)
        acc = [rows_v[rb, pl.ds(d * 16, 16)] for d in range(4)]
        for t in range(1, _L):
            for d in range(4):
                acc[d] = acc[d] + rows_v[rb + t, pl.ds(d * 16, 16)]
        for dc in range(4):
            plsc.store_scatter(lt_v, [dvecs[dc], jvec], acc[dc])
        for k in range(_K_NEG):
            m = j - 1 - k
            mm = jnp.where(jnp.logical_and(m >= 0, m < _DPW), m, _DPW + 1)
            kvec = jnp.full((16,), k, jnp.int32)
            mvec = jnp.full((16,), mm, jnp.int32)
            for dc in range(4):
                plsc.store_scatter(nt_v, [kvec, dvecs[dc], mvec], acc[dc])
        accb = [rows_v[rb + _L, pl.ds(d * 16, 16)] for d in range(4)]
        for t in range(1, _L):
            for d in range(4):
                accb[d] = accb[d] + rows_v[rb + _L + t, pl.ds(d * 16, 16)]
        for dc in range(4):
            plsc.store_scatter(rt_v, [dvecs[dc], jvec], accb[dc])
        return carry

    schedule = [([0, 1], 0, 6), (list(range(2, 12)), 6, 35)]
    for gi, (chunks, lo, hi) in enumerate(schedule):
        with jax.named_scope(f"gwait{gi}"):
            for ci in chunks:
                cps[ci].wait()
        with jax.named_scope(f"pool{gi}"):
            lax.fori_loop(lo, hi, full_body, 0)

    out_l = pltpu.async_copy(lt_v.at[:, pl.ds(0, _DPW)],
                             l_hbm.at[:, pl.ds(base, _DPW)], sem_o)
    out_r = pltpu.async_copy(rt_v.at[:, pl.ds(0, _DPW)],
                             r_hbm.at[:, pl.ds(base, _DPW)], sem_o)
    out_n = pltpu.async_copy(nt_v.at[:, :, pl.ds(0, _DPW)],
                             neg_hbm.at[:, :, pl.ds(base, _DPW)], sem_o)
    with jax.named_scope("out"):
        out_l.wait()
        out_r.wait()
        out_n.wait()


_sc_embed = pl.kernel(
    _sc_body,
    out_type=(
        jax.ShapeDtypeStruct((_D, _B), jnp.float32),
        jax.ShapeDtypeStruct((_D, _B), jnp.float32),
        jax.ShapeDtypeStruct((_K_NEG, _D, _B), jnp.float32),
    ),
    mesh=plsc.VectorSubcoreMesh(core_axis_name="c", subcore_axis_name="s",
                                num_cores=_NC, num_subcores=_NS),
    scratch_types=[
        pltpu.VMEM((2, _LP, _DPW + 9), jnp.int32),
        pltpu.VMEM((_NCMP * 16,), jnp.int32),
        pltpu.VMEM((_D, _RPT), jnp.float32),
        pltpu.VMEM((_RPT, _D + 1), jnp.float32),
        pltpu.VMEM((_RPT,), jnp.float32),
        pltpu.VMEM((_NDOC * _W, _D), jnp.float32),
        pltpu.VMEM((_D, _DPW + 3), jnp.float32),
        pltpu.VMEM((_D, _DPW + 3), jnp.float32),
        pltpu.VMEM((_K_NEG, _D, _DPW + 3), jnp.float32),
        pltpu.VMEM_SHARED((_V, _D), jnp.float32),
        pltpu.SemaphoreType.DMA,
        pltpu.SemaphoreType.DMA,
        pltpu.SemaphoreType.DMA,
    ] + [pltpu.SemaphoreType.DMA] * len(_CHUNKS),
    compiler_params=pltpu.CompilerParams(use_tc_tiling_on_sc=False,
                                         needs_layout_passes=False),
)


def kernel(docs, table):
    docs_t = jnp.pad(docs.transpose(1, 2, 0)[:2], ((0, 0), (0, _LP - _L),
                                                   (0, 0)))
    lt, rt, nt = _sc_embed(docs_t, table.T)
    l = lt.T[:, None, :]
    r = rt.T[:, None, :]
    neg = nt.transpose(2, 0, 1)
    return l, r, neg

# --- scband reference (transcript-rebuilt; emitter-appended) ---
"""Pipeline reference for scband-star-space-42056319763043 (READ-ONLY COPY).

The authoritative reference and input builder live on the scoring server;
editing this copy changes nothing except your own understanding.
"""

import jax, jax.numpy as jnp
import numpy as np

B, S, L, V, D, K_NEG, MAX_NORM = 1024, 5, 20, 1024, 64, 3, 20.0

def setup_inputs(seed: int = 0) -> dict:
    key = jax.random.key(seed)
    k1, k2 = jax.random.split(key)
    docs = jax.random.randint(k1, (B, S, L), 0, 1000, dtype=jnp.int32)
    table = jax.random.normal(k2, (V, D), dtype=jnp.float32)
    return {"docs": docs, "table": table}

def _embed(table, idx):
    # gather rows, apply nn.Embedding max_norm renorm, then sum over token axis
    e = jnp.take(table, idx, axis=0)
    n = jnp.linalg.norm(e, axis=-1, keepdims=True)
    e = e * jnp.minimum(1.0, MAX_NORM / jnp.maximum(n, 1e-7))
    return jnp.sum(e, axis=-2)

def reference(docs, table):
    # Deterministic surrogate for the np.random choices in the torch forward:
    # positive pair = (sentence 0, sentence 1) of each doc; negatives are
    # sentence 0 of the next k_neg docs (never doc i itself), matching the
    # index-avoidance logic.
    a = docs[:, 0, :]
    b = docs[:, 1, :]
    l = _embed(table, a)
    r = _embed(table, b)
    neg_doc = (jnp.arange(B)[:, None] + 1 + jnp.arange(K_NEG)[None, :]) % B
    neg_tokens = docs[neg_doc, 0, :]  # [B, k_neg, L]
    neg = _embed(table, neg_tokens)
    return l[:, None, :], r[:, None, :], neg

if __name__ == "__main__":
    import jax
    _d = setup_inputs()
    print(jax.jit(kernel)(*tuple(_d.values())))

</pallas_src>

<mosaic_0001>
#map = affine_map<(d0, d1) -> (0, 0, 0)>
#map1 = affine_map<(d0, d1) -> (0, 0)>
module attributes {stable_mosaic.version = 14 : i64} {
  func.func @_sc_body(%arg0: i32, %arg1: i32, %arg2: memref<2x24x1024xi32, #tpu.memory_space<hbm>>, %arg3: memref<64x1024xf32, #tpu.memory_space<hbm>>, %arg4: memref<64x1024xf32, #tpu.memory_space<hbm>>, %arg5: memref<64x1024xf32, #tpu.memory_space<hbm>>, %arg6: memref<3x64x1024xf32, #tpu.memory_space<hbm>>, %arg7: memref<2x24x41xi32, #tpu.memory_space<vmem>>, %arg8: memref<1408xi32, #tpu.memory_space<vmem>>, %arg9: memref<64x64xf32, #tpu.memory_space<vmem>>, %arg10: memref<64x65xf32, #tpu.memory_space<vmem>>, %arg11: memref<64xf32, #tpu.memory_space<vmem>>, %arg12: memref<1400x64xf32, #tpu.memory_space<vmem>>, %arg13: memref<64x35xf32, #tpu.memory_space<vmem>>, %arg14: memref<64x35xf32, #tpu.memory_space<vmem>>, %arg15: memref<3x64x35xf32, #tpu.memory_space<vmem>>, %arg16: memref<1024x64xf32, #tpu.memory_space<vmem_shared>>, %arg17: memref<!tpu.dma_semaphore, #tpu.memory_space<semaphore_mem>>, %arg18: memref<!tpu.dma_semaphore, #tpu.memory_space<semaphore_mem>>, %arg19: memref<!tpu.dma_semaphore, #tpu.memory_space<semaphore_mem>>, %arg20: memref<!tpu.dma_semaphore, #tpu.memory_space<semaphore_mem>>, %arg21: memref<!tpu.dma_semaphore, #tpu.memory_space<semaphore_mem>>, %arg22: memref<!tpu.dma_semaphore, #tpu.memory_space<semaphore_mem>>, %arg23: memref<!tpu.dma_semaphore, #tpu.memory_space<semaphore_mem>>, %arg24: memref<!tpu.dma_semaphore, #tpu.memory_space<semaphore_mem>>, %arg25: memref<!tpu.dma_semaphore, #tpu.memory_space<semaphore_mem>>, %arg26: memref<!tpu.dma_semaphore, #tpu.memory_space<semaphore_mem>>, %arg27: memref<!tpu.dma_semaphore, #tpu.memory_space<semaphore_mem>>, %arg28: memref<!tpu.dma_semaphore, #tpu.memory_space<semaphore_mem>>, %arg29: memref<!tpu.dma_semaphore, #tpu.memory_space<semaphore_mem>>, %arg30: memref<!tpu.dma_semaphore, #tpu.memory_space<semaphore_mem>>, %arg31: memref<!tpu.dma_semaphore, #tpu.memory_space<semaphore_mem>>) attributes {dimension_semantics = [#tpu.dimension_semantics<core_parallel>, #tpu.dimension_semantics<subcore_parallel>], iteration_bounds = array<i64: 2, 16>, scalar_prefetch = 0 : i64, scratch_operands = 25 : i64, tpu.core_type = #tpu.core_type<sc_vector_subcore>, window_params = [{transform_indices = #map}, {transform_indices = #map1}, {transform_indices = #map1}, {transform_indices = #map1}, {transform_indices = #map}]} {
    %mul3A = arith.constant 2 : i32
    %mul3A_0 = arith.muli %arg1, %mul3A : i32
    %add3A = arith.addi %mul3A_0, %arg0 : i32
    %mul3A_1 = arith.constant 32 : i32
    %mul3A_2 = arith.muli %add3A, %mul3A_1 : i32
    %add3A_3 = arith.constant 32 : i32
    %add3A_4 = arith.addi %mul3A_2, %add3A_3 : i32
    %rem3A = arith.constant 1024 : i32
    %rem3A_5 = arith.remsi %add3A_4, %rem3A : i32
    %mul3A_6 = arith.constant 64 : i32
    %mul3A_7 = arith.muli %arg1, %mul3A_6 : i32
    %dma_start3A = arith.constant 0 : i32
    %dma_start3A_8 = tpu.memref_slice %arg3[%dma_start3A, %mul3A_7] : memref<64x1024xf32, #tpu.memory_space<hbm>> -> memref<64x64xf32, #tpu.memory_space<hbm>>
    %dma_start3A_9 = arith.constant 0 : i32
    %dma_start3A_10 = tpu.memref_slice %arg3[%dma_start3A_9, %mul3A_7] : memref<64x1024xf32, #tpu.memory_space<hbm>> -> memref<64x64xf32, #tpu.memory_space<hbm>>
    tpu.enqueue_dma source(%dma_start3A_10 : memref<64x64xf32, #tpu.memory_space<hbm>>) target(%arg9 : memref<64x64xf32, #tpu.memory_space<vmem>>) target_semaphore(%arg18 : memref<!tpu.dma_semaphore, #tpu.memory_space<semaphore_mem>>)
    %dma_start3A_11 = arith.constant 0 : i32
    %dma_start3A_12 = arith.constant 0 : i32
    %dma_start3A_13 = arith.constant 0 : i32
    %dma_start3A_14 = tpu.memref_slice %arg7[%dma_start3A_11, %dma_start3A_12, %dma_start3A_13] : memref<2x24x41xi32, #tpu.memory_space<vmem>> -> memref<2x24x32xi32, #tpu.memory_space<vmem>>
    %dma_start3A_15 = arith.constant 0 : i32
    %dma_start3A_16 = arith.constant 0 : i32
    %dma_start3A_17 = tpu.memref_slice %arg2[%dma_start3A_15, %dma_start3A_16, %mul3A_2] : memref<2x24x1024xi32, #tpu.memory_space<hbm>> -> memref<2x24x32xi32, #tpu.memory_space<hbm>>
    %dma_start3A_18 = arith.constant 0 : i32
    %dma_start3A_19 = arith.constant 0 : i32
    %dma_start3A_20 = arith.constant 0 : i32
    %dma_start3A_21 = tpu.memref_slice %arg7[%dma_start3A_18, %dma_start3A_19, %dma_start3A_20] : memref<2x24x41xi32, #tpu.memory_space<vmem>> -> memref<2x24x32xi32, #tpu.memory_space<vmem>>
    %dma_start3A_22 = arith.constant 0 : i32
    %dma_start3A_23 = arith.constant 0 : i32
    %dma_start3A_24 = tpu.memref_slice %arg2[%dma_start3A_22, %dma_start3A_23, %mul3A_2] : memref<2x24x1024xi32, #tpu.memory_space<hbm>> -> memref<2x24x32xi32, #tpu.memory_space<hbm>>
    tpu.enqueue_dma source(%dma_start3A_24 : memref<2x24x32xi32, #tpu.memory_space<hbm>>) target(%dma_start3A_21 : memref<2x24x32xi32, #tpu.memory_space<vmem>>) target_semaphore(%arg17 : memref<!tpu.dma_semaphore, #tpu.memory_space<semaphore_mem>>)
    %dma_start3A_25 = arith.constant 0 : i32
    %dma_start3A_26 = arith.constant 0 : i32
    %dma_start3A_27 = arith.constant 32 : i32
    %dma_start3A_28 = tpu.memref_slice %arg7[%dma_start3A_25, %dma_start3A_26, %dma_start3A_27] : memref<2x24x41xi32, #tpu.memory_space<vmem>> -> memref<2x24x8xi32, #tpu.memory_space<vmem>>
    %dma_start3A_29 = arith.constant 0 : i32
    %dma_start3A_30 = arith.constant 0 : i32
    %dma_start3A_31 = tpu.memref_slice %arg2[%dma_start3A_29, %dma_start3A_30, %rem3A_5] : memref<2x24x1024xi32, #tpu.memory_space<hbm>> -> memref<2x24x8xi32, #tpu.memory_space<hbm>>
    %dma_start3A_32 = arith.constant 0 : i32
    %dma_start3A_33 = arith.constant 0 : i32
    %dma_start3A_34 = arith.constant 32 : i32
    %dma_start3A_35 = tpu.memref_slice %arg7[%dma_start3A_32, %dma_start3A_33, %dma_start3A_34] : memref<2x24x41xi32, #tpu.memory_space<vmem>> -> memref<2x24x8xi32, #tpu.memory_space<vmem>>
    %dma_start3A_36 = arith.constant 0 : i32
    %dma_start3A_37 = arith.constant 0 : i32
    %dma_start3A_38 = tpu.memref_slice %arg2[%dma_start3A_36, %dma_start3A_37, %rem3A_5] : memref<2x24x1024xi32, #tpu.memory_space<hbm>> -> memref<2x24x8xi32, #tpu.memory_space<hbm>>
    tpu.enqueue_dma source(%dma_start3A_38 : memref<2x24x8xi32, #tpu.memory_space<hbm>>) target(%dma_start3A_35 : memref<2x24x8xi32, #tpu.memory_space<vmem>>) target_semaphore(%arg17 : memref<!tpu.dma_semaphore, #tpu.memory_space<semaphore_mem>>)
    "tpu.trace_start"() <{level = 10 : i32, message = "wait_t"}> : () -> ()
    %dma_wait3A = arith.constant 0 : i32
    %dma_wait3A_39 = tpu.memref_slice %arg3[%dma_wait3A, %mul3A_7] : memref<64x1024xf32, #tpu.memory_space<hbm>> -> memref<64x64xf32, #tpu.memory_space<hbm>>
    %dma_wait3A_40 = arith.constant 0 : i32
    %dma_wait3A_41 = tpu.memref_slice %arg3[%dma_wait3A_40, %mul3A_7] : memref<64x1024xf32, #tpu.memory_space<hbm>> -> memref<64x64xf32, #tpu.memory_space<hbm>>
    tpu.wait_dma2 semaphore(%arg18 : memref<!tpu.dma_semaphore, #tpu.memory_space<semaphore_mem>>) src(%dma_wait3A_41 : memref<64x64xf32, #tpu.memory_space<hbm>>) dst(%arg9 : memref<64x64xf32, #tpu.memory_space<vmem>>)
    %broadcast_in_dim3A = arith.constant 0.000000e+00 : f32
    "tpu.trace_stop"() : () -> ()
    "tpu.trace_start"() <{level = 10 : i32, message = "ss"}> : () -> ()
    %broadcast_in_dim3A_42 = vector.broadcast %broadcast_in_dim3A : f32 to vector<16xf32>
    %broadcast_in_dim3A_43 = arith.constant 0.000000e+00 : f32
    %broadcast_in_dim3A_44 = vector.broadcast %broadcast_in_dim3A_43 : f32 to vector<16xf32>
    %broadcast_in_dim3A_45 = arith.constant 0.000000e+00 : f32
    %broadcast_in_dim3A_46 = vector.broadcast %broadcast_in_dim3A_45 : f32 to vector<16xf32>
    %broadcast_in_dim3A_47 = arith.constant 0.000000e+00 : f32
    %broadcast_in_dim3A_48 = vector.broadcast %broadcast_in_dim3A_47 : f32 to vector<16xf32>
    %scan3A = arith.constant 0 : i32
    %scan3A_49 = arith.constant 64 : i32
    %scan3A_50 = arith.addi %scan3A, %scan3A_49 : i32
    %scan3A_51 = arith.constant 8 : i32
    %scan3A_52:4 = scf.for %scan3A_739 = %scan3A to %scan3A_50 step %scan3A_51 iter_args(%scan3A_740 = %broadcast_in_dim3A_42, %scan3A_741 = %broadcast_in_dim3A_44, %scan3A_742 = %broadcast_in_dim3A_46, %scan3A_743 = %broadcast_in_dim3A_48) -> (vector<16xf32>, vector<16xf32>, vector<16xf32>, vector<16xf32>)  : i32 {
      %get3A = arith.index_cast %scan3A_739 : i32 to index
      %get3A_744 = arith.constant 0 : index
      %get3A_745 = tpu.vector_load %arg9[%get3A, %get3A_744] {strides = array<i32>} : memref<64x64xf32, #tpu.memory_space<vmem>>, vector<16xf32>,
      %get3A_746 = arith.index_cast %scan3A_739 : i32 to index
      %get3A_747 = arith.constant 16 : index
      %get3A_748 = tpu.vector_load %arg9[%get3A_746, %get3A_747] {strides = array<i32>} : memref<64x64xf32, #tpu.memory_space<vmem>>, vector<16xf32>,
      %get3A_749 = arith.index_cast %scan3A_739 : i32 to index
      %get3A_750 = arith.constant 32 : index
      %get3A_751 = tpu.vector_load %arg9[%get3A_749, %get3A_750] {strides = array<i32>} : memref<64x64xf32, #tpu.memory_space<vmem>>, vector<16xf32>,
      %get3A_752 = arith.index_cast %scan3A_739 : i32 to index
      %get3A_753 = arith.constant 48 : index
      %get3A_754 = tpu.vector_load %arg9[%get3A_752, %get3A_753] {strides = array<i32>} : memref<64x64xf32, #tpu.memory_space<vmem>>, vector<16xf32>,
      %mul3A_755 = arith.mulf %get3A_745, %get3A_745 : vector<16xf32>
      %add3A_756 = arith.addf %scan3A_740, %mul3A_755 : vector<16xf32>
      %mul3A_757 = arith.mulf %get3A_748, %get3A_748 : vector<16xf32>
      %add3A_758 = arith.addf %scan3A_741, %mul3A_757 : vector<16xf32>
      %mul3A_759 = arith.mulf %get3A_751, %get3A_751 : vector<16xf32>
      %add3A_760 = arith.addf %scan3A_742, %mul3A_759 : vector<16xf32>
      %mul3A_761 = arith.mulf %get3A_754, %get3A_754 : vector<16xf32>
      %add3A_762 = arith.addf %scan3A_743, %mul3A_761 : vector<16xf32>
      %scan3A_763 = arith.constant 1 : i32
      %scan3A_764 = arith.addi %scan3A_739, %scan3A_763 : i32
      %get3A_765 = arith.index_cast %scan3A_764 : i32 to index
      %get3A_766 = arith.constant 0 : index
      %get3A_767 = tpu.vector_load %arg9[%get3A_765, %get3A_766] {strides = array<i32>} : memref<64x64xf32, #tpu.memory_space<vmem>>, vector<16xf32>,
      %get3A_768 = arith.index_cast %scan3A_764 : i32 to index
      %get3A_769 = arith.constant 16 : index
      %get3A_770 = tpu.vector_load %arg9[%get3A_768, %get3A_769] {strides = array<i32>} : memref<64x64xf32, #tpu.memory_space<vmem>>, vector<16xf32>,
      %get3A_771 = arith.index_cast %scan3A_764 : i32 to index
      %get3A_772 = arith.constant 32 : index
      %get3A_773 = tpu.vector_load %arg9[%get3A_771, %get3A_772] {strides = array<i32>} : memref<64x64xf32, #tpu.memory_space<vmem>>, vector<16xf32>,
      %get3A_774 = arith.index_cast %scan3A_764 : i32 to index
      %get3A_775 = arith.constant 48 : index
      %get3A_776 = tpu.vector_load %arg9[%get3A_774, %get3A_775] {strides = array<i32>} : memref<64x64xf32, #tpu.memory_space<vmem>>, vector<16xf32>,
      %mul3A_777 = arith.mulf %get3A_767, %get3A_767 : vector<16xf32>
      %add3A_778 = arith.addf %add3A_756, %mul3A_777 : vector<16xf32>
      %mul3A_779 = arith.mulf %get3A_770, %get3A_770 : vector<16xf32>
      %add3A_780 = arith.addf %add3A_758, %mul3A_779 : vector<16xf32>
      %mul3A_781 = arith.mulf %get3A_773, %get3A_773 : vector<16xf32>
      %add3A_782 = arith.addf %add3A_760, %mul3A_781 : vector<16xf32>
      %mul3A_783 = arith.mulf %get3A_776, %get3A_776 : vector<16xf32>
      %add3A_784 = arith.addf %add3A_762, %mul3A_783 : vector<16xf32>
      %scan3A_785 = arith.constant 2 : i32
      %scan3A_786 = arith.addi %scan3A_739, %scan3A_785 : i32
      %get3A_787 = arith.index_cast %scan3A_786 : i32 to index
      %get3A_788 = arith.constant 0 : index
      %get3A_789 = tpu.vector_load %arg9[%get3A_787, %get3A_788] {strides = array<i32>} : memref<64x64xf32, #tpu.memory_space<vmem>>, vector<16xf32>,
      %get3A_790 = arith.index_cast %scan3A_786 : i32 to index
      %get3A_791 = arith.constant 16 : index
      %get3A_792 = tpu.vector_load %arg9[%get3A_790, %get3A_791] {strides = array<i32>} : memref<64x64xf32, #tpu.memory_space<vmem>>, vector<16xf32>,
      %get3A_793 = arith.index_cast %scan3A_786 : i32 to index
      %get3A_794 = arith.constant 32 : index
      %get3A_795 = tpu.vector_load %arg9[%get3A_793, %get3A_794] {strides = array<i32>} : memref<64x64xf32, #tpu.memory_space<vmem>>, vector<16xf32>,
      %get3A_796 = arith.index_cast %scan3A_786 : i32 to index
      %get3A_797 = arith.constant 48 : index
      %get3A_798 = tpu.vector_load %arg9[%get3A_796, %get3A_797] {strides = array<i32>} : memref<64x64xf32, #tpu.memory_space<vmem>>, vector<16xf32>,
      %mul3A_799 = arith.mulf %get3A_789, %get3A_789 : vector<16xf32>
      %add3A_800 = arith.addf %add3A_778, %mul3A_799 : vector<16xf32>
      %mul3A_801 = arith.mulf %get3A_792, %get3A_792 : vector<16xf32>
      %add3A_802 = arith.addf %add3A_780, %mul3A_801 : vector<16xf32>
      %mul3A_803 = arith.mulf %get3A_795, %get3A_795 : vector<16xf32>
      %add3A_804 = arith.addf %add3A_782, %mul3A_803 : vector<16xf32>
      %mul3A_805 = arith.mulf %get3A_798, %get3A_798 : vector<16xf32>
      %add3A_806 = arith.addf %add3A_784, %mul3A_805 : vector<16xf32>
      %scan3A_807 = arith.constant 3 : i32
      %scan3A_808 = arith.addi %scan3A_739, %scan3A_807 : i32
      %get3A_809 = arith.index_cast %scan3A_808 : i32 to index
      %get3A_810 = arith.constant 0 : index
      %get3A_811 = tpu.vector_load %arg9[%get3A_809, %get3A_810] {strides = array<i32>} : memref<64x64xf32, #tpu.memory_space<vmem>>, vector<16xf32>,
      %get3A_812 = arith.index_cast %scan3A_808 : i32 to index
      %get3A_813 = arith.constant 16 : index
      %get3A_814 = tpu.vector_load %arg9[%get3A_812, %get3A_813] {strides = array<i32>} : memref<64x64xf32, #tpu.memory_space<vmem>>, vector<16xf32>,
      %get3A_815 = arith.index_cast %scan3A_808 : i32 to index
      %get3A_816 = arith.constant 32 : index
      %get3A_817 = tpu.vector_load %arg9[%get3A_815, %get3A_816] {strides = array<i32>} : memref<64x64xf32, #tpu.memory_space<vmem>>, vector<16xf32>,
      %get3A_818 = arith.index_cast %scan3A_808 : i32 to index
      %get3A_819 = arith.constant 48 : index
      %get3A_820 = tpu.vector_load %arg9[%get3A_818, %get3A_819] {strides = array<i32>} : memref<64x64xf32, #tpu.memory_space<vmem>>, vector<16xf32>,
      %mul3A_821 = arith.mulf %get3A_811, %get3A_811 : vector<16xf32>
      %add3A_822 = arith.addf %add3A_800, %mul3A_821 : vector<16xf32>
      %mul3A_823 = arith.mulf %get3A_814, %get3A_814 : vector<16xf32>
      %add3A_824 = arith.addf %add3A_802, %mul3A_823 : vector<16xf32>
      %mul3A_825 = arith.mulf %get3A_817, %get3A_817 : vector<16xf32>
      %add3A_826 = arith.addf %add3A_804, %mul3A_825 : vector<16xf32>
      %mul3A_827 = arith.mulf %get3A_820, %get3A_820 : vector<16xf32>
      %add3A_828 = arith.addf %add3A_806, %mul3A_827 : vector<16xf32>
      %scan3A_829 = arith.constant 4 : i32
      %scan3A_830 = arith.addi %scan3A_739, %scan3A_829 : i32
      %get3A_831 = arith.index_cast %scan3A_830 : i32 to index
      %get3A_832 = arith.constant 0 : index
      %get3A_833 = tpu.vector_load %arg9[%get3A_831, %get3A_832] {strides = array<i32>} : memref<64x64xf32, #tpu.memory_space<vmem>>, vector<16xf32>,
      %get3A_834 = arith.index_cast %scan3A_830 : i32 to index
      %get3A_835 = arith.constant 16 : index
      %get3A_836 = tpu.vector_load %arg9[%get3A_834, %get3A_835] {strides = array<i32>} : memref<64x64xf32, #tpu.memory_space<vmem>>, vector<16xf32>,
      %get3A_837 = arith.index_cast %scan3A_830 : i32 to index
      %get3A_838 = arith.constant 32 : index
      %get3A_839 = tpu.vector_load %arg9[%get3A_837, %get3A_838] {strides = array<i32>} : memref<64x64xf32, #tpu.memory_space<vmem>>, vector<16xf32>,
      %get3A_840 = arith.index_cast %scan3A_830 : i32 to index
      %get3A_841 = arith.constant 48 : index
      %get3A_842 = tpu.vector_load %arg9[%get3A_840, %get3A_841] {strides = array<i32>} : memref<64x64xf32, #tpu.memory_space<vmem>>, vector<16xf32>,
      %mul3A_843 = arith.mulf %get3A_833, %get3A_833 : vector<16xf32>
      %add3A_844 = arith.addf %add3A_822, %mul3A_843 : vector<16xf32>
      %mul3A_845 = arith.mulf %get3A_836, %get3A_836 : vector<16xf32>
      %add3A_846 = arith.addf %add3A_824, %mul3A_845 : vector<16xf32>
      %mul3A_847 = arith.mulf %get3A_839, %get3A_839 : vector<16xf32>
      %add3A_848 = arith.addf %add3A_826, %mul3A_847 : vector<16xf32>
      %mul3A_849 = arith.mulf %get3A_842, %get3A_842 : vector<16xf32>
      %add3A_850 = arith.addf %add3A_828, %mul3A_849 : vector<16xf32>
      %scan3A_851 = arith.constant 5 : i32
      %scan3A_852 = arith.addi %scan3A_739, %scan3A_851 : i32
      %get3A_853 = arith.index_cast %scan3A_852 : i32 to index
      %get3A_854 = arith.constant 0 : index
      %get3A_855 = tpu.vector_load %arg9[%get3A_853, %get3A_854] {strides = array<i32>} : memref<64x64xf32, #tpu.memory_space<vmem>>, vector<16xf32>,
      %get3A_856 = arith.index_cast %scan3A_852 : i32 to index
      %get3A_857 = arith.constant 16 : index
      %get3A_858 = tpu.vector_load %arg9[%get3A_856, %get3A_857] {strides = array<i32>} : memref<64x64xf32, #tpu.memory_space<vmem>>, vector<16xf32>,
      %get3A_859 = arith.index_cast %scan3A_852 : i32 to index
      %get3A_860 = arith.constant 32 : index
      %get3A_861 = tpu.vector_load %arg9[%get3A_859, %get3A_860] {strides = array<i32>} : memref<64x64xf32, #tpu.memory_space<vmem>>, vector<16xf32>,
      %get3A_862 = arith.index_cast %scan3A_852 : i32 to index
      %get3A_863 = arith.constant 48 : index
      %get3A_864 = tpu.vector_load %arg9[%get3A_862, %get3A_863] {strides = array<i32>} : memref<64x64xf32, #tpu.memory_space<vmem>>, vector<16xf32>,
      %mul3A_865 = arith.mulf %get3A_855, %get3A_855 : vector<16xf32>
      %add3A_866 = arith.addf %add3A_844, %mul3A_865 : vector<16xf32>
      %mul3A_867 = arith.mulf %get3A_858, %get3A_858 : vector<16xf32>
      %add3A_868 = arith.addf %add3A_846, %mul3A_867 : vector<16xf32>
      %mul3A_869 = arith.mulf %get3A_861, %get3A_861 : vector<16xf32>
      %add3A_870 = arith.addf %add3A_848, %mul3A_869 : vector<16xf32>
      %mul3A_871 = arith.mulf %get3A_864, %get3A_864 : vector<16xf32>
      %add3A_872 = arith.addf %add3A_850, %mul3A_871 : vector<16xf32>
      %scan3A_873 = arith.constant 6 : i32
      %scan3A_874 = arith.addi %scan3A_739, %scan3A_873 : i32
      %get3A_875 = arith.index_cast %scan3A_874 : i32 to index
      %get3A_876 = arith.constant 0 : index
      %get3A_877 = tpu.vector_load %arg9[%get3A_875, %get3A_876] {strides = array<i32>} : memref<64x64xf32, #tpu.memory_space<vmem>>, vector<16xf32>,
      %get3A_878 = arith.index_cast %scan3A_874 : i32 to index
      %get3A_879 = arith.constant 16 : index
      %get3A_880 = tpu.vector_load %arg9[%get3A_878, %get3A_879] {strides = array<i32>} : memref<64x64xf32, #tpu.memory_space<vmem>>, vector<16xf32>,
      %get3A_881 = arith.index_cast %scan3A_874 : i32 to index
      %get3A_882 = arith.constant 32 : index
      %get3A_883 = tpu.vector_load %arg9[%get3A_881, %get3A_882] {strides = array<i32>} : memref<64x64xf32, #tpu.memory_space<vmem>>, vector<16xf32>,
      %get3A_884 = arith.index_cast %scan3A_874 : i32 to index
      %get3A_885 = arith.constant 48 : index
      %get3A_886 = tpu.vector_load %arg9[%get3A_884, %get3A_885] {strides = array<i32>} : memref<64x64xf32, #tpu.memory_space<vmem>>, vector<16xf32>,
      %mul3A_887 = arith.mulf %get3A_877, %get3A_877 : vector<16xf32>
      %add3A_888 = arith.addf %add3A_866, %mul3A_887 : vector<16xf32>
      %mul3A_889 = arith.mulf %get3A_880, %get3A_880 : vector<16xf32>
      %add3A_890 = arith.addf %add3A_868, %mul3A_889 : vector<16xf32>
      %mul3A_891 = arith.mulf %get3A_883, %get3A_883 : vector<16xf32>
      %add3A_892 = arith.addf %add3A_870, %mul3A_891 : vector<16xf32>
      %mul3A_893 = arith.mulf %get3A_886, %get3A_886 : vector<16xf32>
      %add3A_894 = arith.addf %add3A_872, %mul3A_893 : vector<16xf32>
      %scan3A_895 = arith.constant 7 : i32
      %scan3A_896 = arith.addi %scan3A_739, %scan3A_895 : i32
      %get3A_897 = arith.index_cast %scan3A_896 : i32 to index
      %get3A_898 = arith.constant 0 : index
      %get3A_899 = tpu.vector_load %arg9[%get3A_897, %get3A_898] {strides = array<i32>} : memref<64x64xf32, #tpu.memory_space<vmem>>, vector<16xf32>,
      %get3A_900 = arith.index_cast %scan3A_896 : i32 to index
      %get3A_901 = arith.constant 16 : index
      %get3A_902 = tpu.vector_load %arg9[%get3A_900, %get3A_901] {strides = array<i32>} : memref<64x64xf32, #tpu.memory_space<vmem>>, vector<16xf32>,
      %get3A_903 = arith.index_cast %scan3A_896 : i32 to index
      %get3A_904 = arith.constant 32 : index
      %get3A_905 = tpu.vector_load %arg9[%get3A_903, %get3A_904] {strides = array<i32>} : memref<64x64xf32, #tpu.memory_space<vmem>>, vector<16xf32>,
      %get3A_906 = arith.index_cast %scan3A_896 : i32 to index
      %get3A_907 = arith.constant 48 : index
      %get3A_908 = tpu.vector_load %arg9[%get3A_906, %get3A_907] {strides = array<i32>} : memref<64x64xf32, #tpu.memory_space<vmem>>, vector<16xf32>,
      %mul3A_909 = arith.mulf %get3A_899, %get3A_899 : vector<16xf32>
      %add3A_910 = arith.addf %add3A_888, %mul3A_909 : vector<16xf32>
      %mul3A_911 = arith.mulf %get3A_902, %get3A_902 : vector<16xf32>
      %add3A_912 = arith.addf %add3A_890, %mul3A_911 : vector<16xf32>
      %mul3A_913 = arith.mulf %get3A_905, %get3A_905 : vector<16xf32>
      %add3A_914 = arith.addf %add3A_892, %mul3A_913 : vector<16xf32>
      %mul3A_915 = arith.mulf %get3A_908, %get3A_908 : vector<16xf32>
      %add3A_916 = arith.addf %add3A_894, %mul3A_915 : vector<16xf32>
      scf.yield %add3A_910, %add3A_912, %add3A_914, %add3A_916 : vector<16xf32>, vector<16xf32>, vector<16xf32>, vector<16xf32>
    }
    %scan3A_53 = arith.constant 64 : i32
    "tpu.trace_stop"() : () -> ()
    %bitcast3A = vector.bitcast %scan3A_52#0 : vector<16xf32> to vector<16xi32>
    %shift_right_logical3A = arith.constant 1 : i32
    %shift_right_logical3A_54 = vector.broadcast %shift_right_logical3A : i32 to vector<16xi32>
    %shift_right_logical3A_55 = arith.shrui %bitcast3A, %shift_right_logical3A_54 : vector<16xi32>
    %sub3A = arith.constant 1597463007 : i32
    %sub3A_56 = vector.broadcast %sub3A : i32 to vector<16xi32>
    %sub3A_57 = arith.subi %sub3A_56, %shift_right_logical3A_55 : vector<16xi32>
    %bitcast3A_58 = vector.bitcast %sub3A_57 : vector<16xi32> to vector<16xf32>
    %mul3A_59 = arith.constant 5.000000e-01 : f32
    %mul3A_60 = vector.broadcast %mul3A_59 : f32 to vector<16xf32>
    %mul3A_61 = arith.mulf %mul3A_60, %scan3A_52#0 : vector<16xf32>
    %mul3A_62 = arith.mulf %mul3A_61, %bitcast3A_58 : vector<16xf32>
    %mul3A_63 = arith.mulf %mul3A_62, %bitcast3A_58 : vector<16xf32>
    %sub3A_64 = arith.constant 1.500000e+00 : f32
    %sub3A_65 = vector.broadcast %sub3A_64 : f32 to vector<16xf32>
    %sub3A_66 = arith.subf %sub3A_65, %mul3A_63 : vector<16xf32>
    %mul3A_67 = arith.mulf %bitcast3A_58, %sub3A_66 : vector<16xf32>
    %mul3A_68 = arith.mulf %mul3A_61, %mul3A_67 : vector<16xf32>
    %mul3A_69 = arith.mulf %mul3A_68, %mul3A_67 : vector<16xf32>
    %sub3A_70 = arith.constant 1.500000e+00 : f32
    %sub3A_71 = vector.broadcast %sub3A_70 : f32 to vector<16xf32>
    %sub3A_72 = arith.subf %sub3A_71, %mul3A_69 : vector<16xf32>
    %mul3A_73 = arith.mulf %mul3A_67, %sub3A_72 : vector<16xf32>
    %mul3A_74 = arith.mulf %mul3A_61, %mul3A_73 : vector<16xf32>
    %mul3A_75 = arith.mulf %mul3A_74, %mul3A_73 : vector<16xf32>
    %sub3A_76 = arith.constant 1.500000e+00 : f32
    %sub3A_77 = vector.broadcast %sub3A_76 : f32 to vector<16xf32>
    %sub3A_78 = arith.subf %sub3A_77, %mul3A_75 : vector<16xf32>
    %mul3A_79 = arith.mulf %mul3A_73, %sub3A_78 : vector<16xf32>
    %mul3A_80 = arith.constant 2.000000e+01 : f32
    %mul3A_81 = vector.broadcast %mul3A_80 : f32 to vector<16xf32>
    %mul3A_82 = arith.mulf %mul3A_81, %mul3A_79 : vector<16xf32>
    %min3A = arith.constant 1.000000e+00 : f32
    %min3A_83 = vector.broadcast %min3A : f32 to vector<16xf32>
    %min3A_84 = arith.minimumf %min3A_83, %mul3A_82 : vector<16xf32>
    %swap3A = arith.constant 0 : index
    %swap3A_85 = tpu.vector_load %arg11[%swap3A] {strides = array<i32>} : memref<64xf32, #tpu.memory_space<vmem>>, vector<16xf32>,
    tpu.vector_store %arg11[%swap3A], %min3A_84 {strides = array<i32>} : memref<64xf32, #tpu.memory_space<vmem>>, vector<16xf32>,
    %bitcast3A_86 = vector.bitcast %scan3A_52#1 : vector<16xf32> to vector<16xi32>
    %shift_right_logical3A_87 = arith.constant 1 : i32
    %shift_right_logical3A_88 = vector.broadcast %shift_right_logical3A_87 : i32 to vector<16xi32>
    %shift_right_logical3A_89 = arith.shrui %bitcast3A_86, %shift_right_logical3A_88 : vector<16xi32>
    %sub3A_90 = arith.constant 1597463007 : i32
    %sub3A_91 = vector.broadcast %sub3A_90 : i32 to vector<16xi32>
    %sub3A_92 = arith.subi %sub3A_91, %shift_right_logical3A_89 : vector<16xi32>
    %bitcast3A_93 = vector.bitcast %sub3A_92 : vector<16xi32> to vector<16xf32>
    %mul3A_94 = arith.constant 5.000000e-01 : f32
    %mul3A_95 = vector.broadcast %mul3A_94 : f32 to vector<16xf32>
    %mul3A_96 = arith.mulf %mul3A_95, %scan3A_52#1 : vector<16xf32>
    %mul3A_97 = arith.mulf %mul3A_96, %bitcast3A_93 : vector<16xf32>
    %mul3A_98 = arith.mulf %mul3A_97, %bitcast3A_93 : vector<16xf32>
    %sub3A_99 = arith.constant 1.500000e+00 : f32
    %sub3A_100 = vector.broadcast %sub3A_99 : f32 to vector<16xf32>
    %sub3A_101 = arith.subf %sub3A_100, %mul3A_98 : vector<16xf32>
    %mul3A_102 = arith.mulf %bitcast3A_93, %sub3A_101 : vector<16xf32>
    %mul3A_103 = arith.mulf %mul3A_96, %mul3A_102 : vector<16xf32>
    %mul3A_104 = arith.mulf %mul3A_103, %mul3A_102 : vector<16xf32>
    %sub3A_105 = arith.constant 1.500000e+00 : f32
    %sub3A_106 = vector.broadcast %sub3A_105 : f32 to vector<16xf32>
    %sub3A_107 = arith.subf %sub3A_106, %mul3A_104 : vector<16xf32>
    %mul3A_108 = arith.mulf %mul3A_102, %sub3A_107 : vector<16xf32>
    %mul3A_109 = arith.mulf %mul3A_96, %mul3A_108 : vector<16xf32>
    %mul3A_110 = arith.mulf %mul3A_109, %mul3A_108 : vector<16xf32>
    %sub3A_111 = arith.constant 1.500000e+00 : f32
    %sub3A_112 = vector.broadcast %sub3A_111 : f32 to vector<16xf32>
    %sub3A_113 = arith.subf %sub3A_112, %mul3A_110 : vector<16xf32>
    %mul3A_114 = arith.mulf %mul3A_108, %sub3A_113 : vector<16xf32>
    %mul3A_115 = arith.constant 2.000000e+01 : f32
    %mul3A_116 = vector.broadcast %mul3A_115 : f32 to vector<16xf32>
    %mul3A_117 = arith.mulf %mul3A_116, %mul3A_114 : vector<16xf32>
    %min3A_118 = arith.constant 1.000000e+00 : f32
    %min3A_119 = vector.broadcast %min3A_118 : f32 to vector<16xf32>
    %min3A_120 = arith.minimumf %min3A_119, %mul3A_117 : vector<16xf32>
    %swap3A_121 = arith.constant 16 : index
    %swap3A_122 = tpu.vector_load %arg11[%swap3A_121] {strides = array<i32>} : memref<64xf32, #tpu.memory_space<vmem>>, vector<16xf32>,
    tpu.vector_store %arg11[%swap3A_121], %min3A_120 {strides = array<i32>} : memref<64xf32, #tpu.memory_space<vmem>>, vector<16xf32>,
    %bitcast3A_123 = vector.bitcast %scan3A_52#2 : vector<16xf32> to vector<16xi32>
    %shift_right_logical3A_124 = arith.constant 1 : i32
    %shift_right_logical3A_125 = vector.broadcast %shift_right_logical3A_124 : i32 to vector<16xi32>
    %shift_right_logical3A_126 = arith.shrui %bitcast3A_123, %shift_right_logical3A_125 : vector<16xi32>
    %sub3A_127 = arith.constant 1597463007 : i32
    %sub3A_128 = vector.broadcast %sub3A_127 : i32 to vector<16xi32>
    %sub3A_129 = arith.subi %sub3A_128, %shift_right_logical3A_126 : vector<16xi32>
    %bitcast3A_130 = vector.bitcast %sub3A_129 : vector<16xi32> to vector<16xf32>
    %mul3A_131 = arith.constant 5.000000e-01 : f32
    %mul3A_132 = vector.broadcast %mul3A_131 : f32 to vector<16xf32>
    %mul3A_133 = arith.mulf %mul3A_132, %scan3A_52#2 : vector<16xf32>
    %mul3A_134 = arith.mulf %mul3A_133, %bitcast3A_130 : vector<16xf32>
    %mul3A_135 = arith.mulf %mul3A_134, %bitcast3A_130 : vector<16xf32>
    %sub3A_136 = arith.constant 1.500000e+00 : f32
    %sub3A_137 = vector.broadcast %sub3A_136 : f32 to vector<16xf32>
    %sub3A_138 = arith.subf %sub3A_137, %mul3A_135 : vector<16xf32>
    %mul3A_139 = arith.mulf %bitcast3A_130, %sub3A_138 : vector<16xf32>
    %mul3A_140 = arith.mulf %mul3A_133, %mul3A_139 : vector<16xf32>
    %mul3A_141 = arith.mulf %mul3A_140, %mul3A_139 : vector<16xf32>
    %sub3A_142 = arith.constant 1.500000e+00 : f32
    %sub3A_143 = vector.broadcast %sub3A_142 : f32 to vector<16xf32>
    %sub3A_144 = arith.subf %sub3A_143, %mul3A_141 : vector<16xf32>
    %mul3A_145 = arith.mulf %mul3A_139, %sub3A_144 : vector<16xf32>
    %mul3A_146 = arith.mulf %mul3A_133, %mul3A_145 : vector<16xf32>
    %mul3A_147 = arith.mulf %mul3A_146, %mul3A_145 : vector<16xf32>
    %sub3A_148 = arith.constant 1.500000e+00 : f32
    %sub3A_149 = vector.broadcast %sub3A_148 : f32 to vector<16xf32>
    %sub3A_150 = arith.subf %sub3A_149, %mul3A_147 : vector<16xf32>
    %mul3A_151 = arith.mulf %mul3A_145, %sub3A_150 : vector<16xf32>
    %mul3A_152 = arith.constant 2.000000e+01 : f32
    %mul3A_153 = vector.broadcast %mul3A_152 : f32 to vector<16xf32>
    %mul3A_154 = arith.mulf %mul3A_153, %mul3A_151 : vector<16xf32>
    %min3A_155 = arith.constant 1.000000e+00 : f32
    %min3A_156 = vector.broadcast %min3A_155 : f32 to vector<16xf32>
    %min3A_157 = arith.minimumf %min3A_156, %mul3A_154 : vector<16xf32>
    %swap3A_158 = arith.constant 32 : index
    %swap3A_159 = tpu.vector_load %arg11[%swap3A_158] {strides = array<i32>} : memref<64xf32, #tpu.memory_space<vmem>>, vector<16xf32>,
    tpu.vector_store %arg11[%swap3A_158], %min3A_157 {strides = array<i32>} : memref<64xf32, #tpu.memory_space<vmem>>, vector<16xf32>,
    %bitcast3A_160 = vector.bitcast %scan3A_52#3 : vector<16xf32> to vector<16xi32>
    %shift_right_logical3A_161 = arith.constant 1 : i32
    %shift_right_logical3A_162 = vector.broadcast %shift_right_logical3A_161 : i32 to vector<16xi32>
    %shift_right_logical3A_163 = arith.shrui %bitcast3A_160, %shift_right_logical3A_162 : vector<16xi32>
    %sub3A_164 = arith.constant 1597463007 : i32
    %sub3A_165 = vector.broadcast %sub3A_164 : i32 to vector<16xi32>
    %sub3A_166 = arith.subi %sub3A_165, %shift_right_logical3A_163 : vector<16xi32>
    %bitcast3A_167 = vector.bitcast %sub3A_166 : vector<16xi32> to vector<16xf32>
    %mul3A_168 = arith.constant 5.000000e-01 : f32
    %mul3A_169 = vector.broadcast %mul3A_168 : f32 to vector<16xf32>
    %mul3A_170 = arith.mulf %mul3A_169, %scan3A_52#3 : vector<16xf32>
    %mul3A_171 = arith.mulf %mul3A_170, %bitcast3A_167 : vector<16xf32>
    %mul3A_172 = arith.mulf %mul3A_171, %bitcast3A_167 : vector<16xf32>
    %sub3A_173 = arith.constant 1.500000e+00 : f32
    %sub3A_174 = vector.broadcast %sub3A_173 : f32 to vector<16xf32>
    %sub3A_175 = arith.subf %sub3A_174, %mul3A_172 : vector<16xf32>
    %mul3A_176 = arith.mulf %bitcast3A_167, %sub3A_175 : vector<16xf32>
    %mul3A_177 = arith.mulf %mul3A_170, %mul3A_176 : vector<16xf32>
    %mul3A_178 = arith.mulf %mul3A_177, %mul3A_176 : vector<16xf32>
    %sub3A_179 = arith.constant 1.500000e+00 : f32
    %sub3A_180 = vector.broadcast %sub3A_179 : f32 to vector<16xf32>
    %sub3A_181 = arith.subf %sub3A_180, %mul3A_178 : vector<16xf32>
    %mul3A_182 = arith.mulf %mul3A_176, %sub3A_181 : vector<16xf32>
    %mul3A_183 = arith.mulf %mul3A_170, %mul3A_182 : vector<16xf32>
    %mul3A_184 = arith.mulf %mul3A_183, %mul3A_182 : vector<16xf32>
    %sub3A_185 = arith.constant 1.500000e+00 : f32
    %sub3A_186 = vector.broadcast %sub3A_185 : f32 to vector<16xf32>
    %sub3A_187 = arith.subf %sub3A_186, %mul3A_184 : vector<16xf32>
    %mul3A_188 = arith.mulf %mul3A_182, %sub3A_187 : vector<16xf32>
    %mul3A_189 = arith.constant 2.000000e+01 : f32
    %mul3A_190 = vector.broadcast %mul3A_189 : f32 to vector<16xf32>
    %mul3A_191 = arith.mulf %mul3A_190, %mul3A_188 : vector<16xf32>
    %min3A_192 = arith.constant 1.000000e+00 : f32
    %min3A_193 = vector.broadcast %min3A_192 : f32 to vector<16xf32>
    %min3A_194 = arith.minimumf %min3A_193, %mul3A_191 : vector<16xf32>
    %swap3A_195 = arith.constant 48 : index
    %swap3A_196 = tpu.vector_load %arg11[%swap3A_195] {strides = array<i32>} : memref<64xf32, #tpu.memory_space<vmem>>, vector<16xf32>,
    tpu.vector_store %arg11[%swap3A_195], %min3A_194 {strides = array<i32>} : memref<64xf32, #tpu.memory_space<vmem>>, vector<16xf32>,
    "tpu.trace_start"() <{level = 10 : i32, message = "tscale"}> : () -> ()
    %scan3A_197 = arith.constant 0 : i32
    %scan3A_198 = arith.constant 0 : i32
    %scan3A_199 = arith.constant 64 : i32
    %scan3A_200 = arith.addi %scan3A_198, %scan3A_199 : i32
    %scan3A_201 = arith.constant 2 : i32
    scf.for %scan3A_739 = %scan3A_198 to %scan3A_200 step %scan3A_201  : i32 {
      %broadcast_in_dim3A_740 = vector.broadcast %scan3A_739 : i32 to vector<16xi32>
      %iota3A_741 = tpu.iota {dimensions = array<i32: 0>} : vector<16xi32>
      %add3A_742 = arith.constant 0 : i32
      %add3A_743 = vector.broadcast %add3A_742 : i32 to vector<16xi32>
      %add3A_744 = arith.addi %iota3A_741, %add3A_743 : vector<16xi32>
      %get3A = arith.index_cast %scan3A_739 : i32 to index
      %get3A_745 = arith.constant 0 : index
      %get3A_746 = tpu.vector_load %arg9[%get3A, %get3A_745] {strides = array<i32>} : memref<64x64xf32, #tpu.memory_space<vmem>>, vector<16xf32>,
      %get3A_747 = arith.constant 0 : index
      %get3A_748 = tpu.vector_load %arg11[%get3A_747] {strides = array<i32>} : memref<64xf32, #tpu.memory_space<vmem>>, vector<16xf32>,
      %mul3A_749 = arith.mulf %get3A_746, %get3A_748 : vector<16xf32>
      tpu.vector_store_idx %arg10[%add3A_744, %broadcast_in_dim3A_740], %mul3A_749 : memref<64x65xf32, #tpu.memory_space<vmem>>[vector<16xi32>, vector<16xi32>], vector<16xf32>,
      %iota3A_750 = tpu.iota {dimensions = array<i32: 0>} : vector<16xi32>
      %add3A_751 = arith.constant 16 : i32
      %add3A_752 = vector.broadcast %add3A_751 : i32 to vector<16xi32>
      %add3A_753 = arith.addi %iota3A_750, %add3A_752 : vector<16xi32>
      %get3A_754 = arith.index_cast %scan3A_739 : i32 to index
      %get3A_755 = arith.constant 16 : index
      %get3A_756 = tpu.vector_load %arg9[%get3A_754, %get3A_755] {strides = array<i32>} : memref<64x64xf32, #tpu.memory_space<vmem>>, vector<16xf32>,
      %get3A_757 = arith.constant 16 : index
      %get3A_758 = tpu.vector_load %arg11[%get3A_757] {strides = array<i32>} : memref<64xf32, #tpu.memory_space<vmem>>, vector<16xf32>,
      %mul3A_759 = arith.mulf %get3A_756, %get3A_758 : vector<16xf32>
      tpu.vector_store_idx %arg10[%add3A_753, %broadcast_in_dim3A_740], %mul3A_759 : memref<64x65xf32, #tpu.memory_space<vmem>>[vector<16xi32>, vector<16xi32>], vector<16xf32>,
      %iota3A_760 = tpu.iota {dimensions = array<i32: 0>} : vector<16xi32>
      %add3A_761 = arith.constant 32 : i32
      %add3A_762 = vector.broadcast %add3A_761 : i32 to vector<16xi32>
      %add3A_763 = arith.addi %iota3A_760, %add3A_762 : vector<16xi32>
      %get3A_764 = arith.index_cast %scan3A_739 : i32 to index
      %get3A_765 = arith.constant 32 : index
      %get3A_766 = tpu.vector_load %arg9[%get3A_764, %get3A_765] {strides = array<i32>} : memref<64x64xf32, #tpu.memory_space<vmem>>, vector<16xf32>,
      %get3A_767 = arith.constant 32 : index
      %get3A_768 = tpu.vector_load %arg11[%get3A_767] {strides = array<i32>} : memref<64xf32, #tpu.memory_space<vmem>>, vector<16xf32>,
      %mul3A_769 = arith.mulf %get3A_766, %get3A_768 : vector<16xf32>
      tpu.vector_store_idx %arg10[%add3A_763, %broadcast_in_dim3A_740], %mul3A_769 : memref<64x65xf32, #tpu.memory_space<vmem>>[vector<16xi32>, vector<16xi32>], vector<16xf32>,
      %iota3A_770 = tpu.iota {dimensions = array<i32: 0>} : vector<16xi32>
      %add3A_771 = arith.constant 48 : i32
      %add3A_772 = vector.broadcast %add3A_771 : i32 to vector<16xi32>
      %add3A_773 = arith.addi %iota3A_770, %add3A_772 : vector<16xi32>
      %get3A_774 = arith.index_cast %scan3A_739 : i32 to index
      %get3A_775 = arith.constant 48 : index
      %get3A_776 = tpu.vector_load %arg9[%get3A_774, %get3A_775] {strides = array<i32>} : memref<64x64xf32, #tpu.memory_space<vmem>>, vector<16xf32>,
      %get3A_777 = arith.constant 48 : index
      %get3A_778 = tpu.vector_load %arg11[%get3A_777] {strides = array<i32>} : memref<64xf32, #tpu.memory_space<vmem>>, vector<16xf32>,
      %mul3A_779 = arith.mulf %get3A_776, %get3A_778 : vector<16xf32>
      tpu.vector_store_idx %arg10[%add3A_773, %broadcast_in_dim3A_740], %mul3A_779 : memref<64x65xf32, #tpu.memory_space<vmem>>[vector<16xi32>, vector<16xi32>], vector<16xf32>,
      %scan3A_780 = arith.constant 1 : i32
      %scan3A_781 = arith.addi %scan3A_739, %scan3A_780 : i32
      %broadcast_in_dim3A_782 = vector.broadcast %scan3A_781 : i32 to vector<16xi32>
      %iota3A_783 = tpu.iota {dimensions = array<i32: 0>} : vector<16xi32>
      %add3A_784 = arith.constant 0 : i32
      %add3A_785 = vector.broadcast %add3A_784 : i32 to vector<16xi32>
      %add3A_786 = arith.addi %iota3A_783, %add3A_785 : vector<16xi32>
      %get3A_787 = arith.index_cast %scan3A_781 : i32 to index
      %get3A_788 = arith.constant 0 : index
      %get3A_789 = tpu.vector_load %arg9[%get3A_787, %get3A_788] {strides = array<i32>} : memref<64x64xf32, #tpu.memory_space<vmem>>, vector<16xf32>,
      %get3A_790 = arith.constant 0 : index
      %get3A_791 = tpu.vector_load %arg11[%get3A_790] {strides = array<i32>} : memref<64xf32, #tpu.memory_space<vmem>>, vector<16xf32>,
      %mul3A_792 = arith.mulf %get3A_789, %get3A_791 : vector<16xf32>
      tpu.vector_store_idx %arg10[%add3A_786, %broadcast_in_dim3A_782], %mul3A_792 : memref<64x65xf32, #tpu.memory_space<vmem>>[vector<16xi32>, vector<16xi32>], vector<16xf32>,
      %iota3A_793 = tpu.iota {dimensions = array<i32: 0>} : vector<16xi32>
      %add3A_794 = arith.constant 16 : i32
      %add3A_795 = vector.broadcast %add3A_794 : i32 to vector<16xi32>
      %add3A_796 = arith.addi %iota3A_793, %add3A_795 : vector<16xi32>
      %get3A_797 = arith.index_cast %scan3A_781 : i32 to index
      %get3A_798 = arith.constant 16 : index
      %get3A_799 = tpu.vector_load %arg9[%get3A_797, %get3A_798] {strides = array<i32>} : memref<64x64xf32, #tpu.memory_space<vmem>>, vector<16xf32>,
      %get3A_800 = arith.constant 16 : index
      %get3A_801 = tpu.vector_load %arg11[%get3A_800] {strides = array<i32>} : memref<64xf32, #tpu.memory_space<vmem>>, vector<16xf32>,
      %mul3A_802 = arith.mulf %get3A_799, %get3A_801 : vector<16xf32>
      tpu.vector_store_idx %arg10[%add3A_796, %broadcast_in_dim3A_782], %mul3A_802 : memref<64x65xf32, #tpu.memory_space<vmem>>[vector<16xi32>, vector<16xi32>], vector<16xf32>,
      %iota3A_803 = tpu.iota {dimensions = array<i32: 0>} : vector<16xi32>
      %add3A_804 = arith.constant 32 : i32
      %add3A_805 = vector.broadcast %add3A_804 : i32 to vector<16xi32>
      %add3A_806 = arith.addi %iota3A_803, %add3A_805 : vector<16xi32>
      %get3A_807 = arith.index_cast %scan3A_781 : i32 to index
      %get3A_808 = arith.constant 32 : index
      %get3A_809 = tpu.vector_load %arg9[%get3A_807, %get3A_808] {strides = array<i32>} : memref<64x64xf32, #tpu.memory_space<vmem>>, vector<16xf32>,
      %get3A_810 = arith.constant 32 : index
      %get3A_811 = tpu.vector_load %arg11[%get3A_810] {strides = array<i32>} : memref<64xf32, #tpu.memory_space<vmem>>, vector<16xf32>,
      %mul3A_812 = arith.mulf %get3A_809, %get3A_811 : vector<16xf32>
      tpu.vector_store_idx %arg10[%add3A_806, %broadcast_in_dim3A_782], %mul3A_812 : memref<64x65xf32, #tpu.memory_space<vmem>>[vector<16xi32>, vector<16xi32>], vector<16xf32>,
      %iota3A_813 = tpu.iota {dimensions = array<i32: 0>} : vector<16xi32>
      %add3A_814 = arith.constant 48 : i32
      %add3A_815 = vector.broadcast %add3A_814 : i32 to vector<16xi32>
      %add3A_816 = arith.addi %iota3A_813, %add3A_815 : vector<16xi32>
      %get3A_817 = arith.index_cast %scan3A_781 : i32 to index
      %get3A_818 = arith.constant 48 : index
      %get3A_819 = tpu.vector_load %arg9[%get3A_817, %get3A_818] {strides = array<i32>} : memref<64x64xf32, #tpu.memory_space<vmem>>, vector<16xf32>,
      %get3A_820 = arith.constant 48 : index
      %get3A_821 = tpu.vector_load %arg11[%get3A_820] {strides = array<i32>} : memref<64xf32, #tpu.memory_space<vmem>>, vector<16xf32>,
      %mul3A_822 = arith.mulf %get3A_819, %get3A_821 : vector<16xf32>
      tpu.vector_store_idx %arg10[%add3A_816, %broadcast_in_dim3A_782], %mul3A_822 : memref<64x65xf32, #tpu.memory_space<vmem>>[vector<16xi32>, vector<16xi32>], vector<16xf32>,
    }
    %scan3A_202 = arith.constant 64 : i32
    "tpu.trace_stop"() : () -> ()
    "tpu.trace_start"() <{level = 10 : i32, message = "publish"}> : () -> ()
    %mul3A_203 = arith.constant 64 : i32
    %mul3A_204 = arith.muli %arg1, %mul3A_203 : i32
    "tpu.region"() ({
      %run_scoped3A = tpu.sem_alloc : memref<!tpu.dma_semaphore, #tpu.memory_space<semaphore_mem>>
      %dma_start3A_739 = arith.constant 0 : i32
      %dma_start3A_740 = arith.constant 0 : i32
      %dma_start3A_741 = tpu.memref_slice %arg10[%dma_start3A_739, %dma_start3A_740] : memref<64x65xf32, #tpu.memory_space<vmem>> -> memref<64x64xf32, #tpu.memory_space<vmem>>
      %dma_start3A_742 = arith.constant 0 : i32
      %dma_start3A_743 = tpu.memref_slice %arg16[%mul3A_204, %dma_start3A_742] : memref<1024x64xf32, #tpu.memory_space<vmem_shared>> -> memref<64x64xf32, #tpu.memory_space<vmem_shared>>
      %dma_start3A_744 = arith.constant 0 : i32
      %dma_start3A_745 = tpu.memref_slice %arg16[%mul3A_204, %dma_start3A_744] : memref<1024x64xf32, #tpu.memory_space<vmem_shared>> -> memref<64x64xf32, #tpu.memory_space<vmem_shared>>
      %dma_start3A_746 = arith.constant 0 : i32
      %dma_start3A_747 = arith.constant 0 : i32
      %dma_start3A_748 = tpu.memref_slice %arg10[%dma_start3A_746, %dma_start3A_747] : memref<64x65xf32, #tpu.memory_space<vmem>> -> memref<64x64xf32, #tpu.memory_space<vmem>>
      tpu.enqueue_dma source(%dma_start3A_748 : memref<64x64xf32, #tpu.memory_space<vmem>>) target(%dma_start3A_745 : memref<64x64xf32, #tpu.memory_space<vmem_shared>>) target_semaphore(%run_scoped3A : memref<!tpu.dma_semaphore, #tpu.memory_space<semaphore_mem>>)
      %dma_wait3A_749 = arith.constant 0 : i32
      %dma_wait3A_750 = arith.constant 0 : i32
      %dma_wait3A_751 = tpu.memref_slice %arg10[%dma_wait3A_749, %dma_wait3A_750] : memref<64x65xf32, #tpu.memory_space<vmem>> -> memref<64x64xf32, #tpu.memory_space<vmem>>
      %dma_wait3A_752 = arith.constant 0 : i32
      %dma_wait3A_753 = tpu.memref_slice %arg16[%mul3A_204, %dma_wait3A_752] : memref<1024x64xf32, #tpu.memory_space<vmem_shared>> -> memref<64x64xf32, #tpu.memory_space<vmem_shared>>
      %dma_wait3A_754 = arith.constant 0 : i32
      %dma_wait3A_755 = tpu.memref_slice %arg16[%mul3A_204, %dma_wait3A_754] : memref<1024x64xf32, #tpu.memory_space<vmem_shared>> -> memref<64x64xf32, #tpu.memory_space<vmem_shared>>
      %dma_wait3A_756 = arith.constant 0 : i32
      %dma_wait3A_757 = arith.constant 0 : i32
      %dma_wait3A_758 = tpu.memref_slice %arg10[%dma_wait3A_756, %dma_wait3A_757] : memref<64x65xf32, #tpu.memory_space<vmem>> -> memref<64x64xf32, #tpu.memory_space<vmem>>
      tpu.wait_dma2 semaphore(%run_scoped3A : memref<!tpu.dma_semaphore, #tpu.memory_space<semaphore_mem>>) src(%dma_wait3A_758 : memref<64x64xf32, #tpu.memory_space<vmem>>) dst(%dma_wait3A_755 : memref<64x64xf32, #tpu.memory_space<vmem_shared>>)
      tpu.yield
    }) : () -> ()
    %barrier3A = arith.constant 0 : index
    tpu.barrier barrier_id(%barrier3A)
    "tpu.trace_stop"() : () -> ()
    "tpu.trace_start"() <{level = 10 : i32, message = "wait_docs"}> : () -> ()
    %dma_wait3A_205 = arith.constant 0 : i32
    %dma_wait3A_206 = arith.constant 0 : i32
    %dma_wait3A_207 = arith.constant 0 : i32
    %dma_wait3A_208 = tpu.memref_slice %arg7[%dma_wait3A_205, %dma_wait3A_206, %dma_wait3A_207] : memref<2x24x41xi32, #tpu.memory_space<vmem>> -> memref<2x24x32xi32, #tpu.memory_space<vmem>>
    %dma_wait3A_209 = arith.constant 0 : i32
    %dma_wait3A_210 = arith.constant 0 : i32
    %dma_wait3A_211 = tpu.memref_slice %arg2[%dma_wait3A_209, %dma_wait3A_210, %mul3A_2] : memref<2x24x1024xi32, #tpu.memory_space<hbm>> -> memref<2x24x32xi32, #tpu.memory_space<hbm>>
    %dma_wait3A_212 = arith.constant 0 : i32
    %dma_wait3A_213 = arith.constant 0 : i32
    %dma_wait3A_214 = arith.constant 0 : i32
    %dma_wait3A_215 = tpu.memref_slice %arg7[%dma_wait3A_212, %dma_wait3A_213, %dma_wait3A_214] : memref<2x24x41xi32, #tpu.memory_space<vmem>> -> memref<2x24x32xi32, #tpu.memory_space<vmem>>
    %dma_wait3A_216 = arith.constant 0 : i32
    %dma_wait3A_217 = arith.constant 0 : i32
    %dma_wait3A_218 = tpu.memref_slice %arg2[%dma_wait3A_216, %dma_wait3A_217, %mul3A_2] : memref<2x24x1024xi32, #tpu.memory_space<hbm>> -> memref<2x24x32xi32, #tpu.memory_space<hbm>>
    tpu.wait_dma2 semaphore(%arg17 : memref<!tpu.dma_semaphore, #tpu.memory_space<semaphore_mem>>) src(%dma_wait3A_218 : memref<2x24x32xi32, #tpu.memory_space<hbm>>) dst(%dma_wait3A_215 : memref<2x24x32xi32, #tpu.memory_space<vmem>>)
    %dma_wait3A_219 = arith.constant 0 : i32
    %dma_wait3A_220 = arith.constant 0 : i32
    %dma_wait3A_221 = arith.constant 32 : i32
    %dma_wait3A_222 = tpu.memref_slice %arg7[%dma_wait3A_219, %dma_wait3A_220, %dma_wait3A_221] : memref<2x24x41xi32, #tpu.memory_space<vmem>> -> memref<2x24x8xi32, #tpu.memory_space<vmem>>
    %dma_wait3A_223 = arith.constant 0 : i32
    %dma_wait3A_224 = arith.constant 0 : i32
    %dma_wait3A_225 = tpu.memref_slice %arg2[%dma_wait3A_223, %dma_wait3A_224, %rem3A_5] : memref<2x24x1024xi32, #tpu.memory_space<hbm>> -> memref<2x24x8xi32, #tpu.memory_space<hbm>>
    %dma_wait3A_226 = arith.constant 0 : i32
    %dma_wait3A_227 = arith.constant 0 : i32
    %dma_wait3A_228 = arith.constant 32 : i32
    %dma_wait3A_229 = tpu.memref_slice %arg7[%dma_wait3A_226, %dma_wait3A_227, %dma_wait3A_228] : memref<2x24x41xi32, #tpu.memory_space<vmem>> -> memref<2x24x8xi32, #tpu.memory_space<vmem>>
    %dma_wait3A_230 = arith.constant 0 : i32
    %dma_wait3A_231 = arith.constant 0 : i32
    %dma_wait3A_232 = tpu.memref_slice %arg2[%dma_wait3A_230, %dma_wait3A_231, %rem3A_5] : memref<2x24x1024xi32, #tpu.memory_space<hbm>> -> memref<2x24x8xi32, #tpu.memory_space<hbm>>
    tpu.wait_dma2 semaphore(%arg17 : memref<!tpu.dma_semaphore, #tpu.memory_space<semaphore_mem>>) src(%dma_wait3A_232 : memref<2x24x8xi32, #tpu.memory_space<hbm>>) dst(%dma_wait3A_229 : memref<2x24x8xi32, #tpu.memory_space<vmem>>)
    "tpu.trace_stop"() : () -> ()
    "tpu.trace_start"() <{level = 10 : i32, message = "compact"}> : () -> ()
    %iota3A = tpu.iota {dimensions = array<i32: 0>} : vector<16xi32>
    %add3A_233 = arith.constant 0 : i32
    %add3A_234 = vector.broadcast %add3A_233 : i32 to vector<16xi32>
    %add3A_235 = arith.addi %iota3A, %add3A_234 : vector<16xi32>
    %ge3A = arith.constant 40 : i32
    %ge3A_236 = vector.broadcast %ge3A : i32 to vector<16xi32>
    %ge3A_237 = arith.cmpi sge, %add3A_235, %ge3A_236 : vector<16xi32>
    %convert_element_type3A = arith.extui %ge3A_237 : vector<16xi1> to vector<16xi32>
    %mul3A_238 = arith.constant 40 : i32
    %mul3A_239 = vector.broadcast %mul3A_238 : i32 to vector<16xi32>
    %mul3A_240 = arith.muli %mul3A_239, %convert_element_type3A : vector<16xi32>
    %sub3A_241 = arith.subi %add3A_235, %mul3A_240 : vector<16xi32>
    %ge3A_242 = arith.constant 20 : i32
    %ge3A_243 = vector.broadcast %ge3A_242 : i32 to vector<16xi32>
    %ge3A_244 = arith.cmpi sge, %sub3A_241, %ge3A_243 : vector<16xi32>
    %convert_element_type3A_245 = arith.extui %ge3A_244 : vector<16xi1> to vector<16xi32>
    %add3A_246 = arith.constant 0 : i32
    %add3A_247 = vector.broadcast %add3A_246 : i32 to vector<16xi32>
    %add3A_248 = arith.addi %add3A_247, %convert_element_type3A : vector<16xi32>
    %mul3A_249 = arith.constant 20 : i32
    %mul3A_250 = vector.broadcast %mul3A_249 : i32 to vector<16xi32>
    %mul3A_251 = arith.muli %mul3A_250, %convert_element_type3A_245 : vector<16xi32>
    %sub3A_252 = arith.subi %sub3A_241, %mul3A_251 : vector<16xi32>
    %add3A_253 = arith.constant 16 : i32
    %add3A_254 = vector.broadcast %add3A_253 : i32 to vector<16xi32>
    %add3A_255 = arith.addi %iota3A, %add3A_254 : vector<16xi32>
    %ge3A_256 = arith.constant 40 : i32
    %ge3A_257 = vector.broadcast %ge3A_256 : i32 to vector<16xi32>
    %ge3A_258 = arith.cmpi sge, %add3A_255, %ge3A_257 : vector<16xi32>
    %convert_element_type3A_259 = arith.extui %ge3A_258 : vector<16xi1> to vector<16xi32>
    %mul3A_260 = arith.constant 40 : i32
    %mul3A_261 = vector.broadcast %mul3A_260 : i32 to vector<16xi32>
    %mul3A_262 = arith.muli %mul3A_261, %convert_element_type3A_259 : vector<16xi32>
    %sub3A_263 = arith.subi %add3A_255, %mul3A_262 : vector<16xi32>
    %ge3A_264 = arith.constant 20 : i32
    %ge3A_265 = vector.broadcast %ge3A_264 : i32 to vector<16xi32>
    %ge3A_266 = arith.cmpi sge, %sub3A_263, %ge3A_265 : vector<16xi32>
    %convert_element_type3A_267 = arith.extui %ge3A_266 : vector<16xi1> to vector<16xi32>
    %add3A_268 = arith.constant 0 : i32
    %add3A_269 = vector.broadcast %add3A_268 : i32 to vector<16xi32>
    %add3A_270 = arith.addi %add3A_269, %convert_element_type3A_259 : vector<16xi32>
    %mul3A_271 = arith.constant 20 : i32
    %mul3A_272 = vector.broadcast %mul3A_271 : i32 to vector<16xi32>
    %mul3A_273 = arith.muli %mul3A_272, %convert_element_type3A_267 : vector<16xi32>
    %sub3A_274 = arith.subi %sub3A_263, %mul3A_273 : vector<16xi32>
    %add3A_275 = arith.constant 32 : i32
    %add3A_276 = vector.broadcast %add3A_275 : i32 to vector<16xi32>
    %add3A_277 = arith.addi %iota3A, %add3A_276 : vector<16xi32>
    %ge3A_278 = arith.constant 40 : i32
    %ge3A_279 = vector.broadcast %ge3A_278 : i32 to vector<16xi32>
    %ge3A_280 = arith.cmpi sge, %add3A_277, %ge3A_279 : vector<16xi32>
    %convert_element_type3A_281 = arith.extui %ge3A_280 : vector<16xi1> to vector<16xi32>
    %mul3A_282 = arith.constant 40 : i32
    %mul3A_283 = vector.broadcast %mul3A_282 : i32 to vector<16xi32>
    %mul3A_284 = arith.muli %mul3A_283, %convert_element_type3A_281 : vector<16xi32>
    %sub3A_285 = arith.subi %add3A_277, %mul3A_284 : vector<16xi32>
    %ge3A_286 = arith.constant 20 : i32
    %ge3A_287 = vector.broadcast %ge3A_286 : i32 to vector<16xi32>
    %ge3A_288 = arith.cmpi sge, %sub3A_285, %ge3A_287 : vector<16xi32>
    %convert_element_type3A_289 = arith.extui %ge3A_288 : vector<16xi1> to vector<16xi32>
    %add3A_290 = arith.constant 0 : i32
    %add3A_291 = vector.broadcast %add3A_290 : i32 to vector<16xi32>
    %add3A_292 = arith.addi %add3A_291, %convert_element_type3A_281 : vector<16xi32>
    %mul3A_293 = arith.constant 20 : i32
    %mul3A_294 = vector.broadcast %mul3A_293 : i32 to vector<16xi32>
    %mul3A_295 = arith.muli %mul3A_294, %convert_element_type3A_289 : vector<16xi32>
    %sub3A_296 = arith.subi %sub3A_285, %mul3A_295 : vector<16xi32>
    %add3A_297 = arith.constant 8 : i32
    %add3A_298 = vector.broadcast %add3A_297 : i32 to vector<16xi32>
    %add3A_299 = arith.addi %iota3A, %add3A_298 : vector<16xi32>
    %ge3A_300 = arith.constant 40 : i32
    %ge3A_301 = vector.broadcast %ge3A_300 : i32 to vector<16xi32>
    %ge3A_302 = arith.cmpi sge, %add3A_299, %ge3A_301 : vector<16xi32>
    %convert_element_type3A_303 = arith.extui %ge3A_302 : vector<16xi1> to vector<16xi32>
    %mul3A_304 = arith.constant 40 : i32
    %mul3A_305 = vector.broadcast %mul3A_304 : i32 to vector<16xi32>
    %mul3A_306 = arith.muli %mul3A_305, %convert_element_type3A_303 : vector<16xi32>
    %sub3A_307 = arith.subi %add3A_299, %mul3A_306 : vector<16xi32>
    %ge3A_308 = arith.constant 20 : i32
    %ge3A_309 = vector.broadcast %ge3A_308 : i32 to vector<16xi32>
    %ge3A_310 = arith.cmpi sge, %sub3A_307, %ge3A_309 : vector<16xi32>
    %convert_element_type3A_311 = arith.extui %ge3A_310 : vector<16xi1> to vector<16xi32>
    %add3A_312 = arith.constant 1 : i32
    %add3A_313 = vector.broadcast %add3A_312 : i32 to vector<16xi32>
    %add3A_314 = arith.addi %add3A_313, %convert_element_type3A_303 : vector<16xi32>
    %mul3A_315 = arith.constant 20 : i32
    %mul3A_316 = vector.broadcast %mul3A_315 : i32 to vector<16xi32>
    %mul3A_317 = arith.muli %mul3A_316, %convert_element_type3A_311 : vector<16xi32>
    %sub3A_318 = arith.subi %sub3A_307, %mul3A_317 : vector<16xi32>
    %add3A_319 = arith.constant 24 : i32
    %add3A_320 = vector.broadcast %add3A_319 : i32 to vector<16xi32>
    %add3A_321 = arith.addi %iota3A, %add3A_320 : vector<16xi32>
    %ge3A_322 = arith.constant 40 : i32
    %ge3A_323 = vector.broadcast %ge3A_322 : i32 to vector<16xi32>
    %ge3A_324 = arith.cmpi sge, %add3A_321, %ge3A_323 : vector<16xi32>
    %convert_element_type3A_325 = arith.extui %ge3A_324 : vector<16xi1> to vector<16xi32>
    %mul3A_326 = arith.constant 40 : i32
    %mul3A_327 = vector.broadcast %mul3A_326 : i32 to vector<16xi32>
    %mul3A_328 = arith.muli %mul3A_327, %convert_element_type3A_325 : vector<16xi32>
    %sub3A_329 = arith.subi %add3A_321, %mul3A_328 : vector<16xi32>
    %ge3A_330 = arith.constant 20 : i32
    %ge3A_331 = vector.broadcast %ge3A_330 : i32 to vector<16xi32>
    %ge3A_332 = arith.cmpi sge, %sub3A_329, %ge3A_331 : vector<16xi32>
    %convert_element_type3A_333 = arith.extui %ge3A_332 : vector<16xi1> to vector<16xi32>
    %add3A_334 = arith.constant 1 : i32
    %add3A_335 = vector.broadcast %add3A_334 : i32 to vector<16xi32>
    %add3A_336 = arith.addi %add3A_335, %convert_element_type3A_325 : vector<16xi32>
    %mul3A_337 = arith.constant 20 : i32
    %mul3A_338 = vector.broadcast %mul3A_337 : i32 to vector<16xi32>
    %mul3A_339 = arith.muli %mul3A_338, %convert_element_type3A_333 : vector<16xi32>
    %sub3A_340 = arith.subi %sub3A_329, %mul3A_339 : vector<16xi32>
    %scan3A_341 = arith.constant 0 : i32
    %scan3A_342 = arith.constant 0 : i32
    %scan3A_343 = arith.constant 17 : i32
    %scan3A_344 = arith.addi %scan3A_342, %scan3A_343 : i32
    %scan3A_345 = arith.constant 1 : i32
    scf.for %scan3A_739 = %scan3A_342 to %scan3A_344 step %scan3A_345  : i32 {
      %mul3A_740 = arith.constant 80 : i32
      %mul3A_741 = arith.muli %scan3A_739, %mul3A_740 : i32
      %mul3A_742 = arith.constant 2 : i32
      %mul3A_743 = arith.muli %mul3A_742, %scan3A_739 : i32
      %add3A_744 = vector.broadcast %mul3A_743 : i32 to vector<16xi32>
      %add3A_745 = arith.addi %add3A_744, %add3A_248 : vector<16xi32>
      %gather3A_746 = tpu.vector_load_idx %arg7[%convert_element_type3A_245, %sub3A_252, %add3A_745] : memref<2x24x41xi32, #tpu.memory_space<vmem>>[vector<16xi32>, vector<16xi32>, vector<16xi32>], vector<16xi32>,
      %add3A_747 = arith.constant 0 : i32
      %add3A_748 = arith.addi %mul3A_741, %add3A_747 : i32
      %swap3A_749 = arith.index_cast %add3A_748 : i32 to index
      %swap3A_750 = tpu.vector_load %arg8[%swap3A_749] {strides = array<i32>} : memref<1408xi32, #tpu.memory_space<vmem>>, vector<16xi32>,
      tpu.vector_store %arg8[%swap3A_749], %gather3A_746 {strides = array<i32>} : memref<1408xi32, #tpu.memory_space<vmem>>, vector<16xi32>,
      %mul3A_751 = arith.constant 2 : i32
      %mul3A_752 = arith.muli %mul3A_751, %scan3A_739 : i32
      %add3A_753 = vector.broadcast %mul3A_752 : i32 to vector<16xi32>
      %add3A_754 = arith.addi %add3A_753, %add3A_270 : vector<16xi32>
      %gather3A_755 = tpu.vector_load_idx %arg7[%convert_element_type3A_267, %sub3A_274, %add3A_754] : memref<2x24x41xi32, #tpu.memory_space<vmem>>[vector<16xi32>, vector<16xi32>, vector<16xi32>], vector<16xi32>,
      %add3A_756 = arith.constant 16 : i32
      %add3A_757 = arith.addi %mul3A_741, %add3A_756 : i32
      %swap3A_758 = arith.index_cast %add3A_757 : i32 to index
      %swap3A_759 = tpu.vector_load %arg8[%swap3A_758] {strides = array<i32>} : memref<1408xi32, #tpu.memory_space<vmem>>, vector<16xi32>,
      tpu.vector_store %arg8[%swap3A_758], %gather3A_755 {strides = array<i32>} : memref<1408xi32, #tpu.memory_space<vmem>>, vector<16xi32>,
      %mul3A_760 = arith.constant 2 : i32
      %mul3A_761 = arith.muli %mul3A_760, %scan3A_739 : i32
      %add3A_762 = vector.broadcast %mul3A_761 : i32 to vector<16xi32>
      %add3A_763 = arith.addi %add3A_762, %add3A_292 : vector<16xi32>
      %gather3A_764 = tpu.vector_load_idx %arg7[%convert_element_type3A_289, %sub3A_296, %add3A_763] : memref<2x24x41xi32, #tpu.memory_space<vmem>>[vector<16xi32>, vector<16xi32>, vector<16xi32>], vector<16xi32>,
      %add3A_765 = arith.constant 32 : i32
      %add3A_766 = arith.addi %mul3A_741, %add3A_765 : i32
      %swap3A_767 = arith.index_cast %add3A_766 : i32 to index
      %swap3A_768 = tpu.vector_load %arg8[%swap3A_767] {strides = array<i32>} : memref<1408xi32, #tpu.memory_space<vmem>>, vector<16xi32>,
      tpu.vector_store %arg8[%swap3A_767], %gather3A_764 {strides = array<i32>} : memref<1408xi32, #tpu.memory_space<vmem>>, vector<16xi32>,
      %mul3A_769 = arith.constant 2 : i32
      %mul3A_770 = arith.muli %mul3A_769, %scan3A_739 : i32
      %add3A_771 = vector.broadcast %mul3A_770 : i32 to vector<16xi32>
      %add3A_772 = arith.addi %add3A_771, %add3A_314 : vector<16xi32>
      %gather3A_773 = tpu.vector_load_idx %arg7[%convert_element_type3A_311, %sub3A_318, %add3A_772] : memref<2x24x41xi32, #tpu.memory_space<vmem>>[vector<16xi32>, vector<16xi32>, vector<16xi32>], vector<16xi32>,
      %add3A_774 = arith.constant 48 : i32
      %add3A_775 = arith.addi %mul3A_741, %add3A_774 : i32
      %swap3A_776 = arith.index_cast %add3A_775 : i32 to index
      %swap3A_777 = tpu.vector_load %arg8[%swap3A_776] {strides = array<i32>} : memref<1408xi32, #tpu.memory_space<vmem>>, vector<16xi32>,
      tpu.vector_store %arg8[%swap3A_776], %gather3A_773 {strides = array<i32>} : memref<1408xi32, #tpu.memory_space<vmem>>, vector<16xi32>,
      %mul3A_778 = arith.constant 2 : i32
      %mul3A_779 = arith.muli %mul3A_778, %scan3A_739 : i32
      %add3A_780 = vector.broadcast %mul3A_779 : i32 to vector<16xi32>
      %add3A_781 = arith.addi %add3A_780, %add3A_336 : vector<16xi32>
      %gather3A_782 = tpu.vector_load_idx %arg7[%convert_element_type3A_333, %sub3A_340, %add3A_781] : memref<2x24x41xi32, #tpu.memory_space<vmem>>[vector<16xi32>, vector<16xi32>, vector<16xi32>], vector<16xi32>,
      %add3A_783 = arith.constant 64 : i32
      %add3A_784 = arith.addi %mul3A_741, %add3A_783 : i32
      %swap3A_785 = arith.index_cast %add3A_784 : i32 to index
      %swap3A_786 = tpu.vector_load %arg8[%swap3A_785] {strides = array<i32>} : memref<1408xi32, #tpu.memory_space<vmem>>, vector<16xi32>,
      tpu.vector_store %arg8[%swap3A_785], %gather3A_782 {strides = array<i32>} : memref<1408xi32, #tpu.memory_space<vmem>>, vector<16xi32>,
    }
    %scan3A_346 = arith.constant 17 : i32
    %add3A_347 = arith.constant 0 : i32
    %add3A_348 = vector.broadcast %add3A_347 : i32 to vector<16xi32>
    %add3A_349 = arith.addi %iota3A, %add3A_348 : vector<16xi32>
    %ge3A_350 = arith.constant 40 : i32
    %ge3A_351 = vector.broadcast %ge3A_350 : i32 to vector<16xi32>
    %ge3A_352 = arith.cmpi sge, %add3A_349, %ge3A_351 : vector<16xi32>
    %convert_element_type3A_353 = arith.extui %ge3A_352 : vector<16xi1> to vector<16xi32>
    %mul3A_354 = arith.constant 40 : i32
    %mul3A_355 = vector.broadcast %mul3A_354 : i32 to vector<16xi32>
    %mul3A_356 = arith.muli %mul3A_355, %convert_element_type3A_353 : vector<16xi32>
    %sub3A_357 = arith.subi %add3A_349, %mul3A_356 : vector<16xi32>
    %ge3A_358 = arith.constant 20 : i32
    %ge3A_359 = vector.broadcast %ge3A_358 : i32 to vector<16xi32>
    %ge3A_360 = arith.cmpi sge, %sub3A_357, %ge3A_359 : vector<16xi32>
    %convert_element_type3A_361 = arith.extui %ge3A_360 : vector<16xi1> to vector<16xi32>
    %lt3A = arith.constant 40 : i32
    %lt3A_362 = vector.broadcast %lt3A : i32 to vector<16xi32>
    %lt3A_363 = arith.cmpi slt, %add3A_349, %lt3A_362 : vector<16xi32>
    %mul3A_364 = arith.constant 20 : i32
    %mul3A_365 = vector.broadcast %mul3A_364 : i32 to vector<16xi32>
    %mul3A_366 = arith.muli %mul3A_365, %convert_element_type3A_361 : vector<16xi32>
    %sub3A_367 = arith.subi %sub3A_357, %mul3A_366 : vector<16xi32>
    %jit3A = arith.constant 0 : i32
    %broadcast_in_dim3A_368 = vector.broadcast %jit3A : i32 to vector<16xi32>
    %select_n3A = arith.select %lt3A_363, %sub3A_367, %broadcast_in_dim3A_368 : vector<16xi1>, vector<16xi32>
    %broadcast_in_dim3A_369 = arith.constant 34 : i32
    %broadcast_in_dim3A_370 = vector.broadcast %broadcast_in_dim3A_369 : i32 to vector<16xi32>
    %lt3A_371 = arith.constant 40 : i32
    %lt3A_372 = vector.broadcast %lt3A_371 : i32 to vector<16xi32>
    %lt3A_373 = arith.cmpi slt, %add3A_349, %lt3A_372 : vector<16xi32>
    %jit3A_374 = arith.constant 0 : i32
    %broadcast_in_dim3A_375 = vector.broadcast %jit3A_374 : i32 to vector<16xi32>
    %select_n3A_376 = arith.select %lt3A_373, %convert_element_type3A_361, %broadcast_in_dim3A_375 : vector<16xi1>, vector<16xi32>
    %gather3A = tpu.vector_load_idx %arg7[%select_n3A_376, %select_n3A, %broadcast_in_dim3A_370] : memref<2x24x41xi32, #tpu.memory_space<vmem>>[vector<16xi32>, vector<16xi32>, vector<16xi32>], vector<16xi32>,
    %swap3A_377 = arith.constant 1360 : index
    %swap3A_378 = tpu.vector_load %arg8[%swap3A_377] {strides = array<i32>} : memref<1408xi32, #tpu.memory_space<vmem>>, vector<16xi32>,
    tpu.vector_store %arg8[%swap3A_377], %gather3A {strides = array<i32>} : memref<1408xi32, #tpu.memory_space<vmem>>, vector<16xi32>,
    %add3A_379 = arith.constant 16 : i32
    %add3A_380 = vector.broadcast %add3A_379 : i32 to vector<16xi32>
    %add3A_381 = arith.addi %iota3A, %add3A_380 : vector<16xi32>
    %ge3A_382 = arith.constant 40 : i32
    %ge3A_383 = vector.broadcast %ge3A_382 : i32 to vector<16xi32>
    %ge3A_384 = arith.cmpi sge, %add3A_381, %ge3A_383 : vector<16xi32>
    %convert_element_type3A_385 = arith.extui %ge3A_384 : vector<16xi1> to vector<16xi32>
    %mul3A_386 = arith.constant 40 : i32
    %mul3A_387 = vector.broadcast %mul3A_386 : i32 to vector<16xi32>
    %mul3A_388 = arith.muli %mul3A_387, %convert_element_type3A_385 : vector<16xi32>
    %sub3A_389 = arith.subi %add3A_381, %mul3A_388 : vector<16xi32>
    %ge3A_390 = arith.constant 20 : i32
    %ge3A_391 = vector.broadcast %ge3A_390 : i32 to vector<16xi32>
    %ge3A_392 = arith.cmpi sge, %sub3A_389, %ge3A_391 : vector<16xi32>
    %convert_element_type3A_393 = arith.extui %ge3A_392 : vector<16xi1> to vector<16xi32>
    %lt3A_394 = arith.constant 40 : i32
    %lt3A_395 = vector.broadcast %lt3A_394 : i32 to vector<16xi32>
    %lt3A_396 = arith.cmpi slt, %add3A_381, %lt3A_395 : vector<16xi32>
    %mul3A_397 = arith.constant 20 : i32
    %mul3A_398 = vector.broadcast %mul3A_397 : i32 to vector<16xi32>
    %mul3A_399 = arith.muli %mul3A_398, %convert_element_type3A_393 : vector<16xi32>
    %sub3A_400 = arith.subi %sub3A_389, %mul3A_399 : vector<16xi32>
    %jit3A_401 = arith.constant 0 : i32
    %broadcast_in_dim3A_402 = vector.broadcast %jit3A_401 : i32 to vector<16xi32>
    %select_n3A_403 = arith.select %lt3A_396, %sub3A_400, %broadcast_in_dim3A_402 : vector<16xi1>, vector<16xi32>
    %broadcast_in_dim3A_404 = arith.constant 34 : i32
    %broadcast_in_dim3A_405 = vector.broadcast %broadcast_in_dim3A_404 : i32 to vector<16xi32>
    %lt3A_406 = arith.constant 40 : i32
    %lt3A_407 = vector.broadcast %lt3A_406 : i32 to vector<16xi32>
    %lt3A_408 = arith.cmpi slt, %add3A_381, %lt3A_407 : vector<16xi32>
    %jit3A_409 = arith.constant 0 : i32
    %broadcast_in_dim3A_410 = vector.broadcast %jit3A_409 : i32 to vector<16xi32>
    %select_n3A_411 = arith.select %lt3A_408, %convert_element_type3A_393, %broadcast_in_dim3A_410 : vector<16xi1>, vector<16xi32>
    %gather3A_412 = tpu.vector_load_idx %arg7[%select_n3A_411, %select_n3A_403, %broadcast_in_dim3A_405] : memref<2x24x41xi32, #tpu.memory_space<vmem>>[vector<16xi32>, vector<16xi32>, vector<16xi32>], vector<16xi32>,
    %swap3A_413 = arith.constant 1376 : index
    %swap3A_414 = tpu.vector_load %arg8[%swap3A_413] {strides = array<i32>} : memref<1408xi32, #tpu.memory_space<vmem>>, vector<16xi32>,
    tpu.vector_store %arg8[%swap3A_413], %gather3A_412 {strides = array<i32>} : memref<1408xi32, #tpu.memory_space<vmem>>, vector<16xi32>,
    %add3A_415 = arith.constant 32 : i32
    %add3A_416 = vector.broadcast %add3A_415 : i32 to vector<16xi32>
    %add3A_417 = arith.addi %iota3A, %add3A_416 : vector<16xi32>
    %ge3A_418 = arith.constant 40 : i32
    %ge3A_419 = vector.broadcast %ge3A_418 : i32 to vector<16xi32>
    %ge3A_420 = arith.cmpi sge, %add3A_417, %ge3A_419 : vector<16xi32>
    %convert_element_type3A_421 = arith.extui %ge3A_420 : vector<16xi1> to vector<16xi32>
    %mul3A_422 = arith.constant 40 : i32
    %mul3A_423 = vector.broadcast %mul3A_422 : i32 to vector<16xi32>
    %mul3A_424 = arith.muli %mul3A_423, %convert_element_type3A_421 : vector<16xi32>
    %sub3A_425 = arith.subi %add3A_417, %mul3A_424 : vector<16xi32>
    %ge3A_426 = arith.constant 20 : i32
    %ge3A_427 = vector.broadcast %ge3A_426 : i32 to vector<16xi32>
    %ge3A_428 = arith.cmpi sge, %sub3A_425, %ge3A_427 : vector<16xi32>
    %convert_element_type3A_429 = arith.extui %ge3A_428 : vector<16xi1> to vector<16xi32>
    %lt3A_430 = arith.constant 40 : i32
    %lt3A_431 = vector.broadcast %lt3A_430 : i32 to vector<16xi32>
    %lt3A_432 = arith.cmpi slt, %add3A_417, %lt3A_431 : vector<16xi32>
    %mul3A_433 = arith.constant 20 : i32
    %mul3A_434 = vector.broadcast %mul3A_433 : i32 to vector<16xi32>
    %mul3A_435 = arith.muli %mul3A_434, %convert_element_type3A_429 : vector<16xi32>
    %sub3A_436 = arith.subi %sub3A_425, %mul3A_435 : vector<16xi32>
    %jit3A_437 = arith.constant 0 : i32
    %broadcast_in_dim3A_438 = vector.broadcast %jit3A_437 : i32 to vector<16xi32>
    %select_n3A_439 = arith.select %lt3A_432, %sub3A_436, %broadcast_in_dim3A_438 : vector<16xi1>, vector<16xi32>
    %broadcast_in_dim3A_440 = arith.constant 34 : i32
    %broadcast_in_dim3A_441 = vector.broadcast %broadcast_in_dim3A_440 : i32 to vector<16xi32>
    %lt3A_442 = arith.constant 40 : i32
    %lt3A_443 = vector.broadcast %lt3A_442 : i32 to vector<16xi32>
    %lt3A_444 = arith.cmpi slt, %add3A_417, %lt3A_443 : vector<16xi32>
    %jit3A_445 = arith.constant 0 : i32
    %broadcast_in_dim3A_446 = vector.broadcast %jit3A_445 : i32 to vector<16xi32>
    %select_n3A_447 = arith.select %lt3A_444, %convert_element_type3A_429, %broadcast_in_dim3A_446 : vector<16xi1>, vector<16xi32>
    %gather3A_448 = tpu.vector_load_idx %arg7[%select_n3A_447, %select_n3A_439, %broadcast_in_dim3A_441] : memref<2x24x41xi32, #tpu.memory_space<vmem>>[vector<16xi32>, vector<16xi32>, vector<16xi32>], vector<16xi32>,
    %swap3A_449 = arith.constant 1392 : index
    %swap3A_450 = tpu.vector_load %arg8[%swap3A_449] {strides = array<i32>} : memref<1408xi32, #tpu.memory_space<vmem>>, vector<16xi32>,
    tpu.vector_store %arg8[%swap3A_449], %gather3A_448 {strides = array<i32>} : memref<1408xi32, #tpu.memory_space<vmem>>, vector<16xi32>,
    "tpu.trace_stop"() : () -> ()
    %dma_start3A_451 = arith.constant 0 : i32
    %dma_start3A_452 = arith.constant 0 : i32
    %dma_start3A_453 = tpu.memref_slice %arg12[%dma_start3A_451, %dma_start3A_452] : memref<1400x64xf32, #tpu.memory_space<vmem>> -> memref<120x64xf32, #tpu.memory_space<vmem>>
    %dma_start3A_454 = arith.constant 0 : i32
    %dma_start3A_455 = tpu.memref_slice %arg8[%dma_start3A_454] : memref<1408xi32, #tpu.memory_space<vmem>> -> memref<120xi32, #tpu.memory_space<vmem>>
    %dma_start3A_456 = arith.constant 0 : i32
    %dma_start3A_457 = arith.constant 0 : i32
    %dma_start3A_458 = tpu.memref_slice %arg16[%dma_start3A_456, %dma_start3A_457] : memref<1024x64xf32, #tpu.memory_space<vmem_shared>> -> memref<1024x64xf32, #tpu.memory_space<vmem_shared>>
    tpu.enqueue_indirect_dma source(%dma_start3A_458 : memref<1024x64xf32, #tpu.memory_space<vmem_shared>>) target(%dma_start3A_453 : memref<120x64xf32, #tpu.memory_space<vmem>>) offsets(%dma_start3A_455 : memref<120xi32, #tpu.memory_space<vmem>>) semaphore(%arg20 : memref<!tpu.dma_semaphore, #tpu.memory_space<semaphore_mem>>)
    %dma_start3A_459 = arith.constant 120 : i32
    %dma_start3A_460 = arith.constant 0 : i32
    %dma_start3A_461 = tpu.memref_slice %arg12[%dma_start3A_459, %dma_start3A_460] : memref<1400x64xf32, #tpu.memory_space<vmem>> -> memref<120x64xf32, #tpu.memory_space<vmem>>
    %dma_start3A_462 = arith.constant 120 : i32
    %dma_start3A_463 = tpu.memref_slice %arg8[%dma_start3A_462] : memref<1408xi32, #tpu.memory_space<vmem>> -> memref<120xi32, #tpu.memory_space<vmem>>
    %dma_start3A_464 = arith.constant 0 : i32
    %dma_start3A_465 = arith.constant 0 : i32
    %dma_start3A_466 = tpu.memref_slice %arg16[%dma_start3A_464, %dma_start3A_465] : memref<1024x64xf32, #tpu.memory_space<vmem_shared>> -> memref<1024x64xf32, #tpu.memory_space<vmem_shared>>
    tpu.enqueue_indirect_dma source(%dma_start3A_466 : memref<1024x64xf32, #tpu.memory_space<vmem_shared>>) target(%dma_start3A_461 : memref<120x64xf32, #tpu.memory_space<vmem>>) offsets(%dma_start3A_463 : memref<120xi32, #tpu.memory_space<vmem>>) semaphore(%arg21 : memref<!tpu.dma_semaphore, #tpu.memory_space<semaphore_mem>>)
    %dma_start3A_467 = arith.constant 240 : i32
    %dma_start3A_468 = arith.constant 0 : i32
    %dma_start3A_469 = tpu.memref_slice %arg12[%dma_start3A_467, %dma_start3A_468] : memref<1400x64xf32, #tpu.memory_space<vmem>> -> memref<120x64xf32, #tpu.memory_space<vmem>>
    %dma_start3A_470 = arith.constant 240 : i32
    %dma_start3A_471 = tpu.memref_slice %arg8[%dma_start3A_470] : memref<1408xi32, #tpu.memory_space<vmem>> -> memref<120xi32, #tpu.memory_space<vmem>>
    %dma_start3A_472 = arith.constant 0 : i32
    %dma_start3A_473 = arith.constant 0 : i32
    %dma_start3A_474 = tpu.memref_slice %arg16[%dma_start3A_472, %dma_start3A_473] : memref<1024x64xf32, #tpu.memory_space<vmem_shared>> -> memref<1024x64xf32, #tpu.memory_space<vmem_shared>>
    tpu.enqueue_indirect_dma source(%dma_start3A_474 : memref<1024x64xf32, #tpu.memory_space<vmem_shared>>) target(%dma_start3A_469 : memref<120x64xf32, #tpu.memory_space<vmem>>) offsets(%dma_start3A_471 : memref<120xi32, #tpu.memory_space<vmem>>) semaphore(%arg22 : memref<!tpu.dma_semaphore, #tpu.memory_space<semaphore_mem>>)
    %dma_start3A_475 = arith.constant 360 : i32
    %dma_start3A_476 = arith.constant 0 : i32
    %dma_start3A_477 = tpu.memref_slice %arg12[%dma_start3A_475, %dma_start3A_476] : memref<1400x64xf32, #tpu.memory_space<vmem>> -> memref<120x64xf32, #tpu.memory_space<vmem>>
    %dma_start3A_478 = arith.constant 360 : i32
    %dma_start3A_479 = tpu.memref_slice %arg8[%dma_start3A_478] : memref<1408xi32, #tpu.memory_space<vmem>> -> memref<120xi32, #tpu.memory_space<vmem>>
    %dma_start3A_480 = arith.constant 0 : i32
    %dma_start3A_481 = arith.constant 0 : i32
    %dma_start3A_482 = tpu.memref_slice %arg16[%dma_start3A_480, %dma_start3A_481] : memref<1024x64xf32, #tpu.memory_space<vmem_shared>> -> memref<1024x64xf32, #tpu.memory_space<vmem_shared>>
    tpu.enqueue_indirect_dma source(%dma_start3A_482 : memref<1024x64xf32, #tpu.memory_space<vmem_shared>>) target(%dma_start3A_477 : memref<120x64xf32, #tpu.memory_space<vmem>>) offsets(%dma_start3A_479 : memref<120xi32, #tpu.memory_space<vmem>>) semaphore(%arg23 : memref<!tpu.dma_semaphore, #tpu.memory_space<semaphore_mem>>)
    %dma_start3A_483 = arith.constant 480 : i32
    %dma_start3A_484 = arith.constant 0 : i32
    %dma_start3A_485 = tpu.memref_slice %arg12[%dma_start3A_483, %dma_start3A_484] : memref<1400x64xf32, #tpu.memory_space<vmem>> -> memref<120x64xf32, #tpu.memory_space<vmem>>
    %dma_start3A_486 = arith.constant 480 : i32
    %dma_start3A_487 = tpu.memref_slice %arg8[%dma_start3A_486] : memref<1408xi32, #tpu.memory_space<vmem>> -> memref<120xi32, #tpu.memory_space<vmem>>
    %dma_start3A_488 = arith.constant 0 : i32
    %dma_start3A_489 = arith.constant 0 : i32
    %dma_start3A_490 = tpu.memref_slice %arg16[%dma_start3A_488, %dma_start3A_489] : memref<1024x64xf32, #tpu.memory_space<vmem_shared>> -> memref<1024x64xf32, #tpu.memory_space<vmem_shared>>
    tpu.enqueue_indirect_dma source(%dma_start3A_490 : memref<1024x64xf32, #tpu.memory_space<vmem_shared>>) target(%dma_start3A_485 : memref<120x64xf32, #tpu.memory_space<vmem>>) offsets(%dma_start3A_487 : memref<120xi32, #tpu.memory_space<vmem>>) semaphore(%arg24 : memref<!tpu.dma_semaphore, #tpu.memory_space<semaphore_mem>>)
    %dma_start3A_491 = arith.constant 600 : i32
    %dma_start3A_492 = arith.constant 0 : i32
    %dma_start3A_493 = tpu.memref_slice %arg12[%dma_start3A_491, %dma_start3A_492] : memref<1400x64xf32, #tpu.memory_space<vmem>> -> memref<120x64xf32, #tpu.memory_space<vmem>>
    %dma_start3A_494 = arith.constant 600 : i32
    %dma_start3A_495 = tpu.memref_slice %arg8[%dma_start3A_494] : memref<1408xi32, #tpu.memory_space<vmem>> -> memref<120xi32, #tpu.memory_space<vmem>>
    %dma_start3A_496 = arith.constant 0 : i32
    %dma_start3A_497 = arith.constant 0 : i32
    %dma_start3A_498 = tpu.memref_slice %arg16[%dma_start3A_496, %dma_start3A_497] : memref<1024x64xf32, #tpu.memory_space<vmem_shared>> -> memref<1024x64xf32, #tpu.memory_space<vmem_shared>>
    tpu.enqueue_indirect_dma source(%dma_start3A_498 : memref<1024x64xf32, #tpu.memory_space<vmem_shared>>) target(%dma_start3A_493 : memref<120x64xf32, #tpu.memory_space<vmem>>) offsets(%dma_start3A_495 : memref<120xi32, #tpu.memory_space<vmem>>) semaphore(%arg25 : memref<!tpu.dma_semaphore, #tpu.memory_space<semaphore_mem>>)
    %dma_start3A_499 = arith.constant 720 : i32
    %dma_start3A_500 = arith.constant 0 : i32
    %dma_start3A_501 = tpu.memref_slice %arg12[%dma_start3A_499, %dma_start3A_500] : memref<1400x64xf32, #tpu.memory_space<vmem>> -> memref<120x64xf32, #tpu.memory_space<vmem>>
    %dma_start3A_502 = arith.constant 720 : i32
    %dma_start3A_503 = tpu.memref_slice %arg8[%dma_start3A_502] : memref<1408xi32, #tpu.memory_space<vmem>> -> memref<120xi32, #tpu.memory_space<vmem>>
    %dma_start3A_504 = arith.constant 0 : i32
    %dma_start3A_505 = arith.constant 0 : i32
    %dma_start3A_506 = tpu.memref_slice %arg16[%dma_start3A_504, %dma_start3A_505] : memref<1024x64xf32, #tpu.memory_space<vmem_shared>> -> memref<1024x64xf32, #tpu.memory_space<vmem_shared>>
    tpu.enqueue_indirect_dma source(%dma_start3A_506 : memref<1024x64xf32, #tpu.memory_space<vmem_shared>>) target(%dma_start3A_501 : memref<120x64xf32, #tpu.memory_space<vmem>>) offsets(%dma_start3A_503 : memref<120xi32, #tpu.memory_space<vmem>>) semaphore(%arg26 : memref<!tpu.dma_semaphore, #tpu.memory_space<semaphore_mem>>)
    %dma_start3A_507 = arith.constant 840 : i32
    %dma_start3A_508 = arith.constant 0 : i32
    %dma_start3A_509 = tpu.memref_slice %arg12[%dma_start3A_507, %dma_start3A_508] : memref<1400x64xf32, #tpu.memory_space<vmem>> -> memref<120x64xf32, #tpu.memory_space<vmem>>
    %dma_start3A_510 = arith.constant 840 : i32
    %dma_start3A_511 = tpu.memref_slice %arg8[%dma_start3A_510] : memref<1408xi32, #tpu.memory_space<vmem>> -> memref<120xi32, #tpu.memory_space<vmem>>
    %dma_start3A_512 = arith.constant 0 : i32
    %dma_start3A_513 = arith.constant 0 : i32
    %dma_start3A_514 = tpu.memref_slice %arg16[%dma_start3A_512, %dma_start3A_513] : memref<1024x64xf32, #tpu.memory_space<vmem_shared>> -> memref<1024x64xf32, #tpu.memory_space<vmem_shared>>
    tpu.enqueue_indirect_dma source(%dma_start3A_514 : memref<1024x64xf32, #tpu.memory_space<vmem_shared>>) target(%dma_start3A_509 : memref<120x64xf32, #tpu.memory_space<vmem>>) offsets(%dma_start3A_511 : memref<120xi32, #tpu.memory_space<vmem>>) semaphore(%arg27 : memref<!tpu.dma_semaphore, #tpu.memory_space<semaphore_mem>>)
    %dma_start3A_515 = arith.constant 960 : i32
    %dma_start3A_516 = arith.constant 0 : i32
    %dma_start3A_517 = tpu.memref_slice %arg12[%dma_start3A_515, %dma_start3A_516] : memref<1400x64xf32, #tpu.memory_space<vmem>> -> memref<120x64xf32, #tpu.memory_space<vmem>>
    %dma_start3A_518 = arith.constant 960 : i32
    %dma_start3A_519 = tpu.memref_slice %arg8[%dma_start3A_518] : memref<1408xi32, #tpu.memory_space<vmem>> -> memref<120xi32, #tpu.memory_space<vmem>>
    %dma_start3A_520 = arith.constant 0 : i32
    %dma_start3A_521 = arith.constant 0 : i32
    %dma_start3A_522 = tpu.memref_slice %arg16[%dma_start3A_520, %dma_start3A_521] : memref<1024x64xf32, #tpu.memory_space<vmem_shared>> -> memref<1024x64xf32, #tpu.memory_space<vmem_shared>>
    tpu.enqueue_indirect_dma source(%dma_start3A_522 : memref<1024x64xf32, #tpu.memory_space<vmem_shared>>) target(%dma_start3A_517 : memref<120x64xf32, #tpu.memory_space<vmem>>) offsets(%dma_start3A_519 : memref<120xi32, #tpu.memory_space<vmem>>) semaphore(%arg28 : memref<!tpu.dma_semaphore, #tpu.memory_space<semaphore_mem>>)
    %dma_start3A_523 = arith.constant 1080 : i32
    %dma_start3A_524 = arith.constant 0 : i32
    %dma_start3A_525 = tpu.memref_slice %arg12[%dma_start3A_523, %dma_start3A_524] : memref<1400x64xf32, #tpu.memory_space<vmem>> -> memref<120x64xf32, #tpu.memory_space<vmem>>
    %dma_start3A_526 = arith.constant 1080 : i32
    %dma_start3A_527 = tpu.memref_slice %arg8[%dma_start3A_526] : memref<1408xi32, #tpu.memory_space<vmem>> -> memref<120xi32, #tpu.memory_space<vmem>>
    %dma_start3A_528 = arith.constant 0 : i32
    %dma_start3A_529 = arith.constant 0 : i32
    %dma_start3A_530 = tpu.memref_slice %arg16[%dma_start3A_528, %dma_start3A_529] : memref<1024x64xf32, #tpu.memory_space<vmem_shared>> -> memref<1024x64xf32, #tpu.memory_space<vmem_shared>>
    tpu.enqueue_indirect_dma source(%dma_start3A_530 : memref<1024x64xf32, #tpu.memory_space<vmem_shared>>) target(%dma_start3A_525 : memref<120x64xf32, #tpu.memory_space<vmem>>) offsets(%dma_start3A_527 : memref<120xi32, #tpu.memory_space<vmem>>) semaphore(%arg29 : memref<!tpu.dma_semaphore, #tpu.memory_space<semaphore_mem>>)
    %dma_start3A_531 = arith.constant 1200 : i32
    %dma_start3A_532 = arith.constant 0 : i32
    %dma_start3A_533 = tpu.memref_slice %arg12[%dma_start3A_531, %dma_start3A_532] : memref<1400x64xf32, #tpu.memory_space<vmem>> -> memref<120x64xf32, #tpu.memory_space<vmem>>
    %dma_start3A_534 = arith.constant 1200 : i32
    %dma_start3A_535 = tpu.memref_slice %arg8[%dma_start3A_534] : memref<1408xi32, #tpu.memory_space<vmem>> -> memref<120xi32, #tpu.memory_space<vmem>>
    %dma_start3A_536 = arith.constant 0 : i32
    %dma_start3A_537 = arith.constant 0 : i32
    %dma_start3A_538 = tpu.memref_slice %arg16[%dma_start3A_536, %dma_start3A_537] : memref<1024x64xf32, #tpu.memory_space<vmem_shared>> -> memref<1024x64xf32, #tpu.memory_space<vmem_shared>>
    tpu.enqueue_indirect_dma source(%dma_start3A_538 : memref<1024x64xf32, #tpu.memory_space<vmem_shared>>) target(%dma_start3A_533 : memref<120x64xf32, #tpu.memory_space<vmem>>) offsets(%dma_start3A_535 : memref<120xi32, #tpu.memory_space<vmem>>) semaphore(%arg30 : memref<!tpu.dma_semaphore, #tpu.memory_space<semaphore_mem>>)
    %dma_start3A_539 = arith.constant 1320 : i32
    %dma_start3A_540 = arith.constant 0 : i32
    %dma_start3A_541 = tpu.memref_slice %arg12[%dma_start3A_539, %dma_start3A_540] : memref<1400x64xf32, #tpu.memory_space<vmem>> -> memref<80x64xf32, #tpu.memory_space<vmem>>
    %dma_start3A_542 = arith.constant 1320 : i32
    %dma_start3A_543 = tpu.memref_slice %arg8[%dma_start3A_542] : memref<1408xi32, #tpu.memory_space<vmem>> -> memref<80xi32, #tpu.memory_space<vmem>>
    %dma_start3A_544 = arith.constant 0 : i32
    %dma_start3A_545 = arith.constant 0 : i32
    %dma_start3A_546 = tpu.memref_slice %arg16[%dma_start3A_544, %dma_start3A_545] : memref<1024x64xf32, #tpu.memory_space<vmem_shared>> -> memref<1024x64xf32, #tpu.memory_space<vmem_shared>>
    tpu.enqueue_indirect_dma source(%dma_start3A_546 : memref<1024x64xf32, #tpu.memory_space<vmem_shared>>) target(%dma_start3A_541 : memref<80x64xf32, #tpu.memory_space<vmem>>) offsets(%dma_start3A_543 : memref<80xi32, #tpu.memory_space<vmem>>) semaphore(%arg31 : memref<!tpu.dma_semaphore, #tpu.memory_space<semaphore_mem>>)
    %iota3A_547 = tpu.iota {dimensions = array<i32: 0>} : vector<16xi32>
    %add3A_548 = arith.constant 0 : i32
    %add3A_549 = vector.broadcast %add3A_548 : i32 to vector<16xi32>
    %add3A_550 = arith.addi %iota3A_547, %add3A_549 : vector<16xi32>
    %iota3A_551 = tpu.iota {dimensions = array<i32: 0>} : vector<16xi32>
    %add3A_552 = arith.constant 16 : i32
    %add3A_553 = vector.broadcast %add3A_552 : i32 to vector<16xi32>
    %add3A_554 = arith.addi %iota3A_551, %add3A_553 : vector<16xi32>
    %iota3A_555 = tpu.iota {dimensions = array<i32: 0>} : vector<16xi32>
    %add3A_556 = arith.constant 32 : i32
    %add3A_557 = vector.broadcast %add3A_556 : i32 to vector<16xi32>
    %add3A_558 = arith.addi %iota3A_555, %add3A_557 : vector<16xi32>
    %iota3A_559 = tpu.iota {dimensions = array<i32: 0>} : vector<16xi32>
    %add3A_560 = arith.constant 48 : i32
    %add3A_561 = vector.broadcast %add3A_560 : i32 to vector<16xi32>
    %add3A_562 = arith.addi %iota3A_559, %add3A_561 : vector<16xi32>
    "tpu.trace_start"() <{level = 10 : i32, message = "gwait0"}> : () -> ()
    %dma_wait3A_563 = arith.constant 0 : i32
    %dma_wait3A_564 = arith.constant 0 : i32
    %dma_wait3A_565 = tpu.memref_slice %arg12[%dma_wait3A_563, %dma_wait3A_564] : memref<1400x64xf32, #tpu.memory_space<vmem>> -> memref<120x64xf32, #tpu.memory_space<vmem>>
    %dma_wait3A_566 = arith.constant 0 : i32
    %dma_wait3A_567 = tpu.memref_slice %arg8[%dma_wait3A_566] : memref<1408xi32, #tpu.memory_space<vmem>> -> memref<120xi32, #tpu.memory_space<vmem>>
    %dma_wait3A_568 = arith.constant 0 : i32
    %dma_wait3A_569 = arith.constant 0 : i32
    %dma_wait3A_570 = tpu.memref_slice %arg16[%dma_wait3A_568, %dma_wait3A_569] : memref<1024x64xf32, #tpu.memory_space<vmem_shared>> -> memref<1024x64xf32, #tpu.memory_space<vmem_shared>>
    tpu.wait_indirect_dma semaphore(%arg20 : memref<!tpu.dma_semaphore, #tpu.memory_space<semaphore_mem>>) src(%dma_wait3A_570 : memref<1024x64xf32, #tpu.memory_space<vmem_shared>>) dst(%dma_wait3A_565 : memref<120x64xf32, #tpu.memory_space<vmem>>)
    %dma_wait3A_571 = arith.constant 120 : i32
    %dma_wait3A_572 = arith.constant 0 : i32
    %dma_wait3A_573 = tpu.memref_slice %arg12[%dma_wait3A_571, %dma_wait3A_572] : memref<1400x64xf32, #tpu.memory_space<vmem>> -> memref<120x64xf32, #tpu.memory_space<vmem>>
    %dma_wait3A_574 = arith.constant 120 : i32
    %dma_wait3A_575 = tpu.memref_slice %arg8[%dma_wait3A_574] : memref<1408xi32, #tpu.memory_space<vmem>> -> memref<120xi32, #tpu.memory_space<vmem>>
    %dma_wait3A_576 = arith.constant 0 : i32
    %dma_wait3A_577 = arith.constant 0 : i32
    %dma_wait3A_578 = tpu.memref_slice %arg16[%dma_wait3A_576, %dma_wait3A_577] : memref<1024x64xf32, #tpu.memory_space<vmem_shared>> -> memref<1024x64xf32, #tpu.memory_space<vmem_shared>>
    tpu.wait_indirect_dma semaphore(%arg21 : memref<!tpu.dma_semaphore, #tpu.memory_space<semaphore_mem>>) src(%dma_wait3A_578 : memref<1024x64xf32, #tpu.memory_space<vmem_shared>>) dst(%dma_wait3A_573 : memref<120x64xf32, #tpu.memory_space<vmem>>)
    "tpu.trace_stop"() : () -> ()
    "tpu.trace_start"() <{level = 10 : i32, message = "pool0"}> : () -> ()
    %scan3A_579 = arith.constant 0 : i32
    %scan3A_580 = arith.constant 0 : i32
    %scan3A_581 = arith.constant 6 : i32
    %scan3A_582 = arith.addi %scan3A_580, %scan3A_581 : i32
    %scan3A_583 = arith.constant 1 : i32
    scf.for %scan3A_739 = %scan3A_580 to %scan3A_582 step %scan3A_583  : i32 {
      %mul3A_740 = arith.constant 40 : i32
      %mul3A_741 = arith.muli %scan3A_739, %mul3A_740 : i32
      %min3A_742 = arith.constant 33 : i32
      %min3A_743 = arith.minsi %scan3A_739, %min3A_742 : i32
      %broadcast_in_dim3A_744 = vector.broadcast %min3A_743 : i32 to vector<16xi32>
      %get3A = arith.index_cast %mul3A_741 : i32 to index
      %get3A_745 = arith.constant 0 : index
      %get3A_746 = tpu.vector_load %arg12[%get3A, %get3A_745] {strides = array<i32>} : memref<1400x64xf32, #tpu.memory_space<vmem>>, vector<16xf32>,
      %get3A_747 = arith.index_cast %mul3A_741 : i32 to index
      %get3A_748 = arith.constant 16 : index
      %get3A_749 = tpu.vector_load %arg12[%get3A_747, %get3A_748] {strides = array<i32>} : memref<1400x64xf32, #tpu.memory_space<vmem>>, vector<16xf32>,
      %get3A_750 = arith.index_cast %mul3A_741 : i32 to index
      %get3A_751 = arith.constant 32 : index
      %get3A_752 = tpu.vector_load %arg12[%get3A_750, %get3A_751] {strides = array<i32>} : memref<1400x64xf32, #tpu.memory_space<vmem>>, vector<16xf32>,
      %get3A_753 = arith.index_cast %mul3A_741 : i32 to index
      %get3A_754 = arith.constant 48 : index
      %get3A_755 = tpu.vector_load %arg12[%get3A_753, %get3A_754] {strides = array<i32>} : memref<1400x64xf32, #tpu.memory_space<vmem>>, vector<16xf32>,
      %add3A_756 = arith.constant 1 : i32
      %add3A_757 = arith.addi %mul3A_741, %add3A_756 : i32
      %get3A_758 = arith.index_cast %add3A_757 : i32 to index
      %get3A_759 = arith.constant 0 : index
      %get3A_760 = tpu.vector_load %arg12[%get3A_758, %get3A_759] {strides = array<i32>} : memref<1400x64xf32, #tpu.memory_space<vmem>>, vector<16xf32>,
      %add3A_761 = arith.addf %get3A_746, %get3A_760 : vector<16xf32>
      %add3A_762 = arith.constant 1 : i32
      %add3A_763 = arith.addi %mul3A_741, %add3A_762 : i32
      %get3A_764 = arith.index_cast %add3A_763 : i32 to index
      %get3A_765 = arith.constant 16 : index
      %get3A_766 = tpu.vector_load %arg12[%get3A_764, %get3A_765] {strides = array<i32>} : memref<1400x64xf32, #tpu.memory_space<vmem>>, vector<16xf32>,
      %add3A_767 = arith.addf %get3A_749, %get3A_766 : vector<16xf32>
      %add3A_768 = arith.constant 1 : i32
      %add3A_769 = arith.addi %mul3A_741, %add3A_768 : i32
      %get3A_770 = arith.index_cast %add3A_769 : i32 to index
      %get3A_771 = arith.constant 32 : index
      %get3A_772 = tpu.vector_load %arg12[%get3A_770, %get3A_771] {strides = array<i32>} : memref<1400x64xf32, #tpu.memory_space<vmem>>, vector<16xf32>,
      %add3A_773 = arith.addf %get3A_752, %get3A_772 : vector<16xf32>
      %add3A_774 = arith.constant 1 : i32
      %add3A_775 = arith.addi %mul3A_741, %add3A_774 : i32
      %get3A_776 = arith.index_cast %add3A_775 : i32 to index
      %get3A_777 = arith.constant 48 : index
      %get3A_778 = tpu.vector_load %arg12[%get3A_776, %get3A_777] {strides = array<i32>} : memref<1400x64xf32, #tpu.memory_space<vmem>>, vector<16xf32>,
      %add3A_779 = arith.addf %get3A_755, %get3A_778 : vector<16xf32>
      %add3A_780 = arith.constant 2 : i32
      %add3A_781 = arith.addi %mul3A_741, %add3A_780 : i32
      %get3A_782 = arith.index_cast %add3A_781 : i32 to index
      %get3A_783 = arith.constant 0 : index
      %get3A_784 = tpu.vector_load %arg12[%get3A_782, %get3A_783] {strides = array<i32>} : memref<1400x64xf32, #tpu.memory_space<vmem>>, vector<16xf32>,
      %add3A_785 = arith.addf %add3A_761, %get3A_784 : vector<16xf32>
      %add3A_786 = arith.constant 2 : i32
      %add3A_787 = arith.addi %mul3A_741, %add3A_786 : i32
      %get3A_788 = arith.index_cast %add3A_787 : i32 to index
      %get3A_789 = arith.constant 16 : index
      %get3A_790 = tpu.vector_load %arg12[%get3A_788, %get3A_789] {strides = array<i32>} : memref<1400x64xf32, #tpu.memory_space<vmem>>, vector<16xf32>,
      %add3A_791 = arith.addf %add3A_767, %get3A_790 : vector<16xf32>
      %add3A_792 = arith.constant 2 : i32
      %add3A_793 = arith.addi %mul3A_741, %add3A_792 : i32
      %get3A_794 = arith.index_cast %add3A_793 : i32 to index
      %get3A_795 = arith.constant 32 : index
      %get3A_796 = tpu.vector_load %arg12[%get3A_794, %get3A_795] {strides = array<i32>} : memref<1400x64xf32, #tpu.memory_space<vmem>>, vector<16xf32>,
      %add3A_797 = arith.addf %add3A_773, %get3A_796 : vector<16xf32>
      %add3A_798 = arith.constant 2 : i32
      %add3A_799 = arith.addi %mul3A_741, %add3A_798 : i32
      %get3A_800 = arith.index_cast %add3A_799 : i32 to index
      %get3A_801 = arith.constant 48 : index
      %get3A_802 = tpu.vector_load %arg12[%get3A_800, %get3A_801] {strides = array<i32>} : memref<1400x64xf32, #tpu.memory_space<vmem>>, vector<16xf32>,
      %add3A_803 = arith.addf %add3A_779, %get3A_802 : vector<16xf32>
      %add3A_804 = arith.constant 3 : i32
      %add3A_805 = arith.addi %mul3A_741, %add3A_804 : i32
      %get3A_806 = arith.index_cast %add3A_805 : i32 to index
      %get3A_807 = arith.constant 0 : index
      %get3A_808 = tpu.vector_load %arg12[%get3A_806, %get3A_807] {strides = array<i32>} : memref<1400x64xf32, #tpu.memory_space<vmem>>, vector<16xf32>,
      %add3A_809 = arith.addf %add3A_785, %get3A_808 : vector<16xf32>
      %add3A_810 = arith.constant 3 : i32
      %add3A_811 = arith.addi %mul3A_741, %add3A_810 : i32
      %get3A_812 = arith.index_cast %add3A_811 : i32 to index
      %get3A_813 = arith.constant 16 : index
      %get3A_814 = tpu.vector_load %arg12[%get3A_812, %get3A_813] {strides = array<i32>} : memref<1400x64xf32, #tpu.memory_space<vmem>>, vector<16xf32>,
      %add3A_815 = arith.addf %add3A_791, %get3A_814 : vector<16xf32>
      %add3A_816 = arith.constant 3 : i32
      %add3A_817 = arith.addi %mul3A_741, %add3A_816 : i32
      %get3A_818 = arith.index_cast %add3A_817 : i32 to index
      %get3A_819 = arith.constant 32 : index
      %get3A_820 = tpu.vector_load %arg12[%get3A_818, %get3A_819] {strides = array<i32>} : memref<1400x64xf32, #tpu.memory_space<vmem>>, vector<16xf32>,
      %add3A_821 = arith.addf %add3A_797, %get3A_820 : vector<16xf32>
      %add3A_822 = arith.constant 3 : i32
      %add3A_823 = arith.addi %mul3A_741, %add3A_822 : i32
      %get3A_824 = arith.index_cast %add3A_823 : i32 to index
      %get3A_825 = arith.constant 48 : index
      %get3A_826 = tpu.vector_load %arg12[%get3A_824, %get3A_825] {strides = array<i32>} : memref<1400x64xf32, #tpu.memory_space<vmem>>, vector<16xf32>,
      %add3A_827 = arith.addf %add3A_803, %get3A_826 : vector<16xf32>
      %add3A_828 = arith.constant 4 : i32
      %add3A_829 = arith.addi %mul3A_741, %add3A_828 : i32
      %get3A_830 = arith.index_cast %add3A_829 : i32 to index
      %get3A_831 = arith.constant 0 : index
      %get3A_832 = tpu.vector_load %arg12[%get3A_830, %get3A_831] {strides = array<i32>} : memref<1400x64xf32, #tpu.memory_space<vmem>>, vector<16xf32>,
      %add3A_833 = arith.addf %add3A_809, %get3A_832 : vector<16xf32>
      %add3A_834 = arith.constant 4 : i32
      %add3A_835 = arith.addi %mul3A_741, %add3A_834 : i32
      %get3A_836 = arith.index_cast %add3A_835 : i32 to index
      %get3A_837 = arith.constant 16 : index
      %get3A_838 = tpu.vector_load %arg12[%get3A_836, %get3A_837] {strides = array<i32>} : memref<1400x64xf32, #tpu.memory_space<vmem>>, vector<16xf32>,
      %add3A_839 = arith.addf %add3A_815, %get3A_838 : vector<16xf32>
      %add3A_840 = arith.constant 4 : i32
      %add3A_841 = arith.addi %mul3A_741, %add3A_840 : i32
      %get3A_842 = arith.index_cast %add3A_841 : i32 to index
      %get3A_843 = arith.constant 32 : index
      %get3A_844 = tpu.vector_load %arg12[%get3A_842, %get3A_843] {strides = array<i32>} : memref<1400x64xf32, #tpu.memory_space<vmem>>, vector<16xf32>,
      %add3A_845 = arith.addf %add3A_821, %get3A_844 : vector<16xf32>
      %add3A_846 = arith.constant 4 : i32
      %add3A_847 = arith.addi %mul3A_741, %add3A_846 : i32
      %get3A_848 = arith.index_cast %add3A_847 : i32 to index
      %get3A_849 = arith.constant 48 : index
      %get3A_850 = tpu.vector_load %arg12[%get3A_848, %get3A_849] {strides = array<i32>} : memref<1400x64xf32, #tpu.memory_space<vmem>>, vector<16xf32>,
      %add3A_851 = arith.addf %add3A_827, %get3A_850 : vector<16xf32>
      %add3A_852 = arith.constant 5 : i32
      %add3A_853 = arith.addi %mul3A_741, %add3A_852 : i32
      %get3A_854 = arith.index_cast %add3A_853 : i32 to index
      %get3A_855 = arith.constant 0 : index
      %get3A_856 = tpu.vector_load %arg12[%get3A_854, %get3A_855] {strides = array<i32>} : memref<1400x64xf32, #tpu.memory_space<vmem>>, vector<16xf32>,
      %add3A_857 = arith.addf %add3A_833, %get3A_856 : vector<16xf32>
      %add3A_858 = arith.constant 5 : i32
      %add3A_859 = arith.addi %mul3A_741, %add3A_858 : i32
      %get3A_860 = arith.index_cast %add3A_859 : i32 to index
      %get3A_861 = arith.constant 16 : index
      %get3A_862 = tpu.vector_load %arg12[%get3A_860, %get3A_861] {strides = array<i32>} : memref<1400x64xf32, #tpu.memory_space<vmem>>, vector<16xf32>,
      %add3A_863 = arith.addf %add3A_839, %get3A_862 : vector<16xf32>
      %add3A_864 = arith.constant 5 : i32
      %add3A_865 = arith.addi %mul3A_741, %add3A_864 : i32
      %get3A_866 = arith.index_cast %add3A_865 : i32 to index
      %get3A_867 = arith.constant 32 : index
      %get3A_868 = tpu.vector_load %arg12[%get3A_866, %get3A_867] {strides = array<i32>} : memref<1400x64xf32, #tpu.memory_space<vmem>>, vector<16xf32>,
      %add3A_869 = arith.addf %add3A_845, %get3A_868 : vector<16xf32>
      %add3A_870 = arith.constant 5 : i32
      %add3A_871 = arith.addi %mul3A_741, %add3A_870 : i32
      %get3A_872 = arith.index_cast %add3A_871 : i32 to index
      %get3A_873 = arith.constant 48 : index
      %get3A_874 = tpu.vector_load %arg12[%get3A_872, %get3A_873] {strides = array<i32>} : memref<1400x64xf32, #tpu.memory_space<vmem>>, vector<16xf32>,
      %add3A_875 = arith.addf %add3A_851, %get3A_874 : vector<16xf32>
      %add3A_876 = arith.constant 6 : i32
      %add3A_877 = arith.addi %mul3A_741, %add3A_876 : i32
      %get3A_878 = arith.index_cast %add3A_877 : i32 to index
      %get3A_879 = arith.constant 0 : index
      %get3A_880 = tpu.vector_load %arg12[%get3A_878, %get3A_879] {strides = array<i32>} : memref<1400x64xf32, #tpu.memory_space<vmem>>, vector<16xf32>,
      %add3A_881 = arith.addf %add3A_857, %get3A_880 : vector<16xf32>
      %add3A_882 = arith.constant 6 : i32
      %add3A_883 = arith.addi %mul3A_741, %add3A_882 : i32
      %get3A_884 = arith.index_cast %add3A_883 : i32 to index
      %get3A_885 = arith.constant 16 : index
      %get3A_886 = tpu.vector_load %arg12[%get3A_884, %get3A_885] {strides = array<i32>} : memref<1400x64xf32, #tpu.memory_space<vmem>>, vector<16xf32>,
      %add3A_887 = arith.addf %add3A_863, %get3A_886 : vector<16xf32>
      %add3A_888 = arith.constant 6 : i32
      %add3A_889 = arith.addi %mul3A_741, %add3A_888 : i32
      %get3A_890 = arith.index_cast %add3A_889 : i32 to index
      %get3A_891 = arith.constant 32 : index
      %get3A_892 = tpu.vector_load %arg12[%get3A_890, %get3A_891] {strides = array<i32>} : memref<1400x64xf32, #tpu.memory_space<vmem>>, vector<16xf32>,
      %add3A_893 = arith.addf %add3A_869, %get3A_892 : vector<16xf32>
      %add3A_894 = arith.constant 6 : i32
      %add3A_895 = arith.addi %mul3A_741, %add3A_894 : i32
      %get3A_896 = arith.index_cast %add3A_895 : i32 to index
      %get3A_897 = arith.constant 48 : index
      %get3A_898 = tpu.vector_load %arg12[%get3A_896, %get3A_897] {strides = array<i32>} : memref<1400x64xf32, #tpu.memory_space<vmem>>, vector<16xf32>,
      %add3A_899 = arith.addf %add3A_875, %get3A_898 : vector<16xf32>
      %add3A_900 = arith.constant 7 : i32
      %add3A_901 = arith.addi %mul3A_741, %add3A_900 : i32
      %get3A_902 = arith.index_cast %add3A_901 : i32 to index
      %get3A_903 = arith.constant 0 : index
      %get3A_904 = tpu.vector_load %arg12[%get3A_902, %get3A_903] {strides = array<i32>} : memref<1400x64xf32, #tpu.memory_space<vmem>>, vector<16xf32>,
      %add3A_905 = arith.addf %add3A_881, %get3A_904 : vector<16xf32>
      %add3A_906 = arith.constant 7 : i32
      %add3A_907 = arith.addi %mul3A_741, %add3A_906 : i32
      %get3A_908 = arith.index_cast %add3A_907 : i32 to index
      %get3A_909 = arith.constant 16 : index
      %get3A_910 = tpu.vector_load %arg12[%get3A_908, %get3A_909] {strides = array<i32>} : memref<1400x64xf32, #tpu.memory_space<vmem>>, vector<16xf32>,
      %add3A_911 = arith.addf %add3A_887, %get3A_910 : vector<16xf32>
      %add3A_912 = arith.constant 7 : i32
      %add3A_913 = arith.addi %mul3A_741, %add3A_912 : i32
      %get3A_914 = arith.index_cast %add3A_913 : i32 to index
      %get3A_915 = arith.constant 32 : index
      %get3A_916 = tpu.vector_load %arg12[%get3A_914, %get3A_915] {strides = array<i32>} : memref<1400x64xf32, #tpu.memory_space<vmem>>, vector<16xf32>,
      %add3A_917 = arith.addf %add3A_893, %get3A_916 : vector<16xf32>
      %add3A_918 = arith.constant 7 : i32
      %add3A_919 = arith.addi %mul3A_741, %add3A_918 : i32
      %get3A_920 = arith.index_cast %add3A_919 : i32 to index
      %get3A_921 = arith.constant 48 : index
      %get3A_922 = tpu.vector_load %arg12[%get3A_920, %get3A_921] {strides = array<i32>} : memref<1400x64xf32, #tpu.memory_space<vmem>>, vector<16xf32>,
      %add3A_923 = arith.addf %add3A_899, %get3A_922 : vector<16xf32>
      %add3A_924 = arith.constant 8 : i32
      %add3A_925 = arith.addi %mul3A_741, %add3A_924 : i32
      %get3A_926 = arith.index_cast %add3A_925 : i32 to index
      %get3A_927 = arith.constant 0 : index
      %get3A_928 = tpu.vector_load %arg12[%get3A_926, %get3A_927] {strides = array<i32>} : memref<1400x64xf32, #tpu.memory_space<vmem>>, vector<16xf32>,
      %add3A_929 = arith.addf %add3A_905, %get3A_928 : vector<16xf32>
      %add3A_930 = arith.constant 8 : i32
      %add3A_931 = arith.addi %mul3A_741, %add3A_930 : i32
      %get3A_932 = arith.index_cast %add3A_931 : i32 to index
      %get3A_933 = arith.constant 16 : index
      %get3A_934 = tpu.vector_load %arg12[%get3A_932, %get3A_933] {strides = array<i32>} : memref<1400x64xf32, #tpu.memory_space<vmem>>, vector<16xf32>,
      %add3A_935 = arith.addf %add3A_911, %get3A_934 : vector<16xf32>
      %add3A_936 = arith.constant 8 : i32
      %add3A_937 = arith.addi %mul3A_741, %add3A_936 : i32
      %get3A_938 = arith.index_cast %add3A_937 : i32 to index
      %get3A_939 = arith.constant 32 : index
      %get3A_940 = tpu.vector_load %arg12[%get3A_938, %get3A_939] {strides = array<i32>} : memref<1400x64xf32, #tpu.memory_space<vmem>>, vector<16xf32>,
      %add3A_941 = arith.addf %add3A_917, %get3A_940 : vector<16xf32>
      %add3A_942 = arith.constant 8 : i32
      %add3A_943 = arith.addi %mul3A_741, %add3A_942 : i32
      %get3A_944 = arith.index_cast %add3A_943 : i32 to index
      %get3A_945 = arith.constant 48 : index
      %get3A_946 = tpu.vector_load %arg12[%get3A_944, %get3A_945] {strides = array<i32>} : memref<1400x64xf32, #tpu.memory_space<vmem>>, vector<16xf32>,
      %add3A_947 = arith.addf %add3A_923, %get3A_946 : vector<16xf32>
      %add3A_948 = arith.constant 9 : i32
      %add3A_949 = arith.addi %mul3A_741, %add3A_948 : i32
      %get3A_950 = arith.index_cast %add3A_949 : i32 to index
      %get3A_951 = arith.constant 0 : index
      %get3A_952 = tpu.vector_load %arg12[%get3A_950, %get3A_951] {strides = array<i32>} : memref<1400x64xf32, #tpu.memory_space<vmem>>, vector<16xf32>,
      %add3A_953 = arith.addf %add3A_929, %get3A_952 : vector<16xf32>
      %add3A_954 = arith.constant 9 : i32
      %add3A_955 = arith.addi %mul3A_741, %add3A_954 : i32
      %get3A_956 = arith.index_cast %add3A_955 : i32 to index
      %get3A_957 = arith.constant 16 : index
      %get3A_958 = tpu.vector_load %arg12[%get3A_956, %get3A_957] {strides = array<i32>} : memref<1400x64xf32, #tpu.memory_space<vmem>>, vector<16xf32>,
      %add3A_959 = arith.addf %add3A_935, %get3A_958 : vector<16xf32>
      %add3A_960 = arith.constant 9 : i32
      %add3A_961 = arith.addi %mul3A_741, %add3A_960 : i32
      %get3A_962 = arith.index_cast %add3A_961 : i32 to index
      %get3A_963 = arith.constant 32 : index
      %get3A_964 = tpu.vector_load %arg12[%get3A_962, %get3A_963] {strides = array<i32>} : memref<1400x64xf32, #tpu.memory_space<vmem>>, vector<16xf32>,
      %add3A_965 = arith.addf %add3A_941, %get3A_964 : vector<16xf32>
      %add3A_966 = arith.constant 9 : i32
      %add3A_967 = arith.addi %mul3A_741, %add3A_966 : i32
      %get3A_968 = arith.index_cast %add3A_967 : i32 to index
      %get3A_969 = arith.constant 48 : index
      %get3A_970 = tpu.vector_load %arg12[%get3A_968, %get3A_969] {strides = array<i32>} : memref<1400x64xf32, #tpu.memory_space<vmem>>, vector<16xf32>,
      %add3A_971 = arith.addf %add3A_947, %get3A_970 : vector<16xf32>
      %add3A_972 = arith.constant 10 : i32
      %add3A_973 = arith.addi %mul3A_741, %add3A_972 : i32
      %get3A_974 = arith.index_cast %add3A_973 : i32 to index
      %get3A_975 = arith.constant 0 : index
      %get3A_976 = tpu.vector_load %arg12[%get3A_974, %get3A_975] {strides = array<i32>} : memref<1400x64xf32, #tpu.memory_space<vmem>>, vector<16xf32>,
      %add3A_977 = arith.addf %add3A_953, %get3A_976 : vector<16xf32>
      %add3A_978 = arith.constant 10 : i32
      %add3A_979 = arith.addi %mul3A_741, %add3A_978 : i32
      %get3A_980 = arith.index_cast %add3A_979 : i32 to index
      %get3A_981 = arith.constant 16 : index
      %get3A_982 = tpu.vector_load %arg12[%get3A_980, %get3A_981] {strides = array<i32>} : memref<1400x64xf32, #tpu.memory_space<vmem>>, vector<16xf32>,
      %add3A_983 = arith.addf %add3A_959, %get3A_982 : vector<16xf32>
      %add3A_984 = arith.constant 10 : i32
      %add3A_985 = arith.addi %mul3A_741, %add3A_984 : i32
      %get3A_986 = arith.index_cast %add3A_985 : i32 to index
      %get3A_987 = arith.constant 32 : index
      %get3A_988 = tpu.vector_load %arg12[%get3A_986, %get3A_987] {strides = array<i32>} : memref<1400x64xf32, #tpu.memory_space<vmem>>, vector<16xf32>,
      %add3A_989 = arith.addf %add3A_965, %get3A_988 : vector<16xf32>
      %add3A_990 = arith.constant 10 : i32
      %add3A_991 = arith.addi %mul3A_741, %add3A_990 : i32
      %get3A_992 = arith.index_cast %add3A_991 : i32 to index
      %get3A_993 = arith.constant 48 : index
      %get3A_994 = tpu.vector_load %arg12[%get3A_992, %get3A_993] {strides = array<i32>} : memref<1400x64xf32, #tpu.memory_space<vmem>>, vector<16xf32>,
      %add3A_995 = arith.addf %add3A_971, %get3A_994 : vector<16xf32>
      %add3A_996 = arith.constant 11 : i32
      %add3A_997 = arith.addi %mul3A_741, %add3A_996 : i32
      %get3A_998 = arith.index_cast %add3A_997 : i32 to index
      %get3A_999 = arith.constant 0 : index
      %get3A_1000 = tpu.vector_load %arg12[%get3A_998, %get3A_999] {strides = array<i32>} : memref<1400x64xf32, #tpu.memory_space<vmem>>, vector<16xf32>,
      %add3A_1001 = arith.addf %add3A_977, %get3A_1000 : vector<16xf32>
      %add3A_1002 = arith.constant 11 : i32
      %add3A_1003 = arith.addi %mul3A_741, %add3A_1002 : i32
      %get3A_1004 = arith.index_cast %add3A_1003 : i32 to index
      %get3A_1005 = arith.constant 16 : index
      %get3A_1006 = tpu.vector_load %arg12[%get3A_1004, %get3A_1005] {strides = array<i32>} : memref<1400x64xf32, #tpu.memory_space<vmem>>, vector<16xf32>,
      %add3A_1007 = arith.addf %add3A_983, %get3A_1006 : vector<16xf32>
      %add3A_1008 = arith.constant 11 : i32
      %add3A_1009 = arith.addi %mul3A_741, %add3A_1008 : i32
      %get3A_1010 = arith.index_cast %add3A_1009 : i32 to index
      %get3A_1011 = arith.constant 32 : index
      %get3A_1012 = tpu.vector_load %arg12[%get3A_1010, %get3A_1011] {strides = array<i32>} : memref<1400x64xf32, #tpu.memory_space<vmem>>, vector<16xf32>,
      %add3A_1013 = arith.addf %add3A_989, %get3A_1012 : vector<16xf32>
      %add3A_1014 = arith.constant 11 : i32
      %add3A_1015 = arith.addi %mul3A_741, %add3A_1014 : i32
      %get3A_1016 = arith.index_cast %add3A_1015 : i32 to index
      %get3A_1017 = arith.constant 48 : index
      %get3A_1018 = tpu.vector_load %arg12[%get3A_1016, %get3A_1017] {strides = array<i32>} : memref<1400x64xf32, #tpu.memory_space<vmem>>, vector<16xf32>,
      %add3A_1019 = arith.addf %add3A_995, %get3A_1018 : vector<16xf32>
      %add3A_1020 = arith.constant 12 : i32
      %add3A_1021 = arith.addi %mul3A_741, %add3A_1020 : i32
      %get3A_1022 = arith.index_cast %add3A_1021 : i32 to index
      %get3A_1023 = arith.constant 0 : index
      %get3A_1024 = tpu.vector_load %arg12[%get3A_1022, %get3A_1023] {strides = array<i32>} : memref<1400x64xf32, #tpu.memory_space<vmem>>, vector<16xf32>,
      %add3A_1025 = arith.addf %add3A_1001, %get3A_1024 : vector<16xf32>
      %add3A_1026 = arith.constant 12 : i32
      %add3A_1027 = arith.addi %mul3A_741, %add3A_1026 : i32
      %get3A_1028 = arith.index_cast %add3A_1027 : i32 to index
      %get3A_1029 = arith.constant 16 : index
      %get3A_1030 = tpu.vector_load %arg12[%get3A_1028, %get3A_1029] {strides = array<i32>} : memref<1400x64xf32, #tpu.memory_space<vmem>>, vector<16xf32>,
      %add3A_1031 = arith.addf %add3A_1007, %get3A_1030 : vector<16xf32>
      %add3A_1032 = arith.constant 12 : i32
      %add3A_1033 = arith.addi %mul3A_741, %add3A_1032 : i32
      %get3A_1034 = arith.index_cast %add3A_1033 : i32 to index
      %get3A_1035 = arith.constant 32 : index
      %get3A_1036 = tpu.vector_load %arg12[%get3A_1034, %get3A_1035] {strides = array<i32>} : memref<1400x64xf32, #tpu.memory_space<vmem>>, vector<16xf32>,
      %add3A_1037 = arith.addf %add3A_1013, %get3A_1036 : vector<16xf32>
      %add3A_1038 = arith.constant 12 : i32
      %add3A_1039 = arith.addi %mul3A_741, %add3A_1038 : i32
      %get3A_1040 = arith.index_cast %add3A_1039 : i32 to index
      %get3A_1041 = arith.constant 48 : index
      %get3A_1042 = tpu.vector_load %arg12[%get3A_1040, %get3A_1041] {strides = array<i32>} : memref<1400x64xf32, #tpu.memory_space<vmem>>, vector<16xf32>,
      %add3A_1043 = arith.addf %add3A_1019, %get3A_1042 : vector<16xf32>
      %add3A_1044 = arith.constant 13 : i32
      %add3A_1045 = arith.addi %mul3A_741, %add3A_1044 : i32
      %get3A_1046 = arith.index_cast %add3A_1045 : i32 to index
      %get3A_1047 = arith.constant 0 : index
      %get3A_1048 = tpu.vector_load %arg12[%get3A_1046, %get3A_1047] {strides = array<i32>} : memref<1400x64xf32, #tpu.memory_space<vmem>>, vector<16xf32>,
      %add3A_1049 = arith.addf %add3A_1025, %get3A_1048 : vector<16xf32>
      %add3A_1050 = arith.constant 13 : i32
      %add3A_1051 = arith.addi %mul3A_741, %add3A_1050 : i32
      %get3A_1052 = arith.index_cast %add3A_1051 : i32 to index
      %get3A_1053 = arith.constant 16 : index
      %get3A_1054 = tpu.vector_load %arg12[%get3A_1052, %get3A_1053] {strides = array<i32>} : memref<1400x64xf32, #tpu.memory_space<vmem>>, vector<16xf32>,
      %add3A_1055 = arith.addf %add3A_1031, %get3A_1054 : vector<16xf32>
      %add3A_1056 = arith.constant 13 : i32
      %add3A_1057 = arith.addi %mul3A_741, %add3A_1056 : i32
      %get3A_1058 = arith.index_cast %add3A_1057 : i32 to index
      %get3A_1059 = arith.constant 32 : index
      %get3A_1060 = tpu.vector_load %arg12[%get3A_1058, %get3A_1059] {strides = array<i32>} : memref<1400x64xf32, #tpu.memory_space<vmem>>, vector<16xf32>,
      %add3A_1061 = arith.addf %add3A_1037, %get3A_1060 : vector<16xf32>
      %add3A_1062 = arith.constant 13 : i32
      %add3A_1063 = arith.addi %mul3A_741, %add3A_1062 : i32
      %get3A_1064 = arith.index_cast %add3A_1063 : i32 to index
      %get3A_1065 = arith.constant 48 : index
      %get3A_1066 = tpu.vector_load %arg12[%get3A_1064, %get3A_1065] {strides = array<i32>} : memref<1400x64xf32, #tpu.memory_space<vmem>>, vector<16xf32>,
      %add3A_1067 = arith.addf %add3A_1043, %get3A_1066 : vector<16xf32>
      %add3A_1068 = arith.constant 14 : i32
      %add3A_1069 = arith.addi %mul3A_741, %add3A_1068 : i32
      %get3A_1070 = arith.index_cast %add3A_1069 : i32 to index
      %get3A_1071 = arith.constant 0 : index
      %get3A_1072 = tpu.vector_load %arg12[%get3A_1070, %get3A_1071] {strides = array<i32>} : memref<1400x64xf32, #tpu.memory_space<vmem>>, vector<16xf32>,
      %add3A_1073 = arith.addf %add3A_1049, %get3A_1072 : vector<16xf32>
      %add3A_1074 = arith.constant 14 : i32
      %add3A_1075 = arith.addi %mul3A_741, %add3A_1074 : i32
      %get3A_1076 = arith.index_cast %add3A_1075 : i32 to index
      %get3A_1077 = arith.constant 16 : index
      %get3A_1078 = tpu.vector_load %arg12[%get3A_1076, %get3A_1077] {strides = array<i32>} : memref<1400x64xf32, #tpu.memory_space<vmem>>, vector<16xf32>,
      %add3A_1079 = arith.addf %add3A_1055, %get3A_1078 : vector<16xf32>
      %add3A_1080 = arith.constant 14 : i32
      %add3A_1081 = arith.addi %mul3A_741, %add3A_1080 : i32
      %get3A_1082 = arith.index_cast %add3A_1081 : i32 to index
      %get3A_1083 = arith.constant 32 : index
      %get3A_1084 = tpu.vector_load %arg12[%get3A_1082, %get3A_1083] {strides = array<i32>} : memref<1400x64xf32, #tpu.memory_space<vmem>>, vector<16xf32>,
      %add3A_1085 = arith.addf %add3A_1061, %get3A_1084 : vector<16xf32>
      %add3A_1086 = arith.constant 14 : i32
      %add3A_1087 = arith.addi %mul3A_741, %add3A_1086 : i32
      %get3A_1088 = arith.index_cast %add3A_1087 : i32 to index
      %get3A_1089 = arith.constant 48 : index
      %get3A_1090 = tpu.vector_load %arg12[%get3A_1088, %get3A_1089] {strides = array<i32>} : memref<1400x64xf32, #tpu.memory_space<vmem>>, vector<16xf32>,
      %add3A_1091 = arith.addf %add3A_1067, %get3A_1090 : vector<16xf32>
      %add3A_1092 = arith.constant 15 : i32
      %add3A_1093 = arith.addi %mul3A_741, %add3A_1092 : i32
      %get3A_1094 = arith.index_cast %add3A_1093 : i32 to index
      %get3A_1095 = arith.constant 0 : index
      %get3A_1096 = tpu.vector_load %arg12[%get3A_1094, %get3A_1095] {strides = array<i32>} : memref<1400x64xf32, #tpu.memory_space<vmem>>, vector<16xf32>,
      %add3A_1097 = arith.addf %add3A_1073, %get3A_1096 : vector<16xf32>
      %add3A_1098 = arith.constant 15 : i32
      %add3A_1099 = arith.addi %mul3A_741, %add3A_1098 : i32
      %get3A_1100 = arith.index_cast %add3A_1099 : i32 to index
      %get3A_1101 = arith.constant 16 : index
      %get3A_1102 = tpu.vector_load %arg12[%get3A_1100, %get3A_1101] {strides = array<i32>} : memref<1400x64xf32, #tpu.memory_space<vmem>>, vector<16xf32>,
      %add3A_1103 = arith.addf %add3A_1079, %get3A_1102 : vector<16xf32>
      %add3A_1104 = arith.constant 15 : i32
      %add3A_1105 = arith.addi %mul3A_741, %add3A_1104 : i32
      %get3A_1106 = arith.index_cast %add3A_1105 : i32 to index
      %get3A_1107 = arith.constant 32 : index
      %get3A_1108 = tpu.vector_load %arg12[%get3A_1106, %get3A_1107] {strides = array<i32>} : memref<1400x64xf32, #tpu.memory_space<vmem>>, vector<16xf32>,
      %add3A_1109 = arith.addf %add3A_1085, %get3A_1108 : vector<16xf32>
      %add3A_1110 = arith.constant 15 : i32
      %add3A_1111 = arith.addi %mul3A_741, %add3A_1110 : i32
      %get3A_1112 = arith.index_cast %add3A_1111 : i32 to index
      %get3A_1113 = arith.constant 48 : index
      %get3A_1114 = tpu.vector_load %arg12[%get3A_1112, %get3A_1113] {strides = array<i32>} : memref<1400x64xf32, #tpu.memory_space<vmem>>, vector<16xf32>,
      %add3A_1115 = arith.addf %add3A_1091, %get3A_1114 : vector<16xf32>
      %add3A_1116 = arith.constant 16 : i32
      %add3A_1117 = arith.addi %mul3A_741, %add3A_1116 : i32
      %get3A_1118 = arith.index_cast %add3A_1117 : i32 to index
      %get3A_1119 = arith.constant 0 : index
      %get3A_1120 = tpu.vector_load %arg12[%get3A_1118, %get3A_1119] {strides = array<i32>} : memref<1400x64xf32, #tpu.memory_space<vmem>>, vector<16xf32>,
      %add3A_1121 = arith.addf %add3A_1097, %get3A_1120 : vector<16xf32>
      %add3A_1122 = arith.constant 16 : i32
      %add3A_1123 = arith.addi %mul3A_741, %add3A_1122 : i32
      %get3A_1124 = arith.index_cast %add3A_1123 : i32 to index
      %get3A_1125 = arith.constant 16 : index
      %get3A_1126 = tpu.vector_load %arg12[%get3A_1124, %get3A_1125] {strides = array<i32>} : memref<1400x64xf32, #tpu.memory_space<vmem>>, vector<16xf32>,
      %add3A_1127 = arith.addf %add3A_1103, %get3A_1126 : vector<16xf32>
      %add3A_1128 = arith.constant 16 : i32
      %add3A_1129 = arith.addi %mul3A_741, %add3A_1128 : i32
      %get3A_1130 = arith.index_cast %add3A_1129 : i32 to index
      %get3A_1131 = arith.constant 32 : index
      %get3A_1132 = tpu.vector_load %arg12[%get3A_1130, %get3A_1131] {strides = array<i32>} : memref<1400x64xf32, #tpu.memory_space<vmem>>, vector<16xf32>,
      %add3A_1133 = arith.addf %add3A_1109, %get3A_1132 : vector<16xf32>
      %add3A_1134 = arith.constant 16 : i32
      %add3A_1135 = arith.addi %mul3A_741, %add3A_1134 : i32
      %get3A_1136 = arith.index_cast %add3A_1135 : i32 to index
      %get3A_1137 = arith.constant 48 : index
      %get3A_1138 = tpu.vector_load %arg12[%get3A_1136, %get3A_1137] {strides = array<i32>} : memref<1400x64xf32, #tpu.memory_space<vmem>>, vector<16xf32>,
      %add3A_1139 = arith.addf %add3A_1115, %get3A_1138 : vector<16xf32>
      %add3A_1140 = arith.constant 17 : i32
      %add3A_1141 = arith.addi %mul3A_741, %add3A_1140 : i32
      %get3A_1142 = arith.index_cast %add3A_1141 : i32 to index
      %get3A_1143 = arith.constant 0 : index
      %get3A_1144 = tpu.vector_load %arg12[%get3A_1142, %get3A_1143] {strides = array<i32>} : memref<1400x64xf32, #tpu.memory_space<vmem>>, vector<16xf32>,
      %add3A_1145 = arith.addf %add3A_1121, %get3A_1144 : vector<16xf32>
      %add3A_1146 = arith.constant 17 : i32
      %add3A_1147 = arith.addi %mul3A_741, %add3A_1146 : i32
      %get3A_1148 = arith.index_cast %add3A_1147 : i32 to index
      %get3A_1149 = arith.constant 16 : index
      %get3A_1150 = tpu.vector_load %arg12[%get3A_1148, %get3A_1149] {strides = array<i32>} : memref<1400x64xf32, #tpu.memory_space<vmem>>, vector<16xf32>,
      %add3A_1151 = arith.addf %add3A_1127, %get3A_1150 : vector<16xf32>
      %add3A_1152 = arith.constant 17 : i32
      %add3A_1153 = arith.addi %mul3A_741, %add3A_1152 : i32
      %get3A_1154 = arith.index_cast %add3A_1153 : i32 to index
      %get3A_1155 = arith.constant 32 : index
      %get3A_1156 = tpu.vector_load %arg12[%get3A_1154, %get3A_1155] {strides = array<i32>} : memref<1400x64xf32, #tpu.memory_space<vmem>>, vector<16xf32>,
      %add3A_1157 = arith.addf %add3A_1133, %get3A_1156 : vector<16xf32>
      %add3A_1158 = arith.constant 17 : i32
      %add3A_1159 = arith.addi %mul3A_741, %add3A_1158 : i32
      %get3A_1160 = arith.index_cast %add3A_1159 : i32 to index
      %get3A_1161 = arith.constant 48 : index
      %get3A_1162 = tpu.vector_load %arg12[%get3A_1160, %get3A_1161] {strides = array<i32>} : memref<1400x64xf32, #tpu.memory_space<vmem>>, vector<16xf32>,
      %add3A_1163 = arith.addf %add3A_1139, %get3A_1162 : vector<16xf32>
      %add3A_1164 = arith.constant 18 : i32
      %add3A_1165 = arith.addi %mul3A_741, %add3A_1164 : i32
      %get3A_1166 = arith.index_cast %add3A_1165 : i32 to index
      %get3A_1167 = arith.constant 0 : index
      %get3A_1168 = tpu.vector_load %arg12[%get3A_1166, %get3A_1167] {strides = array<i32>} : memref<1400x64xf32, #tpu.memory_space<vmem>>, vector<16xf32>,
      %add3A_1169 = arith.addf %add3A_1145, %get3A_1168 : vector<16xf32>
      %add3A_1170 = arith.constant 18 : i32
      %add3A_1171 = arith.addi %mul3A_741, %add3A_1170 : i32
      %get3A_1172 = arith.index_cast %add3A_1171 : i32 to index
      %get3A_1173 = arith.constant 16 : index
      %get3A_1174 = tpu.vector_load %arg12[%get3A_1172, %get3A_1173] {strides = array<i32>} : memref<1400x64xf32, #tpu.memory_space<vmem>>, vector<16xf32>,
      %add3A_1175 = arith.addf %add3A_1151, %get3A_1174 : vector<16xf32>
      %add3A_1176 = arith.constant 18 : i32
      %add3A_1177 = arith.addi %mul3A_741, %add3A_1176 : i32
      %get3A_1178 = arith.index_cast %add3A_1177 : i32 to index
      %get3A_1179 = arith.constant 32 : index
      %get3A_1180 = tpu.vector_load %arg12[%get3A_1178, %get3A_1179] {strides = array<i32>} : memref<1400x64xf32, #tpu.memory_space<vmem>>, vector<16xf32>,
      %add3A_1181 = arith.addf %add3A_1157, %get3A_1180 : vector<16xf32>
      %add3A_1182 = arith.constant 18 : i32
      %add3A_1183 = arith.addi %mul3A_741, %add3A_1182 : i32
      %get3A_1184 = arith.index_cast %add3A_1183 : i32 to index
      %get3A_1185 = arith.constant 48 : index
      %get3A_1186 = tpu.vector_load %arg12[%get3A_1184, %get3A_1185] {strides = array<i32>} : memref<1400x64xf32, #tpu.memory_space<vmem>>, vector<16xf32>,
      %add3A_1187 = arith.addf %add3A_1163, %get3A_1186 : vector<16xf32>
      %add3A_1188 = arith.constant 19 : i32
      %add3A_1189 = arith.addi %mul3A_741, %add3A_1188 : i32
      %get3A_1190 = arith.index_cast %add3A_1189 : i32 to index
      %get3A_1191 = arith.constant 0 : index
      %get3A_1192 = tpu.vector_load %arg12[%get3A_1190, %get3A_1191] {strides = array<i32>} : memref<1400x64xf32, #tpu.memory_space<vmem>>, vector<16xf32>,
      %add3A_1193 = arith.addf %add3A_1169, %get3A_1192 : vector<16xf32>
      %add3A_1194 = arith.constant 19 : i32
      %add3A_1195 = arith.addi %mul3A_741, %add3A_1194 : i32
      %get3A_1196 = arith.index_cast %add3A_1195 : i32 to index
      %get3A_1197 = arith.constant 16 : index
      %get3A_1198 = tpu.vector_load %arg12[%get3A_1196, %get3A_1197] {strides = array<i32>} : memref<1400x64xf32, #tpu.memory_space<vmem>>, vector<16xf32>,
      %add3A_1199 = arith.addf %add3A_1175, %get3A_1198 : vector<16xf32>
      %add3A_1200 = arith.constant 19 : i32
      %add3A_1201 = arith.addi %mul3A_741, %add3A_1200 : i32
      %get3A_1202 = arith.index_cast %add3A_1201 : i32 to index
      %get3A_1203 = arith.constant 32 : index
      %get3A_1204 = tpu.vector_load %arg12[%get3A_1202, %get3A_1203] {strides = array<i32>} : memref<1400x64xf32, #tpu.memory_space<vmem>>, vector<16xf32>,
      %add3A_1205 = arith.addf %add3A_1181, %get3A_1204 : vector<16xf32>
      %add3A_1206 = arith.constant 19 : i32
      %add3A_1207 = arith.addi %mul3A_741, %add3A_1206 : i32
      %get3A_1208 = arith.index_cast %add3A_1207 : i32 to index
      %get3A_1209 = arith.constant 48 : index
      %get3A_1210 = tpu.vector_load %arg12[%get3A_1208, %get3A_1209] {strides = array<i32>} : memref<1400x64xf32, #tpu.memory_space<vmem>>, vector<16xf32>,
      %add3A_1211 = arith.addf %add3A_1187, %get3A_1210 : vector<16xf32>
      tpu.vector_store_idx %arg13[%add3A_550, %broadcast_in_dim3A_744], %add3A_1193 : memref<64x35xf32, #tpu.memory_space<vmem>>[vector<16xi32>, vector<16xi32>], vector<16xf32>,
      tpu.vector_store_idx %arg13[%add3A_554, %broadcast_in_dim3A_744], %add3A_1199 : memref<64x35xf32, #tpu.memory_space<vmem>>[vector<16xi32>, vector<16xi32>], vector<16xf32>,
      tpu.vector_store_idx %arg13[%add3A_558, %broadcast_in_dim3A_744], %add3A_1205 : memref<64x35xf32, #tpu.memory_space<vmem>>[vector<16xi32>, vector<16xi32>], vector<16xf32>,
      tpu.vector_store_idx %arg13[%add3A_562, %broadcast_in_dim3A_744], %add3A_1211 : memref<64x35xf32, #tpu.memory_space<vmem>>[vector<16xi32>, vector<16xi32>], vector<16xf32>,
      %sub3A_1212 = arith.constant 1 : i32
      %sub3A_1213 = arith.subi %scan3A_739, %sub3A_1212 : i32
      %sub3A_1214 = arith.constant 0 : i32
      %sub3A_1215 = arith.subi %sub3A_1213, %sub3A_1214 : i32
      %ge3A_1216 = arith.constant 0 : i32
      %ge3A_1217 = arith.cmpi sge, %sub3A_1215, %ge3A_1216 : i32
      %lt3A_1218 = arith.constant 32 : i32
      %lt3A_1219 = arith.cmpi slt, %sub3A_1215, %lt3A_1218 : i32
      %and3A = arith.andi %ge3A_1217, %lt3A_1219 : i1
      %jit3A_1220 = arith.constant 33 : i32
      %select_n3A_1221 = arith.select %and3A, %sub3A_1215, %jit3A_1220 : i32
      %broadcast_in_dim3A_1222 = arith.constant 0 : i32
      %broadcast_in_dim3A_1223 = vector.broadcast %broadcast_in_dim3A_1222 : i32 to vector<16xi32>
      %broadcast_in_dim3A_1224 = vector.broadcast %select_n3A_1221 : i32 to vector<16xi32>
      tpu.vector_store_idx %arg15[%broadcast_in_dim3A_1223, %add3A_550, %broadcast_in_dim3A_1224], %add3A_1193 : memref<3x64x35xf32, #tpu.memory_space<vmem>>[vector<16xi32>, vector<16xi32>, vector<16xi32>], vector<16xf32>,
      tpu.vector_store_idx %arg15[%broadcast_in_dim3A_1223, %add3A_554, %broadcast_in_dim3A_1224], %add3A_1199 : memref<3x64x35xf32, #tpu.memory_space<vmem>>[vector<16xi32>, vector<16xi32>, vector<16xi32>], vector<16xf32>,
      tpu.vector_store_idx %arg15[%broadcast_in_dim3A_1223, %add3A_558, %broadcast_in_dim3A_1224], %add3A_1205 : memref<3x64x35xf32, #tpu.memory_space<vmem>>[vector<16xi32>, vector<16xi32>, vector<16xi32>], vector<16xf32>,
      tpu.vector_store_idx %arg15[%broadcast_in_dim3A_1223, %add3A_562, %broadcast_in_dim3A_1224], %add3A_1211 : memref<3x64x35xf32, #tpu.memory_space<vmem>>[vector<16xi32>, vector<16xi32>, vector<16xi32>], vector<16xf32>,
      %sub3A_1225 = arith.constant 1 : i32
      %sub3A_1226 = arith.subi %scan3A_739, %sub3A_1225 : i32
      %sub3A_1227 = arith.constant 1 : i32
      %sub3A_1228 = arith.subi %sub3A_1226, %sub3A_1227 : i32
      %ge3A_1229 = arith.constant 0 : i32
      %ge3A_1230 = arith.cmpi sge, %sub3A_1228, %ge3A_1229 : i32
      %lt3A_1231 = arith.constant 32 : i32
      %lt3A_1232 = arith.cmpi slt, %sub3A_1228, %lt3A_1231 : i32
      %and3A_1233 = arith.andi %ge3A_1230, %lt3A_1232 : i1
      %jit3A_1234 = arith.constant 33 : i32
      %select_n3A_1235 = arith.select %and3A_1233, %sub3A_1228, %jit3A_1234 : i32
      %broadcast_in_dim3A_1236 = arith.constant 1 : i32
      %broadcast_in_dim3A_1237 = vector.broadcast %broadcast_in_dim3A_1236 : i32 to vector<16xi32>
      %broadcast_in_dim3A_1238 = vector.broadcast %select_n3A_1235 : i32 to vector<16xi32>
      tpu.vector_store_idx %arg15[%broadcast_in_dim3A_1237, %add3A_550, %broadcast_in_dim3A_1238], %add3A_1193 : memref<3x64x35xf32, #tpu.memory_space<vmem>>[vector<16xi32>, vector<16xi32>, vector<16xi32>], vector<16xf32>,
      tpu.vector_store_idx %arg15[%broadcast_in_dim3A_1237, %add3A_554, %broadcast_in_dim3A_1238], %add3A_1199 : memref<3x64x35xf32, #tpu.memory_space<vmem>>[vector<16xi32>, vector<16xi32>, vector<16xi32>], vector<16xf32>,
      tpu.vector_store_idx %arg15[%broadcast_in_dim3A_1237, %add3A_558, %broadcast_in_dim3A_1238], %add3A_1205 : memref<3x64x35xf32, #tpu.memory_space<vmem>>[vector<16xi32>, vector<16xi32>, vector<16xi32>], vector<16xf32>,
      tpu.vector_store_idx %arg15[%broadcast_in_dim3A_1237, %add3A_562, %broadcast_in_dim3A_1238], %add3A_1211 : memref<3x64x35xf32, #tpu.memory_space<vmem>>[vector<16xi32>, vector<16xi32>, vector<16xi32>], vector<16xf32>,
      %sub3A_1239 = arith.constant 1 : i32
      %sub3A_1240 = arith.subi %scan3A_739, %sub3A_1239 : i32
      %sub3A_1241 = arith.constant 2 : i32
      %sub3A_1242 = arith.subi %sub3A_1240, %sub3A_1241 : i32
      %ge3A_1243 = arith.constant 0 : i32
      %ge3A_1244 = arith.cmpi sge, %sub3A_1242, %ge3A_1243 : i32
      %lt3A_1245 = arith.constant 32 : i32
      %lt3A_1246 = arith.cmpi slt, %sub3A_1242, %lt3A_1245 : i32
      %and3A_1247 = arith.andi %ge3A_1244, %lt3A_1246 : i1
      %jit3A_1248 = arith.constant 33 : i32
      %select_n3A_1249 = arith.select %and3A_1247, %sub3A_1242, %jit3A_1248 : i32
      %broadcast_in_dim3A_1250 = arith.constant 2 : i32
      %broadcast_in_dim3A_1251 = vector.broadcast %broadcast_in_dim3A_1250 : i32 to vector<16xi32>
      %broadcast_in_dim3A_1252 = vector.broadcast %select_n3A_1249 : i32 to vector<16xi32>
      tpu.vector_store_idx %arg15[%broadcast_in_dim3A_1251, %add3A_550, %broadcast_in_dim3A_1252], %add3A_1193 : memref<3x64x35xf32, #tpu.memory_space<vmem>>[vector<16xi32>, vector<16xi32>, vector<16xi32>], vector<16xf32>,
      tpu.vector_store_idx %arg15[%broadcast_in_dim3A_1251, %add3A_554, %broadcast_in_dim3A_1252], %add3A_1199 : memref<3x64x35xf32, #tpu.memory_space<vmem>>[vector<16xi32>, vector<16xi32>, vector<16xi32>], vector<16xf32>,
      tpu.vector_store_idx %arg15[%broadcast_in_dim3A_1251, %add3A_558, %broadcast_in_dim3A_1252], %add3A_1205 : memref<3x64x35xf32, #tpu.memory_space<vmem>>[vector<16xi32>, vector<16xi32>, vector<16xi32>], vector<16xf32>,
      tpu.vector_store_idx %arg15[%broadcast_in_dim3A_1251, %add3A_562, %broadcast_in_dim3A_1252], %add3A_1211 : memref<3x64x35xf32, #tpu.memory_space<vmem>>[vector<16xi32>, vector<16xi32>, vector<16xi32>], vector<16xf32>,
      %add3A_1253 = arith.constant 20 : i32
      %add3A_1254 = arith.addi %mul3A_741, %add3A_1253 : i32
      %get3A_1255 = arith.index_cast %add3A_1254 : i32 to index
      %get3A_1256 = arith.constant 0 : index
      %get3A_1257 = tpu.vector_load %arg12[%get3A_1255, %get3A_1256] {strides = array<i32>} : memref<1400x64xf32, #tpu.memory_space<vmem>>, vector<16xf32>,
      %add3A_1258 = arith.constant 20 : i32
      %add3A_1259 = arith.addi %mul3A_741, %add3A_1258 : i32
      %get3A_1260 = arith.index_cast %add3A_1259 : i32 to index
      %get3A_1261 = arith.constant 16 : index
      %get3A_1262 = tpu.vector_load %arg12[%get3A_1260, %get3A_1261] {strides = array<i32>} : memref<1400x64xf32, #tpu.memory_space<vmem>>, vector<16xf32>,
      %add3A_1263 = arith.constant 20 : i32
      %add3A_1264 = arith.addi %mul3A_741, %add3A_1263 : i32
      %get3A_1265 = arith.index_cast %add3A_1264 : i32 to index
      %get3A_1266 = arith.constant 32 : index
      %get3A_1267 = tpu.vector_load %arg12[%get3A_1265, %get3A_1266] {strides = array<i32>} : memref<1400x64xf32, #tpu.memory_space<vmem>>, vector<16xf32>,
      %add3A_1268 = arith.constant 20 : i32
      %add3A_1269 = arith.addi %mul3A_741, %add3A_1268 : i32
      %get3A_1270 = arith.index_cast %add3A_1269 : i32 to index
      %get3A_1271 = arith.constant 48 : index
      %get3A_1272 = tpu.vector_load %arg12[%get3A_1270, %get3A_1271] {strides = array<i32>} : memref<1400x64xf32, #tpu.memory_space<vmem>>, vector<16xf32>,
      %add3A_1273 = arith.constant 20 : i32
      %add3A_1274 = arith.addi %mul3A_741, %add3A_1273 : i32
      %add3A_1275 = arith.constant 1 : i32
      %add3A_1276 = arith.addi %add3A_1274, %add3A_1275 : i32
      %get3A_1277 = arith.index_cast %add3A_1276 : i32 to index
      %get3A_1278 = arith.constant 0 : index
      %get3A_1279 = tpu.vector_load %arg12[%get3A_1277, %get3A_1278] {strides = array<i32>} : memref<1400x64xf32, #tpu.memory_space<vmem>>, vector<16xf32>,
      %add3A_1280 = arith.addf %get3A_1257, %get3A_1279 : vector<16xf32>
      %add3A_1281 = arith.constant 20 : i32
      %add3A_1282 = arith.addi %mul3A_741, %add3A_1281 : i32
      %add3A_1283 = arith.constant 1 : i32
      %add3A_1284 = arith.addi %add3A_1282, %add3A_1283 : i32
      %get3A_1285 = arith.index_cast %add3A_1284 : i32 to index
      %get3A_1286 = arith.constant 16 : index
      %get3A_1287 = tpu.vector_load %arg12[%get3A_1285, %get3A_1286] {strides = array<i32>} : memref<1400x64xf32, #tpu.memory_space<vmem>>, vector<16xf32>,
      %add3A_1288 = arith.addf %get3A_1262, %get3A_1287 : vector<16xf32>
      %add3A_1289 = arith.constant 20 : i32
      %add3A_1290 = arith.addi %mul3A_741, %add3A_1289 : i32
      %add3A_1291 = arith.constant 1 : i32
      %add3A_1292 = arith.addi %add3A_1290, %add3A_1291 : i32
      %get3A_1293 = arith.index_cast %add3A_1292 : i32 to index
      %get3A_1294 = arith.constant 32 : index
      %get3A_1295 = tpu.vector_load %arg12[%get3A_1293, %get3A_1294] {strides = array<i32>} : memref<1400x64xf32, #tpu.memory_space<vmem>>, vector<16xf32>,
      %add3A_1296 = arith.addf %get3A_1267, %get3A_1295 : vector<16xf32>
      %add3A_1297 = arith.constant 20 : i32
      %add3A_1298 = arith.addi %mul3A_741, %add3A_1297 : i32
      %add3A_1299 = arith.constant 1 : i32
      %add3A_1300 = arith.addi %add3A_1298, %add3A_1299 : i32
      %get3A_1301 = arith.index_cast %add3A_1300 : i32 to index
      %get3A_1302 = arith.constant 48 : index
      %get3A_1303 = tpu.vector_load %arg12[%get3A_1301, %get3A_1302] {strides = array<i32>} : memref<1400x64xf32, #tpu.memory_space<vmem>>, vector<16xf32>,
      %add3A_1304 = arith.addf %get3A_1272, %get3A_1303 : vector<16xf32>
      %add3A_1305 = arith.constant 20 : i32
      %add3A_1306 = arith.addi %mul3A_741, %add3A_1305 : i32
      %add3A_1307 = arith.constant 2 : i32
      %add3A_1308 = arith.addi %add3A_1306, %add3A_1307 : i32
      %get3A_1309 = arith.index_cast %add3A_1308 : i32 to index
      %get3A_1310 = arith.constant 0 : index
      %get3A_1311 = tpu.vector_load %arg12[%get3A_1309, %get3A_1310] {strides = array<i32>} : memref<1400x64xf32, #tpu.memory_space<vmem>>, vector<16xf32>,
      %add3A_1312 = arith.addf %add3A_1280, %get3A_1311 : vector<16xf32>
      %add3A_1313 = arith.constant 20 : i32
      %add3A_1314 = arith.addi %mul3A_741, %add3A_1313 : i32
      %add3A_1315 = arith.constant 2 : i32
      %add3A_1316 = arith.addi %add3A_1314, %add3A_1315 : i32
      %get3A_1317 = arith.index_cast %add3A_1316 : i32 to index
      %get3A_1318 = arith.constant 16 : index
      %get3A_1319 = tpu.vector_load %arg12[%get3A_1317, %get3A_1318] {strides = array<i32>} : memref<1400x64xf32, #tpu.memory_space<vmem>>, vector<16xf32>,
      %add3A_1320 = arith.addf %add3A_1288, %get3A_1319 : vector<16xf32>
      %add3A_1321 = arith.constant 20 : i32
      %add3A_1322 = arith.addi %mul3A_741, %add3A_1321 : i32
      %add3A_1323 = arith.constant 2 : i32
      %add3A_1324 = arith.addi %add3A_1322, %add3A_1323 : i32
      %get3A_1325 = arith.index_cast %add3A_1324 : i32 to index
      %get3A_1326 = arith.constant 32 : index
      %get3A_1327 = tpu.vector_load %arg12[%get3A_1325, %get3A_1326] {strides = array<i32>} : memref<1400x64xf32, #tpu.memory_space<vmem>>, vector<16xf32>,
      %add3A_1328 = arith.addf %add3A_1296, %get3A_1327 : vector<16xf32>
      %add3A_1329 = arith.constant 20 : i32
      %add3A_1330 = arith.addi %mul3A_741, %add3A_1329 : i32
      %add3A_1331 = arith.constant 2 : i32
      %add3A_1332 = arith.addi %add3A_1330, %add3A_1331 : i32
      %get3A_1333 = arith.index_cast %add3A_1332 : i32 to index
      %get3A_1334 = arith.constant 48 : index
      %get3A_1335 = tpu.vector_load %arg12[%get3A_1333, %get3A_1334] {strides = array<i32>} : memref<1400x64xf32, #tpu.memory_space<vmem>>, vector<16xf32>,
      %add3A_1336 = arith.addf %add3A_1304, %get3A_1335 : vector<16xf32>
      %add3A_1337 = arith.constant 20 : i32
      %add3A_1338 = arith.addi %mul3A_741, %add3A_1337 : i32
      %add3A_1339 = arith.constant 3 : i32
      %add3A_1340 = arith.addi %add3A_1338, %add3A_1339 : i32
      %get3A_1341 = arith.index_cast %add3A_1340 : i32 to index
      %get3A_1342 = arith.constant 0 : index
      %get3A_1343 = tpu.vector_load %arg12[%get3A_1341, %get3A_1342] {strides = array<i32>} : memref<1400x64xf32, #tpu.memory_space<vmem>>, vector<16xf32>,
      %add3A_1344 = arith.addf %add3A_1312, %get3A_1343 : vector<16xf32>
      %add3A_1345 = arith.constant 20 : i32
      %add3A_1346 = arith.addi %mul3A_741, %add3A_1345 : i32
      %add3A_1347 = arith.constant 3 : i32
      %add3A_1348 = arith.addi %add3A_1346, %add3A_1347 : i32
      %get3A_1349 = arith.index_cast %add3A_1348 : i32 to index
      %get3A_1350 = arith.constant 16 : index
      %get3A_1351 = tpu.vector_load %arg12[%get3A_1349, %get3A_1350] {strides = array<i32>} : memref<1400x64xf32, #tpu.memory_space<vmem>>, vector<16xf32>,
      %add3A_1352 = arith.addf %add3A_1320, %get3A_1351 : vector<16xf32>
      %add3A_1353 = arith.constant 20 : i32
      %add3A_1354 = arith.addi %mul3A_741, %add3A_1353 : i32
      %add3A_1355 = arith.constant 3 : i32
      %add3A_1356 = arith.addi %add3A_1354, %add3A_1355 : i32
      %get3A_1357 = arith.index_cast %add3A_1356 : i32 to index
      %get3A_1358 = arith.constant 32 : index
      %get3A_1359 = tpu.vector_load %arg12[%get3A_1357, %get3A_1358] {strides = array<i32>} : memref<1400x64xf32, #tpu.memory_space<vmem>>, vector<16xf32>,
      %add3A_1360 = arith.addf %add3A_1328, %get3A_1359 : vector<16xf32>
      %add3A_1361 = arith.constant 20 : i32
      %add3A_1362 = arith.addi %mul3A_741, %add3A_1361 : i32
      %add3A_1363 = arith.constant 3 : i32
      %add3A_1364 = arith.addi %add3A_1362, %add3A_1363 : i32
      %get3A_1365 = arith.index_cast %add3A_1364 : i32 to index
      %get3A_1366 = arith.constant 48 : index
      %get3A_1367 = tpu.vector_load %arg12[%get3A_1365, %get3A_1366] {strides = array<i32>} : memref<1400x64xf32, #tpu.memory_space<vmem>>, vector<16xf32>,
      %add3A_1368 = arith.addf %add3A_1336, %get3A_1367 : vector<16xf32>
      %add3A_1369 = arith.constant 20 : i32
      %add3A_1370 = arith.addi %mul3A_741, %add3A_1369 : i32
      %add3A_1371 = arith.constant 4 : i32
      %add3A_1372 = arith.addi %add3A_1370, %add3A_1371 : i32
      %get3A_1373 = arith.index_cast %add3A_1372 : i32 to index
      %get3A_1374 = arith.constant 0 : index
      %get3A_1375 = tpu.vector_load %arg12[%get3A_1373, %get3A_1374] {strides = array<i32>} : memref<1400x64xf32, #tpu.memory_space<vmem>>, vector<16xf32>,
      %add3A_1376 = arith.addf %add3A_1344, %get3A_1375 : vector<16xf32>
      %add3A_1377 = arith.constant 20 : i32
      %add3A_1378 = arith.addi %mul3A_741, %add3A_1377 : i32
      %add3A_1379 = arith.constant 4 : i32
      %add3A_1380 = arith.addi %add3A_1378, %add3A_1379 : i32
      %get3A_1381 = arith.index_cast %add3A_1380 : i32 to index
      %get3A_1382 = arith.constant 16 : index
      %get3A_1383 = tpu.vector_load %arg12[%get3A_1381, %get3A_1382] {strides = array<i32>} : memref<1400x64xf32, #tpu.memory_space<vmem>>, vector<16xf32>,
      %add3A_1384 = arith.addf %add3A_1352, %get3A_1383 : vector<16xf32>
      %add3A_1385 = arith.constant 20 : i32
      %add3A_1386 = arith.addi %mul3A_741, %add3A_1385 : i32
      %add3A_1387 = arith.constant 4 : i32
      %add3A_1388 = arith.addi %add3A_1386, %add3A_1387 : i32
      %get3A_1389 = arith.index_cast %add3A_1388 : i32 to index
      %get3A_1390 = arith.constant 32 : index
      %get3A_1391 = tpu.vector_load %arg12[%get3A_1389, %get3A_1390] {strides = array<i32>} : memref<1400x64xf32, #tpu.memory_space<vmem>>, vector<16xf32>,
      %add3A_1392 = arith.addf %add3A_1360, %get3A_1391 : vector<16xf32>
      %add3A_1393 = arith.constant 20 : i32
      %add3A_1394 = arith.addi %mul3A_741, %add3A_1393 : i32
      %add3A_1395 = arith.constant 4 : i32
      %add3A_1396 = arith.addi %add3A_1394, %add3A_1395 : i32
      %get3A_1397 = arith.index_cast %add3A_1396 : i32 to index
      %get3A_1398 = arith.constant 48 : index
      %get3A_1399 = tpu.vector_load %arg12[%get3A_1397, %get3A_1398] {strides = array<i32>} : memref<1400x64xf32, #tpu.memory_space<vmem>>, vector<16xf32>,
      %add3A_1400 = arith.addf %add3A_1368, %get3A_1399 : vector<16xf32>
      %add3A_1401 = arith.constant 20 : i32
      %add3A_1402 = arith.addi %mul3A_741, %add3A_1401 : i32
      %add3A_1403 = arith.constant 5 : i32
      %add3A_1404 = arith.addi %add3A_1402, %add3A_1403 : i32
      %get3A_1405 = arith.index_cast %add3A_1404 : i32 to index
      %get3A_1406 = arith.constant 0 : index
      %get3A_1407 = tpu.vector_load %arg12[%get3A_1405, %get3A_1406] {strides = array<i32>} : memref<1400x64xf32, #tpu.memory_space<vmem>>, vector<16xf32>,
      %add3A_1408 = arith.addf %add3A_1376, %get3A_1407 : vector<16xf32>
      %add3A_1409 = arith.constant 20 : i32
      %add3A_1410 = arith.addi %mul3A_741, %add3A_1409 : i32
      %add3A_1411 = arith.constant 5 : i32
      %add3A_1412 = arith.addi %add3A_1410, %add3A_1411 : i32
      %get3A_1413 = arith.index_cast %add3A_1412 : i32 to index
      %get3A_1414 = arith.constant 16 : index
      %get3A_1415 = tpu.vector_load %arg12[%get3A_1413, %get3A_1414] {strides = array<i32>} : memref<1400x64xf32, #tpu.memory_space<vmem>>, vector<16xf32>,
      %add3A_1416 = arith.addf %add3A_1384, %get3A_1415 : vector<16xf32>
      %add3A_1417 = arith.constant 20 : i32
      %add3A_1418 = arith.addi %mul3A_741, %add3A_1417 : i32
      %add3A_1419 = arith.constant 5 : i32
      %add3A_1420 = arith.addi %add3A_1418, %add3A_1419 : i32
      %get3A_1421 = arith.index_cast %add3A_1420 : i32 to index
      %get3A_1422 = arith.constant 32 : index
      %get3A_1423 = tpu.vector_load %arg12[%get3A_1421, %get3A_1422] {strides = array<i32>} : memref<1400x64xf32, #tpu.memory_space<vmem>>, vector<16xf32>,
      %add3A_1424 = arith.addf %add3A_1392, %get3A_1423 : vector<16xf32>
      %add3A_1425 = arith.constant 20 : i32
      %add3A_1426 = arith.addi %mul3A_741, %add3A_1425 : i32
      %add3A_1427 = arith.constant 5 : i32
      %add3A_1428 = arith.addi %add3A_1426, %add3A_1427 : i32
      %get3A_1429 = arith.index_cast %add3A_1428 : i32 to index
      %get3A_1430 = arith.constant 48 : index
      %get3A_1431 = tpu.vector_load %arg12[%get3A_1429, %get3A_1430] {strides = array<i32>} : memref<1400x64xf32, #tpu.memory_space<vmem>>, vector<16xf32>,
      %add3A_1432 = arith.addf %add3A_1400, %get3A_1431 : vector<16xf32>
      %add3A_1433 = arith.constant 20 : i32
      %add3A_1434 = arith.addi %mul3A_741, %add3A_1433 : i32
      %add3A_1435 = arith.constant 6 : i32
      %add3A_1436 = arith.addi %add3A_1434, %add3A_1435 : i32
      %get3A_1437 = arith.index_cast %add3A_1436 : i32 to index
      %get3A_1438 = arith.constant 0 : index
      %get3A_1439 = tpu.vector_load %arg12[%get3A_1437, %get3A_1438] {strides = array<i32>} : memref<1400x64xf32, #tpu.memory_space<vmem>>, vector<16xf32>,
      %add3A_1440 = arith.addf %add3A_1408, %get3A_1439 : vector<16xf32>
      %add3A_1441 = arith.constant 20 : i32
      %add3A_1442 = arith.addi %mul3A_741, %add3A_1441 : i32
      %add3A_1443 = arith.constant 6 : i32
      %add3A_1444 = arith.addi %add3A_1442, %add3A_1443 : i32
      %get3A_1445 = arith.index_cast %add3A_1444 : i32 to index
      %get3A_1446 = arith.constant 16 : index
      %get3A_1447 = tpu.vector_load %arg12[%get3A_1445, %get3A_1446] {strides = array<i32>} : memref<1400x64xf32, #tpu.memory_space<vmem>>, vector<16xf32>,
      %add3A_1448 = arith.addf %add3A_1416, %get3A_1447 : vector<16xf32>
      %add3A_1449 = arith.constant 20 : i32
      %add3A_1450 = arith.addi %mul3A_741, %add3A_1449 : i32
      %add3A_1451 = arith.constant 6 : i32
      %add3A_1452 = arith.addi %add3A_1450, %add3A_1451 : i32
      %get3A_1453 = arith.index_cast %add3A_1452 : i32 to index
      %get3A_1454 = arith.constant 32 : index
      %get3A_1455 = tpu.vector_load %arg12[%get3A_1453, %get3A_1454] {strides = array<i32>} : memref<1400x64xf32, #tpu.memory_space<vmem>>, vector<16xf32>,
      %add3A_1456 = arith.addf %add3A_1424, %get3A_1455 : vector<16xf32>
      %add3A_1457 = arith.constant 20 : i32
      %add3A_1458 = arith.addi %mul3A_741, %add3A_1457 : i32
      %add3A_1459 = arith.constant 6 : i32
      %add3A_1460 = arith.addi %add3A_1458, %add3A_1459 : i32
      %get3A_1461 = arith.index_cast %add3A_1460 : i32 to index
      %get3A_1462 = arith.constant 48 : index
      %get3A_1463 = tpu.vector_load %arg12[%get3A_1461, %get3A_1462] {strides = array<i32>} : memref<1400x64xf32, #tpu.memory_space<vmem>>, vector<16xf32>,
      %add3A_1464 = arith.addf %add3A_1432, %get3A_1463 : vector<16xf32>
      %add3A_1465 = arith.constant 20 : i32
      %add3A_1466 = arith.addi %mul3A_741, %add3A_1465 : i32
      %add3A_1467 = arith.constant 7 : i32
      %add3A_1468 = arith.addi %add3A_1466, %add3A_1467 : i32
      %get3A_1469 = arith.index_cast %add3A_1468 : i32 to index
      %get3A_1470 = arith.constant 0 : index
      %get3A_1471 = tpu.vector_load %arg12[%get3A_1469, %get3A_1470] {strides = array<i32>} : memref<1400x64xf32, #tpu.memory_space<vmem>>, vector<16xf32>,
      %add3A_1472 = arith.addf %add3A_1440, %get3A_1471 : vector<16xf32>
      %add3A_1473 = arith.constant 20 : i32
      %add3A_1474 = arith.addi %mul3A_741, %add3A_1473 : i32
      %add3A_1475 = arith.constant 7 : i32
      %add3A_1476 = arith.addi %add3A_1474, %add3A_1475 : i32
      %get3A_1477 = arith.index_cast %add3A_1476 : i32 to index
      %get3A_1478 = arith.constant 16 : index
      %get3A_1479 = tpu.vector_load %arg12[%get3A_1477, %get3A_1478] {strides = array<i32>} : memref<1400x64xf32, #tpu.memory_space<vmem>>, vector<16xf32>,
      %add3A_1480 = arith.addf %add3A_1448, %get3A_1479 : vector<16xf32>
      %add3A_1481 = arith.constant 20 : i32
      %add3A_1482 = arith.addi %mul3A_741, %add3A_1481 : i32
      %add3A_1483 = arith.constant 7 : i32
      %add3A_1484 = arith.addi %add3A_1482, %add3A_1483 : i32
      %get3A_1485 = arith.index_cast %add3A_1484 : i32 to index
      %get3A_1486 = arith.constant 32 : index
      %get3A_1487 = tpu.vector_load %arg12[%get3A_1485, %get3A_1486] {strides = array<i32>} : memref<1400x64xf32, #tpu.memory_space<vmem>>, vector<16xf32>,
      %add3A_1488 = arith.addf %add3A_1456, %get3A_1487 : vector<16xf32>
      %add3A_1489 = arith.constant 20 : i32
      %add3A_1490 = arith.addi %mul3A_741, %add3A_1489 : i32
      %add3A_1491 = arith.constant 7 : i32
      %add3A_1492 = arith.addi %add3A_1490, %add3A_1491 : i32
      %get3A_1493 = arith.index_cast %add3A_1492 : i32 to index
      %get3A_1494 = arith.constant 48 : index
      %get3A_1495 = tpu.vector_load %arg12[%get3A_1493, %get3A_1494] {strides = array<i32>} : memref<1400x64xf32, #tpu.memory_space<vmem>>, vector<16xf32>,
      %add3A_1496 = arith.addf %add3A_1464, %get3A_1495 : vector<16xf32>
      %add3A_1497 = arith.constant 20 : i32
      %add3A_1498 = arith.addi %mul3A_741, %add3A_1497 : i32
      %add3A_1499 = arith.constant 8 : i32
      %add3A_1500 = arith.addi %add3A_1498, %add3A_1499 : i32
      %get3A_1501 = arith.index_cast %add3A_1500 : i32 to index
      %get3A_1502 = arith.constant 0 : index
      %get3A_1503 = tpu.vector_load %arg12[%get3A_1501, %get3A_1502] {strides = array<i32>} : memref<1400x64xf32, #tpu.memory_space<vmem>>, vector<16xf32>,
      %add3A_1504 = arith.addf %add3A_1472, %get3A_1503 : vector<16xf32>
      %add3A_1505 = arith.constant 20 : i32
      %add3A_1506 = arith.addi %mul3A_741, %add3A_1505 : i32
      %add3A_1507 = arith.constant 8 : i32
      %add3A_1508 = arith.addi %add3A_1506, %add3A_1507 : i32
      %get3A_1509 = arith.index_cast %add3A_1508 : i32 to index
      %get3A_1510 = arith.constant 16 : index
      %get3A_1511 = tpu.vector_load %arg12[%get3A_1509, %get3A_1510] {strides = array<i32>} : memref<1400x64xf32, #tpu.memory_space<vmem>>, vector<16xf32>,
      %add3A_1512 = arith.addf %add3A_1480, %get3A_1511 : vector<16xf32>
      %add3A_1513 = arith.constant 20 : i32
      %add3A_1514 = arith.addi %mul3A_741, %add3A_1513 : i32
      %add3A_1515 = arith.constant 8 : i32
      %add3A_1516 = arith.addi %add3A_1514, %add3A_1515 : i32
      %get3A_1517 = arith.index_cast %add3A_1516 : i32 to index
      %get3A_1518 = arith.constant 32 : index
      %get3A_1519 = tpu.vector_load %arg12[%get3A_1517, %get3A_1518] {strides = array<i32>} : memref<1400x64xf32, #tpu.memory_space<vmem>>, vector<16xf32>,
      %add3A_1520 = arith.addf %add3A_1488, %get3A_1519 : vector<16xf32>
      %add3A_1521 = arith.constant 20 : i32
      %add3A_1522 = arith.addi %mul3A_741, %add3A_1521 : i32
      %add3A_1523 = arith.constant 8 : i32
      %add3A_1524 = arith.addi %add3A_1522, %add3A_1523 : i32
      %get3A_1525 = arith.index_cast %add3A_1524 : i32 to index
      %get3A_1526 = arith.constant 48 : index
      %get3A_1527 = tpu.vector_load %arg12[%get3A_1525, %get3A_1526] {strides = array<i32>} : memref<1400x64xf32, #tpu.memory_space<vmem>>, vector<16xf32>,
      %add3A_1528 = arith.addf %add3A_1496, %get3A_1527 : vector<16xf32>
      %add3A_1529 = arith.constant 20 : i32
      %add3A_1530 = arith.addi %mul3A_741, %add3A_1529 : i32
      %add3A_1531 = arith.constant 9 : i32
      %add3A_1532 = arith.addi %add3A_1530, %add3A_1531 : i32
      %get3A_1533 = arith.index_cast %add3A_1532 : i32 to index
      %get3A_1534 = arith.constant 0 : index
      %get3A_1535 = tpu.vector_load %arg12[%get3A_1533, %get3A_1534] {strides = array<i32>} : memref<1400x64xf32, #tpu.memory_space<vmem>>, vector<16xf32>,
      %add3A_1536 = arith.addf %add3A_1504, %get3A_1535 : vector<16xf32>
      %add3A_1537 = arith.constant 20 : i32
      %add3A_1538 = arith.addi %mul3A_741, %add3A_1537 : i32
      %add3A_1539 = arith.constant 9 : i32
      %add3A_1540 = arith.addi %add3A_1538, %add3A_1539 : i32
      %get3A_1541 = arith.index_cast %add3A_1540 : i32 to index
      %get3A_1542 = arith.constant 16 : index
      %get3A_1543 = tpu.vector_load %arg12[%get3A_1541, %get3A_1542] {strides = array<i32>} : memref<1400x64xf32, #tpu.memory_space<vmem>>, vector<16xf32>,
      %add3A_1544 = arith.addf %add3A_1512, %get3A_1543 : vector<16xf32>
      %add3A_1545 = arith.constant 20 : i32
      %add3A_1546 = arith.addi %mul3A_741, %add3A_1545 : i32
      %add3A_1547 = arith.constant 9 : i32
      %add3A_1548 = arith.addi %add3A_1546, %add3A_1547 : i32
      %get3A_1549 = arith.index_cast %add3A_1548 : i32 to index
      %get3A_1550 = arith.constant 32 : index
      %get3A_1551 = tpu.vector_load %arg12[%get3A_1549, %get3A_1550] {strides = array<i32>} : memref<1400x64xf32, #tpu.memory_space<vmem>>, vector<16xf32>,
      %add3A_1552 = arith.addf %add3A_1520, %get3A_1551 : vector<16xf32>
      %add3A_1553 = arith.constant 20 : i32
      %add3A_1554 = arith.addi %mul3A_741, %add3A_1553 : i32
      %add3A_1555 = arith.constant 9 : i32
      %add3A_1556 = arith.addi %add3A_1554, %add3A_1555 : i32
      %get3A_1557 = arith.index_cast %add3A_1556 : i32 to index
      %get3A_1558 = arith.constant 48 : index
      %get3A_1559 = tpu.vector_load %arg12[%get3A_1557, %get3A_1558] {strides = array<i32>} : memref<1400x64xf32, #tpu.memory_space<vmem>>, vector<16xf32>,
      %add3A_1560 = arith.addf %add3A_1528, %get3A_1559 : vector<16xf32>
      %add3A_1561 = arith.constant 20 : i32
      %add3A_1562 = arith.addi %mul3A_741, %add3A_1561 : i32
      %add3A_1563 = arith.constant 10 : i32
      %add3A_1564 = arith.addi %add3A_1562, %add3A_1563 : i32
      %get3A_1565 = arith.index_cast %add3A_1564 : i32 to index
      %get3A_1566 = arith.constant 0 : index
      %get3A_1567 = tpu.vector_load %arg12[%get3A_1565, %get3A_1566] {strides = array<i32>} : memref<1400x64xf32, #tpu.memory_space<vmem>>, vector<16xf32>,
      %add3A_1568 = arith.addf %add3A_1536, %get3A_1567 : vector<16xf32>
      %add3A_1569 = arith.constant 20 : i32
      %add3A_1570 = arith.addi %mul3A_741, %add3A_1569 : i32
      %add3A_1571 = arith.constant 10 : i32
      %add3A_1572 = arith.addi %add3A_1570, %add3A_1571 : i32
      %get3A_1573 = arith.index_cast %add3A_1572 : i32 to index
      %get3A_1574 = arith.constant 16 : index
      %get3A_1575 = tpu.vector_load %arg12[%get3A_1573, %get3A_1574] {strides = array<i32>} : memref<1400x64xf32, #tpu.memory_space<vmem>>, vector<16xf32>,
      %add3A_1576 = arith.addf %add3A_1544, %get3A_1575 : vector<16xf32>
      %add3A_1577 = arith.constant 20 : i32
      %add3A_1578 = arith.addi %mul3A_741, %add3A_1577 : i32
      %add3A_1579 = arith.constant 10 : i32
      %add3A_1580 = arith.addi %add3A_1578, %add3A_1579 : i32
      %get3A_1581 = arith.index_cast %add3A_1580 : i32 to index
      %get3A_1582 = arith.constant 32 : index
      %get3A_1583 = tpu.vector_load %arg12[%get3A_1581, %get3A_1582] {strides = array<i32>} : memref<1400x64xf32, #tpu.memory_space<vmem>>, vector<16xf32>,
      %add3A_1584 = arith.addf %add3A_1552, %get3A_1583 : vector<16xf32>
      %add3A_1585 = arith.constant 20 : i32
      %add3A_1586 = arith.addi %mul3A_741, %add3A_1585 : i32
      %add3A_1587 = arith.constant 10 : i32
      %add3A_1588 = arith.addi %add3A_1586, %add3A_1587 : i32
      %get3A_1589 = arith.index_cast %add3A_1588 : i32 to index
      %get3A_1590 = arith.constant 48 : index
      %get3A_1591 = tpu.vector_load %arg12[%get3A_1589, %get3A_1590] {strides = array<i32>} : memref<1400x64xf32, #tpu.memory_space<vmem>>, vector<16xf32>,
      %add3A_1592 = arith.addf %add3A_1560, %get3A_1591 : vector<16xf32>
      %add3A_1593 = arith.constant 20 : i32
      %add3A_1594 = arith.addi %mul3A_741, %add3A_1593 : i32
      %add3A_1595 = arith.constant 11 : i32
      %add3A_1596 = arith.addi %add3A_1594, %add3A_1595 : i32
      %get3A_1597 = arith.index_cast %add3A_1596 : i32 to index
      %get3A_1598 = arith.constant 0 : index
      %get3A_1599 = tpu.vector_load %arg12[%get3A_1597, %get3A_1598] {strides = array<i32>} : memref<1400x64xf32, #tpu.memory_space<vmem>>, vector<16xf32>,
      %add3A_1600 = arith.addf %add3A_1568, %get3A_1599 : vector<16xf32>
      %add3A_1601 = arith.constant 20 : i32
      %add3A_1602 = arith.addi %mul3A_741, %add3A_1601 : i32
      %add3A_1603 = arith.constant 11 : i32
      %add3A_1604 = arith.addi %add3A_1602, %add3A_1603 : i32
      %get3A_1605 = arith.index_cast %add3A_1604 : i32 to index
      %get3A_1606 = arith.constant 16 : index
      %get3A_1607 = tpu.vector_load %arg12[%get3A_1605, %get3A_1606] {strides = array<i32>} : memref<1400x64xf32, #tpu.memory_space<vmem>>, vector<16xf32>,
      %add3A_1608 = arith.addf %add3A_1576, %get3A_1607 : vector<16xf32>
      %add3A_1609 = arith.constant 20 : i32
      %add3A_1610 = arith.addi %mul3A_741, %add3A_1609 : i32
      %add3A_1611 = arith.constant 11 : i32
      %add3A_1612 = arith.addi %add3A_1610, %add3A_1611 : i32
      %get3A_1613 = arith.index_cast %add3A_1612 : i32 to index
      %get3A_1614 = arith.constant 32 : index
      %get3A_1615 = tpu.vector_load %arg12[%get3A_1613, %get3A_1614] {strides = array<i32>} : memref<1400x64xf32, #tpu.memory_space<vmem>>, vector<16xf32>,
      %add3A_1616 = arith.addf %add3A_1584, %get3A_1615 : vector<16xf32>
      %add3A_1617 = arith.constant 20 : i32
      %add3A_1618 = arith.addi %mul3A_741, %add3A_1617 : i32
      %add3A_1619 = arith.constant 11 : i32
      %add3A_1620 = arith.addi %add3A_1618, %add3A_1619 : i32
      %get3A_1621 = arith.index_cast %add3A_1620 : i32 to index
      %get3A_1622 = arith.constant 48 : index
      %get3A_1623 = tpu.vector_load %arg12[%get3A_1621, %get3A_1622] {strides = array<i32>} : memref<1400x64xf32, #tpu.memory_space<vmem>>, vector<16xf32>,
      %add3A_1624 = arith.addf %add3A_1592, %get3A_1623 : vector<16xf32>
      %add3A_1625 = arith.constant 20 : i32
      %add3A_1626 = arith.addi %mul3A_741, %add3A_1625 : i32
      %add3A_1627 = arith.constant 12 : i32
      %add3A_1628 = arith.addi %add3A_1626, %add3A_1627 : i32
      %get3A_1629 = arith.index_cast %add3A_1628 : i32 to index
      %get3A_1630 = arith.constant 0 : index
      %get3A_1631 = tpu.vector_load %arg12[%get3A_1629, %get3A_1630] {strides = array<i32>} : memref<1400x64xf32, #tpu.memory_space<vmem>>, vector<16xf32>,
      %add3A_1632 = arith.addf %add3A_1600, %get3A_1631 : vector<16xf32>
      %add3A_1633 = arith.constant 20 : i32
      %add3A_1634 = arith.addi %mul3A_741, %add3A_1633 : i32
      %add3A_1635 = arith.constant 12 : i32
      %add3A_1636 = arith.addi %add3A_1634, %add3A_1635 : i32
      %get3A_1637 = arith.index_cast %add3A_1636 : i32 to index
      %get3A_1638 = arith.constant 16 : index
      %get3A_1639 = tpu.vector_load %arg12[%get3A_1637, %get3A_1638] {strides = array<i32>} : memref<1400x64xf32, #tpu.memory_space<vmem>>, vector<16xf32>,
      %add3A_1640 = arith.addf %add3A_1608, %get3A_1639 : vector<16xf32>
      %add3A_1641 = arith.constant 20 : i32
      %add3A_1642 = arith.addi %mul3A_741, %add3A_1641 : i32
      %add3A_1643 = arith.constant 12 : i32
      %add3A_1644 = arith.addi %add3A_1642, %add3A_1643 : i32
      %get3A_1645 = arith.index_cast %add3A_1644 : i32 to index
      %get3A_1646 = arith.constant 32 : index
      %get3A_1647 = tpu.vector_load %arg12[%get3A_1645, %get3A_1646] {strides = array<i32>} : memref<1400x64xf32, #tpu.memory_space<vmem>>, vector<16xf32>,
      %add3A_1648 = arith.addf %add3A_1616, %get3A_1647 : vector<16xf32>
      %add3A_1649 = arith.constant 20 : i32
      %add3A_1650 = arith.addi %mul3A_741, %add3A_1649 : i32
      %add3A_1651 = arith.constant 12 : i32
      %add3A_1652 = arith.addi %add3A_1650, %add3A_1651 : i32
      %get3A_1653 = arith.index_cast %add3A_1652 : i32 to index
      %get3A_1654 = arith.constant 48 : index
      %get3A_1655 = tpu.vector_load %arg12[%get3A_1653, %get3A_1654] {strides = array<i32>} : memref<1400x64xf32, #tpu.memory_space<vmem>>, vector<16xf32>,
      %add3A_1656 = arith.addf %add3A_1624, %get3A_1655 : vector<16xf32>
      %add3A_1657 = arith.constant 20 : i32
      %add3A_1658 = arith.addi %mul3A_741, %add3A_1657 : i32
      %add3A_1659 = arith.constant 13 : i32
      %add3A_1660 = arith.addi %add3A_1658, %add3A_1659 : i32
      %get3A_1661 = arith.index_cast %add3A_1660 : i32 to index
      %get3A_1662 = arith.constant 0 : index
      %get3A_1663 = tpu.vector_load %arg12[%get3A_1661, %get3A_1662] {strides = array<i32>} : memref<1400x64xf32, #tpu.memory_space<vmem>>, vector<16xf32>,
      %add3A_1664 = arith.addf %add3A_1632, %get3A_1663 : vector<16xf32>
      %add3A_1665 = arith.constant 20 : i32
      %add3A_1666 = arith.addi %mul3A_741, %add3A_1665 : i32
      %add3A_1667 = arith.constant 13 : i32
      %add3A_1668 = arith.addi %add3A_1666, %add3A_1667 : i32
      %get3A_1669 = arith.index_cast %add3A_1668 : i32 to index
      %get3A_1670 = arith.constant 16 : index
      %get3A_1671 = tpu.vector_load %arg12[%get3A_1669, %get3A_1670] {strides = array<i32>} : memref<1400x64xf32, #tpu.memory_space<vmem>>, vector<16xf32>,
      %add3A_1672 = arith.addf %add3A_1640, %get3A_1671 : vector<16xf32>
      %add3A_1673 = arith.constant 20 : i32
      %add3A_1674 = arith.addi %mul3A_741, %add3A_1673 : i32
      %add3A_1675 = arith.constant 13 : i32
      %add3A_1676 = arith.addi %add3A_1674, %add3A_1675 : i32
      %get3A_1677 = arith.index_cast %add3A_1676 : i32 to index
      %get3A_1678 = arith.constant 32 : index
      %get3A_1679 = tpu.vector_load %arg12[%get3A_1677, %get3A_1678] {strides = array<i32>} : memref<1400x64xf32, #tpu.memory_space<vmem>>, vector<16xf32>,
      %add3A_1680 = arith.addf %add3A_1648, %get3A_1679 : vector<16xf32>
      %add3A_1681 = arith.constant 20 : i32
      %add3A_1682 = arith.addi %mul3A_741, %add3A_1681 : i32
      %add3A_1683 = arith.constant 13 : i32
      %add3A_1684 = arith.addi %add3A_1682, %add3A_1683 : i32
      %get3A_1685 = arith.index_cast %add3A_1684 : i32 to index
      %get3A_1686 = arith.constant 48 : index
      %get3A_1687 = tpu.vector_load %arg12[%get3A_1685, %get3A_1686] {strides = array<i32>} : memref<1400x64xf32, #tpu.memory_space<vmem>>, vector<16xf32>,
      %add3A_1688 = arith.addf %add3A_1656, %get3A_1687 : vector<16xf32>
      %add3A_1689 = arith.constant 20 : i32
      %add3A_1690 = arith.addi %mul3A_741, %add3A_1689 : i32
      %add3A_1691 = arith.constant 14 : i32
      %add3A_1692 = arith.addi %add3A_1690, %add3A_1691 : i32
      %get3A_1693 = arith.index_cast %add3A_1692 : i32 to index
      %get3A_1694 = arith.constant 0 : index
      %get3A_1695 = tpu.vector_load %arg12[%get3A_1693, %get3A_1694] {strides = array<i32>} : memref<1400x64xf32, #tpu.memory_space<vmem>>, vector<16xf32>,
      %add3A_1696 = arith.addf %add3A_1664, %get3A_1695 : vector<16xf32>
      %add3A_1697 = arith.constant 20 : i32
      %add3A_1698 = arith.addi %mul3A_741, %add3A_1697 : i32
      %add3A_1699 = arith.constant 14 : i32
      %add3A_1700 = arith.addi %add3A_1698, %add3A_1699 : i32
      %get3A_1701 = arith.index_cast %add3A_1700 : i32 to index
      %get3A_1702 = arith.constant 16 : index
      %get3A_1703 = tpu.vector_load %arg12[%get3A_1701, %get3A_1702] {strides = array<i32>} : memref<1400x64xf32, #tpu.memory_space<vmem>>, vector<16xf32>,
      %add3A_1704 = arith.addf %add3A_1672, %get3A_1703 : vector<16xf32>
      %add3A_1705 = arith.constant 20 : i32
      %add3A_1706 = arith.addi %mul3A_741, %add3A_1705 : i32
      %add3A_1707 = arith.constant 14 : i32
      %add3A_1708 = arith.addi %add3A_1706, %add3A_1707 : i32
      %get3A_1709 = arith.index_cast %add3A_1708 : i32 to index
      %get3A_1710 = arith.constant 32 : index
      %get3A_1711 = tpu.vector_load %arg12[%get3A_1709, %get3A_1710] {strides = array<i32>} : memref<1400x64xf32, #tpu.memory_space<vmem>>, vector<16xf32>,
      %add3A_1712 = arith.addf %add3A_1680, %get3A_1711 : vector<16xf32>
      %add3A_1713 = arith.constant 20 : i32
      %add3A_1714 = arith.addi %mul3A_741, %add3A_1713 : i32
      %add3A_1715 = arith.constant 14 : i32
      %add3A_1716 = arith.addi %add3A_1714, %add3A_1715 : i32
      %get3A_1717 = arith.index_cast %add3A_1716 : i32 to index
      %get3A_1718 = arith.constant 48 : index
      %get3A_1719 = tpu.vector_load %arg12[%get3A_1717, %get3A_1718] {strides = array<i32>} : memref<1400x64xf32, #tpu.memory_space<vmem>>, vector<16xf32>,
      %add3A_1720 = arith.addf %add3A_1688, %get3A_1719 : vector<16xf32>
      %add3A_1721 = arith.constant 20 : i32
      %add3A_1722 = arith.addi %mul3A_741, %add3A_1721 : i32
      %add3A_1723 = arith.constant 15 : i32
      %add3A_1724 = arith.addi %add3A_1722, %add3A_1723 : i32
      %get3A_1725 = arith.index_cast %add3A_1724 : i32 to index
      %get3A_1726 = arith.constant 0 : index
      %get3A_1727 = tpu.vector_load %arg12[%get3A_1725, %get3A_1726] {strides = array<i32>} : memref<1400x64xf32, #tpu.memory_space<vmem>>, vector<16xf32>,
      %add3A_1728 = arith.addf %add3A_1696, %get3A_1727 : vector<16xf32>
      %add3A_1729 = arith.constant 20 : i32
      %add3A_1730 = arith.addi %mul3A_741, %add3A_1729 : i32
      %add3A_1731 = arith.constant 15 : i32
      %add3A_1732 = arith.addi %add3A_1730, %add3A_1731 : i32
      %get3A_1733 = arith.index_cast %add3A_1732 : i32 to index
      %get3A_1734 = arith.constant 16 : index
      %get3A_1735 = tpu.vector_load %arg12[%get3A_1733, %get3A_1734] {strides = array<i32>} : memref<1400x64xf32, #tpu.memory_space<vmem>>, vector<16xf32>,
      %add3A_1736 = arith.addf %add3A_1704, %get3A_1735 : vector<16xf32>
      %add3A_1737 = arith.constant 20 : i32
      %add3A_1738 = arith.addi %mul3A_741, %add3A_1737 : i32
      %add3A_1739 = arith.constant 15 : i32
      %add3A_1740 = arith.addi %add3A_1738, %add3A_1739 : i32
      %get3A_1741 = arith.index_cast %add3A_1740 : i32 to index
      %get3A_1742 = arith.constant 32 : index
      %get3A_1743 = tpu.vector_load %arg12[%get3A_1741, %get3A_1742] {strides = array<i32>} : memref<1400x64xf32, #tpu.memory_space<vmem>>, vector<16xf32>,
      %add3A_1744 = arith.addf %add3A_1712, %get3A_1743 : vector<16xf32>
      %add3A_1745 = arith.constant 20 : i32
      %add3A_1746 = arith.addi %mul3A_741, %add3A_1745 : i32
      %add3A_1747 = arith.constant 15 : i32
      %add3A_1748 = arith.addi %add3A_1746, %add3A_1747 : i32
      %get3A_1749 = arith.index_cast %add3A_1748 : i32 to index
      %get3A_1750 = arith.constant 48 : index
      %get3A_1751 = tpu.vector_load %arg12[%get3A_1749, %get3A_1750] {strides = array<i32>} : memref<1400x64xf32, #tpu.memory_space<vmem>>, vector<16xf32>,
      %add3A_1752 = arith.addf %add3A_1720, %get3A_1751 : vector<16xf32>
      %add3A_1753 = arith.constant 20 : i32
      %add3A_1754 = arith.addi %mul3A_741, %add3A_1753 : i32
      %add3A_1755 = arith.constant 16 : i32
      %add3A_1756 = arith.addi %add3A_1754, %add3A_1755 : i32
      %get3A_1757 = arith.index_cast %add3A_1756 : i32 to index
      %get3A_1758 = arith.constant 0 : index
      %get3A_1759 = tpu.vector_load %arg12[%get3A_1757, %get3A_1758] {strides = array<i32>} : memref<1400x64xf32, #tpu.memory_space<vmem>>, vector<16xf32>,
      %add3A_1760 = arith.addf %add3A_1728, %get3A_1759 : vector<16xf32>
      %add3A_1761 = arith.constant 20 : i32
      %add3A_1762 = arith.addi %mul3A_741, %add3A_1761 : i32
      %add3A_1763 = arith.constant 16 : i32
      %add3A_1764 = arith.addi %add3A_1762, %add3A_1763 : i32
      %get3A_1765 = arith.index_cast %add3A_1764 : i32 to index
      %get3A_1766 = arith.constant 16 : index
      %get3A_1767 = tpu.vector_load %arg12[%get3A_1765, %get3A_1766] {strides = array<i32>} : memref<1400x64xf32, #tpu.memory_space<vmem>>, vector<16xf32>,
      %add3A_1768 = arith.addf %add3A_1736, %get3A_1767 : vector<16xf32>
      %add3A_1769 = arith.constant 20 : i32
      %add3A_1770 = arith.addi %mul3A_741, %add3A_1769 : i32
      %add3A_1771 = arith.constant 16 : i32
      %add3A_1772 = arith.addi %add3A_1770, %add3A_1771 : i32
      %get3A_1773 = arith.index_cast %add3A_1772 : i32 to index
      %get3A_1774 = arith.constant 32 : index
      %get3A_1775 = tpu.vector_load %arg12[%get3A_1773, %get3A_1774] {strides = array<i32>} : memref<1400x64xf32, #tpu.memory_space<vmem>>, vector<16xf32>,
      %add3A_1776 = arith.addf %add3A_1744, %get3A_1775 : vector<16xf32>
      %add3A_1777 = arith.constant 20 : i32
      %add3A_1778 = arith.addi %mul3A_741, %add3A_1777 : i32
      %add3A_1779 = arith.constant 16 : i32
      %add3A_1780 = arith.addi %add3A_1778, %add3A_1779 : i32
      %get3A_1781 = arith.index_cast %add3A_1780 : i32 to index
      %get3A_1782 = arith.constant 48 : index
      %get3A_1783 = tpu.vector_load %arg12[%get3A_1781, %get3A_1782] {strides = array<i32>} : memref<1400x64xf32, #tpu.memory_space<vmem>>, vector<16xf32>,
      %add3A_1784 = arith.addf %add3A_1752, %get3A_1783 : vector<16xf32>
      %add3A_1785 = arith.constant 20 : i32
      %add3A_1786 = arith.addi %mul3A_741, %add3A_1785 : i32
      %add3A_1787 = arith.constant 17 : i32
      %add3A_1788 = arith.addi %add3A_1786, %add3A_1787 : i32
      %get3A_1789 = arith.index_cast %add3A_1788 : i32 to index
      %get3A_1790 = arith.constant 0 : index
      %get3A_1791 = tpu.vector_load %arg12[%get3A_1789, %get3A_1790] {strides = array<i32>} : memref<1400x64xf32, #tpu.memory_space<vmem>>, vector<16xf32>,
      %add3A_1792 = arith.addf %add3A_1760, %get3A_1791 : vector<16xf32>
      %add3A_1793 = arith.constant 20 : i32
      %add3A_1794 = arith.addi %mul3A_741, %add3A_1793 : i32
      %add3A_1795 = arith.constant 17 : i32
      %add3A_1796 = arith.addi %add3A_1794, %add3A_1795 : i32
      %get3A_1797 = arith.index_cast %add3A_1796 : i32 to index
      %get3A_1798 = arith.constant 16 : index
      %get3A_1799 = tpu.vector_load %arg12[%get3A_1797, %get3A_1798] {strides = array<i32>} : memref<1400x64xf32, #tpu.memory_space<vmem>>, vector<16xf32>,
      %add3A_1800 = arith.addf %add3A_1768, %get3A_1799 : vector<16xf32>
      %add3A_1801 = arith.constant 20 : i32
      %add3A_1802 = arith.addi %mul3A_741, %add3A_1801 : i32
      %add3A_1803 = arith.constant 17 : i32
      %add3A_1804 = arith.addi %add3A_1802, %add3A_1803 : i32
      %get3A_1805 = arith.index_cast %add3A_1804 : i32 to index
      %get3A_1806 = arith.constant 32 : index
      %get3A_1807 = tpu.vector_load %arg12[%get3A_1805, %get3A_1806] {strides = array<i32>} : memref<1400x64xf32, #tpu.memory_space<vmem>>, vector<16xf32>,
      %add3A_1808 = arith.addf %add3A_1776, %get3A_1807 : vector<16xf32>
      %add3A_1809 = arith.constant 20 : i32
      %add3A_1810 = arith.addi %mul3A_741, %add3A_1809 : i32
      %add3A_1811 = arith.constant 17 : i32
      %add3A_1812 = arith.addi %add3A_1810, %add3A_1811 : i32
      %get3A_1813 = arith.index_cast %add3A_1812 : i32 to index
      %get3A_1814 = arith.constant 48 : index
      %get3A_1815 = tpu.vector_load %arg12[%get3A_1813, %get3A_1814] {strides = array<i32>} : memref<1400x64xf32, #tpu.memory_space<vmem>>, vector<16xf32>,
      %add3A_1816 = arith.addf %add3A_1784, %get3A_1815 : vector<16xf32>
      %add3A_1817 = arith.constant 20 : i32
      %add3A_1818 = arith.addi %mul3A_741, %add3A_1817 : i32
      %add3A_1819 = arith.constant 18 : i32
      %add3A_1820 = arith.addi %add3A_1818, %add3A_1819 : i32
      %get3A_1821 = arith.index_cast %add3A_1820 : i32 to index
      %get3A_1822 = arith.constant 0 : index
      %get3A_1823 = tpu.vector_load %arg12[%get3A_1821, %get3A_1822] {strides = array<i32>} : memref<1400x64xf32, #tpu.memory_space<vmem>>, vector<16xf32>,
      %add3A_1824 = arith.addf %add3A_1792, %get3A_1823 : vector<16xf32>
      %add3A_1825 = arith.constant 20 : i32
      %add3A_1826 = arith.addi %mul3A_741, %add3A_1825 : i32
      %add3A_1827 = arith.constant 18 : i32
      %add3A_1828 = arith.addi %add3A_1826, %add3A_1827 : i32
      %get3A_1829 = arith.index_cast %add3A_1828 : i32 to index
      %get3A_1830 = arith.constant 16 : index
      %get3A_1831 = tpu.vector_load %arg12[%get3A_1829, %get3A_1830] {strides = array<i32>} : memref<1400x64xf32, #tpu.memory_space<vmem>>, vector<16xf32>,
      %add3A_1832 = arith.addf %add3A_1800, %get3A_1831 : vector<16xf32>
      %add3A_1833 = arith.constant 20 : i32
      %add3A_1834 = arith.addi %mul3A_741, %add3A_1833 : i32
      %add3A_1835 = arith.constant 18 : i32
      %add3A_1836 = arith.addi %add3A_1834, %add3A_1835 : i32
      %get3A_1837 = arith.index_cast %add3A_1836 : i32 to index
      %get3A_1838 = arith.constant 32 : index
      %get3A_1839 = tpu.vector_load %arg12[%get3A_1837, %get3A_1838] {strides = array<i32>} : memref<1400x64xf32, #tpu.memory_space<vmem>>, vector<16xf32>,
      %add3A_1840 = arith.addf %add3A_1808, %get3A_1839 : vector<16xf32>
      %add3A_1841 = arith.constant 20 : i32
      %add3A_1842 = arith.addi %mul3A_741, %add3A_1841 : i32
      %add3A_1843 = arith.constant 18 : i32
      %add3A_1844 = arith.addi %add3A_1842, %add3A_1843 : i32
      %get3A_1845 = arith.index_cast %add3A_1844 : i32 to index
      %get3A_1846 = arith.constant 48 : index
      %get3A_1847 = tpu.vector_load %arg12[%get3A_1845, %get3A_1846] {strides = array<i32>} : memref<1400x64xf32, #tpu.memory_space<vmem>>, vector<16xf32>,
      %add3A_1848 = arith.addf %add3A_1816, %get3A_1847 : vector<16xf32>
      %add3A_1849 = arith.constant 20 : i32
      %add3A_1850 = arith.addi %mul3A_741, %add3A_1849 : i32
      %add3A_1851 = arith.constant 19 : i32
      %add3A_1852 = arith.addi %add3A_1850, %add3A_1851 : i32
      %get3A_1853 = arith.index_cast %add3A_1852 : i32 to index
      %get3A_1854 = arith.constant 0 : index
      %get3A_1855 = tpu.vector_load %arg12[%get3A_1853, %get3A_1854] {strides = array<i32>} : memref<1400x64xf32, #tpu.memory_space<vmem>>, vector<16xf32>,
      %add3A_1856 = arith.addf %add3A_1824, %get3A_1855 : vector<16xf32>
      %add3A_1857 = arith.constant 20 : i32
      %add3A_1858 = arith.addi %mul3A_741, %add3A_1857 : i32
      %add3A_1859 = arith.constant 19 : i32
      %add3A_1860 = arith.addi %add3A_1858, %add3A_1859 : i32
      %get3A_1861 = arith.index_cast %add3A_1860 : i32 to index
      %get3A_1862 = arith.constant 16 : index
      %get3A_1863 = tpu.vector_load %arg12[%get3A_1861, %get3A_1862] {strides = array<i32>} : memref<1400x64xf32, #tpu.memory_space<vmem>>, vector<16xf32>,
      %add3A_1864 = arith.addf %add3A_1832, %get3A_1863 : vector<16xf32>
      %add3A_1865 = arith.constant 20 : i32
      %add3A_1866 = arith.addi %mul3A_741, %add3A_1865 : i32
      %add3A_1867 = arith.constant 19 : i32
      %add3A_1868 = arith.addi %add3A_1866, %add3A_1867 : i32
      %get3A_1869 = arith.index_cast %add3A_1868 : i32 to index
      %get3A_1870 = arith.constant 32 : index
      %get3A_1871 = tpu.vector_load %arg12[%get3A_1869, %get3A_1870] {strides = array<i32>} : memref<1400x64xf32, #tpu.memory_space<vmem>>, vector<16xf32>,
      %add3A_1872 = arith.addf %add3A_1840, %get3A_1871 : vector<16xf32>
      %add3A_1873 = arith.constant 20 : i32
      %add3A_1874 = arith.addi %mul3A_741, %add3A_1873 : i32
      %add3A_1875 = arith.constant 19 : i32
      %add3A_1876 = arith.addi %add3A_1874, %add3A_1875 : i32
      %get3A_1877 = arith.index_cast %add3A_1876 : i32 to index
      %get3A_1878 = arith.constant 48 : index
      %get3A_1879 = tpu.vector_load %arg12[%get3A_1877, %get3A_1878] {strides = array<i32>} : memref<1400x64xf32, #tpu.memory_space<vmem>>, vector<16xf32>,
      %add3A_1880 = arith.addf %add3A_1848, %get3A_1879 : vector<16xf32>
      tpu.vector_store_idx %arg14[%add3A_550, %broadcast_in_dim3A_744], %add3A_1856 : memref<64x35xf32, #tpu.memory_space<vmem>>[vector<16xi32>, vector<16xi32>], vector<16xf32>,
      tpu.vector_store_idx %arg14[%add3A_554, %broadcast_in_dim3A_744], %add3A_1864 : memref<64x35xf32, #tpu.memory_space<vmem>>[vector<16xi32>, vector<16xi32>], vector<16xf32>,
      tpu.vector_store_idx %arg14[%add3A_558, %broadcast_in_dim3A_744], %add3A_1872 : memref<64x35xf32, #tpu.memory_space<vmem>>[vector<16xi32>, vector<16xi32>], vector<16xf32>,
      tpu.vector_store_idx %arg14[%add3A_562, %broadcast_in_dim3A_744], %add3A_1880 : memref<64x35xf32, #tpu.memory_space<vmem>>[vector<16xi32>, vector<16xi32>], vector<16xf32>,
    }
    %scan3A_584 = arith.constant 6 : i32
    "tpu.trace_stop"() : () -> ()
    "tpu.trace_start"() <{level = 10 : i32, message = "gwait1"}> : () -> ()
    %dma_wait3A_585 = arith.constant 240 : i32
    %dma_wait3A_586 = arith.constant 0 : i32
    %dma_wait3A_587 = tpu.memref_slice %arg12[%dma_wait3A_585, %dma_wait3A_586] : memref<1400x64xf32, #tpu.memory_space<vmem>> -> memref<120x64xf32, #tpu.memory_space<vmem>>
    %dma_wait3A_588 = arith.constant 240 : i32
    %dma_wait3A_589 = tpu.memref_slice %arg8[%dma_wait3A_588] : memref<1408xi32, #tpu.memory_space<vmem>> -> memref<120xi32, #tpu.memory_space<vmem>>
    %dma_wait3A_590 = arith.constant 0 : i32
    %dma_wait3A_591 = arith.constant 0 : i32
    %dma_wait3A_592 = tpu.memref_slice %arg16[%dma_wait3A_590, %dma_wait3A_591] : memref<1024x64xf32, #tpu.memory_space<vmem_shared>> -> memref<1024x64xf32, #tpu.memory_space<vmem_shared>>
    tpu.wait_indirect_dma semaphore(%arg22 : memref<!tpu.dma_semaphore, #tpu.memory_space<semaphore_mem>>) src(%dma_wait3A_592 : memref<1024x64xf32, #tpu.memory_space<vmem_shared>>) dst(%dma_wait3A_587 : memref<120x64xf32, #tpu.memory_space<vmem>>)
    %dma_wait3A_593 = arith.constant 360 : i32
    %dma_wait3A_594 = arith.constant 0 : i32
    %dma_wait3A_595 = tpu.memref_slice %arg12[%dma_wait3A_593, %dma_wait3A_594] : memref<1400x64xf32, #tpu.memory_space<vmem>> -> memref<120x64xf32, #tpu.memory_space<vmem>>
    %dma_wait3A_596 = arith.constant 360 : i32
    %dma_wait3A_597 = tpu.memref_slice %arg8[%dma_wait3A_596] : memref<1408xi32, #tpu.memory_space<vmem>> -> memref<120xi32, #tpu.memory_space<vmem>>
    %dma_wait3A_598 = arith.constant 0 : i32
    %dma_wait3A_599 = arith.constant 0 : i32
    %dma_wait3A_600 = tpu.memref_slice %arg16[%dma_wait3A_598, %dma_wait3A_599] : memref<1024x64xf32, #tpu.memory_space<vmem_shared>> -> memref<1024x64xf32, #tpu.memory_space<vmem_shared>>
    tpu.wait_indirect_dma semaphore(%arg23 : memref<!tpu.dma_semaphore, #tpu.memory_space<semaphore_mem>>) src(%dma_wait3A_600 : memref<1024x64xf32, #tpu.memory_space<vmem_shared>>) dst(%dma_wait3A_595 : memref<120x64xf32, #tpu.memory_space<vmem>>)
    %dma_wait3A_601 = arith.constant 480 : i32
    %dma_wait3A_602 = arith.constant 0 : i32
    %dma_wait3A_603 = tpu.memref_slice %arg12[%dma_wait3A_601, %dma_wait3A_602] : memref<1400x64xf32, #tpu.memory_space<vmem>> -> memref<120x64xf32, #tpu.memory_space<vmem>>
    %dma_wait3A_604 = arith.constant 480 : i32
    %dma_wait3A_605 = tpu.memref_slice %arg8[%dma_wait3A_604] : memref<1408xi32, #tpu.memory_space<vmem>> -> memref<120xi32, #tpu.memory_space<vmem>>
    %dma_wait3A_606 = arith.constant 0 : i32
    %dma_wait3A_607 = arith.constant 0 : i32
    %dma_wait3A_608 = tpu.memref_slice %arg16[%dma_wait3A_606, %dma_wait3A_607] : memref<1024x64xf32, #tpu.memory_space<vmem_shared>> -> memref<1024x64xf32, #tpu.memory_space<vmem_shared>>
    tpu.wait_indirect_dma semaphore(%arg24 : memref<!tpu.dma_semaphore, #tpu.memory_space<semaphore_mem>>) src(%dma_wait3A_608 : memref<1024x64xf32, #tpu.memory_space<vmem_shared>>) dst(%dma_wait3A_603 : memref<120x64xf32, #tpu.memory_space<vmem>>)
    %dma_wait3A_609 = arith.constant 600 : i32
    %dma_wait3A_610 = arith.constant 0 : i32
    %dma_wait3A_611 = tpu.memref_slice %arg12[%dma_wait3A_609, %dma_wait3A_610] : memref<1400x64xf32, #tpu.memory_space<vmem>> -> memref<120x64xf32, #tpu.memory_space<vmem>>
    %dma_wait3A_612 = arith.constant 600 : i32
    %dma_wait3A_613 = tpu.memref_slice %arg8[%dma_wait3A_612] : memref<1408xi32, #tpu.memory_space<vmem>> -> memref<120xi32, #tpu.memory_space<vmem>>
    %dma_wait3A_614 = arith.constant 0 : i32
    %dma_wait3A_615 = arith.constant 0 : i32
    %dma_wait3A_616 = tpu.memref_slice %arg16[%dma_wait3A_614, %dma_wait3A_615] : memref<1024x64xf32, #tpu.memory_space<vmem_shared>> -> memref<1024x64xf32, #tpu.memory_space<vmem_shared>>
    tpu.wait_indirect_dma semaphore(%arg25 : memref<!tpu.dma_semaphore, #tpu.memory_space<semaphore_mem>>) src(%dma_wait3A_616 : memref<1024x64xf32, #tpu.memory_space<vmem_shared>>) dst(%dma_wait3A_611 : memref<120x64xf32, #tpu.memory_space<vmem>>)
    %dma_wait3A_617 = arith.constant 720 : i32
    %dma_wait3A_618 = arith.constant 0 : i32
    %dma_wait3A_619 = tpu.memref_slice %arg12[%dma_wait3A_617, %dma_wait3A_618] : memref<1400x64xf32, #tpu.memory_space<vmem>> -> memref<120x64xf32, #tpu.memory_space<vmem>>
    %dma_wait3A_620 = arith.constant 720 : i32
    %dma_wait3A_621 = tpu.memref_slice %arg8[%dma_wait3A_620] : memref<1408xi32, #tpu.memory_space<vmem>> -> memref<120xi32, #tpu.memory_space<vmem>>
    %dma_wait3A_622 = arith.constant 0 : i32
    %dma_wait3A_623 = arith.constant 0 : i32
    %dma_wait3A_624 = tpu.memref_slice %arg16[%dma_wait3A_622, %dma_wait3A_623] : memref<1024x64xf32, #tpu.memory_space<vmem_shared>> -> memref<1024x64xf32, #tpu.memory_space<vmem_shared>>
    tpu.wait_indirect_dma semaphore(%arg26 : memref<!tpu.dma_semaphore, #tpu.memory_space<semaphore_mem>>) src(%dma_wait3A_624 : memref<1024x64xf32, #tpu.memory_space<vmem_shared>>) dst(%dma_wait3A_619 : memref<120x64xf32, #tpu.memory_space<vmem>>)
    %dma_wait3A_625 = arith.constant 840 : i32
    %dma_wait3A_626 = arith.constant 0 : i32
    %dma_wait3A_627 = tpu.memref_slice %arg12[%dma_wait3A_625, %dma_wait3A_626] : memref<1400x64xf32, #tpu.memory_space<vmem>> -> memref<120x64xf32, #tpu.memory_space<vmem>>
    %dma_wait3A_628 = arith.constant 840 : i32
    %dma_wait3A_629 = tpu.memref_slice %arg8[%dma_wait3A_628] : memref<1408xi32, #tpu.memory_space<vmem>> -> memref<120xi32, #tpu.memory_space<vmem>>
    %dma_wait3A_630 = arith.constant 0 : i32
    %dma_wait3A_631 = arith.constant 0 : i32
    %dma_wait3A_632 = tpu.memref_slice %arg16[%dma_wait3A_630, %dma_wait3A_631] : memref<1024x64xf32, #tpu.memory_space<vmem_shared>> -> memref<1024x64xf32, #tpu.memory_space<vmem_shared>>
    tpu.wait_indirect_dma semaphore(%arg27 : memref<!tpu.dma_semaphore, #tpu.memory_space<semaphore_mem>>) src(%dma_wait3A_632 : memref<1024x64xf32, #tpu.memory_space<vmem_shared>>) dst(%dma_wait3A_627 : memref<120x64xf32, #tpu.memory_space<vmem>>)
    %dma_wait3A_633 = arith.constant 960 : i32
    %dma_wait3A_634 = arith.constant 0 : i32
    %dma_wait3A_635 = tpu.memref_slice %arg12[%dma_wait3A_633, %dma_wait3A_634] : memref<1400x64xf32, #tpu.memory_space<vmem>> -> memref<120x64xf32, #tpu.memory_space<vmem>>
    %dma_wait3A_636 = arith.constant 960 : i32
    %dma_wait3A_637 = tpu.memref_slice %arg8[%dma_wait3A_636] : memref<1408xi32, #tpu.memory_space<vmem>> -> memref<120xi32, #tpu.memory_space<vmem>>
    %dma_wait3A_638 = arith.constant 0 : i32
    %dma_wait3A_639 = arith.constant 0 : i32
    %dma_wait3A_640 = tpu.memref_slice %arg16[%dma_wait3A_638, %dma_wait3A_639] : memref<1024x64xf32, #tpu.memory_space<vmem_shared>> -> memref<1024x64xf32, #tpu.memory_space<vmem_shared>>
    tpu.wait_indirect_dma semaphore(%arg28 : memref<!tpu.dma_semaphore, #tpu.memory_space<semaphore_mem>>) src(%dma_wait3A_640 : memref<1024x64xf32, #tpu.memory_space<vmem_shared>>) dst(%dma_wait3A_635 : memref<120x64xf32, #tpu.memory_space<vmem>>)
    %dma_wait3A_641 = arith.constant 1080 : i32
    %dma_wait3A_642 = arith.constant 0 : i32
    %dma_wait3A_643 = tpu.memref_slice %arg12[%dma_wait3A_641, %dma_wait3A_642] : memref<1400x64xf32, #tpu.memory_space<vmem>> -> memref<120x64xf32, #tpu.memory_space<vmem>>
    %dma_wait3A_644 = arith.constant 1080 : i32
    %dma_wait3A_645 = tpu.memref_slice %arg8[%dma_wait3A_644] : memref<1408xi32, #tpu.memory_space<vmem>> -> memref<120xi32, #tpu.memory_space<vmem>>
    %dma_wait3A_646 = arith.constant 0 : i32
    %dma_wait3A_647 = arith.constant 0 : i32
    %dma_wait3A_648 = tpu.memref_slice %arg16[%dma_wait3A_646, %dma_wait3A_647] : memref<1024x64xf32, #tpu.memory_space<vmem_shared>> -> memref<1024x64xf32, #tpu.memory_space<vmem_shared>>
    tpu.wait_indirect_dma semaphore(%arg29 : memref<!tpu.dma_semaphore, #tpu.memory_space<semaphore_mem>>) src(%dma_wait3A_648 : memref<1024x64xf32, #tpu.memory_space<vmem_shared>>) dst(%dma_wait3A_643 : memref<120x64xf32, #tpu.memory_space<vmem>>)
    %dma_wait3A_649 = arith.constant 1200 : i32
    %dma_wait3A_650 = arith.constant 0 : i32
    %dma_wait3A_651 = tpu.memref_slice %arg12[%dma_wait3A_649, %dma_wait3A_650] : memref<1400x64xf32, #tpu.memory_space<vmem>> -> memref<120x64xf32, #tpu.memory_space<vmem>>
    %dma_wait3A_652 = arith.constant 1200 : i32
    %dma_wait3A_653 = tpu.memref_slice %arg8[%dma_wait3A_652] : memref<1408xi32, #tpu.memory_space<vmem>> -> memref<120xi32, #tpu.memory_space<vmem>>
    %dma_wait3A_654 = arith.constant 0 : i32
    %dma_wait3A_655 = arith.constant 0 : i32
    %dma_wait3A_656 = tpu.memref_slice %arg16[%dma_wait3A_654, %dma_wait3A_655] : memref<1024x64xf32, #tpu.memory_space<vmem_shared>> -> memref<1024x64xf32, #tpu.memory_space<vmem_shared>>
    tpu.wait_indirect_dma semaphore(%arg30 : memref<!tpu.dma_semaphore, #tpu.memory_space<semaphore_mem>>) src(%dma_wait3A_656 : memref<1024x64xf32, #tpu.memory_space<vmem_shared>>) dst(%dma_wait3A_651 : memref<120x64xf32, #tpu.memory_space<vmem>>)
    %dma_wait3A_657 = arith.constant 1320 : i32
    %dma_wait3A_658 = arith.constant 0 : i32
    %dma_wait3A_659 = tpu.memref_slice %arg12[%dma_wait3A_657, %dma_wait3A_658] : memref<1400x64xf32, #tpu.memory_space<vmem>> -> memref<80x64xf32, #tpu.memory_space<vmem>>
    %dma_wait3A_660 = arith.constant 1320 : i32
    %dma_wait3A_661 = tpu.memref_slice %arg8[%dma_wait3A_660] : memref<1408xi32, #tpu.memory_space<vmem>> -> memref<80xi32, #tpu.memory_space<vmem>>
    %dma_wait3A_662 = arith.constant 0 : i32
    %dma_wait3A_663 = arith.constant 0 : i32
    %dma_wait3A_664 = tpu.memref_slice %arg16[%dma_wait3A_662, %dma_wait3A_663] : memref<1024x64xf32, #tpu.memory_space<vmem_shared>> -> memref<1024x64xf32, #tpu.memory_space<vmem_shared>>
    tpu.wait_indirect_dma semaphore(%arg31 : memref<!tpu.dma_semaphore, #tpu.memory_space<semaphore_mem>>) src(%dma_wait3A_664 : memref<1024x64xf32, #tpu.memory_space<vmem_shared>>) dst(%dma_wait3A_659 : memref<80x64xf32, #tpu.memory_space<vmem>>)
    "tpu.trace_stop"() : () -> ()
    "tpu.trace_start"() <{level = 10 : i32, message = "pool1"}> : () -> ()
    %scan3A_665 = arith.constant 0 : i32
    %scan3A_666 = arith.constant 6 : i32
    %scan3A_667 = arith.constant 29 : i32
    %scan3A_668 = arith.addi %scan3A_666, %scan3A_667 : i32
    %scan3A_669 = arith.constant 1 : i32
    scf.for %scan3A_739 = %scan3A_666 to %scan3A_668 step %scan3A_669  : i32 {
      %mul3A_740 = arith.constant 40 : i32
      %mul3A_741 = arith.muli %scan3A_739, %mul3A_740 : i32
      %min3A_742 = arith.constant 33 : i32
      %min3A_743 = arith.minsi %scan3A_739, %min3A_742 : i32
      %broadcast_in_dim3A_744 = vector.broadcast %min3A_743 : i32 to vector<16xi32>
      %get3A = arith.index_cast %mul3A_741 : i32 to index
      %get3A_745 = arith.constant 0 : index
      %get3A_746 = tpu.vector_load %arg12[%get3A, %get3A_745] {strides = array<i32>} : memref<1400x64xf32, #tpu.memory_space<vmem>>, vector<16xf32>,
      %get3A_747 = arith.index_cast %mul3A_741 : i32 to index
      %get3A_748 = arith.constant 16 : index
      %get3A_749 = tpu.vector_load %arg12[%get3A_747, %get3A_748] {strides = array<i32>} : memref<1400x64xf32, #tpu.memory_space<vmem>>, vector<16xf32>,
      %get3A_750 = arith.index_cast %mul3A_741 : i32 to index
      %get3A_751 = arith.constant 32 : index
      %get3A_752 = tpu.vector_load %arg12[%get3A_750, %get3A_751] {strides = array<i32>} : memref<1400x64xf32, #tpu.memory_space<vmem>>, vector<16xf32>,
      %get3A_753 = arith.index_cast %mul3A_741 : i32 to index
      %get3A_754 = arith.constant 48 : index
      %get3A_755 = tpu.vector_load %arg12[%get3A_753, %get3A_754] {strides = array<i32>} : memref<1400x64xf32, #tpu.memory_space<vmem>>, vector<16xf32>,
      %add3A_756 = arith.constant 1 : i32
      %add3A_757 = arith.addi %mul3A_741, %add3A_756 : i32
      %get3A_758 = arith.index_cast %add3A_757 : i32 to index
      %get3A_759 = arith.constant 0 : index
      %get3A_760 = tpu.vector_load %arg12[%get3A_758, %get3A_759] {strides = array<i32>} : memref<1400x64xf32, #tpu.memory_space<vmem>>, vector<16xf32>,
      %add3A_761 = arith.addf %get3A_746, %get3A_760 : vector<16xf32>
      %add3A_762 = arith.constant 1 : i32
      %add3A_763 = arith.addi %mul3A_741, %add3A_762 : i32
      %get3A_764 = arith.index_cast %add3A_763 : i32 to index
      %get3A_765 = arith.constant 16 : index
      %get3A_766 = tpu.vector_load %arg12[%get3A_764, %get3A_765] {strides = array<i32>} : memref<1400x64xf32, #tpu.memory_space<vmem>>, vector<16xf32>,
      %add3A_767 = arith.addf %get3A_749, %get3A_766 : vector<16xf32>
      %add3A_768 = arith.constant 1 : i32
      %add3A_769 = arith.addi %mul3A_741, %add3A_768 : i32
      %get3A_770 = arith.index_cast %add3A_769 : i32 to index
      %get3A_771 = arith.constant 32 : index
      %get3A_772 = tpu.vector_load %arg12[%get3A_770, %get3A_771] {strides = array<i32>} : memref<1400x64xf32, #tpu.memory_space<vmem>>, vector<16xf32>,
      %add3A_773 = arith.addf %get3A_752, %get3A_772 : vector<16xf32>
      %add3A_774 = arith.constant 1 : i32
      %add3A_775 = arith.addi %mul3A_741, %add3A_774 : i32
      %get3A_776 = arith.index_cast %add3A_775 : i32 to index
      %get3A_777 = arith.constant 48 : index
      %get3A_778 = tpu.vector_load %arg12[%get3A_776, %get3A_777] {strides = array<i32>} : memref<1400x64xf32, #tpu.memory_space<vmem>>, vector<16xf32>,
      %add3A_779 = arith.addf %get3A_755, %get3A_778 : vector<16xf32>
      %add3A_780 = arith.constant 2 : i32
      %add3A_781 = arith.addi %mul3A_741, %add3A_780 : i32
      %get3A_782 = arith.index_cast %add3A_781 : i32 to index
      %get3A_783 = arith.constant 0 : index
      %get3A_784 = tpu.vector_load %arg12[%get3A_782, %get3A_783] {strides = array<i32>} : memref<1400x64xf32, #tpu.memory_space<vmem>>, vector<16xf32>,
      %add3A_785 = arith.addf %add3A_761, %get3A_784 : vector<16xf32>
      %add3A_786 = arith.constant 2 : i32
      %add3A_787 = arith.addi %mul3A_741, %add3A_786 : i32
      %get3A_788 = arith.index_cast %add3A_787 : i32 to index
      %get3A_789 = arith.constant 16 : index
      %get3A_790 = tpu.vector_load %arg12[%get3A_788, %get3A_789] {strides = array<i32>} : memref<1400x64xf32, #tpu.memory_space<vmem>>, vector<16xf32>,
      %add3A_791 = arith.addf %add3A_767, %get3A_790 : vector<16xf32>
      %add3A_792 = arith.constant 2 : i32
      %add3A_793 = arith.addi %mul3A_741, %add3A_792 : i32
      %get3A_794 = arith.index_cast %add3A_793 : i32 to index
      %get3A_795 = arith.constant 32 : index
      %get3A_796 = tpu.vector_load %arg12[%get3A_794, %get3A_795] {strides = array<i32>} : memref<1400x64xf32, #tpu.memory_space<vmem>>, vector<16xf32>,
      %add3A_797 = arith.addf %add3A_773, %get3A_796 : vector<16xf32>
      %add3A_798 = arith.constant 2 : i32
      %add3A_799 = arith.addi %mul3A_741, %add3A_798 : i32
      %get3A_800 = arith.index_cast %add3A_799 : i32 to index
      %get3A_801 = arith.constant 48 : index
      %get3A_802 = tpu.vector_load %arg12[%get3A_800, %get3A_801] {strides = array<i32>} : memref<1400x64xf32, #tpu.memory_space<vmem>>, vector<16xf32>,
      %add3A_803 = arith.addf %add3A_779, %get3A_802 : vector<16xf32>
      %add3A_804 = arith.constant 3 : i32
      %add3A_805 = arith.addi %mul3A_741, %add3A_804 : i32
      %get3A_806 = arith.index_cast %add3A_805 : i32 to index
      %get3A_807 = arith.constant 0 : index
      %get3A_808 = tpu.vector_load %arg12[%get3A_806, %get3A_807] {strides = array<i32>} : memref<1400x64xf32, #tpu.memory_space<vmem>>, vector<16xf32>,
      %add3A_809 = arith.addf %add3A_785, %get3A_808 : vector<16xf32>
      %add3A_810 = arith.constant 3 : i32
      %add3A_811 = arith.addi %mul3A_741, %add3A_810 : i32
      %get3A_812 = arith.index_cast %add3A_811 : i32 to index
      %get3A_813 = arith.constant 16 : index
      %get3A_814 = tpu.vector_load %arg12[%get3A_812, %get3A_813] {strides = array<i32>} : memref<1400x64xf32, #tpu.memory_space<vmem>>, vector<16xf32>,
      %add3A_815 = arith.addf %add3A_791, %get3A_814 : vector<16xf32>
      %add3A_816 = arith.constant 3 : i32
      %add3A_817 = arith.addi %mul3A_741, %add3A_816 : i32
      %get3A_818 = arith.index_cast %add3A_817 : i32 to index
      %get3A_819 = arith.constant 32 : index
      %get3A_820 = tpu.vector_load %arg12[%get3A_818, %get3A_819] {strides = array<i32>} : memref<1400x64xf32, #tpu.memory_space<vmem>>, vector<16xf32>,
      %add3A_821 = arith.addf %add3A_797, %get3A_820 : vector<16xf32>
      %add3A_822 = arith.constant 3 : i32
      %add3A_823 = arith.addi %mul3A_741, %add3A_822 : i32
      %get3A_824 = arith.index_cast %add3A_823 : i32 to index
      %get3A_825 = arith.constant 48 : index
      %get3A_826 = tpu.vector_load %arg12[%get3A_824, %get3A_825] {strides = array<i32>} : memref<1400x64xf32, #tpu.memory_space<vmem>>, vector<16xf32>,
      %add3A_827 = arith.addf %add3A_803, %get3A_826 : vector<16xf32>
      %add3A_828 = arith.constant 4 : i32
      %add3A_829 = arith.addi %mul3A_741, %add3A_828 : i32
      %get3A_830 = arith.index_cast %add3A_829 : i32 to index
      %get3A_831 = arith.constant 0 : index
      %get3A_832 = tpu.vector_load %arg12[%get3A_830, %get3A_831] {strides = array<i32>} : memref<1400x64xf32, #tpu.memory_space<vmem>>, vector<16xf32>,
      %add3A_833 = arith.addf %add3A_809, %get3A_832 : vector<16xf32>
      %add3A_834 = arith.constant 4 : i32
      %add3A_835 = arith.addi %mul3A_741, %add3A_834 : i32
      %get3A_836 = arith.index_cast %add3A_835 : i32 to index
      %get3A_837 = arith.constant 16 : index
      %get3A_838 = tpu.vector_load %arg12[%get3A_836, %get3A_837] {strides = array<i32>} : memref<1400x64xf32, #tpu.memory_space<vmem>>, vector<16xf32>,
      %add3A_839 = arith.addf %add3A_815, %get3A_838 : vector<16xf32>
      %add3A_840 = arith.constant 4 : i32
      %add3A_841 = arith.addi %mul3A_741, %add3A_840 : i32
      %get3A_842 = arith.index_cast %add3A_841 : i32 to index
      %get3A_843 = arith.constant 32 : index
      %get3A_844 = tpu.vector_load %arg12[%get3A_842, %get3A_843] {strides = array<i32>} : memref<1400x64xf32, #tpu.memory_space<vmem>>, vector<16xf32>,
      %add3A_845 = arith.addf %add3A_821, %get3A_844 : vector<16xf32>
      %add3A_846 = arith.constant 4 : i32
      %add3A_847 = arith.addi %mul3A_741, %add3A_846 : i32
      %get3A_848 = arith.index_cast %add3A_847 : i32 to index
      %get3A_849 = arith.constant 48 : index
      %get3A_850 = tpu.vector_load %arg12[%get3A_848, %get3A_849] {strides = array<i32>} : memref<1400x64xf32, #tpu.memory_space<vmem>>, vector<16xf32>,
      %add3A_851 = arith.addf %add3A_827, %get3A_850 : vector<16xf32>
      %add3A_852 = arith.constant 5 : i32
      %add3A_853 = arith.addi %mul3A_741, %add3A_852 : i32
      %get3A_854 = arith.index_cast %add3A_853 : i32 to index
      %get3A_855 = arith.constant 0 : index
      %get3A_856 = tpu.vector_load %arg12[%get3A_854, %get3A_855] {strides = array<i32>} : memref<1400x64xf32, #tpu.memory_space<vmem>>, vector<16xf32>,
      %add3A_857 = arith.addf %add3A_833, %get3A_856 : vector<16xf32>
      %add3A_858 = arith.constant 5 : i32
      %add3A_859 = arith.addi %mul3A_741, %add3A_858 : i32
      %get3A_860 = arith.index_cast %add3A_859 : i32 to index
      %get3A_861 = arith.constant 16 : index
      %get3A_862 = tpu.vector_load %arg12[%get3A_860, %get3A_861] {strides = array<i32>} : memref<1400x64xf32, #tpu.memory_space<vmem>>, vector<16xf32>,
      %add3A_863 = arith.addf %add3A_839, %get3A_862 : vector<16xf32>
      %add3A_864 = arith.constant 5 : i32
      %add3A_865 = arith.addi %mul3A_741, %add3A_864 : i32
      %get3A_866 = arith.index_cast %add3A_865 : i32 to index
      %get3A_867 = arith.constant 32 : index
      %get3A_868 = tpu.vector_load %arg12[%get3A_866, %get3A_867] {strides = array<i32>} : memref<1400x64xf32, #tpu.memory_space<vmem>>, vector<16xf32>,
      %add3A_869 = arith.addf %add3A_845, %get3A_868 : vector<16xf32>
      %add3A_870 = arith.constant 5 : i32
      %add3A_871 = arith.addi %mul3A_741, %add3A_870 : i32
      %get3A_872 = arith.index_cast %add3A_871 : i32 to index
      %get3A_873 = arith.constant 48 : index
      %get3A_874 = tpu.vector_load %arg12[%get3A_872, %get3A_873] {strides = array<i32>} : memref<1400x64xf32, #tpu.memory_space<vmem>>, vector<16xf32>,
      %add3A_875 = arith.addf %add3A_851, %get3A_874 : vector<16xf32>
      %add3A_876 = arith.constant 6 : i32
      %add3A_877 = arith.addi %mul3A_741, %add3A_876 : i32
      %get3A_878 = arith.index_cast %add3A_877 : i32 to index
      %get3A_879 = arith.constant 0 : index
      %get3A_880 = tpu.vector_load %arg12[%get3A_878, %get3A_879] {strides = array<i32>} : memref<1400x64xf32, #tpu.memory_space<vmem>>, vector<16xf32>,
      %add3A_881 = arith.addf %add3A_857, %get3A_880 : vector<16xf32>
      %add3A_882 = arith.constant 6 : i32
      %add3A_883 = arith.addi %mul3A_741, %add3A_882 : i32
      %get3A_884 = arith.index_cast %add3A_883 : i32 to index
      %get3A_885 = arith.constant 16 : index
      %get3A_886 = tpu.vector_load %arg12[%get3A_884, %get3A_885] {strides = array<i32>} : memref<1400x64xf32, #tpu.memory_space<vmem>>, vector<16xf32>,
      %add3A_887 = arith.addf %add3A_863, %get3A_886 : vector<16xf32>
      %add3A_888 = arith.constant 6 : i32
      %add3A_889 = arith.addi %mul3A_741, %add3A_888 : i32
      %get3A_890 = arith.index_cast %add3A_889 : i32 to index
      %get3A_891 = arith.constant 32 : index
      %get3A_892 = tpu.vector_load %arg12[%get3A_890, %get3A_891] {strides = array<i32>} : memref<1400x64xf32, #tpu.memory_space<vmem>>, vector<16xf32>,
      %add3A_893 = arith.addf %add3A_869, %get3A_892 : vector<16xf32>
      %add3A_894 = arith.constant 6 : i32
      %add3A_895 = arith.addi %mul3A_741, %add3A_894 : i32
      %get3A_896 = arith.index_cast %add3A_895 : i32 to index
      %get3A_897 = arith.constant 48 : index
      %get3A_898 = tpu.vector_load %arg12[%get3A_896, %get3A_897] {strides = array<i32>} : memref<1400x64xf32, #tpu.memory_space<vmem>>, vector<16xf32>,
      %add3A_899 = arith.addf %add3A_875, %get3A_898 : vector<16xf32>
      %add3A_900 = arith.constant 7 : i32
      %add3A_901 = arith.addi %mul3A_741, %add3A_900 : i32
      %get3A_902 = arith.index_cast %add3A_901 : i32 to index
      %get3A_903 = arith.constant 0 : index
      %get3A_904 = tpu.vector_load %arg12[%get3A_902, %get3A_903] {strides = array<i32>} : memref<1400x64xf32, #tpu.memory_space<vmem>>, vector<16xf32>,
      %add3A_905 = arith.addf %add3A_881, %get3A_904 : vector<16xf32>
      %add3A_906 = arith.constant 7 : i32
      %add3A_907 = arith.addi %mul3A_741, %add3A_906 : i32
      %get3A_908 = arith.index_cast %add3A_907 : i32 to index
      %get3A_909 = arith.constant 16 : index
      %get3A_910 = tpu.vector_load %arg12[%get3A_908, %get3A_909] {strides = array<i32>} : memref<1400x64xf32, #tpu.memory_space<vmem>>, vector<16xf32>,
      %add3A_911 = arith.addf %add3A_887, %get3A_910 : vector<16xf32>
      %add3A_912 = arith.constant 7 : i32
      %add3A_913 = arith.addi %mul3A_741, %add3A_912 : i32
      %get3A_914 = arith.index_cast %add3A_913 : i32 to index
      %get3A_915 = arith.constant 32 : index
      %get3A_916 = tpu.vector_load %arg12[%get3A_914, %get3A_915] {strides = array<i32>} : memref<1400x64xf32, #tpu.memory_space<vmem>>, vector<16xf32>,
      %add3A_917 = arith.addf %add3A_893, %get3A_916 : vector<16xf32>
      %add3A_918 = arith.constant 7 : i32
      %add3A_919 = arith.addi %mul3A_741, %add3A_918 : i32
      %get3A_920 = arith.index_cast %add3A_919 : i32 to index
      %get3A_921 = arith.constant 48 : index
      %get3A_922 = tpu.vector_load %arg12[%get3A_920, %get3A_921] {strides = array<i32>} : memref<1400x64xf32, #tpu.memory_space<vmem>>, vector<16xf32>,
      %add3A_923 = arith.addf %add3A_899, %get3A_922 : vector<16xf32>
      %add3A_924 = arith.constant 8 : i32
      %add3A_925 = arith.addi %mul3A_741, %add3A_924 : i32
      %get3A_926 = arith.index_cast %add3A_925 : i32 to index
      %get3A_927 = arith.constant 0 : index
      %get3A_928 = tpu.vector_load %arg12[%get3A_926, %get3A_927] {strides = array<i32>} : memref<1400x64xf32, #tpu.memory_space<vmem>>, vector<16xf32>,
      %add3A_929 = arith.addf %add3A_905, %get3A_928 : vector<16xf32>
      %add3A_930 = arith.constant 8 : i32
      %add3A_931 = arith.addi %mul3A_741, %add3A_930 : i32
      %get3A_932 = arith.index_cast %add3A_931 : i32 to index
      %get3A_933 = arith.constant 16 : index
      %get3A_934 = tpu.vector_load %arg12[%get3A_932, %get3A_933] {strides = array<i32>} : memref<1400x64xf32, #tpu.memory_space<vmem>>, vector<16xf32>,
      %add3A_935 = arith.addf %add3A_911, %get3A_934 : vector<16xf32>
      %add3A_936 = arith.constant 8 : i32
      %add3A_937 = arith.addi %mul3A_741, %add3A_936 : i32
      %get3A_938 = arith.index_cast %add3A_937 : i32 to index
      %get3A_939 = arith.constant 32 : index
      %get3A_940 = tpu.vector_load %arg12[%get3A_938, %get3A_939] {strides = array<i32>} : memref<1400x64xf32, #tpu.memory_space<vmem>>, vector<16xf32>,
      %add3A_941 = arith.addf %add3A_917, %get3A_940 : vector<16xf32>
      %add3A_942 = arith.constant 8 : i32
      %add3A_943 = arith.addi %mul3A_741, %add3A_942 : i32
      %get3A_944 = arith.index_cast %add3A_943 : i32 to index
      %get3A_945 = arith.constant 48 : index
      %get3A_946 = tpu.vector_load %arg12[%get3A_944, %get3A_945] {strides = array<i32>} : memref<1400x64xf32, #tpu.memory_space<vmem>>, vector<16xf32>,
      %add3A_947 = arith.addf %add3A_923, %get3A_946 : vector<16xf32>
      %add3A_948 = arith.constant 9 : i32
      %add3A_949 = arith.addi %mul3A_741, %add3A_948 : i32
      %get3A_950 = arith.index_cast %add3A_949 : i32 to index
      %get3A_951 = arith.constant 0 : index
      %get3A_952 = tpu.vector_load %arg12[%get3A_950, %get3A_951] {strides = array<i32>} : memref<1400x64xf32, #tpu.memory_space<vmem>>, vector<16xf32>,
      %add3A_953 = arith.addf %add3A_929, %get3A_952 : vector<16xf32>
      %add3A_954 = arith.constant 9 : i32
      %add3A_955 = arith.addi %mul3A_741, %add3A_954 : i32
      %get3A_956 = arith.index_cast %add3A_955 : i32 to index
      %get3A_957 = arith.constant 16 : index
      %get3A_958 = tpu.vector_load %arg12[%get3A_956, %get3A_957] {strides = array<i32>} : memref<1400x64xf32, #tpu.memory_space<vmem>>, vector<16xf32>,
      %add3A_959 = arith.addf %add3A_935, %get3A_958 : vector<16xf32>
      %add3A_960 = arith.constant 9 : i32
      %add3A_961 = arith.addi %mul3A_741, %add3A_960 : i32
      %get3A_962 = arith.index_cast %add3A_961 : i32 to index
      %get3A_963 = arith.constant 32 : index
      %get3A_964 = tpu.vector_load %arg12[%get3A_962, %get3A_963] {strides = array<i32>} : memref<1400x64xf32, #tpu.memory_space<vmem>>, vector<16xf32>,
      %add3A_965 = arith.addf %add3A_941, %get3A_964 : vector<16xf32>
      %add3A_966 = arith.constant 9 : i32
      %add3A_967 = arith.addi %mul3A_741, %add3A_966 : i32
      %get3A_968 = arith.index_cast %add3A_967 : i32 to index
      %get3A_969 = arith.constant 48 : index
      %get3A_970 = tpu.vector_load %arg12[%get3A_968, %get3A_969] {strides = array<i32>} : memref<1400x64xf32, #tpu.memory_space<vmem>>, vector<16xf32>,
      %add3A_971 = arith.addf %add3A_947, %get3A_970 : vector<16xf32>
      %add3A_972 = arith.constant 10 : i32
      %add3A_973 = arith.addi %mul3A_741, %add3A_972 : i32
      %get3A_974 = arith.index_cast %add3A_973 : i32 to index
      %get3A_975 = arith.constant 0 : index
      %get3A_976 = tpu.vector_load %arg12[%get3A_974, %get3A_975] {strides = array<i32>} : memref<1400x64xf32, #tpu.memory_space<vmem>>, vector<16xf32>,
      %add3A_977 = arith.addf %add3A_953, %get3A_976 : vector<16xf32>
      %add3A_978 = arith.constant 10 : i32
      %add3A_979 = arith.addi %mul3A_741, %add3A_978 : i32
      %get3A_980 = arith.index_cast %add3A_979 : i32 to index
      %get3A_981 = arith.constant 16 : index
      %get3A_982 = tpu.vector_load %arg12[%get3A_980, %get3A_981] {strides = array<i32>} : memref<1400x64xf32, #tpu.memory_space<vmem>>, vector<16xf32>,
      %add3A_983 = arith.addf %add3A_959, %get3A_982 : vector<16xf32>
      %add3A_984 = arith.constant 10 : i32
      %add3A_985 = arith.addi %mul3A_741, %add3A_984 : i32
      %get3A_986 = arith.index_cast %add3A_985 : i32 to index
      %get3A_987 = arith.constant 32 : index
      %get3A_988 = tpu.vector_load %arg12[%get3A_986, %get3A_987] {strides = array<i32>} : memref<1400x64xf32, #tpu.memory_space<vmem>>, vector<16xf32>,
      %add3A_989 = arith.addf %add3A_965, %get3A_988 : vector<16xf32>
      %add3A_990 = arith.constant 10 : i32
      %add3A_991 = arith.addi %mul3A_741, %add3A_990 : i32
      %get3A_992 = arith.index_cast %add3A_991 : i32 to index
      %get3A_993 = arith.constant 48 : index
      %get3A_994 = tpu.vector_load %arg12[%get3A_992, %get3A_993] {strides = array<i32>} : memref<1400x64xf32, #tpu.memory_space<vmem>>, vector<16xf32>,
      %add3A_995 = arith.addf %add3A_971, %get3A_994 : vector<16xf32>
      %add3A_996 = arith.constant 11 : i32
      %add3A_997 = arith.addi %mul3A_741, %add3A_996 : i32
      %get3A_998 = arith.index_cast %add3A_997 : i32 to index
      %get3A_999 = arith.constant 0 : index
      %get3A_1000 = tpu.vector_load %arg12[%get3A_998, %get3A_999] {strides = array<i32>} : memref<1400x64xf32, #tpu.memory_space<vmem>>, vector<16xf32>,
      %add3A_1001 = arith.addf %add3A_977, %get3A_1000 : vector<16xf32>
      %add3A_1002 = arith.constant 11 : i32
      %add3A_1003 = arith.addi %mul3A_741, %add3A_1002 : i32
      %get3A_1004 = arith.index_cast %add3A_1003 : i32 to index
      %get3A_1005 = arith.constant 16 : index
      %get3A_1006 = tpu.vector_load %arg12[%get3A_1004, %get3A_1005] {strides = array<i32>} : memref<1400x64xf32, #tpu.memory_space<vmem>>, vector<16xf32>,
      %add3A_1007 = arith.addf %add3A_983, %get3A_1006 : vector<16xf32>
      %add3A_1008 = arith.constant 11 : i32
      %add3A_1009 = arith.addi %mul3A_741, %add3A_1008 : i32
      %get3A_1010 = arith.index_cast %add3A_1009 : i32 to index
      %get3A_1011 = arith.constant 32 : index
      %get3A_1012 = tpu.vector_load %arg12[%get3A_1010, %get3A_1011] {strides = array<i32>} : memref<1400x64xf32, #tpu.memory_space<vmem>>, vector<16xf32>,
      %add3A_1013 = arith.addf %add3A_989, %get3A_1012 : vector<16xf32>
      %add3A_1014 = arith.constant 11 : i32
      %add3A_1015 = arith.addi %mul3A_741, %add3A_1014 : i32
      %get3A_1016 = arith.index_cast %add3A_1015 : i32 to index
      %get3A_1017 = arith.constant 48 : index
      %get3A_1018 = tpu.vector_load %arg12[%get3A_1016, %get3A_1017] {strides = array<i32>} : memref<1400x64xf32, #tpu.memory_space<vmem>>, vector<16xf32>,
      %add3A_1019 = arith.addf %add3A_995, %get3A_1018 : vector<16xf32>
      %add3A_1020 = arith.constant 12 : i32
      %add3A_1021 = arith.addi %mul3A_741, %add3A_1020 : i32
      %get3A_1022 = arith.index_cast %add3A_1021 : i32 to index
      %get3A_1023 = arith.constant 0 : index
      %get3A_1024 = tpu.vector_load %arg12[%get3A_1022, %get3A_1023] {strides = array<i32>} : memref<1400x64xf32, #tpu.memory_space<vmem>>, vector<16xf32>,
      %add3A_1025 = arith.addf %add3A_1001, %get3A_1024 : vector<16xf32>
      %add3A_1026 = arith.constant 12 : i32
      %add3A_1027 = arith.addi %mul3A_741, %add3A_1026 : i32
      %get3A_1028 = arith.index_cast %add3A_1027 : i32 to index
      %get3A_1029 = arith.constant 16 : index
      %get3A_1030 = tpu.vector_load %arg12[%get3A_1028, %get3A_1029] {strides = array<i32>} : memref<1400x64xf32, #tpu.memory_space<vmem>>, vector<16xf32>,
      %add3A_1031 = arith.addf %add3A_1007, %get3A_1030 : vector<16xf32>
      %add3A_1032 = arith.constant 12 : i32
      %add3A_1033 = arith.addi %mul3A_741, %add3A_1032 : i32
      %get3A_1034 = arith.index_cast %add3A_1033 : i32 to index
      %get3A_1035 = arith.constant 32 : index
      %get3A_1036 = tpu.vector_load %arg12[%get3A_1034, %get3A_1035] {strides = array<i32>} : memref<1400x64xf32, #tpu.memory_space<vmem>>, vector<16xf32>,
      %add3A_1037 = arith.addf %add3A_1013, %get3A_1036 : vector<16xf32>
      %add3A_1038 = arith.constant 12 : i32
      %add3A_1039 = arith.addi %mul3A_741, %add3A_1038 : i32
      %get3A_1040 = arith.index_cast %add3A_1039 : i32 to index
      %get3A_1041 = arith.constant 48 : index
      %get3A_1042 = tpu.vector_load %arg12[%get3A_1040, %get3A_1041] {strides = array<i32>} : memref<1400x64xf32, #tpu.memory_space<vmem>>, vector<16xf32>,
      %add3A_1043 = arith.addf %add3A_1019, %get3A_1042 : vector<16xf32>
      %add3A_1044 = arith.constant 13 : i32
      %add3A_1045 = arith.addi %mul3A_741, %add3A_1044 : i32
      %get3A_1046 = arith.index_cast %add3A_1045 : i32 to index
      %get3A_1047 = arith.constant 0 : index
      %get3A_1048 = tpu.vector_load %arg12[%get3A_1046, %get3A_1047] {strides = array<i32>} : memref<1400x64xf32, #tpu.memory_space<vmem>>, vector<16xf32>,
      %add3A_1049 = arith.addf %add3A_1025, %get3A_1048 : vector<16xf32>
      %add3A_1050 = arith.constant 13 : i32
      %add3A_1051 = arith.addi %mul3A_741, %add3A_1050 : i32
      %get3A_1052 = arith.index_cast %add3A_1051 : i32 to index
      %get3A_1053 = arith.constant 16 : index
      %get3A_1054 = tpu.vector_load %arg12[%get3A_1052, %get3A_1053] {strides = array<i32>} : memref<1400x64xf32, #tpu.memory_space<vmem>>, vector<16xf32>,
      %add3A_1055 = arith.addf %add3A_1031, %get3A_1054 : vector<16xf32>
      %add3A_1056 = arith.constant 13 : i32
      %add3A_1057 = arith.addi %mul3A_741, %add3A_1056 : i32
      %get3A_1058 = arith.index_cast %add3A_1057 : i32 to index
      %get3A_1059 = arith.constant 32 : index
      %get3A_1060 = tpu.vector_load %arg12[%get3A_1058, %get3A_1059] {strides = array<i32>} : memref<1400x64xf32, #tpu.memory_space<vmem>>, vector<16xf32>,
      %add3A_1061 = arith.addf %add3A_1037, %get3A_1060 : vector<16xf32>
      %add3A_1062 = arith.constant 13 : i32
      %add3A_1063 = arith.addi %mul3A_741, %add3A_1062 : i32
      %get3A_1064 = arith.index_cast %add3A_1063 : i32 to index
      %get3A_1065 = arith.constant 48 : index
      %get3A_1066 = tpu.vector_load %arg12[%get3A_1064, %get3A_1065] {strides = array<i32>} : memref<1400x64xf32, #tpu.memory_space<vmem>>, vector<16xf32>,
      %add3A_1067 = arith.addf %add3A_1043, %get3A_1066 : vector<16xf32>
      %add3A_1068 = arith.constant 14 : i32
      %add3A_1069 = arith.addi %mul3A_741, %add3A_1068 : i32
      %get3A_1070 = arith.index_cast %add3A_1069 : i32 to index
      %get3A_1071 = arith.constant 0 : index
      %get3A_1072 = tpu.vector_load %arg12[%get3A_1070, %get3A_1071] {strides = array<i32>} : memref<1400x64xf32, #tpu.memory_space<vmem>>, vector<16xf32>,
      %add3A_1073 = arith.addf %add3A_1049, %get3A_1072 : vector<16xf32>
      %add3A_1074 = arith.constant 14 : i32
      %add3A_1075 = arith.addi %mul3A_741, %add3A_1074 : i32
      %get3A_1076 = arith.index_cast %add3A_1075 : i32 to index
      %get3A_1077 = arith.constant 16 : index
      %get3A_1078 = tpu.vector_load %arg12[%get3A_1076, %get3A_1077] {strides = array<i32>} : memref<1400x64xf32, #tpu.memory_space<vmem>>, vector<16xf32>,
      %add3A_1079 = arith.addf %add3A_1055, %get3A_1078 : vector<16xf32>
      %add3A_1080 = arith.constant 14 : i32
      %add3A_1081 = arith.addi %mul3A_741, %add3A_1080 : i32
      %get3A_1082 = arith.index_cast %add3A_1081 : i32 to index
      %get3A_1083 = arith.constant 32 : index
      %get3A_1084 = tpu.vector_load %arg12[%get3A_1082, %get3A_1083] {strides = array<i32>} : memref<1400x64xf32, #tpu.memory_space<vmem>>, vector<16xf32>,
      %add3A_1085 = arith.addf %add3A_1061, %get3A_1084 : vector<16xf32>
      %add3A_1086 = arith.constant 14 : i32
      %add3A_1087 = arith.addi %mul3A_741, %add3A_1086 : i32
      %get3A_1088 = arith.index_cast %add3A_1087 : i32 to index
      %get3A_1089 = arith.constant 48 : index
      %get3A_1090 = tpu.vector_load %arg12[%get3A_1088, %get3A_1089] {strides = array<i32>} : memref<1400x64xf32, #tpu.memory_space<vmem>>, vector<16xf32>,
      %add3A_1091 = arith.addf %add3A_1067, %get3A_1090 : vector<16xf32>
      %add3A_1092 = arith.constant 15 : i32
      %add3A_1093 = arith.addi %mul3A_741, %add3A_1092 : i32
      %get3A_1094 = arith.index_cast %add3A_1093 : i32 to index
      %get3A_1095 = arith.constant 0 : index
      %get3A_1096 = tpu.vector_load %arg12[%get3A_1094, %get3A_1095] {strides = array<i32>} : memref<1400x64xf32, #tpu.memory_space<vmem>>, vector<16xf32>,
      %add3A_1097 = arith.addf %add3A_1073, %get3A_1096 : vector<16xf32>
      %add3A_1098 = arith.constant 15 : i32
      %add3A_1099 = arith.addi %mul3A_741, %add3A_1098 : i32
      %get3A_1100 = arith.index_cast %add3A_1099 : i32 to index
      %get3A_1101 = arith.constant 16 : index
      %get3A_1102 = tpu.vector_load %arg12[%get3A_1100, %get3A_1101] {strides = array<i32>} : memref<1400x64xf32, #tpu.memory_space<vmem>>, vector<16xf32>,
      %add3A_1103 = arith.addf %add3A_1079, %get3A_1102 : vector<16xf32>
      %add3A_1104 = arith.constant 15 : i32
      %add3A_1105 = arith.addi %mul3A_741, %add3A_1104 : i32
      %get3A_1106 = arith.index_cast %add3A_1105 : i32 to index
      %get3A_1107 = arith.constant 32 : index
      %get3A_1108 = tpu.vector_load %arg12[%get3A_1106, %get3A_1107] {strides = array<i32>} : memref<1400x64xf32, #tpu.memory_space<vmem>>, vector<16xf32>,
      %add3A_1109 = arith.addf %add3A_1085, %get3A_1108 : vector<16xf32>
      %add3A_1110 = arith.constant 15 : i32
      %add3A_1111 = arith.addi %mul3A_741, %add3A_1110 : i32
      %get3A_1112 = arith.index_cast %add3A_1111 : i32 to index
      %get3A_1113 = arith.constant 48 : index
      %get3A_1114 = tpu.vector_load %arg12[%get3A_1112, %get3A_1113] {strides = array<i32>} : memref<1400x64xf32, #tpu.memory_space<vmem>>, vector<16xf32>,
      %add3A_1115 = arith.addf %add3A_1091, %get3A_1114 : vector<16xf32>
      %add3A_1116 = arith.constant 16 : i32
      %add3A_1117 = arith.addi %mul3A_741, %add3A_1116 : i32
      %get3A_1118 = arith.index_cast %add3A_1117 : i32 to index
      %get3A_1119 = arith.constant 0 : index
      %get3A_1120 = tpu.vector_load %arg12[%get3A_1118, %get3A_1119] {strides = array<i32>} : memref<1400x64xf32, #tpu.memory_space<vmem>>, vector<16xf32>,
      %add3A_1121 = arith.addf %add3A_1097, %get3A_1120 : vector<16xf32>
      %add3A_1122 = arith.constant 16 : i32
      %add3A_1123 = arith.addi %mul3A_741, %add3A_1122 : i32
      %get3A_1124 = arith.index_cast %add3A_1123 : i32 to index
      %get3A_1125 = arith.constant 16 : index
      %get3A_1126 = tpu.vector_load %arg12[%get3A_1124, %get3A_1125] {strides = array<i32>} : memref<1400x64xf32, #tpu.memory_space<vmem>>, vector<16xf32>,
      %add3A_1127 = arith.addf %add3A_1103, %get3A_1126 : vector<16xf32>
      %add3A_1128 = arith.constant 16 : i32
      %add3A_1129 = arith.addi %mul3A_741, %add3A_1128 : i32
      %get3A_1130 = arith.index_cast %add3A_1129 : i32 to index
      %get3A_1131 = arith.constant 32 : index
      %get3A_1132 = tpu.vector_load %arg12[%get3A_1130, %get3A_1131] {strides = array<i32>} : memref<1400x64xf32, #tpu.memory_space<vmem>>, vector<16xf32>,
      %add3A_1133 = arith.addf %add3A_1109, %get3A_1132 : vector<16xf32>
      %add3A_1134 = arith.constant 16 : i32
      %add3A_1135 = arith.addi %mul3A_741, %add3A_1134 : i32
      %get3A_1136 = arith.index_cast %add3A_1135 : i32 to index
      %get3A_1137 = arith.constant 48 : index
      %get3A_1138 = tpu.vector_load %arg12[%get3A_1136, %get3A_1137] {strides = array<i32>} : memref<1400x64xf32, #tpu.memory_space<vmem>>, vector<16xf32>,
      %add3A_1139 = arith.addf %add3A_1115, %get3A_1138 : vector<16xf32>
      %add3A_1140 = arith.constant 17 : i32
      %add3A_1141 = arith.addi %mul3A_741, %add3A_1140 : i32
      %get3A_1142 = arith.index_cast %add3A_1141 : i32 to index
      %get3A_1143 = arith.constant 0 : index
      %get3A_1144 = tpu.vector_load %arg12[%get3A_1142, %get3A_1143] {strides = array<i32>} : memref<1400x64xf32, #tpu.memory_space<vmem>>, vector<16xf32>,
      %add3A_1145 = arith.addf %add3A_1121, %get3A_1144 : vector<16xf32>
      %add3A_1146 = arith.constant 17 : i32
      %add3A_1147 = arith.addi %mul3A_741, %add3A_1146 : i32
      %get3A_1148 = arith.index_cast %add3A_1147 : i32 to index
      %get3A_1149 = arith.constant 16 : index
      %get3A_1150 = tpu.vector_load %arg12[%get3A_1148, %get3A_1149] {strides = array<i32>} : memref<1400x64xf32, #tpu.memory_space<vmem>>, vector<16xf32>,
      %add3A_1151 = arith.addf %add3A_1127, %get3A_1150 : vector<16xf32>
      %add3A_1152 = arith.constant 17 : i32
      %add3A_1153 = arith.addi %mul3A_741, %add3A_1152 : i32
      %get3A_1154 = arith.index_cast %add3A_1153 : i32 to index
      %get3A_1155 = arith.constant 32 : index
      %get3A_1156 = tpu.vector_load %arg12[%get3A_1154, %get3A_1155] {strides = array<i32>} : memref<1400x64xf32, #tpu.memory_space<vmem>>, vector<16xf32>,
      %add3A_1157 = arith.addf %add3A_1133, %get3A_1156 : vector<16xf32>
      %add3A_1158 = arith.constant 17 : i32
      %add3A_1159 = arith.addi %mul3A_741, %add3A_1158 : i32
      %get3A_1160 = arith.index_cast %add3A_1159 : i32 to index
      %get3A_1161 = arith.constant 48 : index
      %get3A_1162 = tpu.vector_load %arg12[%get3A_1160, %get3A_1161] {strides = array<i32>} : memref<1400x64xf32, #tpu.memory_space<vmem>>, vector<16xf32>,
      %add3A_1163 = arith.addf %add3A_1139, %get3A_1162 : vector<16xf32>
      %add3A_1164 = arith.constant 18 : i32
      %add3A_1165 = arith.addi %mul3A_741, %add3A_1164 : i32
      %get3A_1166 = arith.index_cast %add3A_1165 : i32 to index
      %get3A_1167 = arith.constant 0 : index
      %get3A_1168 = tpu.vector_load %arg12[%get3A_1166, %get3A_1167] {strides = array<i32>} : memref<1400x64xf32, #tpu.memory_space<vmem>>, vector<16xf32>,
      %add3A_1169 = arith.addf %add3A_1145, %get3A_1168 : vector<16xf32>
      %add3A_1170 = arith.constant 18 : i32
      %add3A_1171 = arith.addi %mul3A_741, %add3A_1170 : i32
      %get3A_1172 = arith.index_cast %add3A_1171 : i32 to index
      %get3A_1173 = arith.constant 16 : index
      %get3A_1174 = tpu.vector_load %arg12[%get3A_1172, %get3A_1173] {strides = array<i32>} : memref<1400x64xf32, #tpu.memory_space<vmem>>, vector<16xf32>,
      %add3A_1175 = arith.addf %add3A_1151, %get3A_1174 : vector<16xf32>
      %add3A_1176 = arith.constant 18 : i32
      %add3A_1177 = arith.addi %mul3A_741, %add3A_1176 : i32
      %get3A_1178 = arith.index_cast %add3A_1177 : i32 to index
      %get3A_1179 = arith.constant 32 : index
      %get3A_1180 = tpu.vector_load %arg12[%get3A_1178, %get3A_1179] {strides = array<i32>} : memref<1400x64xf32, #tpu.memory_space<vmem>>, vector<16xf32>,
      %add3A_1181 = arith.addf %add3A_1157, %get3A_1180 : vector<16xf32>
      %add3A_1182 = arith.constant 18 : i32
      %add3A_1183 = arith.addi %mul3A_741, %add3A_1182 : i32
      %get3A_1184 = arith.index_cast %add3A_1183 : i32 to index
      %get3A_1185 = arith.constant 48 : index
      %get3A_1186 = tpu.vector_load %arg12[%get3A_1184, %get3A_1185] {strides = array<i32>} : memref<1400x64xf32, #tpu.memory_space<vmem>>, vector<16xf32>,
      %add3A_1187 = arith.addf %add3A_1163, %get3A_1186 : vector<16xf32>
      %add3A_1188 = arith.constant 19 : i32
      %add3A_1189 = arith.addi %mul3A_741, %add3A_1188 : i32
      %get3A_1190 = arith.index_cast %add3A_1189 : i32 to index
      %get3A_1191 = arith.constant 0 : index
      %get3A_1192 = tpu.vector_load %arg12[%get3A_1190, %get3A_1191] {strides = array<i32>} : memref<1400x64xf32, #tpu.memory_space<vmem>>, vector<16xf32>,
      %add3A_1193 = arith.addf %add3A_1169, %get3A_1192 : vector<16xf32>
      %add3A_1194 = arith.constant 19 : i32
      %add3A_1195 = arith.addi %mul3A_741, %add3A_1194 : i32
      %get3A_1196 = arith.index_cast %add3A_1195 : i32 to index
      %get3A_1197 = arith.constant 16 : index
      %get3A_1198 = tpu.vector_load %arg12[%get3A_1196, %get3A_1197] {strides = array<i32>} : memref<1400x64xf32, #tpu.memory_space<vmem>>, vector<16xf32>,
      %add3A_1199 = arith.addf %add3A_1175, %get3A_1198 : vector<16xf32>
      %add3A_1200 = arith.constant 19 : i32
      %add3A_1201 = arith.addi %mul3A_741, %add3A_1200 : i32
      %get3A_1202 = arith.index_cast %add3A_1201 : i32 to index
      %get3A_1203 = arith.constant 32 : index
      %get3A_1204 = tpu.vector_load %arg12[%get3A_1202, %get3A_1203] {strides = array<i32>} : memref<1400x64xf32, #tpu.memory_space<vmem>>, vector<16xf32>,
      %add3A_1205 = arith.addf %add3A_1181, %get3A_1204 : vector<16xf32>
      %add3A_1206 = arith.constant 19 : i32
      %add3A_1207 = arith.addi %mul3A_741, %add3A_1206 : i32
      %get3A_1208 = arith.index_cast %add3A_1207 : i32 to index
      %get3A_1209 = arith.constant 48 : index
      %get3A_1210 = tpu.vector_load %arg12[%get3A_1208, %get3A_1209] {strides = array<i32>} : memref<1400x64xf32, #tpu.memory_space<vmem>>, vector<16xf32>,
      %add3A_1211 = arith.addf %add3A_1187, %get3A_1210 : vector<16xf32>
      tpu.vector_store_idx %arg13[%add3A_550, %broadcast_in_dim3A_744], %add3A_1193 : memref<64x35xf32, #tpu.memory_space<vmem>>[vector<16xi32>, vector<16xi32>], vector<16xf32>,
      tpu.vector_store_idx %arg13[%add3A_554, %broadcast_in_dim3A_744], %add3A_1199 : memref<64x35xf32, #tpu.memory_space<vmem>>[vector<16xi32>, vector<16xi32>], vector<16xf32>,
      tpu.vector_store_idx %arg13[%add3A_558, %broadcast_in_dim3A_744], %add3A_1205 : memref<64x35xf32, #tpu.memory_space<vmem>>[vector<16xi32>, vector<16xi32>], vector<16xf32>,
      tpu.vector_store_idx %arg13[%add3A_562, %broadcast_in_dim3A_744], %add3A_1211 : memref<64x35xf32, #tpu.memory_space<vmem>>[vector<16xi32>, vector<16xi32>], vector<16xf32>,
      %sub3A_1212 = arith.constant 1 : i32
      %sub3A_1213 = arith.subi %scan3A_739, %sub3A_1212 : i32
      %sub3A_1214 = arith.constant 0 : i32
      %sub3A_1215 = arith.subi %sub3A_1213, %sub3A_1214 : i32
      %ge3A_1216 = arith.constant 0 : i32
      %ge3A_1217 = arith.cmpi sge, %sub3A_1215, %ge3A_1216 : i32
      %lt3A_1218 = arith.constant 32 : i32
      %lt3A_1219 = arith.cmpi slt, %sub3A_1215, %lt3A_1218 : i32
      %and3A = arith.andi %ge3A_1217, %lt3A_1219 : i1
      %jit3A_1220 = arith.constant 33 : i32
      %select_n3A_1221 = arith.select %and3A, %sub3A_1215, %jit3A_1220 : i32
      %broadcast_in_dim3A_1222 = arith.constant 0 : i32
      %broadcast_in_dim3A_1223 = vector.broadcast %broadcast_in_dim3A_1222 : i32 to vector<16xi32>
      %broadcast_in_dim3A_1224 = vector.broadcast %select_n3A_1221 : i32 to vector<16xi32>
      tpu.vector_store_idx %arg15[%broadcast_in_dim3A_1223, %add3A_550, %broadcast_in_dim3A_1224], %add3A_1193 : memref<3x64x35xf32, #tpu.memory_space<vmem>>[vector<16xi32>, vector<16xi32>, vector<16xi32>], vector<16xf32>,
      tpu.vector_store_idx %arg15[%broadcast_in_dim3A_1223, %add3A_554, %broadcast_in_dim3A_1224], %add3A_1199 : memref<3x64x35xf32, #tpu.memory_space<vmem>>[vector<16xi32>, vector<16xi32>, vector<16xi32>], vector<16xf32>,
      tpu.vector_store_idx %arg15[%broadcast_in_dim3A_1223, %add3A_558, %broadcast_in_dim3A_1224], %add3A_1205 : memref<3x64x35xf32, #tpu.memory_space<vmem>>[vector<16xi32>, vector<16xi32>, vector<16xi32>], vector<16xf32>,
      tpu.vector_store_idx %arg15[%broadcast_in_dim3A_1223, %add3A_562, %broadcast_in_dim3A_1224], %add3A_1211 : memref<3x64x35xf32, #tpu.memory_space<vmem>>[vector<16xi32>, vector<16xi32>, vector<16xi32>], vector<16xf32>,
      %sub3A_1225 = arith.constant 1 : i32
      %sub3A_1226 = arith.subi %scan3A_739, %sub3A_1225 : i32
      %sub3A_1227 = arith.constant 1 : i32
      %sub3A_1228 = arith.subi %sub3A_1226, %sub3A_1227 : i32
      %ge3A_1229 = arith.constant 0 : i32
      %ge3A_1230 = arith.cmpi sge, %sub3A_1228, %ge3A_1229 : i32
      %lt3A_1231 = arith.constant 32 : i32
      %lt3A_1232 = arith.cmpi slt, %sub3A_1228, %lt3A_1231 : i32
      %and3A_1233 = arith.andi %ge3A_1230, %lt3A_1232 : i1
      %jit3A_1234 = arith.constant 33 : i32
      %select_n3A_1235 = arith.select %and3A_1233, %sub3A_1228, %jit3A_1234 : i32
      %broadcast_in_dim3A_1236 = arith.constant 1 : i32
      %broadcast_in_dim3A_1237 = vector.broadcast %broadcast_in_dim3A_1236 : i32 to vector<16xi32>
      %broadcast_in_dim3A_1238 = vector.broadcast %select_n3A_1235 : i32 to vector<16xi32>
      tpu.vector_store_idx %arg15[%broadcast_in_dim3A_1237, %add3A_550, %broadcast_in_dim3A_1238], %add3A_1193 : memref<3x64x35xf32, #tpu.memory_space<vmem>>[vector<16xi32>, vector<16xi32>, vector<16xi32>], vector<16xf32>,
      tpu.vector_store_idx %arg15[%broadcast_in_dim3A_1237, %add3A_554, %broadcast_in_dim3A_1238], %add3A_1199 : memref<3x64x35xf32, #tpu.memory_space<vmem>>[vector<16xi32>, vector<16xi32>, vector<16xi32>], vector<16xf32>,
      tpu.vector_store_idx %arg15[%broadcast_in_dim3A_1237, %add3A_558, %broadcast_in_dim3A_1238], %add3A_1205 : memref<3x64x35xf32, #tpu.memory_space<vmem>>[vector<16xi32>, vector<16xi32>, vector<16xi32>], vector<16xf32>,
      tpu.vector_store_idx %arg15[%broadcast_in_dim3A_1237, %add3A_562, %broadcast_in_dim3A_1238], %add3A_1211 : memref<3x64x35xf32, #tpu.memory_space<vmem>>[vector<16xi32>, vector<16xi32>, vector<16xi32>], vector<16xf32>,
      %sub3A_1239 = arith.constant 1 : i32
      %sub3A_1240 = arith.subi %scan3A_739, %sub3A_1239 : i32
      %sub3A_1241 = arith.constant 2 : i32
      %sub3A_1242 = arith.subi %sub3A_1240, %sub3A_1241 : i32
      %ge3A_1243 = arith.constant 0 : i32
      %ge3A_1244 = arith.cmpi sge, %sub3A_1242, %ge3A_1243 : i32
      %lt3A_1245 = arith.constant 32 : i32
      %lt3A_1246 = arith.cmpi slt, %sub3A_1242, %lt3A_1245 : i32
      %and3A_1247 = arith.andi %ge3A_1244, %lt3A_1246 : i1
      %jit3A_1248 = arith.constant 33 : i32
      %select_n3A_1249 = arith.select %and3A_1247, %sub3A_1242, %jit3A_1248 : i32
      %broadcast_in_dim3A_1250 = arith.constant 2 : i32
      %broadcast_in_dim3A_1251 = vector.broadcast %broadcast_in_dim3A_1250 : i32 to vector<16xi32>
      %broadcast_in_dim3A_1252 = vector.broadcast %select_n3A_1249 : i32 to vector<16xi32>
      tpu.vector_store_idx %arg15[%broadcast_in_dim3A_1251, %add3A_550, %broadcast_in_dim3A_1252], %add3A_1193 : memref<3x64x35xf32, #tpu.memory_space<vmem>>[vector<16xi32>, vector<16xi32>, vector<16xi32>], vector<16xf32>,
      tpu.vector_store_idx %arg15[%broadcast_in_dim3A_1251, %add3A_554, %broadcast_in_dim3A_1252], %add3A_1199 : memref<3x64x35xf32, #tpu.memory_space<vmem>>[vector<16xi32>, vector<16xi32>, vector<16xi32>], vector<16xf32>,
      tpu.vector_store_idx %arg15[%broadcast_in_dim3A_1251, %add3A_558, %broadcast_in_dim3A_1252], %add3A_1205 : memref<3x64x35xf32, #tpu.memory_space<vmem>>[vector<16xi32>, vector<16xi32>, vector<16xi32>], vector<16xf32>,
      tpu.vector_store_idx %arg15[%broadcast_in_dim3A_1251, %add3A_562, %broadcast_in_dim3A_1252], %add3A_1211 : memref<3x64x35xf32, #tpu.memory_space<vmem>>[vector<16xi32>, vector<16xi32>, vector<16xi32>], vector<16xf32>,
      %add3A_1253 = arith.constant 20 : i32
      %add3A_1254 = arith.addi %mul3A_741, %add3A_1253 : i32
      %get3A_1255 = arith.index_cast %add3A_1254 : i32 to index
      %get3A_1256 = arith.constant 0 : index
      %get3A_1257 = tpu.vector_load %arg12[%get3A_1255, %get3A_1256] {strides = array<i32>} : memref<1400x64xf32, #tpu.memory_space<vmem>>, vector<16xf32>,
      %add3A_1258 = arith.constant 20 : i32
      %add3A_1259 = arith.addi %mul3A_741, %add3A_1258 : i32
      %get3A_1260 = arith.index_cast %add3A_1259 : i32 to index
      %get3A_1261 = arith.constant 16 : index
      %get3A_1262 = tpu.vector_load %arg12[%get3A_1260, %get3A_1261] {strides = array<i32>} : memref<1400x64xf32, #tpu.memory_space<vmem>>, vector<16xf32>,
      %add3A_1263 = arith.constant 20 : i32
      %add3A_1264 = arith.addi %mul3A_741, %add3A_1263 : i32
      %get3A_1265 = arith.index_cast %add3A_1264 : i32 to index
      %get3A_1266 = arith.constant 32 : index
      %get3A_1267 = tpu.vector_load %arg12[%get3A_1265, %get3A_1266] {strides = array<i32>} : memref<1400x64xf32, #tpu.memory_space<vmem>>, vector<16xf32>,
      %add3A_1268 = arith.constant 20 : i32
      %add3A_1269 = arith.addi %mul3A_741, %add3A_1268 : i32
      %get3A_1270 = arith.index_cast %add3A_1269 : i32 to index
      %get3A_1271 = arith.constant 48 : index
      %get3A_1272 = tpu.vector_load %arg12[%get3A_1270, %get3A_1271] {strides = array<i32>} : memref<1400x64xf32, #tpu.memory_space<vmem>>, vector<16xf32>,
      %add3A_1273 = arith.constant 20 : i32
      %add3A_1274 = arith.addi %mul3A_741, %add3A_1273 : i32
      %add3A_1275 = arith.constant 1 : i32
      %add3A_1276 = arith.addi %add3A_1274, %add3A_1275 : i32
      %get3A_1277 = arith.index_cast %add3A_1276 : i32 to index
      %get3A_1278 = arith.constant 0 : index
      %get3A_1279 = tpu.vector_load %arg12[%get3A_1277, %get3A_1278] {strides = array<i32>} : memref<1400x64xf32, #tpu.memory_space<vmem>>, vector<16xf32>,
      %add3A_1280 = arith.addf %get3A_1257, %get3A_1279 : vector<16xf32>
      %add3A_1281 = arith.constant 20 : i32
      %add3A_1282 = arith.addi %mul3A_741, %add3A_1281 : i32
      %add3A_1283 = arith.constant 1 : i32
      %add3A_1284 = arith.addi %add3A_1282, %add3A_1283 : i32
      %get3A_1285 = arith.index_cast %add3A_1284 : i32 to index
      %get3A_1286 = arith.constant 16 : index
      %get3A_1287 = tpu.vector_load %arg12[%get3A_1285, %get3A_1286] {strides = array<i32>} : memref<1400x64xf32, #tpu.memory_space<vmem>>, vector<16xf32>,
      %add3A_1288 = arith.addf %get3A_1262, %get3A_1287 : vector<16xf32>
      %add3A_1289 = arith.constant 20 : i32
      %add3A_1290 = arith.addi %mul3A_741, %add3A_1289 : i32
      %add3A_1291 = arith.constant 1 : i32
      %add3A_1292 = arith.addi %add3A_1290, %add3A_1291 : i32
      %get3A_1293 = arith.index_cast %add3A_1292 : i32 to index
      %get3A_1294 = arith.constant 32 : index
      %get3A_1295 = tpu.vector_load %arg12[%get3A_1293, %get3A_1294] {strides = array<i32>} : memref<1400x64xf32, #tpu.memory_space<vmem>>, vector<16xf32>,
      %add3A_1296 = arith.addf %get3A_1267, %get3A_1295 : vector<16xf32>
      %add3A_1297 = arith.constant 20 : i32
      %add3A_1298 = arith.addi %mul3A_741, %add3A_1297 : i32
      %add3A_1299 = arith.constant 1 : i32
      %add3A_1300 = arith.addi %add3A_1298, %add3A_1299 : i32
      %get3A_1301 = arith.index_cast %add3A_1300 : i32 to index
      %get3A_1302 = arith.constant 48 : index
      %get3A_1303 = tpu.vector_load %arg12[%get3A_1301, %get3A_1302] {strides = array<i32>} : memref<1400x64xf32, #tpu.memory_space<vmem>>, vector<16xf32>,
      %add3A_1304 = arith.addf %get3A_1272, %get3A_1303 : vector<16xf32>
      %add3A_1305 = arith.constant 20 : i32
      %add3A_1306 = arith.addi %mul3A_741, %add3A_1305 : i32
      %add3A_1307 = arith.constant 2 : i32
      %add3A_1308 = arith.addi %add3A_1306, %add3A_1307 : i32
      %get3A_1309 = arith.index_cast %add3A_1308 : i32 to index
      %get3A_1310 = arith.constant 0 : index
      %get3A_1311 = tpu.vector_load %arg12[%get3A_1309, %get3A_1310] {strides = array<i32>} : memref<1400x64xf32, #tpu.memory_space<vmem>>, vector<16xf32>,
      %add3A_1312 = arith.addf %add3A_1280, %get3A_1311 : vector<16xf32>
      %add3A_1313 = arith.constant 20 : i32
      %add3A_1314 = arith.addi %mul3A_741, %add3A_1313 : i32
      %add3A_1315 = arith.constant 2 : i32
      %add3A_1316 = arith.addi %add3A_1314, %add3A_1315 : i32
      %get3A_1317 = arith.index_cast %add3A_1316 : i32 to index
      %get3A_1318 = arith.constant 16 : index
      %get3A_1319 = tpu.vector_load %arg12[%get3A_1317, %get3A_1318] {strides = array<i32>} : memref<1400x64xf32, #tpu.memory_space<vmem>>, vector<16xf32>,
      %add3A_1320 = arith.addf %add3A_1288, %get3A_1319 : vector<16xf32>
      %add3A_1321 = arith.constant 20 : i32
      %add3A_1322 = arith.addi %mul3A_741, %add3A_1321 : i32
      %add3A_1323 = arith.constant 2 : i32
      %add3A_1324 = arith.addi %add3A_1322, %add3A_1323 : i32
      %get3A_1325 = arith.index_cast %add3A_1324 : i32 to index
      %get3A_1326 = arith.constant 32 : index
      %get3A_1327 = tpu.vector_load %arg12[%get3A_1325, %get3A_1326] {strides = array<i32>} : memref<1400x64xf32, #tpu.memory_space<vmem>>, vector<16xf32>,
      %add3A_1328 = arith.addf %add3A_1296, %get3A_1327 : vector<16xf32>
      %add3A_1329 = arith.constant 20 : i32
      %add3A_1330 = arith.addi %mul3A_741, %add3A_1329 : i32
      %add3A_1331 = arith.constant 2 : i32
      %add3A_1332 = arith.addi %add3A_1330, %add3A_1331 : i32
      %get3A_1333 = arith.index_cast %add3A_1332 : i32 to index
      %get3A_1334 = arith.constant 48 : index
      %get3A_1335 = tpu.vector_load %arg12[%get3A_1333, %get3A_1334] {strides = array<i32>} : memref<1400x64xf32, #tpu.memory_space<vmem>>, vector<16xf32>,
      %add3A_1336 = arith.addf %add3A_1304, %get3A_1335 : vector<16xf32>
      %add3A_1337 = arith.constant 20 : i32
      %add3A_1338 = arith.addi %mul3A_741, %add3A_1337 : i32
      %add3A_1339 = arith.constant 3 : i32
      %add3A_1340 = arith.addi %add3A_1338, %add3A_1339 : i32
      %get3A_1341 = arith.index_cast %add3A_1340 : i32 to index
      %get3A_1342 = arith.constant 0 : index
      %get3A_1343 = tpu.vector_load %arg12[%get3A_1341, %get3A_1342] {strides = array<i32>} : memref<1400x64xf32, #tpu.memory_space<vmem>>, vector<16xf32>,
      %add3A_1344 = arith.addf %add3A_1312, %get3A_1343 : vector<16xf32>
      %add3A_1345 = arith.constant 20 : i32
      %add3A_1346 = arith.addi %mul3A_741, %add3A_1345 : i32
      %add3A_1347 = arith.constant 3 : i32
      %add3A_1348 = arith.addi %add3A_1346, %add3A_1347 : i32
      %get3A_1349 = arith.index_cast %add3A_1348 : i32 to index
      %get3A_1350 = arith.constant 16 : index
      %get3A_1351 = tpu.vector_load %arg12[%get3A_1349, %get3A_1350] {strides = array<i32>} : memref<1400x64xf32, #tpu.memory_space<vmem>>, vector<16xf32>,
      %add3A_1352 = arith.addf %add3A_1320, %get3A_1351 : vector<16xf32>
      %add3A_1353 = arith.constant 20 : i32
      %add3A_1354 = arith.addi %mul3A_741, %add3A_1353 : i32
      %add3A_1355 = arith.constant 3 : i32
      %add3A_1356 = arith.addi %add3A_1354, %add3A_1355 : i32
      %get3A_1357 = arith.index_cast %add3A_1356 : i32 to index
      %get3A_1358 = arith.constant 32 : index
      %get3A_1359 = tpu.vector_load %arg12[%get3A_1357, %get3A_1358] {strides = array<i32>} : memref<1400x64xf32, #tpu.memory_space<vmem>>, vector<16xf32>,
      %add3A_1360 = arith.addf %add3A_1328, %get3A_1359 : vector<16xf32>
      %add3A_1361 = arith.constant 20 : i32
      %add3A_1362 = arith.addi %mul3A_741, %add3A_1361 : i32
      %add3A_1363 = arith.constant 3 : i32
      %add3A_1364 = arith.addi %add3A_1362, %add3A_1363 : i32
      %get3A_1365 = arith.index_cast %add3A_1364 : i32 to index
      %get3A_1366 = arith.constant 48 : index
      %get3A_1367 = tpu.vector_load %arg12[%get3A_1365, %get3A_1366] {strides = array<i32>} : memref<1400x64xf32, #tpu.memory_space<vmem>>, vector<16xf32>,
      %add3A_1368 = arith.addf %add3A_1336, %get3A_1367 : vector<16xf32>
      %add3A_1369 = arith.constant 20 : i32
      %add3A_1370 = arith.addi %mul3A_741, %add3A_1369 : i32
      %add3A_1371 = arith.constant 4 : i32
      %add3A_1372 = arith.addi %add3A_1370, %add3A_1371 : i32
      %get3A_1373 = arith.index_cast %add3A_1372 : i32 to index
      %get3A_1374 = arith.constant 0 : index
      %get3A_1375 = tpu.vector_load %arg12[%get3A_1373, %get3A_1374] {strides = array<i32>} : memref<1400x64xf32, #tpu.memory_space<vmem>>, vector<16xf32>,
      %add3A_1376 = arith.addf %add3A_1344, %get3A_1375 : vector<16xf32>
      %add3A_1377 = arith.constant 20 : i32
      %add3A_1378 = arith.addi %mul3A_741, %add3A_1377 : i32
      %add3A_1379 = arith.constant 4 : i32
      %add3A_1380 = arith.addi %add3A_1378, %add3A_1379 : i32
      %get3A_1381 = arith.index_cast %add3A_1380 : i32 to index
      %get3A_1382 = arith.constant 16 : index
      %get3A_1383 = tpu.vector_load %arg12[%get3A_1381, %get3A_1382] {strides = array<i32>} : memref<1400x64xf32, #tpu.memory_space<vmem>>, vector<16xf32>,
      %add3A_1384 = arith.addf %add3A_1352, %get3A_1383 : vector<16xf32>
      %add3A_1385 = arith.constant 20 : i32
      %add3A_1386 = arith.addi %mul3A_741, %add3A_1385 : i32
      %add3A_1387 = arith.constant 4 : i32
      %add3A_1388 = arith.addi %add3A_1386, %add3A_1387 : i32
      %get3A_1389 = arith.index_cast %add3A_1388 : i32 to index
      %get3A_1390 = arith.constant 32 : index
      %get3A_1391 = tpu.vector_load %arg12[%get3A_1389, %get3A_1390] {strides = array<i32>} : memref<1400x64xf32, #tpu.memory_space<vmem>>, vector<16xf32>,
      %add3A_1392 = arith.addf %add3A_1360, %get3A_1391 : vector<16xf32>
      %add3A_1393 = arith.constant 20 : i32
      %add3A_1394 = arith.addi %mul3A_741, %add3A_1393 : i32
      %add3A_1395 = arith.constant 4 : i32
      %add3A_1396 = arith.addi %add3A_1394, %add3A_1395 : i32
      %get3A_1397 = arith.index_cast %add3A_1396 : i32 to index
      %get3A_1398 = arith.constant 48 : index
      %get3A_1399 = tpu.vector_load %arg12[%get3A_1397, %get3A_1398] {strides = array<i32>} : memref<1400x64xf32, #tpu.memory_space<vmem>>, vector<16xf32>,
      %add3A_1400 = arith.addf %add3A_1368, %get3A_1399 : vector<16xf32>
      %add3A_1401 = arith.constant 20 : i32
      %add3A_1402 = arith.addi %mul3A_741, %add3A_1401 : i32
      %add3A_1403 = arith.constant 5 : i32
      %add3A_1404 = arith.addi %add3A_1402, %add3A_1403 : i32
      %get3A_1405 = arith.index_cast %add3A_1404 : i32 to index
      %get3A_1406 = arith.constant 0 : index
      %get3A_1407 = tpu.vector_load %arg12[%get3A_1405, %get3A_1406] {strides = array<i32>} : memref<1400x64xf32, #tpu.memory_space<vmem>>, vector<16xf32>,
      %add3A_1408 = arith.addf %add3A_1376, %get3A_1407 : vector<16xf32>
      %add3A_1409 = arith.constant 20 : i32
      %add3A_1410 = arith.addi %mul3A_741, %add3A_1409 : i32
      %add3A_1411 = arith.constant 5 : i32
      %add3A_1412 = arith.addi %add3A_1410, %add3A_1411 : i32
      %get3A_1413 = arith.index_cast %add3A_1412 : i32 to index
      %get3A_1414 = arith.constant 16 : index
      %get3A_1415 = tpu.vector_load %arg12[%get3A_1413, %get3A_1414] {strides = array<i32>} : memref<1400x64xf32, #tpu.memory_space<vmem>>, vector<16xf32>,
      %add3A_1416 = arith.addf %add3A_1384, %get3A_1415 : vector<16xf32>
      %add3A_1417 = arith.constant 20 : i32
      %add3A_1418 = arith.addi %mul3A_741, %add3A_1417 : i32
      %add3A_1419 = arith.constant 5 : i32
      %add3A_1420 = arith.addi %add3A_1418, %add3A_1419 : i32
      %get3A_1421 = arith.index_cast %add3A_1420 : i32 to index
      %get3A_1422 = arith.constant 32 : index
      %get3A_1423 = tpu.vector_load %arg12[%get3A_1421, %get3A_1422] {strides = array<i32>} : memref<1400x64xf32, #tpu.memory_space<vmem>>, vector<16xf32>,
      %add3A_1424 = arith.addf %add3A_1392, %get3A_1423 : vector<16xf32>
      %add3A_1425 = arith.constant 20 : i32
      %add3A_1426 = arith.addi %mul3A_741, %add3A_1425 : i32
      %add3A_1427 = arith.constant 5 : i32
      %add3A_1428 = arith.addi %add3A_1426, %add3A_1427 : i32
      %get3A_1429 = arith.index_cast %add3A_1428 : i32 to index
      %get3A_1430 = arith.constant 48 : index
      %get3A_1431 = tpu.vector_load %arg12[%get3A_1429, %get3A_1430] {strides = array<i32>} : memref<1400x64xf32, #tpu.memory_space<vmem>>, vector<16xf32>,
      %add3A_1432 = arith.addf %add3A_1400, %get3A_1431 : vector<16xf32>
      %add3A_1433 = arith.constant 20 : i32
      %add3A_1434 = arith.addi %mul3A_741, %add3A_1433 : i32
      %add3A_1435 = arith.constant 6 : i32
      %add3A_1436 = arith.addi %add3A_1434, %add3A_1435 : i32
      %get3A_1437 = arith.index_cast %add3A_1436 : i32 to index
      %get3A_1438 = arith.constant 0 : index
      %get3A_1439 = tpu.vector_load %arg12[%get3A_1437, %get3A_1438] {strides = array<i32>} : memref<1400x64xf32, #tpu.memory_space<vmem>>, vector<16xf32>,
      %add3A_1440 = arith.addf %add3A_1408, %get3A_1439 : vector<16xf32>
      %add3A_1441 = arith.constant 20 : i32
      %add3A_1442 = arith.addi %mul3A_741, %add3A_1441 : i32
      %add3A_1443 = arith.constant 6 : i32
      %add3A_1444 = arith.addi %add3A_1442, %add3A_1443 : i32
      %get3A_1445 = arith.index_cast %add3A_1444 : i32 to index
      %get3A_1446 = arith.constant 16 : index
      %get3A_1447 = tpu.vector_load %arg12[%get3A_1445, %get3A_1446] {strides = array<i32>} : memref<1400x64xf32, #tpu.memory_space<vmem>>, vector<16xf32>,
      %add3A_1448 = arith.addf %add3A_1416, %get3A_1447 : vector<16xf32>
      %add3A_1449 = arith.constant 20 : i32
      %add3A_1450 = arith.addi %mul3A_741, %add3A_1449 : i32
      %add3A_1451 = arith.constant 6 : i32
      %add3A_1452 = arith.addi %add3A_1450, %add3A_1451 : i32
      %get3A_1453 = arith.index_cast %add3A_1452 : i32 to index
      %get3A_1454 = arith.constant 32 : index
      %get3A_1455 = tpu.vector_load %arg12[%get3A_1453, %get3A_1454] {strides = array<i32>} : memref<1400x64xf32, #tpu.memory_space<vmem>>, vector<16xf32>,
      %add3A_1456 = arith.addf %add3A_1424, %get3A_1455 : vector<16xf32>
      %add3A_1457 = arith.constant 20 : i32
      %add3A_1458 = arith.addi %mul3A_741, %add3A_1457 : i32
      %add3A_1459 = arith.constant 6 : i32
      %add3A_1460 = arith.addi %add3A_1458, %add3A_1459 : i32
      %get3A_1461 = arith.index_cast %add3A_1460 : i32 to index
      %get3A_1462 = arith.constant 48 : index
      %get3A_1463 = tpu.vector_load %arg12[%get3A_1461, %get3A_1462] {strides = array<i32>} : memref<1400x64xf32, #tpu.memory_space<vmem>>, vector<16xf32>,
      %add3A_1464 = arith.addf %add3A_1432, %get3A_1463 : vector<16xf32>
      %add3A_1465 = arith.constant 20 : i32
      %add3A_1466 = arith.addi %mul3A_741, %add3A_1465 : i32
      %add3A_1467 = arith.constant 7 : i32
      %add3A_1468 = arith.addi %add3A_1466, %add3A_1467 : i32
      %get3A_1469 = arith.index_cast %add3A_1468 : i32 to index
      %get3A_1470 = arith.constant 0 : index
      %get3A_1471 = tpu.vector_load %arg12[%get3A_1469, %get3A_1470] {strides = array<i32>} : memref<1400x64xf32, #tpu.memory_space<vmem>>, vector<16xf32>,
      %add3A_1472 = arith.addf %add3A_1440, %get3A_1471 : vector<16xf32>
      %add3A_1473 = arith.constant 20 : i32
      %add3A_1474 = arith.addi %mul3A_741, %add3A_1473 : i32
      %add3A_1475 = arith.constant 7 : i32
      %add3A_1476 = arith.addi %add3A_1474, %add3A_1475 : i32
      %get3A_1477 = arith.index_cast %add3A_1476 : i32 to index
      %get3A_1478 = arith.constant 16 : index
      %get3A_1479 = tpu.vector_load %arg12[%get3A_1477, %get3A_1478] {strides = array<i32>} : memref<1400x64xf32, #tpu.memory_space<vmem>>, vector<16xf32>,
      %add3A_1480 = arith.addf %add3A_1448, %get3A_1479 : vector<16xf32>
      %add3A_1481 = arith.constant 20 : i32
      %add3A_1482 = arith.addi %mul3A_741, %add3A_1481 : i32
      %add3A_1483 = arith.constant 7 : i32
      %add3A_1484 = arith.addi %add3A_1482, %add3A_1483 : i32
      %get3A_1485 = arith.index_cast %add3A_1484 : i32 to index
      %get3A_1486 = arith.constant 32 : index
      %get3A_1487 = tpu.vector_load %arg12[%get3A_1485, %get3A_1486] {strides = array<i32>} : memref<1400x64xf32, #tpu.memory_space<vmem>>, vector<16xf32>,
      %add3A_1488 = arith.addf %add3A_1456, %get3A_1487 : vector<16xf32>
      %add3A_1489 = arith.constant 20 : i32
      %add3A_1490 = arith.addi %mul3A_741, %add3A_1489 : i32
      %add3A_1491 = arith.constant 7 : i32
      %add3A_1492 = arith.addi %add3A_1490, %add3A_1491 : i32
      %get3A_1493 = arith.index_cast %add3A_1492 : i32 to index
      %get3A_1494 = arith.constant 48 : index
      %get3A_1495 = tpu.vector_load %arg12[%get3A_1493, %get3A_1494] {strides = array<i32>} : memref<1400x64xf32, #tpu.memory_space<vmem>>, vector<16xf32>,
      %add3A_1496 = arith.addf %add3A_1464, %get3A_1495 : vector<16xf32>
      %add3A_1497 = arith.constant 20 : i32
      %add3A_1498 = arith.addi %mul3A_741, %add3A_1497 : i32
      %add3A_1499 = arith.constant 8 : i32
      %add3A_1500 = arith.addi %add3A_1498, %add3A_1499 : i32
      %get3A_1501 = arith.index_cast %add3A_1500 : i32 to index
      %get3A_1502 = arith.constant 0 : index
      %get3A_1503 = tpu.vector_load %arg12[%get3A_1501, %get3A_1502] {strides = array<i32>} : memref<1400x64xf32, #tpu.memory_space<vmem>>, vector<16xf32>,
      %add3A_1504 = arith.addf %add3A_1472, %get3A_1503 : vector<16xf32>
      %add3A_1505 = arith.constant 20 : i32
      %add3A_1506 = arith.addi %mul3A_741, %add3A_1505 : i32
      %add3A_1507 = arith.constant 8 : i32
      %add3A_1508 = arith.addi %add3A_1506, %add3A_1507 : i32
      %get3A_1509 = arith.index_cast %add3A_1508 : i32 to index
      %get3A_1510 = arith.constant 16 : index
      %get3A_1511 = tpu.vector_load %arg12[%get3A_1509, %get3A_1510] {strides = array<i32>} : memref<1400x64xf32, #tpu.memory_space<vmem>>, vector<16xf32>,
      %add3A_1512 = arith.addf %add3A_1480, %get3A_1511 : vector<16xf32>
      %add3A_1513 = arith.constant 20 : i32
      %add3A_1514 = arith.addi %mul3A_741, %add3A_1513 : i32
      %add3A_1515 = arith.constant 8 : i32
      %add3A_1516 = arith.addi %add3A_1514, %add3A_1515 : i32
      %get3A_1517 = arith.index_cast %add3A_1516 : i32 to index
      %get3A_1518 = arith.constant 32 : index
      %get3A_1519 = tpu.vector_load %arg12[%get3A_1517, %get3A_1518] {strides = array<i32>} : memref<1400x64xf32, #tpu.memory_space<vmem>>, vector<16xf32>,
      %add3A_1520 = arith.addf %add3A_1488, %get3A_1519 : vector<16xf32>
      %add3A_1521 = arith.constant 20 : i32
      %add3A_1522 = arith.addi %mul3A_741, %add3A_1521 : i32
      %add3A_1523 = arith.constant 8 : i32
      %add3A_1524 = arith.addi %add3A_1522, %add3A_1523 : i32
      %get3A_1525 = arith.index_cast %add3A_1524 : i32 to index
      %get3A_1526 = arith.constant 48 : index
      %get3A_1527 = tpu.vector_load %arg12[%get3A_1525, %get3A_1526] {strides = array<i32>} : memref<1400x64xf32, #tpu.memory_space<vmem>>, vector<16xf32>,
      %add3A_1528 = arith.addf %add3A_1496, %get3A_1527 : vector<16xf32>
      %add3A_1529 = arith.constant 20 : i32
      %add3A_1530 = arith.addi %mul3A_741, %add3A_1529 : i32
      %add3A_1531 = arith.constant 9 : i32
      %add3A_1532 = arith.addi %add3A_1530, %add3A_1531 : i32
      %get3A_1533 = arith.index_cast %add3A_1532 : i32 to index
      %get3A_1534 = arith.constant 0 : index
      %get3A_1535 = tpu.vector_load %arg12[%get3A_1533, %get3A_1534] {strides = array<i32>} : memref<1400x64xf32, #tpu.memory_space<vmem>>, vector<16xf32>,
      %add3A_1536 = arith.addf %add3A_1504, %get3A_1535 : vector<16xf32>
      %add3A_1537 = arith.constant 20 : i32
      %add3A_1538 = arith.addi %mul3A_741, %add3A_1537 : i32
      %add3A_1539 = arith.constant 9 : i32
      %add3A_1540 = arith.addi %add3A_1538, %add3A_1539 : i32
      %get3A_1541 = arith.index_cast %add3A_1540 : i32 to index
      %get3A_1542 = arith.constant 16 : index
      %get3A_1543 = tpu.vector_load %arg12[%get3A_1541, %get3A_1542] {strides = array<i32>} : memref<1400x64xf32, #tpu.memory_space<vmem>>, vector<16xf32>,
      %add3A_1544 = arith.addf %add3A_1512, %get3A_1543 : vector<16xf32>
      %add3A_1545 = arith.constant 20 : i32
      %add3A_1546 = arith.addi %mul3A_741, %add3A_1545 : i32
      %add3A_1547 = arith.constant 9 : i32
      %add3A_1548 = arith.addi %add3A_1546, %add3A_1547 : i32
      %get3A_1549 = arith.index_cast %add3A_1548 : i32 to index
      %get3A_1550 = arith.constant 32 : index
      %get3A_1551 = tpu.vector_load %arg12[%get3A_1549, %get3A_1550] {strides = array<i32>} : memref<1400x64xf32, #tpu.memory_space<vmem>>, vector<16xf32>,
      %add3A_1552 = arith.addf %add3A_1520, %get3A_1551 : vector<16xf32>
      %add3A_1553 = arith.constant 20 : i32
      %add3A_1554 = arith.addi %mul3A_741, %add3A_1553 : i32
      %add3A_1555 = arith.constant 9 : i32
      %add3A_1556 = arith.addi %add3A_1554, %add3A_1555 : i32
      %get3A_1557 = arith.index_cast %add3A_1556 : i32 to index
      %get3A_1558 = arith.constant 48 : index
      %get3A_1559 = tpu.vector_load %arg12[%get3A_1557, %get3A_1558] {strides = array<i32>} : memref<1400x64xf32, #tpu.memory_space<vmem>>, vector<16xf32>,
      %add3A_1560 = arith.addf %add3A_1528, %get3A_1559 : vector<16xf32>
      %add3A_1561 = arith.constant 20 : i32
      %add3A_1562 = arith.addi %mul3A_741, %add3A_1561 : i32
      %add3A_1563 = arith.constant 10 : i32
      %add3A_1564 = arith.addi %add3A_1562, %add3A_1563 : i32
      %get3A_1565 = arith.index_cast %add3A_1564 : i32 to index
      %get3A_1566 = arith.constant 0 : index
      %get3A_1567 = tpu.vector_load %arg12[%get3A_1565, %get3A_1566] {strides = array<i32>} : memref<1400x64xf32, #tpu.memory_space<vmem>>, vector<16xf32>,
      %add3A_1568 = arith.addf %add3A_1536, %get3A_1567 : vector<16xf32>
      %add3A_1569 = arith.constant 20 : i32
      %add3A_1570 = arith.addi %mul3A_741, %add3A_1569 : i32
      %add3A_1571 = arith.constant 10 : i32
      %add3A_1572 = arith.addi %add3A_1570, %add3A_1571 : i32
      %get3A_1573 = arith.index_cast %add3A_1572 : i32 to index
      %get3A_1574 = arith.constant 16 : index
      %get3A_1575 = tpu.vector_load %arg12[%get3A_1573, %get3A_1574] {strides = array<i32>} : memref<1400x64xf32, #tpu.memory_space<vmem>>, vector<16xf32>,
      %add3A_1576 = arith.addf %add3A_1544, %get3A_1575 : vector<16xf32>
      %add3A_1577 = arith.constant 20 : i32
      %add3A_1578 = arith.addi %mul3A_741, %add3A_1577 : i32
      %add3A_1579 = arith.constant 10 : i32
      %add3A_1580 = arith.addi %add3A_1578, %add3A_1579 : i32
      %get3A_1581 = arith.index_cast %add3A_1580 : i32 to index
      %get3A_1582 = arith.constant 32 : index
      %get3A_1583 = tpu.vector_load %arg12[%get3A_1581, %get3A_1582] {strides = array<i32>} : memref<1400x64xf32, #tpu.memory_space<vmem>>, vector<16xf32>,
      %add3A_1584 = arith.addf %add3A_1552, %get3A_1583 : vector<16xf32>
      %add3A_1585 = arith.constant 20 : i32
      %add3A_1586 = arith.addi %mul3A_741, %add3A_1585 : i32
      %add3A_1587 = arith.constant 10 : i32
      %add3A_1588 = arith.addi %add3A_1586, %add3A_1587 : i32
      %get3A_1589 = arith.index_cast %add3A_1588 : i32 to index
      %get3A_1590 = arith.constant 48 : index
      %get3A_1591 = tpu.vector_load %arg12[%get3A_1589, %get3A_1590] {strides = array<i32>} : memref<1400x64xf32, #tpu.memory_space<vmem>>, vector<16xf32>,
      %add3A_1592 = arith.addf %add3A_1560, %get3A_1591 : vector<16xf32>
      %add3A_1593 = arith.constant 20 : i32
      %add3A_1594 = arith.addi %mul3A_741, %add3A_1593 : i32
      %add3A_1595 = arith.constant 11 : i32
      %add3A_1596 = arith.addi %add3A_1594, %add3A_1595 : i32
      %get3A_1597 = arith.index_cast %add3A_1596 : i32 to index
      %get3A_1598 = arith.constant 0 : index
      %get3A_1599 = tpu.vector_load %arg12[%get3A_1597, %get3A_1598] {strides = array<i32>} : memref<1400x64xf32, #tpu.memory_space<vmem>>, vector<16xf32>,
      %add3A_1600 = arith.addf %add3A_1568, %get3A_1599 : vector<16xf32>
      %add3A_1601 = arith.constant 20 : i32
      %add3A_1602 = arith.addi %mul3A_741, %add3A_1601 : i32
      %add3A_1603 = arith.constant 11 : i32
      %add3A_1604 = arith.addi %add3A_1602, %add3A_1603 : i32
      %get3A_1605 = arith.index_cast %add3A_1604 : i32 to index
      %get3A_1606 = arith.constant 16 : index
      %get3A_1607 = tpu.vector_load %arg12[%get3A_1605, %get3A_1606] {strides = array<i32>} : memref<1400x64xf32, #tpu.memory_space<vmem>>, vector<16xf32>,
      %add3A_1608 = arith.addf %add3A_1576, %get3A_1607 : vector<16xf32>
      %add3A_1609 = arith.constant 20 : i32
      %add3A_1610 = arith.addi %mul3A_741, %add3A_1609 : i32
      %add3A_1611 = arith.constant 11 : i32
      %add3A_1612 = arith.addi %add3A_1610, %add3A_1611 : i32
      %get3A_1613 = arith.index_cast %add3A_1612 : i32 to index
      %get3A_1614 = arith.constant 32 : index
      %get3A_1615 = tpu.vector_load %arg12[%get3A_1613, %get3A_1614] {strides = array<i32>} : memref<1400x64xf32, #tpu.memory_space<vmem>>, vector<16xf32>,
      %add3A_1616 = arith.addf %add3A_1584, %get3A_1615 : vector<16xf32>
      %add3A_1617 = arith.constant 20 : i32
      %add3A_1618 = arith.addi %mul3A_741, %add3A_1617 : i32
      %add3A_1619 = arith.constant 11 : i32
      %add3A_1620 = arith.addi %add3A_1618, %add3A_1619 : i32
      %get3A_1621 = arith.index_cast %add3A_1620 : i32 to index
      %get3A_1622 = arith.constant 48 : index
      %get3A_1623 = tpu.vector_load %arg12[%get3A_1621, %get3A_1622] {strides = array<i32>} : memref<1400x64xf32, #tpu.memory_space<vmem>>, vector<16xf32>,
      %add3A_1624 = arith.addf %add3A_1592, %get3A_1623 : vector<16xf32>
      %add3A_1625 = arith.constant 20 : i32
      %add3A_1626 = arith.addi %mul3A_741, %add3A_1625 : i32
      %add3A_1627 = arith.constant 12 : i32
      %add3A_1628 = arith.addi %add3A_1626, %add3A_1627 : i32
      %get3A_1629 = arith.index_cast %add3A_1628 : i32 to index
      %get3A_1630 = arith.constant 0 : index
      %get3A_1631 = tpu.vector_load %arg12[%get3A_1629, %get3A_1630] {strides = array<i32>} : memref<1400x64xf32, #tpu.memory_space<vmem>>, vector<16xf32>,
      %add3A_1632 = arith.addf %add3A_1600, %get3A_1631 : vector<16xf32>
      %add3A_1633 = arith.constant 20 : i32
      %add3A_1634 = arith.addi %mul3A_741, %add3A_1633 : i32
      %add3A_1635 = arith.constant 12 : i32
      %add3A_1636 = arith.addi %add3A_1634, %add3A_1635 : i32
      %get3A_1637 = arith.index_cast %add3A_1636 : i32 to index
      %get3A_1638 = arith.constant 16 : index
      %get3A_1639 = tpu.vector_load %arg12[%get3A_1637, %get3A_1638] {strides = array<i32>} : memref<1400x64xf32, #tpu.memory_space<vmem>>, vector<16xf32>,
      %add3A_1640 = arith.addf %add3A_1608, %get3A_1639 : vector<16xf32>
      %add3A_1641 = arith.constant 20 : i32
      %add3A_1642 = arith.addi %mul3A_741, %add3A_1641 : i32
      %add3A_1643 = arith.constant 12 : i32
      %add3A_1644 = arith.addi %add3A_1642, %add3A_1643 : i32
      %get3A_1645 = arith.index_cast %add3A_1644 : i32 to index
      %get3A_1646 = arith.constant 32 : index
      %get3A_1647 = tpu.vector_load %arg12[%get3A_1645, %get3A_1646] {strides = array<i32>} : memref<1400x64xf32, #tpu.memory_space<vmem>>, vector<16xf32>,
      %add3A_1648 = arith.addf %add3A_1616, %get3A_1647 : vector<16xf32>
      %add3A_1649 = arith.constant 20 : i32
      %add3A_1650 = arith.addi %mul3A_741, %add3A_1649 : i32
      %add3A_1651 = arith.constant 12 : i32
      %add3A_1652 = arith.addi %add3A_1650, %add3A_1651 : i32
      %get3A_1653 = arith.index_cast %add3A_1652 : i32 to index
      %get3A_1654 = arith.constant 48 : index
      %get3A_1655 = tpu.vector_load %arg12[%get3A_1653, %get3A_1654] {strides = array<i32>} : memref<1400x64xf32, #tpu.memory_space<vmem>>, vector<16xf32>,
      %add3A_1656 = arith.addf %add3A_1624, %get3A_1655 : vector<16xf32>
      %add3A_1657 = arith.constant 20 : i32
      %add3A_1658 = arith.addi %mul3A_741, %add3A_1657 : i32
      %add3A_1659 = arith.constant 13 : i32
      %add3A_1660 = arith.addi %add3A_1658, %add3A_1659 : i32
      %get3A_1661 = arith.index_cast %add3A_1660 : i32 to index
      %get3A_1662 = arith.constant 0 : index
      %get3A_1663 = tpu.vector_load %arg12[%get3A_1661, %get3A_1662] {strides = array<i32>} : memref<1400x64xf32, #tpu.memory_space<vmem>>, vector<16xf32>,
      %add3A_1664 = arith.addf %add3A_1632, %get3A_1663 : vector<16xf32>
      %add3A_1665 = arith.constant 20 : i32
      %add3A_1666 = arith.addi %mul3A_741, %add3A_1665 : i32
      %add3A_1667 = arith.constant 13 : i32
      %add3A_1668 = arith.addi %add3A_1666, %add3A_1667 : i32
      %get3A_1669 = arith.index_cast %add3A_1668 : i32 to index
      %get3A_1670 = arith.constant 16 : index
      %get3A_1671 = tpu.vector_load %arg12[%get3A_1669, %get3A_1670] {strides = array<i32>} : memref<1400x64xf32, #tpu.memory_space<vmem>>, vector<16xf32>,
      %add3A_1672 = arith.addf %add3A_1640, %get3A_1671 : vector<16xf32>
      %add3A_1673 = arith.constant 20 : i32
      %add3A_1674 = arith.addi %mul3A_741, %add3A_1673 : i32
      %add3A_1675 = arith.constant 13 : i32
      %add3A_1676 = arith.addi %add3A_1674, %add3A_1675 : i32
      %get3A_1677 = arith.index_cast %add3A_1676 : i32 to index
      %get3A_1678 = arith.constant 32 : index
      %get3A_1679 = tpu.vector_load %arg12[%get3A_1677, %get3A_1678] {strides = array<i32>} : memref<1400x64xf32, #tpu.memory_space<vmem>>, vector<16xf32>,
      %add3A_1680 = arith.addf %add3A_1648, %get3A_1679 : vector<16xf32>
      %add3A_1681 = arith.constant 20 : i32
      %add3A_1682 = arith.addi %mul3A_741, %add3A_1681 : i32
      %add3A_1683 = arith.constant 13 : i32
      %add3A_1684 = arith.addi %add3A_1682, %add3A_1683 : i32
      %get3A_1685 = arith.index_cast %add3A_1684 : i32 to index
      %get3A_1686 = arith.constant 48 : index
      %get3A_1687 = tpu.vector_load %arg12[%get3A_1685, %get3A_1686] {strides = array<i32>} : memref<1400x64xf32, #tpu.memory_space<vmem>>, vector<16xf32>,
      %add3A_1688 = arith.addf %add3A_1656, %get3A_1687 : vector<16xf32>
      %add3A_1689 = arith.constant 20 : i32
      %add3A_1690 = arith.addi %mul3A_741, %add3A_1689 : i32
      %add3A_1691 = arith.constant 14 : i32
      %add3A_1692 = arith.addi %add3A_1690, %add3A_1691 : i32
      %get3A_1693 = arith.index_cast %add3A_1692 : i32 to index
      %get3A_1694 = arith.constant 0 : index
      %get3A_1695 = tpu.vector_load %arg12[%get3A_1693, %get3A_1694] {strides = array<i32>} : memref<1400x64xf32, #tpu.memory_space<vmem>>, vector<16xf32>,
      %add3A_1696 = arith.addf %add3A_1664, %get3A_1695 : vector<16xf32>
      %add3A_1697 = arith.constant 20 : i32
      %add3A_1698 = arith.addi %mul3A_741, %add3A_1697 : i32
      %add3A_1699 = arith.constant 14 : i32
      %add3A_1700 = arith.addi %add3A_1698, %add3A_1699 : i32
      %get3A_1701 = arith.index_cast %add3A_1700 : i32 to index
      %get3A_1702 = arith.constant 16 : index
      %get3A_1703 = tpu.vector_load %arg12[%get3A_1701, %get3A_1702] {strides = array<i32>} : memref<1400x64xf32, #tpu.memory_space<vmem>>, vector<16xf32>,
      %add3A_1704 = arith.addf %add3A_1672, %get3A_1703 : vector<16xf32>
      %add3A_1705 = arith.constant 20 : i32
      %add3A_1706 = arith.addi %mul3A_741, %add3A_1705 : i32
      %add3A_1707 = arith.constant 14 : i32
      %add3A_1708 = arith.addi %add3A_1706, %add3A_1707 : i32
      %get3A_1709 = arith.index_cast %add3A_1708 : i32 to index
      %get3A_1710 = arith.constant 32 : index
      %get3A_1711 = tpu.vector_load %arg12[%get3A_1709, %get3A_1710] {strides = array<i32>} : memref<1400x64xf32, #tpu.memory_space<vmem>>, vector<16xf32>,
      %add3A_1712 = arith.addf %add3A_1680, %get3A_1711 : vector<16xf32>
      %add3A_1713 = arith.constant 20 : i32
      %add3A_1714 = arith.addi %mul3A_741, %add3A_1713 : i32
      %add3A_1715 = arith.constant 14 : i32
      %add3A_1716 = arith.addi %add3A_1714, %add3A_1715 : i32
      %get3A_1717 = arith.index_cast %add3A_1716 : i32 to index
      %get3A_1718 = arith.constant 48 : index
      %get3A_1719 = tpu.vector_load %arg12[%get3A_1717, %get3A_1718] {strides = array<i32>} : memref<1400x64xf32, #tpu.memory_space<vmem>>, vector<16xf32>,
      %add3A_1720 = arith.addf %add3A_1688, %get3A_1719 : vector<16xf32>
      %add3A_1721 = arith.constant 20 : i32
      %add3A_1722 = arith.addi %mul3A_741, %add3A_1721 : i32
      %add3A_1723 = arith.constant 15 : i32
      %add3A_1724 = arith.addi %add3A_1722, %add3A_1723 : i32
      %get3A_1725 = arith.index_cast %add3A_1724 : i32 to index
      %get3A_1726 = arith.constant 0 : index
      %get3A_1727 = tpu.vector_load %arg12[%get3A_1725, %get3A_1726] {strides = array<i32>} : memref<1400x64xf32, #tpu.memory_space<vmem>>, vector<16xf32>,
      %add3A_1728 = arith.addf %add3A_1696, %get3A_1727 : vector<16xf32>
      %add3A_1729 = arith.constant 20 : i32
      %add3A_1730 = arith.addi %mul3A_741, %add3A_1729 : i32
      %add3A_1731 = arith.constant 15 : i32
      %add3A_1732 = arith.addi %add3A_1730, %add3A_1731 : i32
      %get3A_1733 = arith.index_cast %add3A_1732 : i32 to index
      %get3A_1734 = arith.constant 16 : index
      %get3A_1735 = tpu.vector_load %arg12[%get3A_1733, %get3A_1734] {strides = array<i32>} : memref<1400x64xf32, #tpu.memory_space<vmem>>, vector<16xf32>,
      %add3A_1736 = arith.addf %add3A_1704, %get3A_1735 : vector<16xf32>
      %add3A_1737 = arith.constant 20 : i32
      %add3A_1738 = arith.addi %mul3A_741, %add3A_1737 : i32
      %add3A_1739 = arith.constant 15 : i32
      %add3A_1740 = arith.addi %add3A_1738, %add3A_1739 : i32
      %get3A_1741 = arith.index_cast %add3A_1740 : i32 to index
      %get3A_1742 = arith.constant 32 : index
      %get3A_1743 = tpu.vector_load %arg12[%get3A_1741, %get3A_1742] {strides = array<i32>} : memref<1400x64xf32, #tpu.memory_space<vmem>>, vector<16xf32>,
      %add3A_1744 = arith.addf %add3A_1712, %get3A_1743 : vector<16xf32>
      %add3A_1745 = arith.constant 20 : i32
      %add3A_1746 = arith.addi %mul3A_741, %add3A_1745 : i32
      %add3A_1747 = arith.constant 15 : i32
      %add3A_1748 = arith.addi %add3A_1746, %add3A_1747 : i32
      %get3A_1749 = arith.index_cast %add3A_1748 : i32 to index
      %get3A_1750 = arith.constant 48 : index
      %get3A_1751 = tpu.vector_load %arg12[%get3A_1749, %get3A_1750] {strides = array<i32>} : memref<1400x64xf32, #tpu.memory_space<vmem>>, vector<16xf32>,
      %add3A_1752 = arith.addf %add3A_1720, %get3A_1751 : vector<16xf32>
      %add3A_1753 = arith.constant 20 : i32
      %add3A_1754 = arith.addi %mul3A_741, %add3A_1753 : i32
      %add3A_1755 = arith.constant 16 : i32
      %add3A_1756 = arith.addi %add3A_1754, %add3A_1755 : i32
      %get3A_1757 = arith.index_cast %add3A_1756 : i32 to index
      %get3A_1758 = arith.constant 0 : index
      %get3A_1759 = tpu.vector_load %arg12[%get3A_1757, %get3A_1758] {strides = array<i32>} : memref<1400x64xf32, #tpu.memory_space<vmem>>, vector<16xf32>,
      %add3A_1760 = arith.addf %add3A_1728, %get3A_1759 : vector<16xf32>
      %add3A_1761 = arith.constant 20 : i32
      %add3A_1762 = arith.addi %mul3A_741, %add3A_1761 : i32
      %add3A_1763 = arith.constant 16 : i32
      %add3A_1764 = arith.addi %add3A_1762, %add3A_1763 : i32
      %get3A_1765 = arith.index_cast %add3A_1764 : i32 to index
      %get3A_1766 = arith.constant 16 : index
      %get3A_1767 = tpu.vector_load %arg12[%get3A_1765, %get3A_1766] {strides = array<i32>} : memref<1400x64xf32, #tpu.memory_space<vmem>>, vector<16xf32>,
      %add3A_1768 = arith.addf %add3A_1736, %get3A_1767 : vector<16xf32>
      %add3A_1769 = arith.constant 20 : i32
      %add3A_1770 = arith.addi %mul3A_741, %add3A_1769 : i32
      %add3A_1771 = arith.constant 16 : i32
      %add3A_1772 = arith.addi %add3A_1770, %add3A_1771 : i32
      %get3A_1773 = arith.index_cast %add3A_1772 : i32 to index
      %get3A_1774 = arith.constant 32 : index
      %get3A_1775 = tpu.vector_load %arg12[%get3A_1773, %get3A_1774] {strides = array<i32>} : memref<1400x64xf32, #tpu.memory_space<vmem>>, vector<16xf32>,
      %add3A_1776 = arith.addf %add3A_1744, %get3A_1775 : vector<16xf32>
      %add3A_1777 = arith.constant 20 : i32
      %add3A_1778 = arith.addi %mul3A_741, %add3A_1777 : i32
      %add3A_1779 = arith.constant 16 : i32
      %add3A_1780 = arith.addi %add3A_1778, %add3A_1779 : i32
      %get3A_1781 = arith.index_cast %add3A_1780 : i32 to index
      %get3A_1782 = arith.constant 48 : index
      %get3A_1783 = tpu.vector_load %arg12[%get3A_1781, %get3A_1782] {strides = array<i32>} : memref<1400x64xf32, #tpu.memory_space<vmem>>, vector<16xf32>,
      %add3A_1784 = arith.addf %add3A_1752, %get3A_1783 : vector<16xf32>
      %add3A_1785 = arith.constant 20 : i32
      %add3A_1786 = arith.addi %mul3A_741, %add3A_1785 : i32
      %add3A_1787 = arith.constant 17 : i32
      %add3A_1788 = arith.addi %add3A_1786, %add3A_1787 : i32
      %get3A_1789 = arith.index_cast %add3A_1788 : i32 to index
      %get3A_1790 = arith.constant 0 : index
      %get3A_1791 = tpu.vector_load %arg12[%get3A_1789, %get3A_1790] {strides = array<i32>} : memref<1400x64xf32, #tpu.memory_space<vmem>>, vector<16xf32>,
      %add3A_1792 = arith.addf %add3A_1760, %get3A_1791 : vector<16xf32>
      %add3A_1793 = arith.constant 20 : i32
      %add3A_1794 = arith.addi %mul3A_741, %add3A_1793 : i32
      %add3A_1795 = arith.constant 17 : i32
      %add3A_1796 = arith.addi %add3A_1794, %add3A_1795 : i32
      %get3A_1797 = arith.index_cast %add3A_1796 : i32 to index
      %get3A_1798 = arith.constant 16 : index
      %get3A_1799 = tpu.vector_load %arg12[%get3A_1797, %get3A_1798] {strides = array<i32>} : memref<1400x64xf32, #tpu.memory_space<vmem>>, vector<16xf32>,
      %add3A_1800 = arith.addf %add3A_1768, %get3A_1799 : vector<16xf32>
      %add3A_1801 = arith.constant 20 : i32
      %add3A_1802 = arith.addi %mul3A_741, %add3A_1801 : i32
      %add3A_1803 = arith.constant 17 : i32
      %add3A_1804 = arith.addi %add3A_1802, %add3A_1803 : i32
      %get3A_1805 = arith.index_cast %add3A_1804 : i32 to index
      %get3A_1806 = arith.constant 32 : index
      %get3A_1807 = tpu.vector_load %arg12[%get3A_1805, %get3A_1806] {strides = array<i32>} : memref<1400x64xf32, #tpu.memory_space<vmem>>, vector<16xf32>,
      %add3A_1808 = arith.addf %add3A_1776, %get3A_1807 : vector<16xf32>
      %add3A_1809 = arith.constant 20 : i32
      %add3A_1810 = arith.addi %mul3A_741, %add3A_1809 : i32
      %add3A_1811 = arith.constant 17 : i32
      %add3A_1812 = arith.addi %add3A_1810, %add3A_1811 : i32
      %get3A_1813 = arith.index_cast %add3A_1812 : i32 to index
      %get3A_1814 = arith.constant 48 : index
      %get3A_1815 = tpu.vector_load %arg12[%get3A_1813, %get3A_1814] {strides = array<i32>} : memref<1400x64xf32, #tpu.memory_space<vmem>>, vector<16xf32>,
      %add3A_1816 = arith.addf %add3A_1784, %get3A_1815 : vector<16xf32>
      %add3A_1817 = arith.constant 20 : i32
      %add3A_1818 = arith.addi %mul3A_741, %add3A_1817 : i32
      %add3A_1819 = arith.constant 18 : i32
      %add3A_1820 = arith.addi %add3A_1818, %add3A_1819 : i32
      %get3A_1821 = arith.index_cast %add3A_1820 : i32 to index
      %get3A_1822 = arith.constant 0 : index
      %get3A_1823 = tpu.vector_load %arg12[%get3A_1821, %get3A_1822] {strides = array<i32>} : memref<1400x64xf32, #tpu.memory_space<vmem>>, vector<16xf32>,
      %add3A_1824 = arith.addf %add3A_1792, %get3A_1823 : vector<16xf32>
      %add3A_1825 = arith.constant 20 : i32
      %add3A_1826 = arith.addi %mul3A_741, %add3A_1825 : i32
      %add3A_1827 = arith.constant 18 : i32
      %add3A_1828 = arith.addi %add3A_1826, %add3A_1827 : i32
      %get3A_1829 = arith.index_cast %add3A_1828 : i32 to index
      %get3A_1830 = arith.constant 16 : index
      %get3A_1831 = tpu.vector_load %arg12[%get3A_1829, %get3A_1830] {strides = array<i32>} : memref<1400x64xf32, #tpu.memory_space<vmem>>, vector<16xf32>,
      %add3A_1832 = arith.addf %add3A_1800, %get3A_1831 : vector<16xf32>
      %add3A_1833 = arith.constant 20 : i32
      %add3A_1834 = arith.addi %mul3A_741, %add3A_1833 : i32
      %add3A_1835 = arith.constant 18 : i32
      %add3A_1836 = arith.addi %add3A_1834, %add3A_1835 : i32
      %get3A_1837 = arith.index_cast %add3A_1836 : i32 to index
      %get3A_1838 = arith.constant 32 : index
      %get3A_1839 = tpu.vector_load %arg12[%get3A_1837, %get3A_1838] {strides = array<i32>} : memref<1400x64xf32, #tpu.memory_space<vmem>>, vector<16xf32>,
      %add3A_1840 = arith.addf %add3A_1808, %get3A_1839 : vector<16xf32>
      %add3A_1841 = arith.constant 20 : i32
      %add3A_1842 = arith.addi %mul3A_741, %add3A_1841 : i32
      %add3A_1843 = arith.constant 18 : i32
      %add3A_1844 = arith.addi %add3A_1842, %add3A_1843 : i32
      %get3A_1845 = arith.index_cast %add3A_1844 : i32 to index
      %get3A_1846 = arith.constant 48 : index
      %get3A_1847 = tpu.vector_load %arg12[%get3A_1845, %get3A_1846] {strides = array<i32>} : memref<1400x64xf32, #tpu.memory_space<vmem>>, vector<16xf32>,
      %add3A_1848 = arith.addf %add3A_1816, %get3A_1847 : vector<16xf32>
      %add3A_1849 = arith.constant 20 : i32
      %add3A_1850 = arith.addi %mul3A_741, %add3A_1849 : i32
      %add3A_1851 = arith.constant 19 : i32
      %add3A_1852 = arith.addi %add3A_1850, %add3A_1851 : i32
      %get3A_1853 = arith.index_cast %add3A_1852 : i32 to index
      %get3A_1854 = arith.constant 0 : index
      %get3A_1855 = tpu.vector_load %arg12[%get3A_1853, %get3A_1854] {strides = array<i32>} : memref<1400x64xf32, #tpu.memory_space<vmem>>, vector<16xf32>,
      %add3A_1856 = arith.addf %add3A_1824, %get3A_1855 : vector<16xf32>
      %add3A_1857 = arith.constant 20 : i32
      %add3A_1858 = arith.addi %mul3A_741, %add3A_1857 : i32
      %add3A_1859 = arith.constant 19 : i32
      %add3A_1860 = arith.addi %add3A_1858, %add3A_1859 : i32
      %get3A_1861 = arith.index_cast %add3A_1860 : i32 to index
      %get3A_1862 = arith.constant 16 : index
      %get3A_1863 = tpu.vector_load %arg12[%get3A_1861, %get3A_1862] {strides = array<i32>} : memref<1400x64xf32, #tpu.memory_space<vmem>>, vector<16xf32>,
      %add3A_1864 = arith.addf %add3A_1832, %get3A_1863 : vector<16xf32>
      %add3A_1865 = arith.constant 20 : i32
      %add3A_1866 = arith.addi %mul3A_741, %add3A_1865 : i32
      %add3A_1867 = arith.constant 19 : i32
      %add3A_1868 = arith.addi %add3A_1866, %add3A_1867 : i32
      %get3A_1869 = arith.index_cast %add3A_1868 : i32 to index
      %get3A_1870 = arith.constant 32 : index
      %get3A_1871 = tpu.vector_load %arg12[%get3A_1869, %get3A_1870] {strides = array<i32>} : memref<1400x64xf32, #tpu.memory_space<vmem>>, vector<16xf32>,
      %add3A_1872 = arith.addf %add3A_1840, %get3A_1871 : vector<16xf32>
      %add3A_1873 = arith.constant 20 : i32
      %add3A_1874 = arith.addi %mul3A_741, %add3A_1873 : i32
      %add3A_1875 = arith.constant 19 : i32
      %add3A_1876 = arith.addi %add3A_1874, %add3A_1875 : i32
      %get3A_1877 = arith.index_cast %add3A_1876 : i32 to index
      %get3A_1878 = arith.constant 48 : index
      %get3A_1879 = tpu.vector_load %arg12[%get3A_1877, %get3A_1878] {strides = array<i32>} : memref<1400x64xf32, #tpu.memory_space<vmem>>, vector<16xf32>,
      %add3A_1880 = arith.addf %add3A_1848, %get3A_1879 : vector<16xf32>
      tpu.vector_store_idx %arg14[%add3A_550, %broadcast_in_dim3A_744], %add3A_1856 : memref<64x35xf32, #tpu.memory_space<vmem>>[vector<16xi32>, vector<16xi32>], vector<16xf32>,
      tpu.vector_store_idx %arg14[%add3A_554, %broadcast_in_dim3A_744], %add3A_1864 : memref<64x35xf32, #tpu.memory_space<vmem>>[vector<16xi32>, vector<16xi32>], vector<16xf32>,
      tpu.vector_store_idx %arg14[%add3A_558, %broadcast_in_dim3A_744], %add3A_1872 : memref<64x35xf32, #tpu.memory_space<vmem>>[vector<16xi32>, vector<16xi32>], vector<16xf32>,
      tpu.vector_store_idx %arg14[%add3A_562, %broadcast_in_dim3A_744], %add3A_1880 : memref<64x35xf32, #tpu.memory_space<vmem>>[vector<16xi32>, vector<16xi32>], vector<16xf32>,
    }
    %scan3A_670 = arith.constant 29 : i32
    "tpu.trace_stop"() : () -> ()
    %dma_start3A_671 = arith.constant 0 : i32
    %dma_start3A_672 = arith.constant 0 : i32
    %dma_start3A_673 = tpu.memref_slice %arg13[%dma_start3A_671, %dma_start3A_672] : memref<64x35xf32, #tpu.memory_space<vmem>> -> memref<64x32xf32, #tpu.memory_space<vmem>>
    %dma_start3A_674 = arith.constant 0 : i32
    %dma_start3A_675 = tpu.memref_slice %arg4[%dma_start3A_674, %mul3A_2] : memref<64x1024xf32, #tpu.memory_space<hbm>> -> memref<64x32xf32, #tpu.memory_space<hbm>>
    %dma_start3A_676 = arith.constant 0 : i32
    %dma_start3A_677 = tpu.memref_slice %arg4[%dma_start3A_676, %mul3A_2] : memref<64x1024xf32, #tpu.memory_space<hbm>> -> memref<64x32xf32, #tpu.memory_space<hbm>>
    %dma_start3A_678 = arith.constant 0 : i32
    %dma_start3A_679 = arith.constant 0 : i32
    %dma_start3A_680 = tpu.memref_slice %arg13[%dma_start3A_678, %dma_start3A_679] : memref<64x35xf32, #tpu.memory_space<vmem>> -> memref<64x32xf32, #tpu.memory_space<vmem>>
    tpu.enqueue_dma source(%dma_start3A_680 : memref<64x32xf32, #tpu.memory_space<vmem>>) target(%dma_start3A_677 : memref<64x32xf32, #tpu.memory_space<hbm>>) target_semaphore(%arg19 : memref<!tpu.dma_semaphore, #tpu.memory_space<semaphore_mem>>)
    %dma_start3A_681 = arith.constant 0 : i32
    %dma_start3A_682 = arith.constant 0 : i32
    %dma_start3A_683 = tpu.memref_slice %arg14[%dma_start3A_681, %dma_start3A_682] : memref<64x35xf32, #tpu.memory_space<vmem>> -> memref<64x32xf32, #tpu.memory_space<vmem>>
    %dma_start3A_684 = arith.constant 0 : i32
    %dma_start3A_685 = tpu.memref_slice %arg5[%dma_start3A_684, %mul3A_2] : memref<64x1024xf32, #tpu.memory_space<hbm>> -> memref<64x32xf32, #tpu.memory_space<hbm>>
    %dma_start3A_686 = arith.constant 0 : i32
    %dma_start3A_687 = tpu.memref_slice %arg5[%dma_start3A_686, %mul3A_2] : memref<64x1024xf32, #tpu.memory_space<hbm>> -> memref<64x32xf32, #tpu.memory_space<hbm>>
    %dma_start3A_688 = arith.constant 0 : i32
    %dma_start3A_689 = arith.constant 0 : i32
    %dma_start3A_690 = tpu.memref_slice %arg14[%dma_start3A_688, %dma_start3A_689] : memref<64x35xf32, #tpu.memory_space<vmem>> -> memref<64x32xf32, #tpu.memory_space<vmem>>
    tpu.enqueue_dma source(%dma_start3A_690 : memref<64x32xf32, #tpu.memory_space<vmem>>) target(%dma_start3A_687 : memref<64x32xf32, #tpu.memory_space<hbm>>) target_semaphore(%arg19 : memref<!tpu.dma_semaphore, #tpu.memory_space<semaphore_mem>>)
    %dma_start3A_691 = arith.constant 0 : i32
    %dma_start3A_692 = arith.constant 0 : i32
    %dma_start3A_693 = arith.constant 0 : i32
    %dma_start3A_694 = tpu.memref_slice %arg15[%dma_start3A_691, %dma_start3A_692, %dma_start3A_693] : memref<3x64x35xf32, #tpu.memory_space<vmem>> -> memref<3x64x32xf32, #tpu.memory_space<vmem>>
    %dma_start3A_695 = arith.constant 0 : i32
    %dma_start3A_696 = arith.constant 0 : i32
    %dma_start3A_697 = tpu.memref_slice %arg6[%dma_start3A_695, %dma_start3A_696, %mul3A_2] : memref<3x64x1024xf32, #tpu.memory_space<hbm>> -> memref<3x64x32xf32, #tpu.memory_space<hbm>>
    %dma_start3A_698 = arith.constant 0 : i32
    %dma_start3A_699 = arith.constant 0 : i32
    %dma_start3A_700 = tpu.memref_slice %arg6[%dma_start3A_698, %dma_start3A_699, %mul3A_2] : memref<3x64x1024xf32, #tpu.memory_space<hbm>> -> memref<3x64x32xf32, #tpu.memory_space<hbm>>
    %dma_start3A_701 = arith.constant 0 : i32
    %dma_start3A_702 = arith.constant 0 : i32
    %dma_start3A_703 = arith.constant 0 : i32
    %dma_start3A_704 = tpu.memref_slice %arg15[%dma_start3A_701, %dma_start3A_702, %dma_start3A_703] : memref<3x64x35xf32, #tpu.memory_space<vmem>> -> memref<3x64x32xf32, #tpu.memory_space<vmem>>
    tpu.enqueue_dma source(%dma_start3A_704 : memref<3x64x32xf32, #tpu.memory_space<vmem>>) target(%dma_start3A_700 : memref<3x64x32xf32, #tpu.memory_space<hbm>>) target_semaphore(%arg19 : memref<!tpu.dma_semaphore, #tpu.memory_space<semaphore_mem>>)
    "tpu.trace_start"() <{level = 10 : i32, message = "out"}> : () -> ()
    %dma_wait3A_705 = arith.constant 0 : i32
    %dma_wait3A_706 = arith.constant 0 : i32
    %dma_wait3A_707 = tpu.memref_slice %arg13[%dma_wait3A_705, %dma_wait3A_706] : memref<64x35xf32, #tpu.memory_space<vmem>> -> memref<64x32xf32, #tpu.memory_space<vmem>>
    %dma_wait3A_708 = arith.constant 0 : i32
    %dma_wait3A_709 = tpu.memref_slice %arg4[%dma_wait3A_708, %mul3A_2] : memref<64x1024xf32, #tpu.memory_space<hbm>> -> memref<64x32xf32, #tpu.memory_space<hbm>>
    %dma_wait3A_710 = arith.constant 0 : i32
    %dma_wait3A_711 = tpu.memref_slice %arg4[%dma_wait3A_710, %mul3A_2] : memref<64x1024xf32, #tpu.memory_space<hbm>> -> memref<64x32xf32, #tpu.memory_space<hbm>>
    %dma_wait3A_712 = arith.constant 0 : i32
    %dma_wait3A_713 = arith.constant 0 : i32
    %dma_wait3A_714 = tpu.memref_slice %arg13[%dma_wait3A_712, %dma_wait3A_713] : memref<64x35xf32, #tpu.memory_space<vmem>> -> memref<64x32xf32, #tpu.memory_space<vmem>>
    tpu.wait_dma2 semaphore(%arg19 : memref<!tpu.dma_semaphore, #tpu.memory_space<semaphore_mem>>) src(%dma_wait3A_714 : memref<64x32xf32, #tpu.memory_space<vmem>>) dst(%dma_wait3A_711 : memref<64x32xf32, #tpu.memory_space<hbm>>)
    %dma_wait3A_715 = arith.constant 0 : i32
    %dma_wait3A_716 = arith.constant 0 : i32
    %dma_wait3A_717 = tpu.memref_slice %arg14[%dma_wait3A_715, %dma_wait3A_716] : memref<64x35xf32, #tpu.memory_space<vmem>> -> memref<64x32xf32, #tpu.memory_space<vmem>>
    %dma_wait3A_718 = arith.constant 0 : i32
    %dma_wait3A_719 = tpu.memref_slice %arg5[%dma_wait3A_718, %mul3A_2] : memref<64x1024xf32, #tpu.memory_space<hbm>> -> memref<64x32xf32, #tpu.memory_space<hbm>>
    %dma_wait3A_720 = arith.constant 0 : i32
    %dma_wait3A_721 = tpu.memref_slice %arg5[%dma_wait3A_720, %mul3A_2] : memref<64x1024xf32, #tpu.memory_space<hbm>> -> memref<64x32xf32, #tpu.memory_space<hbm>>
    %dma_wait3A_722 = arith.constant 0 : i32
    %dma_wait3A_723 = arith.constant 0 : i32
    %dma_wait3A_724 = tpu.memref_slice %arg14[%dma_wait3A_722, %dma_wait3A_723] : memref<64x35xf32, #tpu.memory_space<vmem>> -> memref<64x32xf32, #tpu.memory_space<vmem>>
    tpu.wait_dma2 semaphore(%arg19 : memref<!tpu.dma_semaphore, #tpu.memory_space<semaphore_mem>>) src(%dma_wait3A_724 : memref<64x32xf32, #tpu.memory_space<vmem>>) dst(%dma_wait3A_721 : memref<64x32xf32, #tpu.memory_space<hbm>>)
    %dma_wait3A_725 = arith.constant 0 : i32
    %dma_wait3A_726 = arith.constant 0 : i32
    %dma_wait3A_727 = arith.constant 0 : i32
    %dma_wait3A_728 = tpu.memref_slice %arg15[%dma_wait3A_725, %dma_wait3A_726, %dma_wait3A_727] : memref<3x64x35xf32, #tpu.memory_space<vmem>> -> memref<3x64x32xf32, #tpu.memory_space<vmem>>
    %dma_wait3A_729 = arith.constant 0 : i32
    %dma_wait3A_730 = arith.constant 0 : i32
    %dma_wait3A_731 = tpu.memref_slice %arg6[%dma_wait3A_729, %dma_wait3A_730, %mul3A_2] : memref<3x64x1024xf32, #tpu.memory_space<hbm>> -> memref<3x64x32xf32, #tpu.memory_space<hbm>>
    %dma_wait3A_732 = arith.constant 0 : i32
    %dma_wait3A_733 = arith.constant 0 : i32
    %dma_wait3A_734 = tpu.memref_slice %arg6[%dma_wait3A_732, %dma_wait3A_733, %mul3A_2] : memref<3x64x1024xf32, #tpu.memory_space<hbm>> -> memref<3x64x32xf32, #tpu.memory_space<hbm>>
    %dma_wait3A_735 = arith.constant 0 : i32
    %dma_wait3A_736 = arith.constant 0 : i32
    %dma_wait3A_737 = arith.constant 0 : i32
    %dma_wait3A_738 = tpu.memref_slice %arg15[%dma_wait3A_735, %dma_wait3A_736, %dma_wait3A_737] : memref<3x64x35xf32, #tpu.memory_space<vmem>> -> memref<3x64x32xf32, #tpu.memory_space<vmem>>
    tpu.wait_dma2 semaphore(%arg19 : memref<!tpu.dma_semaphore, #tpu.memory_space<semaphore_mem>>) src(%dma_wait3A_738 : memref<3x64x32xf32, #tpu.memory_space<vmem>>) dst(%dma_wait3A_734 : memref<3x64x32xf32, #tpu.memory_space<hbm>>)
    "tpu.trace_stop"() : () -> ()
    return
  }
}

</mosaic_0001>

<sc_bundles>
// kernel: kernel.3.cloned.1.call-start
scs
__scs_entry_jumppad:
0x0: {  	(pc) =	sbr.rel $0x88, $3  }
0x1: {  	(tag) =	ssettag $0x0;
	lr =	simm.s32 $0x1  }
0x2: {  	[smem:$0x3F9F] =	sst lr;
	_ =	strace $0xD0000000  }
0x3: {  	_ = 	snop  }
0x4: {  	_ = 	snop  }
0x5: {  	_ = 	snop  }
0x6: {  	_ = 	snop  }
0x7: {  	_ = 	snop  }
__scs_overlays_trampoline_lowered:
0x8: {  	[smem:$0x3FAE] =	sst s0  }
0x9: {  	[smem:$0x3FAF] =	sst s1  }
0xa: {  	[smem:$0x3FB0] =	sst s2  }
0xb: {  	[smem:$0x3FB1] =	sst s3  }
0xc: {  	[smem:$0x3FB2] =	sst s4  }
0xd: {  	[smem:$0x3FB3] =	sst s5  }
0xe: {  	[smem:$0x3FB4] =	sst s6  }
0xf: {  	[smem:$0x3FB5] =	sst s7  }
0x10: {  	[smem:$0x3FB6] =	sst s8  }
0x11: {  	[smem:$0x3FB7] =	sst s9;
	s0 =	simm.s32 @!p0 $0x0  }
0x12: {  	s1 =	sld [smem:$0x3F9D];
	s0 =	simm.s32 @p0 $0x1  }
0x13: {  	[smem:$0x3FB8] =	sst s0;
	s0 =	simm.s32 @!p1 $0x0  }
0x14: {  	s2 =	sld [smem:$0x3F9C];
	s0 =	simm.s32 @p1 $0x1  }
0x15: {  	[smem:$0x3FB9] =	sst s0;
	s0 =	simm.s32 @!p2 $0x0  }
0x16: {  	s3 =	sld [smem:$0x3FDB];
	s0 =	simm.s32 @p2 $0x1  }
0x17: {  	s4 =	simm.s32 $0x1BF5;
	[smem:$0x3FBB] =	sst s0  }
0x18: {  	s0 =	sld [smem:$0x3F9E];
	_ =	swait.ge [sflag:s4], $0x0  }
0x19: {  	s7 =	sld [smem:$0x3F9F]  }
0x1a: {  	s8 =	sadd.s32 $0xFFFFE003, lr  }
0x1b: {  	s9 =	sadd.s32 $0xFFFFFEF7, lr;
	s5 =	simm.s32 $0xFFFFFFFF;
	p2 =	slt.u32 s8, $0xFFFFF086  }
0x1c: {  	p1 =	slt.u32 s9, $0xF7A;
	s5 =	simm.s32 @!p2 $0x0  }
0x1d: {  	s5 =	simm.s32 @p1 $0x1;
	p0 =	seq.s32 s7, s2  }
0x1e: {  	s7 =	smul.u32 @!p0 $0xF7A, s2;
	p2 =	seq.s32 @!p0 s5, $0x0  }
0x1f: {  	s9 =	smul.u32 $0xF7A, s1;
	s8 =	simm.s32 @!p0 $0x1BF5;
	p2 =	por !p2, p0  }
0x20: {  	[sflag:s8] =	ssyncset.s32 @!p0 $0xFFFFF086;
	s6 =	sadd.s32 @!p0 s3, s7;
	s7 =	simm.s32 @!p0 $0x108  }
0x21: {  	s3 =	sadd.s32 s3, s9;
	s6 =	sadd.s32 @!p0 $0x88, s6;
	s7 =	simm.s32 @p2 $0x1082  }
0x22: {  	[simem:s7], [sflag:s8] =	dma.local @!p0 [hbm:s6], $0xF7A  }
0x23: {  	s9 =	sor.u32 $0xD0000000, s2;
	s6 =	simm.s32 $0x108;
	_ =	swait.ge @!p0 [sflag:s8], $0x0  }
0x24: {  	s3 =	sadd.s32 $0x88, s3;
	s6 =	simm.s32 @!p1 $0x1082;
	[sflag:s4] =	ssyncset.s32 $0xFFFFF086  }
0x25: {  	[simem:s6], [sflag:s4] =	dma.local [hbm:s3], $0xF7A  }
0x26: {  	[smem:$0x3F9F] =	sst s1;
	(tag) =	ssettag s2;
	_ =	strace s9  }
0x27: {  	s1 =	sld [smem:$0x3FAF]  }
0x28: {  	s2 =	sld [smem:$0x3FB0]  }
0x29: {  	s4 =	sld [smem:$0x3FB2]  }
0x2a: {  	p0 =	seq.s32 s5, $0x0;
	s5 =	sld [smem:$0x3FB3]  }
0x2b: {  	s6 =	sld [smem:$0x3FB4]  }
0x2c: {  	s7 =	sld [smem:$0x3FB5]  }
0x2d: {  	s3 =	simm.s32 $0x108;
	s8 =	sld [smem:$0x3FB6]  }
0x2e: {  	s3 =	simm.s32 @!p0 $0x1082;
	s9 =	sld [smem:$0x3FB7]  }
0x2f: {  	lr =	sadd.s32 s0, s3;
	s0 =	sld [smem:$0x3FAE]  }
0x30: {  	s3 =	sld [smem:$0x3FB1]  }
0x31: {  	[smem:$0x3FBA] =	sst s10  }
0x32: {  	s10 =	sld [smem:$0x3FB8];
	_ =	sdelay $0x3  }
0x33: {  	p0 =	seq.s32 s10, $0x1;
	s10 =	sld [smem:$0x3FBA];
	_ =	sdelay $0x3  }
0x34: {  	[smem:$0x3FBA] =	sst s10  }
0x35: {  	s10 =	sld [smem:$0x3FB9];
	_ =	sdelay $0x3  }
0x36: {  	p1 =	seq.s32 s10, $0x1;
	s10 =	sld [smem:$0x3FBA];
	_ =	sdelay $0x3  }
0x37: {  	[smem:$0x3FBA] =	sst s10  }
0x38: {  	s10 =	sld [smem:$0x3FBB]  }
0x39: {  	_ = 	snop;
	(pc) =	sbr.ind lr, $3  }
0x3a: {  	_ = 	snop  }
0x3b: {  	_ = 	snop  }
0x3c: {  	p2 =	seq.s32 s10, $0x1;
	s10 =	sld [smem:$0x3FBA]  }
0x3d: {  	_ =	shalt  }
0x3e: {  	_ =	shalt  }
0x3f: {  	_ =	shalt  }
0x40: {  	_ =	shalt  }
0x41: {  	_ =	shalt  }
0x42: {  	_ =	shalt  }
0x43: {  	_ =	shalt  }
0x44: {  	_ =	shalt  }
0x45: {  	_ =	shalt  }
0x46: {  	_ =	shalt  }
0x47: {  	_ =	shalt  }
0x48: {  	_ =	shalt  }
0x49: {  	_ =	shalt  }
0x4a: {  	_ =	shalt  }
0x4b: {  	_ =	shalt  }
0x4c: {  	_ =	shalt  }
0x4d: {  	_ =	shalt  }
0x4e: {  	_ =	shalt  }
0x4f: {  	_ =	shalt  }
0x50: {  	_ =	shalt  }
0x51: {  	_ =	shalt  }
0x52: {  	_ =	shalt  }
0x53: {  	_ =	shalt  }
0x54: {  	_ =	shalt  }
0x55: {  	_ =	shalt  }
0x56: {  	_ =	shalt  }
0x57: {  	_ =	shalt  }
0x58: {  	_ =	shalt  }
0x59: {  	_ =	shalt  }
0x5a: {  	_ =	shalt  }
0x5b: {  	_ =	shalt  }
0x5c: {  	_ =	shalt  }
0x5d: {  	_ =	shalt  }
0x5e: {  	_ =	shalt  }
0x5f: {  	_ =	shalt  }
0x60: {  	_ =	shalt  }
0x61: {  	_ =	shalt  }
0x62: {  	_ =	shalt  }
0x63: {  	_ =	shalt  }
0x64: {  	_ =	shalt  }
0x65: {  	_ =	shalt  }
0x66: {  	_ =	shalt  }
0x67: {  	_ =	shalt  }
0x68: {  	_ =	shalt  }
0x69: {  	_ =	shalt  }
0x6a: {  	_ =	shalt  }
0x6b: {  	_ =	shalt  }
0x6c: {  	_ =	shalt  }
0x6d: {  	_ =	shalt  }
0x6e: {  	_ =	shalt  }
0x6f: {  	_ =	shalt  }
0x70: {  	_ =	shalt  }
0x71: {  	_ =	shalt  }
0x72: {  	_ =	shalt  }
0x73: {  	_ =	shalt  }
0x74: {  	_ =	shalt  }
0x75: {  	_ =	shalt  }
0x76: {  	_ =	shalt  }
0x77: {  	_ =	shalt  }
0x78: {  	_ =	shalt  }
0x79: {  	_ =	shalt  }
0x7a: {  	_ =	shalt  }
0x7b: {  	_ =	shalt  }
0x7c: {  	_ =	shalt  }
0x7d: {  	_ =	shalt  }
0x7e: {  	_ =	shalt  }
0x7f: {  	_ =	shalt  }
0x80: {  	_ =	shalt  }
0x81: {  	_ =	shalt  }
0x82: {  	_ =	shalt  }
0x83: {  	_ =	shalt  }
0x84: {  	_ =	shalt  }
0x85: {  	_ =	shalt  }
0x86: {  	_ =	shalt  }
0x87: {  	_ =	shalt  }
.Lfunc_end0:
.L_simem_size_0:
called_computation_lowered:
.L_overlay_start_0:
0x88: {  	s2 =	sld [smem:$0x3FD9]  }
0x89: {  	s3 =	sld [smem:$0x3FFE];
	_ =	sdelay $0x1  }
0x8a: {  	s1 =	srdreg.scid  }
0x8b: {  	s0 =	sand.u32 $0x1, s1  }
0x8c: {  	s14 =	sshll.u32 s0, $0xA;
	s2 =	sadd.s32 s3, s2  }
0x8d: {  	s2 =	sadd.s32 s2, s14  }
0x8e: {  	[smem:$0x3FC6] =	sst s2  }
0x8f: {  	_ = 	snop  }
0x90: {  	s2 =	sld [smem:$0x3FD0];
	_ =	sdelay $0x2  }
0x91: {  	s15 =	simm.s32 $0xA;
	s4 =	simm.s32 $0x10  }
0x92: {  	[smem:s4], [sflag:s15] =	dma.local [hbm:s2], $0x1  }
0x93: {  	_ =	swait.eq [sflag:s15], $0x1  }
0x94: {  	s16 =	sld [smem:$0x10];
	[sflag:s15] =	ssyncset.done $0x0  }
0x95: {  	s17 =	sld [smem:$0x11];
	[sflag:s15] =	ssyncadd.s32 $0xFFFFFFFF  }
0x96: {  	s18 =	sld [smem:$0x12];
	(tm) =	ssettm $0x1  }
0x97: {  	s5 =	sld [smem:$0x3FFB];
	_ =	sdelay $0x3  }
0x98: {  	_ =	strace s5  }
0x99: {  	s5 =	sld [smem:$0x3FFC];
	_ =	sdelay $0x3  }
0x9a: {  	_ =	strace s5  }
0x9b: {  	s5 =	sld [smem:$0x3FFD];
	_ =	sdelay $0x3  }
0x9c: {  	_ =	strace s5  }
0x9d: {  	_ =	strace $0x8FFFFFFF  }
0x9e: {  	s19 =	sld [smem:$0x3FDB];
	_ =	sdelay $0x1  }
0x9f: {  	s6 =	simm.s32 $_scs_section_size  }
0xa0: {  	s7 =	simm.s32 $_size__tile_overlayer_lowered;
	s8 =	simm.s32 $_tile_overlayer_lowered  }
0xa1: {  	s22 =	simm.s32 $0x1BFF;
	s21 =	sshll.u32 s8, $0x1;
	s5 =	sadd.s32 s6, s19  }
0xa2: {  	s9 =	simm.s32 $0x0;
	s20 =	sshll.u32 s7, $0x1;
	s7 =	sadd.s32 s21, s5  }
0xa3: {  	[timem:s9], [sflag:s22] =	dma.local [hbm:s7], s20  }
0xa4: {  	_ =	swait.ge [sflag:s22], s20  }
0xa5: {  	s6 =	ssub.s32 $0x0, s20;
	[sflag:s22] =	ssyncset.done $0x0  }
0xa6: {  	[sflag:s22] =	ssyncadd.s32 s6;
	_ =	sdelay $0x1  }
0xa7: {  	s23 =	simm.s32 $0x1B8B  }
0xa8: {  	_ =	swait.ge [sflag:s23], $0x1  }
0xa9: {  	[sflag:s23] =	ssyncset.done $0x0  }
0xaa: {  	s25 =	simm.s32 $0x1B8E;
	s24 =	sld [smem:$0x3FFE];
	[sflag:s23] =	ssyncadd.s32 $0xFFFFFFFF  }
0xab: {  	s26 =	simm.s32 $execute0_lowered;
	[smem:$0x3FD2] =	sst s25  }
0xac: {  	s7 =	sshll.u32 s26, $0x1;
	_ =	strace $0x80000046;
	[dreg:$0x1] =	wrdreg $0xFFFFFFFF  }
0xad: {  	s28 =	simm.s32 $_size_execute0_lowered;
	s5 =	sadd.s32 s5, s7;
	[dreg:$0x0] =	wrdreg $0x0  }
0xae: {  	s7 =	sshll.u32 s28, $0x1;
	[dreg:$0x2] =	wrdreg s5  }
0xaf: {  	[dreg:$0x3] =	wrdreg s7  }
0xb0: {  	[dreg:$0x4] =	wrdreg $0xC0  }
0xb1: {  	_ =	task [dreg:s9], $0x5FFFF  }
0xb2: {  	[dreg:$0x1] =	wrdreg $0xFFFFFFFF  }
0xb3: {  	[dreg:$0x0] =	wrdreg $0x60  }
0xb4: {  	[dreg:$0x2] =	wrdreg s16  }
0xb5: {  	[dreg:$0x3] =	wrdreg s17  }
0xb6: {  	[dreg:$0x4] =	wrdreg s24  }
0xb7: {  	[dreg:$0x5] =	wrdreg s18  }
0xb8: {  	[dreg:$0x6] =	wrdreg $0x1C0C00  }
0xb9: {  	[dreg:$0x7] =	wrdreg $0x9  }
0xba: {  	_ =	task.clear_ibuf [dreg:s9], $0x8FFFF;
	_ =	strace $0x90000046  }
0xbb: {  	s29 =	simm.s32 $0x9;
	_ =	strace $0x80000053  }
0xbc: {  	_ =	swait.ge [sflag:s29], $0x1  }
0xbd: {  	[sflag:s29] =	ssyncadd.s32 $0xFFFFFFFF  }
0xbe: {  	_ =	strace $0x90000053  }
0xbf: {  	_ =	sfence  }
0xc0: {  	s30 =	sld [smem:$0x0];
	_ =	sdelay $0x2  }
0xc1: {  	s31 =	sshll.u32 s1, $0xD;
	s1 =	sshrl.u32 s1, $0x2  }
0xc2: {  	s3 =	sand.u32 $0x4000, s31;
	s1 =	sadd.s32 s1, s30  }
0xc3: {  	s0 =	sor.u32 s3, s0;
	s1 =	sshll.u32 s1, $0x11  }
0xc4: {  	s0 =	sor.u32 s1, s0  }
0xc5: {  	s0 =	sadd.s32 $0x8F2B, s0  }
0xc6: {  	[sflag:s0] =	ssyncadd.remote.s32 $0x1  }
0xc7: {  	_ =	sfence.sel $0xFFFF  }
0xc8: {  	[dreg:$0x0] =	wrdreg $0xFFFFFFFF;
	(pc) =	sbr.abs _section_cstart, $3  }
0xc9: {  	[dreg:$0x1] =	wrdreg $0xFFFFFFFF  }
0xca: {  	_ =	task.clear_ibuf [dreg:s9], $0x2FFFF;
	_ =	strace $0x9FFFFFFF  }
0xcb: {  	(tm) =	ssettm $0x7FFFFFFF  }
tec
execute0_lowered:
.L_overlay_start_1:
0x0: {  	(tag) =	ssettag $0x1  }
0x1: {  	v0 =	vimm.s32 $0x690;
	vm7 =	vcmask $0x300  }
0x2: {  	vm6 =	vcmask $0x704;
	v1 =	vsel vm7, $0x300, v0  }
0x3: {  	vm5 =	vcmask $0xB08;
	vm4 =	vcmask $0xF0C;
	v2 =	vsel vm6, $0x330, v1  }
0x4: {  	vm3 =	vcmask $0x1310;
	vm2 =	vcmask $0x1714;
	v2 =	vsel vm5, $0x360, v2  }
0x5: {  	vm0 =	vcmask $0x1B18;
	vm1 =	vcmask $0x1F1C;
	v3 =	vsel vm4, $0x390, v2  }
0x6: {  	vm11 =	vcmask $0x2320;
	v6 =	vimm.s32 $0x150;
	v4 =	vsel vm3, $0x480, v3  }
0x7: {  	vm12 =	vcmask $0x2724;
	vm8 =	vcmask $0x2B28;
	v5 =	vsel vm2, $0x4B0, v4  }
0x8: {  	vm9 =	vcmask $0x2F2C;
	vm10 =	vcmask $0x3330;
	v5 =	vsel vm0, $0x4E0, v5  }
0x9: {  	vm13 =	vcmask $0x3734;
	vm14 =	vcmask $0x2F20;
	v5 =	vsel vm1, $0x510, v5  }
0xa: {  	v9 =	vimm.s32 $0x6B2;
	v6 =	vsel vm7, $0x6C0, v6;
	v5 =	vsel vm11, $0x540, v5  }
0xb: {  	v0 =	vlaneseq.u32;
	v6 =	vsel vm6, $0x6F0, v6;
	v5 =	vsel vm12, $0x570, v5  }
0xc: {  	v9 =	vsel vm7, $0x322, v9;
	v6 =	vsel vm5, $0x720, v6;
	v5 =	vsel vm8, $0x5A0, v5  }
0xd: {  	v9 =	vsel vm6, $0x352, v9;
	v6 =	vsel vm4, $0x750, v6;
	v5 =	vsel vm9, $0x5D0, v5  }
0xe: {  	v7 =	vsel vm10, $0x600, v5;
	v5 =	vsel vm3, $0x780, v6;
	v6 =	vimm.s32 $0x90603000  }
0xf: {  	s0 =	rddreg [dreg:$0x0];
	v9 =	vsel vm5, $0x382, v9;
	v8 =	vsel vm2, $0x7B0, v5;
	v6 =	vunpack.c.0.s8.s32 v6  }
0x10: {  	s1 =	rddreg [dreg:$0x1];
	v1 =	vmul.u32 $0x48, v0;
	v9 =	vsel vm4, $0x3B2, v9;
	v8 =	vsel vm0, $0x7E0, v8  }
0x11: {  	s4 =	rddreg [dreg:$0x2];
	s2 =	srdreg.scid;
	v9 =	vsel vm3, $0x4A2, v9;
	v8 =	vsel vm1, $0x810, v8;
	v6 =	vand.u32 $0xFF, v6  }
0x12: {  	s10 =	rddreg [dreg:$0x3];
	s9 =	stileid.u32;
	s3 =	simm.s32 $0x0;
	v9 =	vsel vm2, $0x4D2, v9;
	v8 =	vsel vm14, v6, v8;
	v6 =	vimm.s32 $0x511  }
0x13: {  	s16 =	simm.s32 $0x1E80;
	s18 =	simm.s32 $0x1;
	s19 =	simm.s32 $0x78;
	v7 =	vsel vm13, $0x630, v7;
	vm14 =	vcmask $0x3B38;
	v10 =	vsel vm7, $0x181, v6  }
0x14: {  	s30 =	simm.s32 $0x4;
	s31 =	simm.s32 $0x5;
	s13 =	simm.s32 $0x7;
	v9 =	vsel vm0, $0x502, v9;
	v6 =	vsel vm14, $0x660, v7;
	v7 =	vsel vm6, $0x1B1, v10  }
0x15: {  	s14 =	simm.s32 $0x8;
	s20 =	simm.s32 $0x9;
	s21 =	simm.s32 $0xA;
	v9 =	vsel vm1, $0x532, v9;
	v7 =	vsel vm5, $0x1E1, v7  }
0x16: {  	s28 =	simm.s32 $0x3;
	s5 =	sand.u32 $0x1, s2;
	s2 =	rddreg [dreg:$0x4];
	v2 =	vadd.s32 $0x480, v1;
	v9 =	vsel vm11, $0x562, v9;
	v11 =	vsel vm4, $0x211, v7  }
0x17: {  	s29 =	simm.s32 $0x0;
	s6 =	sshll.u32 s9, $0x6;
	[smem:$0x7FF] =	sst s3;
	v3 =	vadd.s32 $0x900, v1;
	v9 =	vsel vm12, $0x592, v9;
	v11 =	vsel vm3, $0x241, v11  }
0x18: {  	s23 =	sshll.u32 s9, $0x3;
	s25 =	sshll.u32 s9, $0xC;
	s7 =	sshll.u32 s5, $0x5;
	v9 =	vsel vm8, $0x5C2, v9;
	v10 =	vimm.s32 $0x22;
	v11 =	vsel vm2, $0x271, v11  }
0x19: {  	_ =	strace $0x80000047;
	s5 =	ssub.s32 $0x2, s5;
	s1 =	sadd.s32 s1, s23;
	v9 =	vsel vm9, $0x5F2, v9;
	v10 =	vsel vm7, $0x6E2, v10;
	v11 =	vsel vm0, $0x2A1, v11  }
0x1a: {  	s23 =	simm.s32 $0xC;
	s6 =	sor.u32 s7, s6;
	s22 =	sshrl.u32 s5, $0x1;
	v9 =	vsel vm10, $0x622, v9;
	v10 =	vsel vm6, $0x712, v10;
	v11 =	vsel vm1, $0x2D1, v11  }
0x1b: {  	[dreg:$0x6] =	wrdreg s1;
	s7 =	sadd.s32 s25, s2;
	s1 =	simm.s32 $0x18EC0;
	v5 =	vmul.u32 $0x30, v0;
	v10 =	vsel vm5, $0x742, v10;
	v11 =	vsel vm11, $0x301, v11  }
0x1c: {  	s25 =	simm.s32 $0xE;
	s11 =	sshrl.u32 s6, $0x3;
	s12 =	ssub.s32 s5, s22;
	v12 =	vsel vm13, $0x652, v9;
	v10 =	vsel vm4, $0x772, v10;
	v11 =	vsel vm12, $0x331, v11  }
0x1d: {  	s22 =	simm.s32 $0xB;
	s4 =	sadd.s32 s11, s4;
	s8 =	sadd.s32 $0x4, s11;
	v8 =	vsel vm10, $0xC0, v8;
	v10 =	vsel vm3, $0x7A2, v10;
	v11 =	vsel vm8, $0x361, v11  }
0x1e: {  	s5 =	sadd.s32 s0, s11;
	s10 =	sadd.s32 s10, s11;
	s26 =	smax.u32 s12, $0x1;
	v7 =	vshrl.u32 v0, $0x3;
	v10 =	vsel vm2, $0x7D2, v10;
	v11 =	vsel vm9, $0x391, v11  }
0x1f: {  	s12 =	simm.s32 $0x198C0;
	s24 =	sand.u32 $0x7C, s8;
	s8 =	sadd.s32 $0xC00, s4;
	v0 =	vsel vm14, $0x682, v12;
	v13 =	vsel vm0, $0x802, v10;
	v11 =	vsel vm10, $0x481, v11  }
0x20: {  	s9 =	sadd.s32 $0x2C00, s4;
	[dreg:$0x7] =	wrdreg s26;
	s26 =	simm.s32 $0xF;
	v8 =	vsel vm13, $0xF0, v8;
	[tilespmem:$0x1FFE0] =	vst v0;
	v0 =	vsel vm1, $0x832, v13;
	v11 =	vsel vm13, $0x4B1, v11  }
0x21: {  	v4 =	vadd.s32 $0xD80, v1;
	s6 =	sadd.s32 s0, s24;
	s0 =	simm.s32 $0x1A2C0;
	s24 =	simm.s32 $0xD;
	v8 =	vsel vm14, $0x120, v8;
	[tilespmem:$0x1FFF0] =	vst v0;
	v9 =	vsel vm14, $0x4E1, v11  }
.LBB2_1:
0x22: {  	s4 =	rddreg [dreg:$0x6]  }
0x23: {  	s11 =	simm.s32 $0x40;
	s15 =	simm.s32 $0x400;
	s17 =	simm.s32 $0xE80  }
0x24: {  	[tilespmem:s17], [sflag:$0x2] =	stream.strided.gather [hbm4b:s4+s11], $0x1000, s15, s11, $0x38;
	[tilespmem:$0x1D0C0] =	vst v63  }
0x25: {  	s4 =	simm.s32 $0x80  }
0x26: {  	s17 =	sadd.s32 $0x0, s5;
	s11 =	simm.s32 $0x30;
	s15 =	simm.s32 $0x0  }
.LBB2_2:
0x27: {  	[tilespmem:s15], [sflag:$0x1] =	stream.linear.gather [hbm4b:s17+s3], $0x20, $0x38;
	[tilespmem:$0x1D0C0] =	vst v63  }
0x28: {  	s17 =	smov.u32 s4;
	s15 =	smov.u32 s11;
	p0 =	sne.s32 s4, $0x1780  }
.Ltmp0:
0x29: {  	s4 =	sadd.s32 $0x80, s4;
	(pc) =	sbr.rel @p0 .LBB2_2-.Ltmp0, $2  }
0x2a: {  	_ =	sdelay $0x2  }
0x2b: {  	s11 =	sadd.s32 $0x30, s11;
	s17 =	sadd.s32 s17, s5  }
0x2c: {  	[tilespmem:s15], [sflag:$0x1] =	stream.linear.gather [hbm4b:s17+s3], $0x20, $0x38;
	[tilespmem:$0x1D0C0] =	vst v63  }
0x2d: {  	s4 =	simm.s32 $0x20  }
0x2e: {  	s11 =	simm.s32 $0x80;
	s17 =	sadd.s32 $0x0, s6;
	s15 =	simm.s32 $0x50  }
.LBB2_4:
0x2f: {  	[tilespmem:s4], [sflag:$0x1] =	stream.linear.gather [hbm4b:s17+s3], $0x8, $0x38;
	[tilespmem:$0x1D0C0] =	vst v63  }
0x30: {  	s17 =	smov.u32 s11;
	s4 =	smov.u32 s15;
	p0 =	sne.s32 s11, $0x1780  }
.Ltmp1:
0x31: {  	s11 =	sadd.s32 $0x80, s11;
	(pc) =	sbr.rel @p0 .LBB2_4-.Ltmp1, $2  }
0x32: {  	_ =	sdelay $0x2  }
0x33: {  	s15 =	sadd.s32 $0x30, s15;
	s17 =	sadd.s32 s17, s6  }
0x34: {  	[tilespmem:s4], [sflag:$0x1] =	stream.linear.gather [hbm4b:s17+s3], $0x8, $0x38;
	[tilespmem:$0x1D0C0] =	vst v63  }
0x35: {  	s17 =	simm.s32 $0x2;
	_ =	strace $0x80000048  }
0x36: {  	_ =	swait.ge [sflag:s17], $0x1000  }
0x37: {  	[sflag:s17] =	ssyncset.done $0x0  }
0x38: {  	[sflag:s17] =	ssyncadd.s32 $0xFFFFF000  }
0x39: {  	_ =	strace $0x90000048  }
0x3a: {  	s11 =	simm.s32 $0xF80;
	_ =	strace $0x80000049  }
0x3b: {  	v12 =	vld [tilespmem:s11+$0xC0]  }
0x3c: {  	v14 =	vld [tilespmem:s11+$0xD0]  }
0x3d: {  	v15 =	vld [tilespmem:s11+$0x80]  }
0x3e: {  	v16 =	vld [tilespmem:s11+$0x90]  }
0x3f: {  	v17 =	vld [tilespmem:s11+$0x40]  }
0x40: {  	v18 =	vld [tilespmem:s11+$0x50]  }
0x41: {  	v19 =	vld [tilespmem:s11+$0x0]  }
0x42: {  	v20 =	vld [tilespmem:s11+$0x10]  }
0x43: {  	v21 =	vld [tilespmem:s11+$0xFFFFFFC0]  }
0x44: {  	v22 =	vld [tilespmem:s11+$0xFFFFFFD0]  }
0x45: {  	v23 =	vld [tilespmem:s11+$0xFFFFFF80]  }
0x46: {  	v24 =	vld [tilespmem:s11+$0xFFFFFF90]  }
0x47: {  	v25 =	vld [tilespmem:s11+$0xFFFFFF40]  }
0x48: {  	v26 =	vld [tilespmem:s11+$0xFFFFFF50]  }
0x49: {  	v27 =	vld [tilespmem:s11+$0xFFFFFF00];
	v13 =	vmul.f32 v12, v12  }
0x4a: {  	v28 =	vld [tilespmem:s11+$0xFFFFFF10];
	v12 =	vmul.f32 v14, v14;
	v15 =	vmul.f32 v15, v15  }
0x4b: {  	v29 =	vld [tilespmem:s11+$0xFFFFFF20];
	v14 =	vmul.f32 v16, v16;
	v17 =	vmul.f32 v17, v17  }
0x4c: {  	v16 =	vmul.f32 v18, v18;
	v18 =	vld [tilespmem:s11+$0xFFFFFF30];
	v30 =	vmul.f32 v19, v19  }
0x4d: {  	v31 =	vmul.f32 v20, v20;
	v19 =	vld [tilespmem:s11+$0xFFFFFF60];
	v20 =	vmul.f32 v21, v21  }
0x4e: {  	v21 =	vmul.f32 v22, v22;
	v22 =	vld [tilespmem:s11+$0xFFFFFF70];
	v23 =	vmul.f32 v23, v23  }
0x4f: {  	v32 =	vld [tilespmem:s11+$0xFFFFFFA0];
	v24 =	vmul.f32 v24, v24;
	v27 =	vmul.f32 v27, v27  }
0x50: {  	v34 =	vimm.f32 $0.0e+00;
	v33 =	vld [tilespmem:s11+$0xFFFFFFB0];
	v28 =	vmul.f32 v28, v28;
	v29 =	vmul.f32 v29, v29  }
0x51: {  	v35 =	vld [tilespmem:s11+$0xFFFFFFE0];
	v25 =	vmul.f32 v25, v25;
	v27 =	vadd.f32 v27, v34;
	v18 =	vmul.f32 v18, v18  }
0x52: {  	v36 =	vld [tilespmem:s11+$0xFFFFFFF0];
	v26 =	vmul.f32 v26, v26;
	v28 =	vadd.f32 v28, v34;
	v29 =	vadd.f32 v29, v34  }
0x53: {  	v62 =	vld [tilespmem:s11+$0x20];
	v19 =	vmul.f32 v19, v19;
	v22 =	vmul.f32 v22, v22;
	v18 =	vadd.f32 v18, v34  }
0x54: {  	v25 =	vadd.f32 v25, v27;
	v26 =	vadd.f32 v26, v28;
	v27 =	vmul.f32 v32, v32;
	v28 =	vld [tilespmem:s11+$0x30]  }
0x55: {  	v63 =	vld [tilespmem:s11+$0x60];
	v19 =	vadd.f32 v19, v29;
	v29 =	vmul.f32 v33, v33;
	v22 =	vadd.f32 v22, v18  }
0x56: {  	v23 =	vadd.f32 v23, v25;
	v24 =	vadd.f32 v24, v26;
	v25 =	vmul.f32 v35, v35;
	v18 =	vld [tilespmem:s11+$0x70]  }
0x57: {  	v26 =	vadd.f32 v27, v19;
	v27 =	vmul.f32 v36, v36;
	v19 =	vld [tilespmem:s11+$0xA0];
	v22 =	vadd.f32 v29, v22  }
0x58: {  	v24 =	vadd.f32 v21, v24;
	v29 =	vadd.f32 v20, v23;
	v23 =	vmul.f32 v62, v62;
	v20 =	vld [tilespmem:s11+$0xB0]  }
0x59: {  	v21 =	vld [tilespmem:s11+$0xE0];
	v26 =	vadd.f32 v25, v26;
	v25 =	vadd.f32 v27, v22;
	v27 =	vmul.f32 v28, v28  }
0x5a: {  	s4 =	simm.s32 $0x0;
	v29 =	vadd.f32 v30, v29;
	v28 =	vadd.f32 v31, v24;
	v24 =	vmul.f32 v63, v63;
	v22 =	vld [tilespmem:s11+$0xF0];
	s11 =	simm.s32 $0x1180  }
.LBB2_6:
0x5b: {  	v30 =	vld [tilespmem:s11+$0xC0];
	v23 =	vadd.f32 v23, v26;
	v25 =	vadd.f32 v27, v25;
	v18 =	vmul.f32 v18, v18  }
0x5c: {  	v26 =	vld [tilespmem:s11+$0xD0];
	v17 =	vadd.f32 v17, v29;
	v16 =	vadd.f32 v16, v28;
	v19 =	vmul.f32 v19, v19  }
0x5d: {  	v27 =	vld [tilespmem:s11+$0x80];
	v23 =	vadd.f32 v24, v23;
	v18 =	vadd.f32 v18, v25;
	v20 =	vmul.f32 v20, v20  }
0x5e: {  	v24 =	vld [tilespmem:s11+$0x90];
	v15 =	vadd.f32 v15, v17;
	v14 =	vadd.f32 v14, v16;
	v16 =	vmul.f32 v21, v21  }
0x5f: {  	v17 =	vld [tilespmem:s11+$0x40];
	v19 =	vadd.f32 v19, v23;
	v18 =	vadd.f32 v20, v18;
	v20 =	vmul.f32 v22, v22  }
0x60: {  	v21 =	vld [tilespmem:s11+$0x50];
	v22 =	vadd.f32 v13, v15;
	v23 =	vadd.f32 v12, v14  }
0x61: {  	v25 =	vld [tilespmem:s11+$0x0];
	v19 =	vadd.f32 v16, v19;
	v18 =	vadd.f32 v20, v18  }
0x62: {  	v20 =	vld [tilespmem:s11+$0x10]  }
0x63: {  	v28 =	vld [tilespmem:s11+$0xFFFFFFC0]  }
0x64: {  	v29 =	vld [tilespmem:s11+$0xFFFFFFD0]  }
0x65: {  	v31 =	vld [tilespmem:s11+$0xFFFFFF80]  }
0x66: {  	v32 =	vld [tilespmem:s11+$0xFFFFFF90]  }
0x67: {  	v33 =	vld [tilespmem:s11+$0xFFFFFF40]  }
0x68: {  	v34 =	vld [tilespmem:s11+$0xFFFFFF50]  }
0x69: {  	v13 =	vmul.f32 v30, v30;
	v12 =	vmul.f32 v26, v26;
	v35 =	vld [tilespmem:s11+$0xFFFFFF00]  }
0x6a: {  	v15 =	vmul.f32 v27, v27;
	v14 =	vmul.f32 v24, v24;
	v26 =	vld [tilespmem:s11+$0xFFFFFF10]  }
0x6b: {  	v17 =	vmul.f32 v17, v17;
	v16 =	vmul.f32 v21, v21;
	v24 =	vld [tilespmem:s11+$0xFFFFFF20]  }
0x6c: {  	s4 =	sadd.s32 $0x8, s4;
	v30 =	vmul.f32 v25, v25;
	v36 =	vmul.f32 v20, v20;
	v21 =	vld [tilespmem:s11+$0xFFFFFF30]  }
0x6d: {  	p0 =	slt.u32 s4, $0x38;
	v25 =	vmul.f32 v28, v28;
	v27 =	vmul.f32 v29, v29;
	v20 =	vld [tilespmem:s11+$0xFFFFFF60]  }
0x6e: {  	v29 =	vmul.f32 v31, v31;
	v31 =	vmul.f32 v32, v32;
	v28 =	vld [tilespmem:s11+$0xFFFFFF70]  }
0x6f: {  	v32 =	vmul.f32 v33, v33;
	v33 =	vmul.f32 v34, v34;
	v34 =	vld [tilespmem:s11+$0xFFFFFFA0]  }
0x70: {  	v35 =	vmul.f32 v35, v35;
	v26 =	vmul.f32 v26, v26;
	v37 =	vld [tilespmem:s11+$0xFFFFFFB0]  }
0x71: {  	v24 =	vmul.f32 v24, v24;
	v21 =	vmul.f32 v21, v21;
	v38 =	vld [tilespmem:s11+$0xFFFFFFE0]  }
0x72: {  	v22 =	vadd.f32 v35, v22;
	v23 =	vadd.f32 v26, v23;
	v20 =	vmul.f32 v20, v20;
	v26 =	vld [tilespmem:s11+$0xFFFFFFF0]  }
0x73: {  	v19 =	vadd.f32 v24, v19;
	v18 =	vadd.f32 v21, v18;
	v21 =	vmul.f32 v28, v28;
	v24 =	vld [tilespmem:s11+$0x20]  }
0x74: {  	v22 =	vadd.f32 v32, v22;
	v23 =	vadd.f32 v33, v23;
	v28 =	vmul.f32 v34, v34;
	v32 =	vld [tilespmem:s11+$0x30]  }
0x75: {  	v19 =	vadd.f32 v20, v19;
	v20 =	vadd.f32 v21, v18;
	v21 =	vmul.f32 v37, v37;
	v33 =	vld [tilespmem:s11+$0x60]  }
.Ltmp2:
0x76: {  	v22 =	vadd.f32 v29, v22;
	v23 =	vadd.f32 v31, v23;
	v29 =	vmul.f32 v38, v38;
	v18 =	vld [tilespmem:s11+$0x70];
	(pc) =	sbr.rel @p0 .LBB2_6-.Ltmp2, $4  }
0x77: {  	v28 =	vadd.f32 v28, v19;
	v21 =	vadd.f32 v21, v20;
	v31 =	vmul.f32 v26, v26;
	v19 =	vld [tilespmem:s11+$0xA0]  }
0x78: {  	v22 =	vadd.f32 v25, v22;
	v34 =	vadd.f32 v27, v23;
	v23 =	vmul.f32 v24, v24;
	v20 =	vld [tilespmem:s11+$0xB0]  }
0x79: {  	v26 =	vadd.f32 v29, v28;
	v25 =	vadd.f32 v31, v21;
	v27 =	vmul.f32 v32, v32;
	v21 =	vld [tilespmem:s11+$0xE0]  }
0x7a: {  	v29 =	vadd.f32 v30, v22;
	v28 =	vadd.f32 v36, v34;
	v24 =	vmul.f32 v33, v33;
	v22 =	vld [tilespmem:s11+$0xF0];
	s11 =	sadd.s32 $0x200, s11  }
0x7b: {  	v23 =	vadd.f32 v23, v26;
	v25 =	vadd.f32 v27, v25;
	v18 =	vmul.f32 v18, v18  }
0x7c: {  	v17 =	vadd.f32 v17, v29;
	v16 =	vadd.f32 v16, v28  }
0x7d: {  	v19 =	vmul.f32 v19, v19;
	v23 =	vadd.f32 v24, v23;
	v43 =	vadd.f32 v18, v25  }
0x7e: {  	v15 =	vadd.f32 v15, v17;
	v14 =	vadd.f32 v14, v16  }
0x7f: {  	v44 =	vmul.f32 v20, v20;
	v45 =	vmul.f32 v21, v21;
	v19 =	vadd.f32 v19, v23  }
0x80: {  	v13 =	vadd.f32 v13, v15;
	v12 =	vadd.f32 v12, v14  }
0x81: {  	v46 =	vmul.f32 v22, v22;
	v15 =	vadd.f32 v44, v43;
	v14 =	vadd.f32 v45, v19  }
0x82: {  	v47 =	vshrl.u32 v13, $0x1;
	v13 =	vmul.f32 $5.000000000e-01, v13;
	v48 =	vshrl.u32 v12, $0x1  }
0x83: {  	v12 =	vmul.f32 $5.000000000e-01, v12;
	v15 =	vadd.f32 v46, v15;
	v16 =	vsub.s32 $0x5F3759DF, v47  }
0x84: {  	v18 =	vsub.s32 $0x5F3759DF, v48;
	v51 =	vshrl.u32 v14, $0x1;
	v14 =	vmul.f32 $5.000000000e-01, v14  }
0x85: {  	v49 =	vmul.f32 v16, v13;
	v50 =	vmul.f32 v18, v12  }
0x86: {  	v20 =	vsub.s32 $0x5F3759DF, v51;
	v52 =	vshrl.u32 v15, $0x1;
	v15 =	vmul.f32 $5.000000000e-01, v15  }
0x87: {  	v53 =	vmul.f32 v20, v14;
	v21 =	vsub.s32 $0x5F3759DF, v52;
	v17 =	vmul.f32 v16, v49  }
0x88: {  	v19 =	vmul.f32 v18, v50;
	v54 =	vmul.f32 v21, v15  }
0x89: {  	v22 =	vmul.f32 v20, v53;
	v17 =	vsub.f32 $1.500000000e+00, v17  }
0x8a: {  	v19 =	vsub.f32 $1.500000000e+00, v19;
	v23 =	vmul.f32 v21, v54  }
0x8b: {  	v55 =	vsub.f32 $1.500000000e+00, v22;
	v16 =	vmul.f32 v16, v17  }
0x8c: {  	v18 =	vmul.f32 v18, v19;
	v56 =	vsub.f32 $1.500000000e+00, v23  }
0x8d: {  	v17 =	vmul.f32 v20, v55;
	v57 =	vmul.f32 v16, v13  }
0x8e: {  	v58 =	vmul.f32 v18, v12;
	v19 =	vmul.f32 v21, v56  }
0x8f: {  	v60 =	vmul.f32 v17, v14;
	v59 =	vmul.f32 v57, v16  }
0x90: {  	v20 =	vmul.f32 v58, v18;
	v61 =	vmul.f32 v19, v15  }
0x91: {  	v22 =	vmul.f32 v60, v17;
	v21 =	vsub.f32 $1.500000000e+00, v59  }
0x92: {  	v20 =	vsub.f32 $1.500000000e+00, v20;
	v23 =	vmul.f32 v61, v19  }
0x93: {  	v62 =	vsub.f32 $1.500000000e+00, v22;
	v16 =	vmul.f32 v21, v16  }
0x94: {  	v18 =	vmul.f32 v20, v18;
	v63 =	vsub.f32 $1.500000000e+00, v23  }
0x95: {  	v17 =	vmul.f32 v62, v17;
	v13 =	vmul.f32 v16, v13  }
0x96: {  	v12 =	vmul.f32 v18, v12;
	v19 =	vmul.f32 v63, v19  }
0x97: {  	v14 =	vmul.f32 v17, v14;
	v13 =	vmul.f32 v13, v16  }
0x98: {  	v12 =	vmul.f32 v12, v18;
	v15 =	vmul.f32 v19, v15  }
0x99: {  	v14 =	vmul.f32 v14, v17;
	v13 =	vsub.f32 $1.500000000e+00, v13  }
0x9a: {  	v12 =	vsub.f32 $1.500000000e+00, v12;
	v15 =	vmul.f32 v15, v19  }
0x9b: {  	v14 =	vsub.f32 $1.500000000e+00, v14;
	v13 =	vmul.f32 v13, v16  }
0x9c: {  	v12 =	vmul.f32 v12, v18;
	v15 =	vsub.f32 $1.500000000e+00, v15  }
0x9d: {  	v14 =	vmul.f32 v14, v17;
	v13 =	vmul.f32 $2.000000000e+01, v13  }
0x9e: {  	v12 =	vmul.f32 $2.000000000e+01, v12;
	v15 =	vmul.f32 v15, v19  }
0x9f: {  	v14 =	vmul.f32 $2.000000000e+01, v14;
	v13 =	vmin.f32 v13, $1.000000000e+00  }
0xa0: {  	_ =	strace $0x90000049;
	v12 =	vmin.f32 v12, $1.000000000e+00;
	[tilespmem:$0x3080] =	vst v13;
	v13 =	vmul.f32 $2.000000000e+01, v15  }
0xa1: {  	[tilespmem:$0x3090] =	vst v12;
	v12 =	vmin.f32 v14, $1.000000000e+00  }
0xa2: {  	[tilespmem:$0x30A0] =	vst v12;
	v12 =	vmin.f32 v13, $1.000000000e+00  }
0xa3: {  	[tilespmem:$0x30B0] =	vst v12  }
0xa4: {  	_ =	strace $0x8000004A  }
0xa5: {  	s11 =	simm.s32 $0x0;
	s4 =	simm.s32 $0xEC0;
	v12 =	vld [tilespmem:$0x3080]  }
0xa6: {  	v13 =	vmov s11;
	v14 =	vld [tilespmem:s4+$0xFFFFFFC0]  }
0xa7: {  	v13 =	vand.u32 $0x3E, v13  }
0xa8: {  	v15 =	vadd.s32 v1, v13;
	_ =	sdelay $0x2  }
0xa9: {  	v12 =	vmul.f32 v12, v14;
	_ =	sdelay $0x1  }
0xaa: {  	[tilespmem:v15+s16+$0x0] =	vst.idx.msk $0xffff, v12  }
0xab: {  	v12 =	vld [tilespmem:s4+$0xFFFFFFD0]  }
0xac: {  	v14 =	vld [tilespmem:$0x3090];
	_ =	sdelay $0x1  }
0xad: {  	v15 =	vadd.s32 v2, v13;
	_ =	sdelay $0x2  }
0xae: {  	v12 =	vmul.f32 v14, v12;
	_ =	sdelay $0x1  }
0xaf: {  	[tilespmem:v15+s16+$0x0] =	vst.idx.msk $0xffff, v12  }
0xb0: {  	v12 =	vld [tilespmem:s4+$0xFFFFFFE0]  }
0xb1: {  	v14 =	vld [tilespmem:$0x30A0];
	_ =	sdelay $0x1  }
0xb2: {  	v15 =	vadd.s32 v3, v13;
	_ =	sdelay $0x2  }
0xb3: {  	v12 =	vmul.f32 v14, v12;
	_ =	sdelay $0x1  }
0xb4: {  	[tilespmem:v15+s16+$0x0] =	vst.idx.msk $0xffff, v12  }
0xb5: {  	v12 =	vld [tilespmem:s4+$0xFFFFFFF0]  }
0xb6: {  	v14 =	vld [tilespmem:$0x30B0];
	_ =	sdelay $0x1  }
0xb7: {  	v13 =	vadd.s32 v4, v13;
	_ =	sdelay $0x2  }
0xb8: {  	v12 =	vmul.f32 v14, v12;
	_ =	sdelay $0x1  }
0xb9: {  	[tilespmem:v13+s16+$0x0] =	vst.idx.msk $0xffff, v12  }
0xba: {  	s17 =	simm.s32 $0x1;
	v12 =	vld [tilespmem:s4+$0x0]  }
0xbb: {  	v13 =	vmov s17;
	v14 =	vld [tilespmem:$0x3080]  }
0xbc: {  	v13 =	vand.u32 $0x3F, v13  }
0xbd: {  	v15 =	vadd.s32 v1, v13;
	_ =	sdelay $0x2  }
0xbe: {  	v12 =	vmul.f32 v14, v12;
	_ =	sdelay $0x1  }
0xbf: {  	[tilespmem:v15+s16+$0x0] =	vst.idx.msk $0xffff, v12  }
0xc0: {  	v12 =	vld [tilespmem:s4+$0x10]  }
0xc1: {  	v14 =	vld [tilespmem:$0x3090];
	_ =	sdelay $0x1  }
0xc2: {  	v15 =	vadd.s32 v2, v13;
	_ =	sdelay $0x2  }
0xc3: {  	v12 =	vmul.f32 v14, v12;
	_ =	sdelay $0x1  }
0xc4: {  	[tilespmem:v15+s16+$0x0] =	vst.idx.msk $0xffff, v12  }
0xc5: {  	v12 =	vld [tilespmem:s4+$0x20]  }
0xc6: {  	v14 =	vld [tilespmem:$0x30A0];
	_ =	sdelay $0x1  }
0xc7: {  	v15 =	vadd.s32 v3, v13;
	_ =	sdelay $0x2  }
0xc8: {  	v12 =	vmul.f32 v14, v12;
	_ =	sdelay $0x1  }
0xc9: {  	[tilespmem:v15+s16+$0x0] =	vst.idx.msk $0xffff, v12  }
0xca: {  	s11 =	simm.s32 $0x2;
	v12 =	vadd.s32 v4, v13;
	v13 =	vld [tilespmem:s4+$0x30]  }
.LBB2_8:
0xcb: {  	p0 =	slt.u32 s11, $0x3E  }
0xcc: {  	v14 =	vld [tilespmem:$0x30B0];
	s4 =	sadd.s32 $0x80, s4;
	s15 =	smov.u32 s11;
	s11 =	sadd.s32 $0x2, s11  }
0xcd: {  	_ =	sdelay $0x3  }
0xce: {  	v13 =	vmul.f32 v14, v13;
	_ =	sdelay $0x1  }
0xcf: {  	[tilespmem:v12+s16+$0x0] =	vst.idx.msk $0xffff, v13  }
0xd0: {  	v12 =	vld [tilespmem:$0x3080]  }
0xd1: {  	v13 =	vmov s15;
	v14 =	vld [tilespmem:s4+$0xFFFFFFC0]  }
0xd2: {  	v13 =	vand.u32 $0x3E, v13  }
0xd3: {  	v15 =	vadd.s32 v1, v13;
	_ =	sdelay $0x2  }
0xd4: {  	v12 =	vmul.f32 v12, v14;
	_ =	sdelay $0x1  }
0xd5: {  	[tilespmem:v15+s16+$0x0] =	vst.idx.msk $0xffff, v12  }
0xd6: {  	v12 =	vld [tilespmem:s4+$0xFFFFFFD0]  }
0xd7: {  	v14 =	vld [tilespmem:$0x3090]  }
0xd8: {  	v15 =	vadd.s32 v2, v13;
	_ =	sdelay $0x3  }
0xd9: {  	v12 =	vmul.f32 v14, v12;
	_ =	sdelay $0x1  }
0xda: {  	[tilespmem:v15+s16+$0x0] =	vst.idx.msk $0xffff, v12  }
0xdb: {  	v12 =	vld [tilespmem:s4+$0xFFFFFFE0]  }
0xdc: {  	v15 =	vadd.s32 v3, v13;
	v14 =	vld [tilespmem:$0x30A0];
	_ =	sdelay $0x4  }
0xdd: {  	v12 =	vmul.f32 v14, v12;
	_ =	sdelay $0x1  }
0xde: {  	[tilespmem:v15+s16+$0x0] =	vst.idx.msk $0xffff, v12  }
0xdf: {  	v13 =	vadd.s32 v4, v13;
	v12 =	vld [tilespmem:s4+$0xFFFFFFF0]  }
0xe0: {  	v14 =	vld [tilespmem:$0x30B0];
	_ =	sdelay $0x3  }
0xe1: {  	s15 =	sadd.s32 $0x1, s15  }
0xe2: {  	v12 =	vmul.f32 v14, v12;
	v14 =	vmov s15  }
0xe3: {  	v14 =	vand.u32 $0x3F, v14  }
0xe4: {  	[tilespmem:v13+s16+$0x0] =	vst.idx.msk $0xffff, v12;
	v12 =	vadd.s32 v1, v14  }
0xe5: {  	v13 =	vld [tilespmem:s4+$0x0]  }
0xe6: {  	v15 =	vld [tilespmem:$0x3080];
	_ =	sdelay $0x4  }
0xe7: {  	v13 =	vmul.f32 v15, v13  }
0xe8: {  	v15 =	vadd.s32 v2, v14  }
0xe9: {  	[tilespmem:v12+s16+$0x0] =	vst.idx.msk $0xffff, v13  }
0xea: {  	v12 =	vld [tilespmem:s4+$0x10]  }
0xeb: {  	v13 =	vld [tilespmem:$0x3090];
	_ =	sdelay $0x4  }
0xec: {  	v12 =	vmul.f32 v13, v12;
	v13 =	vadd.s32 v3, v14;
	_ =	sdelay $0x1  }
0xed: {  	[tilespmem:v15+s16+$0x0] =	vst.idx.msk $0xffff, v12  }
0xee: {  	v15 =	vld [tilespmem:s4+$0x20]  }
0xef: {  	v16 =	vld [tilespmem:$0x30A0];
	_ =	sdelay $0x3  }
.Ltmp3:
0xf0: {  	v12 =	vadd.s32 v4, v14;
	(pc) =	sbr.rel @p0 .LBB2_8-.Ltmp3, $3  }
0xf1: {  	v14 =	vmul.f32 v16, v15;
	_ =	sdelay $0x1  }
0xf2: {  	[tilespmem:v13+s16+$0x0] =	vst.idx.msk $0xffff, v14  }
0xf3: {  	v13 =	vld [tilespmem:s4+$0x30]  }
0xf4: {  	v14 =	vld [tilespmem:$0x30B0];
	_ =	sdelay $0x4  }
0xf5: {  	v13 =	vmul.f32 v14, v13;
	_ =	sdelay $0x1  }
0xf6: {  	[tilespmem:v12+s16+$0x0] =	vst.idx.msk $0xffff, v13  }
0xf7: {  	_ =	strace $0x9000004A  }
0xf8: {  	s4 =	simm.s32 $0x1E80;
	s11 =	sadd.s32 $0x0, s7;
	_ =	strace $0x8000004B  }
0xf9: {  	[spmem:s11] =	stream.linear.scatter [tilespmem:s4], [sflag:$0x10], $0x40, $0x200038;
	[tilespmem:$0x1D0C0] =	vst v63  }
0xfa: {  	s11 =	simm.s32 $0x100  }
.LBB2_10:
0xfb: {  	p0 =	sne.s32 s11, $0x3F00  }
.Ltmp4:
0xfc: {  	_ = 	snop;
	(pc) =	sbr.rel @p0 .LBB2_10-.Ltmp4, $4  }
0xfd: {  	_ = 	snop  }
0xfe: {  	s15 =	sshra.s32 s11, $0x2;
	s11 =	sadd.s32 $0x100, s11  }
0xff: {  	s4 =	sadd.s32 $0x48, s4;
	s15 =	sadd.s32 s15, s7  }
0x100: {  	[spmem:s15] =	stream.linear.scatter [tilespmem:s4], [sflag:$0x10], $0x40, $0x200038;
	[tilespmem:$0x1D0C0] =	vst v63  }
0x101: {  	s4 =	simm.s32 $0x10  }
0x102: {  	_ =	swait.ge [sflag:s4], $0x1000  }
0x103: {  	[sflag:s4] =	ssyncset.done $0x0  }
0x104: {  	[sflag:s4] =	ssyncadd.s32 $0xFFFFF000  }
0x105: {  	[bflag:$0x0] =	sbarrier.arrive $0xFFFF  }
0x106: {  	_ =	strace $0x9000004B  }
0x107: {  	_ =	strace $0x8000004C  }
0x108: {  	s11 =	simm.s32 $0x0;
	_ =	swait.ge [sflag:s18], $0x600  }
0x109: {  	v12 =	vmov s11;
	[sflag:s18] =	ssyncset.done $0x0  }
0x10a: {  	v13 =	vand.u32 $0x3E, v12;
	[sflag:s18] =	ssyncadd.s32 $0xFFFFFA00  }
0x10b: {  	v14 =	vadd.s32 v5, v13;
	_ =	swait.ge [sflag:s18], $0x180  }
0x10c: {  	[sflag:s18] =	ssyncset.done $0x0  }
0x10d: {  	[sflag:s18] =	ssyncadd.s32 $0xFFFFFE80  }
0x10e: {  	_ =	strace $0x9000004C  }
0x10f: {  	_ =	strace $0x8000004D  }
0x110: {  	v14 =	vld.idx.msk [tilespmem:v14+s3+$0x0], $0xffff  }
0x111: {  	v15 =	vadd.s32 v6, v13;
	_ =	sdelay $0x2  }
0x112: {  	v16 =	vor.u32 s11, v7;
	s4 =	simm.s32 $0x920  }
0x113: {  	v12 =	vand.u32 $0x38, v12;
	[tilespmem:s4+$0xFFFFFFE0] =	vst v14;
	v14 =	vand.u32 $0x7, v16  }
0x114: {  	v15 =	vld.idx.msk [tilespmem:v15+s3+$0x0], $0xffff;
	v12 =	vor.u32 v14, v12  }
0x115: {  	v12 =	vadd.s32 v8, v12;
	_ =	sdelay $0x3  }
0x116: {  	[tilespmem:s4+$0xFFFFFFF0] =	vst v15  }
0x117: {  	v12 =	vld.idx.msk [tilespmem:v12+s3+$0x0], $0xffff  }
0x118: {  	v14 =	vadd.s32 v9, v13;
	_ =	sdelay $0x3  }
0x119: {  	[tilespmem:s4+$0x0] =	vst v12  }
0x11a: {  	v13 =	vor.u32 $0x1, v13;
	v12 =	vadd.s32 $0x540, v5;
	v14 =	vld.idx.msk [tilespmem:v14+s3+$0x0], $0xffff  }
0x11b: {  	v15 =	vadd.s32 v12, v13;
	_ =	sdelay $0x3  }
0x11c: {  	s11 =	simm.s32 $0x2;
	[tilespmem:s4+$0x10] =	vst v14  }
0x11d: {  	s15 =	simm.s32 $0x4;
	v13 =	vmov s11;
	v14 =	vld.idx.msk [tilespmem:v15+s3+$0x0], $0xffff  }
.LBB2_12:
0x11e: {  	p0 =	sne.s32 s15, $0x20;
	v15 =	vand.u32 $0x3E, v13  }
0x11f: {  	v16 =	vadd.s32 v5, v15;
	_ =	sdelay $0x3  }
0x120: {  	[tilespmem:s4+$0x20] =	vst v14  }
0x121: {  	v14 =	vld.idx.msk [tilespmem:v16+s3+$0x0], $0xffff;
	_ =	sdelay $0x1  }
0x122: {  	v16 =	vadd.s32 v6, v15;
	_ =	sdelay $0x2  }
0x123: {  	s4 =	sadd.s32 $0x50, s4  }
0x124: {  	[tilespmem:s4+$0xFFFFFFE0] =	vst v14;
	v14 =	vor.u32 s11, v7;
	s11 =	smov.u32 s15  }
0x125: {  	v13 =	vand.u32 $0x38, v13;
	v16 =	vld.idx.msk [tilespmem:v16+s3+$0x0], $0xffff;
	v14 =	vand.u32 $0x7, v14  }
0x126: {  	v13 =	vor.u32 v14, v13  }
0x127: {  	v13 =	vadd.s32 v8, v13;
	_ =	sdelay $0x3  }
0x128: {  	[tilespmem:s4+$0xFFFFFFF0] =	vst v16  }
0x129: {  	v13 =	vld.idx.msk [tilespmem:v13+s3+$0x0], $0xffff;
	_ =	sdelay $0x1  }
0x12a: {  	v14 =	vadd.s32 v9, v15;
	_ =	sdelay $0x3  }
0x12b: {  	[tilespmem:s4+$0x0] =	vst v13  }
0x12c: {  	v13 =	vld.idx.msk [tilespmem:v14+s3+$0x0], $0xffff  }
0x12d: {  	v14 =	vor.u32 $0x1, v15  }
0x12e: {  	v14 =	vadd.s32 v12, v14  }
.Ltmp5:
0x12f: {  	(pc) =	sbr.rel @p0 .LBB2_12-.Ltmp5, $3  }
0x130: {  	_ =	sdelay $0x1  }
0x131: {  	[tilespmem:s4+$0x10] =	vst v13  }
0x132: {  	s15 =	sadd.s32 $0x2, s15;
	v13 =	vmov s11;
	v14 =	vld.idx.msk [tilespmem:v14+s3+$0x0], $0xffff  }
0x133: {  	v15 =	vand.u32 $0x3E, v13  }
0x134: {  	v16 =	vadd.s32 v5, v15;
	_ =	sdelay $0x3  }
0x135: {  	[tilespmem:s4+$0x20] =	vst v14  }
0x136: {  	v14 =	vld.idx.msk [tilespmem:v16+s3+$0x0], $0xffff  }
0x137: {  	v58 =	vadd.s32 v6, v15;
	_ =	sdelay $0x2  }
0x138: {  	s15 =	sadd.s32 $0x50, s4;
	v17 =	vor.u32 s11, v7  }
0x139: {  	v59 =	vand.u32 $0x38, v13;
	v60 =	vand.u32 $0x7, v17;
	[tilespmem:s15+$0xFFFFFFE0] =	vst v14  }
0x13a: {  	v13 =	vor.u32 v60, v59;
	v16 =	vld.idx.msk [tilespmem:v58+s3+$0x0], $0xffff  }
0x13b: {  	v13 =	vadd.s32 v8, v13;
	_ =	sdelay $0x3  }
0x13c: {  	[tilespmem:s15+$0xFFFFFFF0] =	vst v16  }
0x13d: {  	v13 =	vld.idx.msk [tilespmem:v13+s3+$0x0], $0xffff  }
0x13e: {  	v61 =	vadd.s32 v9, v15;
	_ =	sdelay $0x3  }
0x13f: {  	[tilespmem:s15+$0x0] =	vst v13  }
0x140: {  	v62 =	vor.u32 $0x1, v15;
	v13 =	vld.idx.msk [tilespmem:v61+s3+$0x0], $0xffff  }
0x141: {  	v12 =	vadd.s32 v12, v62;
	_ =	sdelay $0x3  }
0x142: {  	[tilespmem:s15+$0x10] =	vst v13  }
0x143: {  	v12 =	vld.idx.msk [tilespmem:v12+s3+$0x0], $0xffff  }
0x144: {  	v63 =	vadd.s32 $0x22, v5;
	_ =	sdelay $0x2  }
0x145: {  	v0 =	vld [tilespmem:$0x1FFE0]  }
0x146: {  	s4 =	simm.s32 $0x0;
	[tilespmem:s15+$0x20] =	vst v12  }
0x147: {  	v12 =	vld.idx.msk [tilespmem:v63+s4+$0x0], $0xffff;
	_ =	sdelay $0x4  }
0x148: {  	[tilespmem:$0xE50] =	vst v12  }
0x149: {  	v12 =	vld.idx.msk [tilespmem:v0+s4+$0x0], $0xffff  }
0x14a: {  	v0 =	vld [tilespmem:$0x1FFF0];
	_ =	sdelay $0x6  }
0x14b: {  	[tilespmem:$0xE60] =	vst v12  }
0x14c: {  	v12 =	vld.idx.msk [tilespmem:v0+s4+$0x0], $0xffff;
	_ =	sdelay $0x4  }
0x14d: {  	[tilespmem:$0xE70] =	vst v12  }
0x14e: {  	s17 =	simm.s32 $0x900;
	s15 =	simm.s32 $0x30C0;
	_ =	strace $0x9000004D  }
0x14f: {  	[tilespmem:s15], [sflag:$0x4] =	stream.indirect.gather [spmem:s2], $0x40, s17, s19, $0xb8;
	[tilespmem:$0x1D0C0] =	vst v63  }
0x150: {  	s15 =	simm.s32 $0x978;
	s17 =	simm.s32 $0x4EC0  }
0x151: {  	[tilespmem:s17], [sflag:$0x5] =	stream.indirect.gather [spmem:s2], $0x40, s15, s19, $0xb8;
	[tilespmem:$0x1D0C0] =	vst v63  }
0x152: {  	s15 =	simm.s32 $0x9F0;
	s17 =	simm.s32 $0x6CC0  }
0x153: {  	[tilespmem:s17], [sflag:$0x6] =	stream.indirect.gather [spmem:s2], $0x40, s15, s19, $0xb8;
	[tilespmem:$0x1D0C0] =	vst v63  }
0x154: {  	s15 =	simm.s32 $0xA68;
	s17 =	simm.s32 $0x8AC0  }
0x155: {  	[tilespmem:s17], [sflag:$0x7] =	stream.indirect.gather [spmem:s2], $0x40, s15, s19, $0xb8;
	[tilespmem:$0x1D0C0] =	vst v63  }
0x156: {  	s15 =	simm.s32 $0xAE0;
	s17 =	simm.s32 $0xA8C0  }
0x157: {  	[tilespmem:s17], [sflag:$0x8] =	stream.indirect.gather [spmem:s2], $0x40, s15, s19, $0xb8;
	[tilespmem:$0x1D0C0] =	vst v63  }
0x158: {  	s15 =	simm.s32 $0xB58;
	s17 =	simm.s32 $0xC6C0  }
0x159: {  	[tilespmem:s17], [sflag:$0x9] =	stream.indirect.gather [spmem:s2], $0x40, s15, s19, $0xb8;
	[tilespmem:$0x1D0C0] =	vst v63  }
0x15a: {  	s15 =	simm.s32 $0xBD0;
	s17 =	simm.s32 $0xE4C0  }
0x15b: {  	[tilespmem:s17], [sflag:$0xA] =	stream.indirect.gather [spmem:s2], $0x40, s15, s19, $0xb8;
	[tilespmem:$0x1D0C0] =	vst v63  }
0x15c: {  	s15 =	simm.s32 $0xC48;
	s17 =	simm.s32 $0x102C0  }
0x15d: {  	[tilespmem:s17], [sflag:$0xB] =	stream.indirect.gather [spmem:s2], $0x40, s15, s19, $0xb8;
	[tilespmem:$0x1D0C0] =	vst v63  }
0x15e: {  	s15 =	simm.s32 $0xCC0;
	s17 =	simm.s32 $0x120C0  }
0x15f: {  	[tilespmem:s17], [sflag:$0xC] =	stream.indirect.gather [spmem:s2], $0x40, s15, s19, $0xb8;
	[tilespmem:$0x1D0C0] =	vst v63  }
0x160: {  	s15 =	simm.s32 $0xD38;
	s17 =	simm.s32 $0x13EC0  }
0x161: {  	[tilespmem:s17], [sflag:$0xD] =	stream.indirect.gather [spmem:s2], $0x40, s15, s19, $0xb8;
	[tilespmem:$0x1D0C0] =	vst v63  }
0x162: {  	s15 =	simm.s32 $0xDB0;
	s17 =	simm.s32 $0x15CC0  }
0x163: {  	[tilespmem:s17], [sflag:$0xE] =	stream.indirect.gather [spmem:s2], $0x40, s15, s19, $0xb8;
	[tilespmem:$0x1D0C0] =	vst v63  }
0x164: {  	s11 =	simm.s32 $0x50;
	s15 =	simm.s32 $0xE28;
	s17 =	simm.s32 $0x17AC0  }
0x165: {  	[tilespmem:s17], [sflag:$0xF] =	stream.indirect.gather [spmem:s2], $0x40, s15, s11, $0xb8;
	[tilespmem:$0x1D0C0] =	vst v63  }
0x166: {  	_ =	strace $0x8000004E  }
0x167: {  	_ =	swait.ge [sflag:s30], $0x1E00  }
0x168: {  	[sflag:s30] =	ssyncset.done $0x0  }
0x169: {  	[sflag:s30] =	ssyncadd.s32 $0xFFFFE200  }
0x16a: {  	_ =	swait.ge [sflag:s31], $0x1E00  }
0x16b: {  	[sflag:s31] =	ssyncset.done $0x0  }
0x16c: {  	[sflag:s31] =	ssyncadd.s32 $0xFFFFE200  }
0x16d: {  	_ =	strace $0x9000004E  }
0x16e: {  	s11 =	simm.s32 $0x35C0;
	_ =	strace $0x8000004F  }
.LBB2_14:
0x16f: {  	v12 =	vld [tilespmem:s11+$0xFFFFFB00]  }
0x170: {  	v13 =	vld [tilespmem:s11+$0xFFFFFB10]  }
0x171: {  	v14 =	vld [tilespmem:s11+$0xFFFFFB20]  }
0x172: {  	v15 =	vld [tilespmem:s11+$0xFFFFFB30]  }
0x173: {  	v16 =	vld [tilespmem:s11+$0xFFFFFB40]  }
0x174: {  	v17 =	vld [tilespmem:s11+$0xFFFFFB50]  }
0x175: {  	v18 =	vld [tilespmem:s11+$0xFFFFFB60]  }
0x176: {  	v19 =	vld [tilespmem:s11+$0xFFFFFB70]  }
0x177: {  	v20 =	vld [tilespmem:s11+$0xFFFFFB80]  }
0x178: {  	v21 =	vld [tilespmem:s11+$0xFFFFFB90]  }
0x179: {  	v22 =	vld [tilespmem:s11+$0xFFFFFBA0]  }
0x17a: {  	v23 =	vld [tilespmem:s11+$0xFFFFFBB0]  }
0x17b: {  	v24 =	vld [tilespmem:s11+$0xFFFFFBC0]  }
0x17c: {  	v25 =	vld [tilespmem:s11+$0xFFFFFBD0]  }
0x17d: {  	v26 =	vld [tilespmem:s11+$0xFFFFFBE0]  }
0x17e: {  	v27 =	vld [tilespmem:s11+$0xFFFFFBF0]  }
0x17f: {  	v28 =	vld [tilespmem:s11+$0xFFFFFC00]  }
0x180: {  	v29 =	vld [tilespmem:s11+$0xFFFFFC10]  }
0x181: {  	v30 =	vld [tilespmem:s11+$0xFFFFFC20]  }
0x182: {  	v31 =	vld [tilespmem:s11+$0xFFFFFC30]  }
0x183: {  	v32 =	vld [tilespmem:s11+$0xFFFFFC40]  }
0x184: {  	v33 =	vld [tilespmem:s11+$0xFFFFFC50]  }
0x185: {  	v34 =	vld [tilespmem:s11+$0xFFFFFC60]  }
0x186: {  	v35 =	vld [tilespmem:s11+$0xFFFFFC70]  }
0x187: {  	v36 =	vld [tilespmem:s11+$0xFFFFFC80]  }
0x188: {  	v37 =	vld [tilespmem:s11+$0xFFFFFC90]  }
0x189: {  	v38 =	vld [tilespmem:s11+$0xFFFFFCA0]  }
0x18a: {  	v39 =	vld [tilespmem:s11+$0xFFFFFCB0]  }
0x18b: {  	v40 =	vld [tilespmem:s11+$0xFFFFFCC0]  }
0x18c: {  	v41 =	vld [tilespmem:s11+$0xFFFFFCD0]  }
0x18d: {  	v42 =	vld [tilespmem:s11+$0xFFFFFCE0]  }
0x18e: {  	v43 =	vld [tilespmem:s11+$0xFFFFFCF0]  }
0x18f: {  	v44 =	vld [tilespmem:s11+$0xFFFFFD00]  }
0x190: {  	v45 =	vld [tilespmem:s11+$0xFFFFFD10]  }
0x191: {  	v46 =	vld [tilespmem:s11+$0xFFFFFD20]  }
0x192: {  	v47 =	vld [tilespmem:s11+$0xFFFFFD30]  }
0x193: {  	v48 =	vld [tilespmem:s11+$0xFFFFFD40]  }
0x194: {  	v49 =	vld [tilespmem:s11+$0xFFFFFD50]  }
0x195: {  	v50 =	vld [tilespmem:s11+$0xFFFFFD60]  }
0x196: {  	v51 =	vld [tilespmem:s11+$0xFFFFFD70]  }
0x197: {  	v52 =	vld [tilespmem:s11+$0xFFFFFD80]  }
0x198: {  	v53 =	vld [tilespmem:s11+$0xFFFFFD90]  }
0x199: {  	v54 =	vld [tilespmem:s11+$0xFFFFFDA0]  }
0x19a: {  	v55 =	vld [tilespmem:s11+$0xFFFFFDB0];
	v12 =	vadd.f32 v16, v12;
	v13 =	vadd.f32 v17, v13  }
0x19b: {  	v60 =	vld [tilespmem:s11+$0xFFFFFDE0];
	v14 =	vadd.f32 v18, v14;
	v15 =	vadd.f32 v19, v15  }
0x19c: {  	v61 =	vld [tilespmem:s11+$0xFFFFFDF0];
	v12 =	vadd.f32 v20, v12;
	v13 =	vadd.f32 v21, v13  }
0x19d: {  	v62 =	vld [tilespmem:s11+$0xFFFFFE40];
	v14 =	vadd.f32 v22, v14;
	v15 =	vadd.f32 v23, v15  }
0x19e: {  	v63 =	vld [tilespmem:s11+$0xFFFFFE50];
	v12 =	vadd.f32 v24, v12;
	v13 =	vadd.f32 v25, v13  }
0x19f: {  	v16 =	vld [tilespmem:s11+$0xFFFFFDC0];
	v14 =	vadd.f32 v26, v14;
	v15 =	vadd.f32 v27, v15  }
0x1a0: {  	v17 =	vld [tilespmem:s11+$0xFFFFFDD0];
	v12 =	vadd.f32 v28, v12;
	v13 =	vadd.f32 v29, v13  }
0x1a1: {  	v20 =	vld [tilespmem:s11+$0xFFFFFE00];
	v14 =	vadd.f32 v30, v14;
	v15 =	vadd.f32 v31, v15  }
0x1a2: {  	v21 =	vld [tilespmem:s11+$0xFFFFFE10];
	v12 =	vadd.f32 v32, v12;
	v13 =	vadd.f32 v33, v13  }
0x1a3: {  	v22 =	vld [tilespmem:s11+$0xFFFFFE20];
	v14 =	vadd.f32 v34, v14;
	v15 =	vadd.f32 v35, v15  }
0x1a4: {  	v23 =	vld [tilespmem:s11+$0xFFFFFE30];
	v12 =	vadd.f32 v36, v12;
	v13 =	vadd.f32 v37, v13  }
0x1a5: {  	v37 =	vld [tilespmem:s11+$0xFFFFFE60];
	v14 =	vadd.f32 v38, v14;
	v15 =	vadd.f32 v39, v15  }
0x1a6: {  	v39 =	vld [tilespmem:s11+$0xFFFFFE70];
	v12 =	vadd.f32 v40, v12;
	v13 =	vadd.f32 v41, v13  }
0x1a7: {  	v41 =	vld [tilespmem:s11+$0xFFFFFE80];
	v14 =	vadd.f32 v42, v14;
	v15 =	vadd.f32 v43, v15  }
0x1a8: {  	v43 =	vld [tilespmem:s11+$0xFFFFFE90];
	v12 =	vadd.f32 v44, v12;
	v13 =	vadd.f32 v45, v13  }
0x1a9: {  	v45 =	vld [tilespmem:s11+$0xFFFFFEA0];
	v14 =	vadd.f32 v46, v14;
	v15 =	vadd.f32 v47, v15  }
0x1aa: {  	v47 =	vld [tilespmem:s11+$0xFFFFFEB0];
	v12 =	vadd.f32 v48, v12;
	v13 =	vadd.f32 v49, v13  }
0x1ab: {  	v49 =	vld [tilespmem:s11+$0xFFFFFEC0];
	v14 =	vadd.f32 v50, v14;
	v15 =	vadd.f32 v51, v15  }
0x1ac: {  	v50 =	vld [tilespmem:s11+$0xFFFFFED0];
	v12 =	vadd.f32 v52, v12;
	v13 =	vadd.f32 v53, v13  }
0x1ad: {  	v51 =	vld [tilespmem:s11+$0xFFFFFEE0];
	v14 =	vadd.f32 v54, v14;
	v15 =	vadd.f32 v55, v15  }
0x1ae: {  	v52 =	vld [tilespmem:s11+$0xFFFFFEF0];
	v12 =	vadd.f32 v16, v12;
	v13 =	vadd.f32 v17, v13  }
0x1af: {  	v53 =	vld [tilespmem:s11+$0xFFFFFF20];
	v14 =	vadd.f32 v60, v14;
	v15 =	vadd.f32 v61, v15  }
0x1b0: {  	v54 =	vld [tilespmem:s11+$0xFFFFFF30];
	v12 =	vadd.f32 v20, v12;
	v13 =	vadd.f32 v21, v13  }
0x1b1: {  	v16 =	vld [tilespmem:s11+$0xFFFFFF00];
	v14 =	vadd.f32 v22, v14;
	v15 =	vadd.f32 v23, v15  }
0x1b2: {  	v17 =	vld [tilespmem:s11+$0xFFFFFF10];
	v12 =	vadd.f32 v62, v12;
	v13 =	vadd.f32 v63, v13  }
0x1b3: {  	v20 =	vld [tilespmem:s11+$0xFFFFFF40];
	v14 =	vadd.f32 v37, v14;
	v15 =	vadd.f32 v39, v15  }
0x1b4: {  	v21 =	vld [tilespmem:s11+$0xFFFFFF50];
	v12 =	vadd.f32 v41, v12;
	v13 =	vadd.f32 v43, v13  }
0x1b5: {  	v22 =	vld [tilespmem:s11+$0xFFFFFF60];
	v14 =	vadd.f32 v45, v14;
	v15 =	vadd.f32 v47, v15  }
0x1b6: {  	v57 =	vmov s4;
	v23 =	vld [tilespmem:s11+$0xFFFFFF70];
	v12 =	vadd.f32 v49, v12;
	v13 =	vadd.f32 v50, v13  }
0x1b7: {  	v0 =	vlaneseq.u32;
	v55 =	vld [tilespmem:s11+$0xFFFFFF80];
	v14 =	vadd.f32 v51, v14;
	v15 =	vadd.f32 v52, v15  }
0x1b8: {  	v56 =	vld [tilespmem:s11+$0xFFFFFF90];
	v58 =	vand.u32 $0x7, v57;
	v12 =	vadd.f32 v16, v12;
	v13 =	vadd.f32 v17, v13  }
0x1b9: {  	v18 =	vbroadcast v58, $0x0;
	v14 =	vadd.f32 v53, v14;
	v15 =	vadd.f32 v54, v15  }
0x1ba: {  	v16 =	vld [tilespmem:s11+$0xFFFFFFA0];
	v59 =	vadd.f32 v20, v12;
	v12 =	vmul.u32 $0x28, v0;
	v21 =	vadd.f32 v21, v13  }
0x1bb: {  	s15 =	sadd.s32 $0xFFFFFFFF, s4;
	v17 =	vld [tilespmem:s11+$0xFFFFFFB0];
	v22 =	vadd.f32 v22, v14;
	v23 =	vadd.f32 v23, v15  }
0x1bc: {  	s17 =	sadd.s32 $0xFFFFFFFE, s4;
	p0 =	slt.u32 s15, $0x20;
	v20 =	vld [tilespmem:s11+$0xFFFFFFC0];
	v24 =	vor.u32 v12, v18;
	v13 =	vadd.s32 $0x280, v12;
	v19 =	vadd.f32 v55, v59  }
0x1bd: {  	s15 =	simm.s32 @!p0 $0x21;
	p0 =	slt.u32 s17, $0x20;
	v14 =	vadd.s32 $0x500, v12;
	v21 =	vadd.f32 v56, v21;
	v15 =	vadd.s32 $0x780, v12  }
0x1be: {  	s17 =	simm.s32 @!p0 $0x21;
	v60 =	vld [tilespmem:s11+$0xFFFFFFD0];
	v0 =	vadd.s32 $0xA00, v12;
	v25 =	vor.u32 v13, v18;
	v26 =	vor.u32 v14, v18  }
0x1bf: {  	v61 =	vld [tilespmem:s11+$0xFFFFFFE0];
	v16 =	vadd.f32 v16, v22;
	[tilespmem:$0x1FF80] =	vst v0;
	v22 =	vadd.s32 s17, v0;
	v0 =	vadd.s32 $0xC80, v12  }
0x1c0: {  	v62 =	vld [tilespmem:s11+$0xFFFFFFF0];
	v17 =	vadd.f32 v17, v23;
	[tilespmem:$0x1FF90] =	vst v0;
	v23 =	vadd.s32 s17, v0;
	v0 =	vadd.s32 $0xF00, v12  }
0x1c1: {  	v63 =	vadd.f32 v20, v19;
	[tilespmem:$0x1FFA0] =	vst v0;
	v42 =	vadd.s32 s17, v0;
	v0 =	vadd.s32 $0x1180, v12  }
0x1c2: {  	v40 =	vadd.s32 s15, v12;
	v27 =	vor.u32 v15, v18;
	[tilespmem:$0x1FFB0] =	vst v0  }
0x1c3: {  	v28 =	vadd.f32 v60, v21;
	v43 =	vadd.s32 s17, v0;
	v0 =	vor.u32 $0x1400, v12;
	[tilespmem:v24+s1+$0x0] =	vst.idx.msk $0xffff, v63  }
0x1c4: {  	v41 =	vadd.s32 s15, v13;
	v29 =	vadd.f32 v61, v16;
	[tilespmem:$0x1FFC0] =	vst v0  }
0x1c5: {  	v30 =	vadd.f32 v62, v17;
	v20 =	vadd.s32 s15, v14;
	[tilespmem:v25+s1+$0x0] =	vst.idx.msk $0xffff, v28  }
0x1c6: {  	v21 =	vadd.s32 s15, v15;
	[tilespmem:v26+s1+$0x0] =	vst.idx.msk $0xffff, v29  }
0x1c7: {  	[tilespmem:v27+s1+$0x0] =	vst.idx.msk $0xffff, v30  }
0x1c8: {  	s15 =	sadd.s32 $0xFFFFFFFD, s4;
	[tilespmem:v40+s0+$0x0] =	vst.idx.msk $0xffff, v63  }
0x1c9: {  	p0 =	slt.u32 s15, $0x20;
	[tilespmem:v41+s0+$0x0] =	vst.idx.msk $0xffff, v28  }
0x1ca: {  	s15 =	simm.s32 @!p0 $0x21;
	[tilespmem:v20+s0+$0x0] =	vst.idx.msk $0xffff, v29  }
0x1cb: {  	v44 =	vadd.s32 s15, v0;
	v0 =	vadd.s32 $0x1680, v12;
	[tilespmem:v21+s0+$0x0] =	vst.idx.msk $0xffff, v30  }
0x1cc: {  	v45 =	vadd.s32 s15, v0;
	[tilespmem:v22+s0+$0x0] =	vst.idx.msk $0xffff, v63;
	v22 =	vadd.s32 $0x1900, v12  }
0x1cd: {  	[tilespmem:v23+s0+$0x0] =	vst.idx.msk $0xffff, v28;
	v46 =	vadd.s32 s15, v22;
	v23 =	vadd.s32 $0x1B80, v12  }
0x1ce: {  	[tilespmem:v42+s0+$0x0] =	vst.idx.msk $0xffff, v29;
	v47 =	vadd.s32 s15, v23  }
0x1cf: {  	[tilespmem:v43+s0+$0x0] =	vst.idx.msk $0xffff, v30  }
0x1d0: {  	[tilespmem:v44+s0+$0x0] =	vst.idx.msk $0xffff, v63  }
0x1d1: {  	[tilespmem:v45+s0+$0x0] =	vst.idx.msk $0xffff, v28  }
0x1d2: {  	[tilespmem:v46+s0+$0x0] =	vst.idx.msk $0xffff, v29  }
0x1d3: {  	[tilespmem:v47+s0+$0x0] =	vst.idx.msk $0xffff, v30  }
0x1d4: {  	v28 =	vld [tilespmem:s11+$0x0]  }
0x1d5: {  	v29 =	vld [tilespmem:s11+$0x10]  }
0x1d6: {  	v30 =	vld [tilespmem:s11+$0x20]  }
0x1d7: {  	v31 =	vld [tilespmem:s11+$0x30]  }
0x1d8: {  	v32 =	vld [tilespmem:s11+$0x40]  }
0x1d9: {  	v33 =	vld [tilespmem:s11+$0x50]  }
0x1da: {  	v34 =	vld [tilespmem:s11+$0x60]  }
0x1db: {  	v35 =	vld [tilespmem:s11+$0x70]  }
0x1dc: {  	v36 =	vld [tilespmem:s11+$0x80]  }
0x1dd: {  	v37 =	vld [tilespmem:s11+$0x90]  }
0x1de: {  	v38 =	vld [tilespmem:s11+$0xA0]  }
0x1df: {  	v39 =	vld [tilespmem:s11+$0xB0]  }
0x1e0: {  	v40 =	vld [tilespmem:s11+$0xC0]  }
0x1e1: {  	v41 =	vld [tilespmem:s11+$0xD0]  }
0x1e2: {  	v42 =	vld [tilespmem:s11+$0xE0]  }
0x1e3: {  	v43 =	vld [tilespmem:s11+$0xF0]  }
0x1e4: {  	v44 =	vld [tilespmem:s11+$0x100]  }
0x1e5: {  	v45 =	vld [tilespmem:s11+$0x110]  }
0x1e6: {  	v46 =	vld [tilespmem:s11+$0x120]  }
0x1e7: {  	v47 =	vld [tilespmem:s11+$0x130]  }
0x1e8: {  	v48 =	vld [tilespmem:s11+$0x140]  }
0x1e9: {  	v49 =	vld [tilespmem:s11+$0x150]  }
0x1ea: {  	v50 =	vld [tilespmem:s11+$0x160]  }
0x1eb: {  	v51 =	vld [tilespmem:s11+$0x170]  }
0x1ec: {  	v52 =	vld [tilespmem:s11+$0x180]  }
0x1ed: {  	v53 =	vld [tilespmem:s11+$0x190]  }
0x1ee: {  	v54 =	vld [tilespmem:s11+$0x1A0]  }
0x1ef: {  	v55 =	vld [tilespmem:s11+$0x1B0]  }
0x1f0: {  	v56 =	vld [tilespmem:s11+$0x1C0]  }
0x1f1: {  	v57 =	vld [tilespmem:s11+$0x1D0]  }
0x1f2: {  	v58 =	vld [tilespmem:s11+$0x1E0]  }
0x1f3: {  	v59 =	vld [tilespmem:s11+$0x1F0]  }
0x1f4: {  	v60 =	vld [tilespmem:s11+$0x200]  }
0x1f5: {  	v61 =	vld [tilespmem:s11+$0x210]  }
0x1f6: {  	v62 =	vld [tilespmem:s11+$0x220]  }
0x1f7: {  	v63 =	vld [tilespmem:s11+$0x230]  }
0x1f8: {  	v10 =	vld [tilespmem:s11+$0x240]  }
0x1f9: {  	v11 =	vld [tilespmem:s11+$0x250]  }
0x1fa: {  	[tilespmem:$0x1FFD0] =	vst v0;
	v0 =	vld [tilespmem:s11+$0x260]  }
0x1fb: {  	v16 =	vld [tilespmem:s11+$0x270]  }
0x1fc: {  	v17 =	vld [tilespmem:s11+$0x280]  }
0x1fd: {  	v18 =	vld [tilespmem:s11+$0x290]  }
0x1fe: {  	v19 =	vld [tilespmem:s11+$0x2A0]  }
0x1ff: {  	v20 =	vld [tilespmem:s11+$0x2B0]  }
0x200: {  	v21 =	vld [tilespmem:s11+$0x2C0]  }
0x201: {  	v28 =	vadd.f32 v32, v28;
	v32 =	vld [tilespmem:s11+$0x2D0]  }
0x202: {  	v29 =	vadd.f32 v33, v29;
	v33 =	vld [tilespmem:s11+$0x2E0]  }
0x203: {  	v30 =	vadd.f32 v34, v30;
	v34 =	vld [tilespmem:s11+$0x2F0];
	v28 =	vadd.f32 v36, v28  }
0x204: {  	v31 =	vadd.f32 v35, v31;
	v35 =	vld [tilespmem:s11+$0x300];
	v29 =	vadd.f32 v37, v29  }
0x205: {  	v30 =	vadd.f32 v38, v30;
	v36 =	vld [tilespmem:s11+$0x310];
	v28 =	vadd.f32 v40, v28  }
0x206: {  	v31 =	vadd.f32 v39, v31;
	v37 =	vld [tilespmem:s11+$0x320];
	v29 =	vadd.f32 v41, v29  }
0x207: {  	v38 =	vld [tilespmem:s11+$0x330];
	v30 =	vadd.f32 v42, v30;
	v28 =	vadd.f32 v44, v28  }
0x208: {  	v39 =	vld [tilespmem:s11+$0x340];
	v31 =	vadd.f32 v43, v31;
	v29 =	vadd.f32 v45, v29  }
0x209: {  	v40 =	vld [tilespmem:s11+$0x350];
	v30 =	vadd.f32 v46, v30;
	v28 =	vadd.f32 v48, v28  }
0x20a: {  	v41 =	vld [tilespmem:s11+$0x360];
	v31 =	vadd.f32 v47, v31;
	v29 =	vadd.f32 v49, v29  }
0x20b: {  	v42 =	vld [tilespmem:s11+$0x370];
	v30 =	vadd.f32 v50, v30;
	v28 =	vadd.f32 v52, v28  }
0x20c: {  	v43 =	vld [tilespmem:s11+$0x380];
	v31 =	vadd.f32 v51, v31;
	v29 =	vadd.f32 v53, v29  }
0x20d: {  	v44 =	vld [tilespmem:s11+$0x390];
	v30 =	vadd.f32 v54, v30;
	v28 =	vadd.f32 v56, v28  }
0x20e: {  	v48 =	vld [tilespmem:s11+$0x3A0];
	v31 =	vadd.f32 v55, v31;
	v29 =	vadd.f32 v57, v29  }
0x20f: {  	v49 =	vld [tilespmem:s11+$0x3B0];
	v30 =	vadd.f32 v58, v30;
	v28 =	vadd.f32 v60, v28  }
0x210: {  	v50 =	vld [tilespmem:s11+$0x3C0];
	v31 =	vadd.f32 v59, v31;
	v29 =	vadd.f32 v61, v29  }
0x211: {  	v51 =	vld [tilespmem:s11+$0x3D0];
	v30 =	vadd.f32 v62, v30;
	v10 =	vadd.f32 v10, v28  }
0x212: {  	v52 =	vld [tilespmem:s11+$0x3E0];
	v31 =	vadd.f32 v63, v31;
	v11 =	vadd.f32 v11, v29  }
0x213: {  	v53 =	vld [tilespmem:s11+$0x400];
	v0 =	vadd.f32 v0, v30;
	v10 =	vadd.f32 v17, v10  }
0x214: {  	v54 =	vld [tilespmem:s11+$0x410];
	v16 =	vadd.f32 v16, v31;
	v11 =	vadd.f32 v18, v11  }
0x215: {  	v55 =	vld [tilespmem:s11+$0x440];
	v0 =	vadd.f32 v19, v0;
	v10 =	vadd.f32 v21, v10  }
0x216: {  	v56 =	vld [tilespmem:s11+$0x450];
	v16 =	vadd.f32 v20, v16;
	v11 =	vadd.f32 v32, v11  }
0x217: {  	v57 =	vld [tilespmem:s11+$0x460];
	v0 =	vadd.f32 v33, v0;
	v10 =	vadd.f32 v35, v10  }
0x218: {  	v58 =	vld [tilespmem:s11+$0x470];
	v16 =	vadd.f32 v34, v16;
	v11 =	vadd.f32 v36, v11  }
0x219: {  	v59 =	vld [tilespmem:s11+$0x480];
	v0 =	vadd.f32 v37, v0;
	v10 =	vadd.f32 v39, v10  }
0x21a: {  	v60 =	vld [tilespmem:s11+$0x490];
	v16 =	vadd.f32 v38, v16;
	v11 =	vadd.f32 v40, v11  }
0x21b: {  	v17 =	vld [tilespmem:s11+$0x3F0];
	v0 =	vadd.f32 v41, v0;
	v10 =	vadd.f32 v43, v10  }
0x21c: {  	v20 =	vld [tilespmem:s11+$0x420];
	v16 =	vadd.f32 v42, v16;
	v11 =	vadd.f32 v44, v11  }
0x21d: {  	v21 =	vld [tilespmem:s11+$0x430];
	v0 =	vadd.f32 v48, v0;
	v10 =	vadd.f32 v50, v10  }
0x21e: {  	v61 =	vld [tilespmem:s11+$0x4A0];
	v16 =	vadd.f32 v49, v16;
	v11 =	vadd.f32 v51, v11  }
0x21f: {  	v62 =	vld [tilespmem:s11+$0x4B0];
	v0 =	vadd.f32 v52, v0;
	v10 =	vadd.f32 v53, v10  }
0x220: {  	v16 =	vadd.f32 v17, v16;
	v17 =	vld [tilespmem:s11+$0x4C0];
	v11 =	vadd.f32 v54, v11  }
0x221: {  	v63 =	vld [tilespmem:s11+$0x4D0];
	v0 =	vadd.f32 v20, v0;
	v10 =	vadd.f32 v55, v10  }
0x222: {  	v16 =	vadd.f32 v21, v16;
	v20 =	vld [tilespmem:s11+$0x4E0];
	v11 =	vadd.f32 v56, v11  }
0x223: {  	v21 =	vld [tilespmem:s11+$0x4F0];
	v0 =	vadd.f32 v57, v0;
	v10 =	vadd.f32 v59, v10  }
0x224: {  	v16 =	vadd.f32 v58, v16;
	v11 =	vadd.f32 v60, v11  }
0x225: {  	p0 =	sne.s32 s4, $0x5;
	v0 =	vadd.f32 v61, v0;
	v10 =	vadd.f32 v17, v10  }
.Ltmp6:
0x226: {  	v16 =	vadd.f32 v62, v16;
	v11 =	vadd.f32 v63, v11;
	(pc) =	sbr.rel @p0 .LBB2_14-.Ltmp6, $4  }
0x227: {  	v0 =	vadd.f32 v20, v0;
	[tilespmem:v24+s12+$0x0] =	vst.idx.msk $0xffff, v10  }
0x228: {  	v10 =	vadd.f32 v21, v16;
	[tilespmem:v25+s12+$0x0] =	vst.idx.msk $0xffff, v11  }
0x229: {  	[tilespmem:v26+s12+$0x0] =	vst.idx.msk $0xffff, v0  }
0x22a: {  	s4 =	sadd.s32 $0x1, s4;
	s11 =	sadd.s32 $0xA00, s11;
	[tilespmem:v27+s12+$0x0] =	vst.idx.msk $0xffff, v10  }
0x22b: {  	_ =	strace $0x9000004F  }
0x22c: {  	s4 =	simm.s32 $0x6;
	_ =	strace $0x80000050  }
0x22d: {  	_ =	swait.ge [sflag:s4], $0x1E00  }
0x22e: {  	[sflag:s4] =	ssyncset.done $0x0  }
0x22f: {  	[sflag:s4] =	ssyncadd.s32 $0xFFFFE200  }
0x230: {  	_ =	swait.ge [sflag:s13], $0x1E00  }
0x231: {  	[sflag:s13] =	ssyncset.done $0x0  }
0x232: {  	[sflag:s13] =	ssyncadd.s32 $0xFFFFE200  }
0x233: {  	_ =	swait.ge [sflag:s14], $0x1E00  }
0x234: {  	[sflag:s14] =	ssyncset.done $0x0  }
0x235: {  	[sflag:s14] =	ssyncadd.s32 $0xFFFFE200  }
0x236: {  	_ =	swait.ge [sflag:s20], $0x1E00  }
0x237: {  	[sflag:s20] =	ssyncset.done $0x0  }
0x238: {  	[sflag:s20] =	ssyncadd.s32 $0xFFFFE200  }
0x239: {  	_ =	swait.ge [sflag:s21], $0x1E00  }
0x23a: {  	[sflag:s21] =	ssyncset.done $0x0  }
0x23b: {  	[sflag:s21] =	ssyncadd.s32 $0xFFFFE200  }
0x23c: {  	_ =	swait.ge [sflag:s22], $0x1E00  }
0x23d: {  	[sflag:s22] =	ssyncset.done $0x0  }
0x23e: {  	[sflag:s22] =	ssyncadd.s32 $0xFFFFE200  }
0x23f: {  	_ =	swait.ge [sflag:s23], $0x1E00  }
0x240: {  	[sflag:s23] =	ssyncset.done $0x0  }
0x241: {  	[sflag:s23] =	ssyncadd.s32 $0xFFFFE200  }
0x242: {  	_ =	swait.ge [sflag:s24], $0x1E00  }
0x243: {  	[sflag:s24] =	ssyncset.done $0x0  }
0x244: {  	[sflag:s24] =	ssyncadd.s32 $0xFFFFE200  }
0x245: {  	_ =	swait.ge [sflag:s25], $0x1E00  }
0x246: {  	[sflag:s25] =	ssyncset.done $0x0  }
0x247: {  	[sflag:s25] =	ssyncadd.s32 $0xFFFFE200  }
0x248: {  	_ =	swait.ge [sflag:s26], $0x1400  }
0x249: {  	[sflag:s26] =	ssyncset.done $0x0  }
0x24a: {  	[sflag:s26] =	ssyncadd.s32 $0xFFFFEC00  }
0x24b: {  	_ =	strace $0x90000050  }
0x24c: {  	s11 =	simm.s32 $0x76B0;
	_ =	strace $0x80000051  }
.LBB2_16:
0x24d: {  	v0 =	vld [tilespmem:s11+$0xFFFFF610]  }
0x24e: {  	v10 =	vld [tilespmem:s11+$0xFFFFF620]  }
0x24f: {  	v11 =	vld [tilespmem:s11+$0xFFFFF630]  }
0x250: {  	v16 =	vld [tilespmem:s11+$0xFFFFF640]  }
0x251: {  	v17 =	vld [tilespmem:s11+$0xFFFFF650]  }
0x252: {  	v18 =	vld [tilespmem:s11+$0xFFFFF660]  }
0x253: {  	v19 =	vld [tilespmem:s11+$0xFFFFF670]  }
0x254: {  	v20 =	vld [tilespmem:s11+$0xFFFFF680]  }
0x255: {  	v21 =	vld [tilespmem:s11+$0xFFFFF690]  }
0x256: {  	v24 =	vld [tilespmem:s11+$0xFFFFF6A0]  }
0x257: {  	v25 =	vld [tilespmem:s11+$0xFFFFF6B0]  }
0x258: {  	v26 =	vld [tilespmem:s11+$0xFFFFF6C0]  }
0x259: {  	v27 =	vld [tilespmem:s11+$0xFFFFF6D0]  }
0x25a: {  	v28 =	vld [tilespmem:s11+$0xFFFFF6E0]  }
0x25b: {  	v29 =	vld [tilespmem:s11+$0xFFFFF6F0]  }
0x25c: {  	v30 =	vld [tilespmem:s11+$0xFFFFF700]  }
0x25d: {  	v31 =	vld [tilespmem:s11+$0xFFFFF710]  }
0x25e: {  	v32 =	vld [tilespmem:s11+$0xFFFFF720]  }
0x25f: {  	v33 =	vld [tilespmem:s11+$0xFFFFF730]  }
0x260: {  	v34 =	vld [tilespmem:s11+$0xFFFFF740]  }
0x261: {  	v35 =	vld [tilespmem:s11+$0xFFFFF750]  }
0x262: {  	v36 =	vld [tilespmem:s11+$0xFFFFF760]  }
0x263: {  	v37 =	vld [tilespmem:s11+$0xFFFFF770]  }
0x264: {  	v38 =	vld [tilespmem:s11+$0xFFFFF780]  }
0x265: {  	v39 =	vld [tilespmem:s11+$0xFFFFF790]  }
0x266: {  	v40 =	vld [tilespmem:s11+$0xFFFFF7A0]  }
0x267: {  	v41 =	vld [tilespmem:s11+$0xFFFFF7B0]  }
0x268: {  	v42 =	vld [tilespmem:s11+$0xFFFFF7C0]  }
0x269: {  	v43 =	vld [tilespmem:s11+$0xFFFFF7D0]  }
0x26a: {  	v44 =	vld [tilespmem:s11+$0xFFFFF7E0]  }
0x26b: {  	v45 =	vld [tilespmem:s11+$0xFFFFF7F0]  }
0x26c: {  	v46 =	vld [tilespmem:s11+$0xFFFFF800]  }
0x26d: {  	v47 =	vld [tilespmem:s11+$0xFFFFF810]  }
0x26e: {  	v48 =	vld [tilespmem:s11+$0xFFFFF820]  }
0x26f: {  	v49 =	vld [tilespmem:s11+$0xFFFFF830]  }
0x270: {  	v50 =	vld [tilespmem:s11+$0xFFFFF840]  }
0x271: {  	v51 =	vld [tilespmem:s11+$0xFFFFF850]  }
0x272: {  	v52 =	vld [tilespmem:s11+$0xFFFFF860]  }
0x273: {  	v53 =	vld [tilespmem:s11+$0xFFFFF870]  }
0x274: {  	v54 =	vld [tilespmem:s11+$0xFFFFF880]  }
0x275: {  	v55 =	vld [tilespmem:s11+$0xFFFFF890]  }
0x276: {  	v56 =	vld [tilespmem:s11+$0xFFFFF8A0]  }
0x277: {  	v57 =	vld [tilespmem:s11+$0xFFFFF8B0]  }
0x278: {  	v58 =	vld [tilespmem:s11+$0xFFFFF8C0]  }
0x279: {  	v59 =	vld [tilespmem:s11+$0xFFFFF8D0]  }
0x27a: {  	v60 =	vld [tilespmem:s11+$0xFFFFF8F0];
	v0 =	vadd.f32 v17, v0  }
0x27b: {  	v61 =	vld [tilespmem:s11+$0xFFFFF900];
	v10 =	vadd.f32 v18, v10  }
0x27c: {  	v62 =	vld [tilespmem:s11+$0xFFFFF970];
	v11 =	vadd.f32 v19, v11;
	v0 =	vadd.f32 v21, v0  }
0x27d: {  	v63 =	vld [tilespmem:s11+$0xFFFFF990];
	v16 =	vadd.f32 v20, v16;
	v10 =	vadd.f32 v24, v10  }
0x27e: {  	v17 =	vld [tilespmem:s11+$0xFFFFF8E0];
	v11 =	vadd.f32 v25, v11;
	v0 =	vadd.f32 v27, v0  }
0x27f: {  	v20 =	vld [tilespmem:s11+$0xFFFFF910];
	v16 =	vadd.f32 v26, v16;
	v10 =	vadd.f32 v28, v10  }
0x280: {  	v21 =	vld [tilespmem:s11+$0xFFFFF920];
	v11 =	vadd.f32 v29, v11;
	v0 =	vadd.f32 v31, v0  }
0x281: {  	v24 =	vld [tilespmem:s11+$0xFFFFF930];
	v16 =	vadd.f32 v30, v16;
	v10 =	vadd.f32 v32, v10  }
0x282: {  	v25 =	vld [tilespmem:s11+$0xFFFFF940];
	v11 =	vadd.f32 v33, v11;
	v0 =	vadd.f32 v35, v0  }
0x283: {  	v26 =	vld [tilespmem:s11+$0xFFFFF950];
	v16 =	vadd.f32 v34, v16;
	v10 =	vadd.f32 v36, v10  }
0x284: {  	v27 =	vld [tilespmem:s11+$0xFFFFF960];
	v11 =	vadd.f32 v37, v11;
	v0 =	vadd.f32 v39, v0  }
0x285: {  	v29 =	vld [tilespmem:s11+$0xFFFFF980];
	v16 =	vadd.f32 v38, v16;
	v10 =	vadd.f32 v40, v10  }
0x286: {  	v34 =	vld [tilespmem:s11+$0xFFFFFAA0];
	v11 =	vadd.f32 v41, v11;
	v0 =	vadd.f32 v43, v0  }
0x287: {  	v35 =	vld [tilespmem:s11+$0xFFFFFAB0];
	v16 =	vadd.f32 v42, v16;
	v10 =	vadd.f32 v44, v10  }
0x288: {  	v36 =	vld [tilespmem:s11+$0xFFFFFAC0];
	v11 =	vadd.f32 v45, v11;
	v0 =	vadd.f32 v47, v0  }
0x289: {  	v43 =	vld [tilespmem:s11+$0xFFFFF9A0];
	v16 =	vadd.f32 v46, v16;
	v10 =	vadd.f32 v48, v10  }
0x28a: {  	v44 =	vld [tilespmem:s11+$0xFFFFF9B0];
	v11 =	vadd.f32 v49, v11;
	v0 =	vadd.f32 v51, v0  }
0x28b: {  	v47 =	vld [tilespmem:s11+$0xFFFFF9C0];
	v16 =	vadd.f32 v50, v16;
	v10 =	vadd.f32 v52, v10  }
0x28c: {  	v48 =	vld [tilespmem:s11+$0xFFFFF9D0];
	v11 =	vadd.f32 v53, v11;
	v0 =	vadd.f32 v55, v0  }
0x28d: {  	v51 =	vld [tilespmem:s11+$0xFFFFF9E0];
	v16 =	vadd.f32 v54, v16;
	v10 =	vadd.f32 v56, v10  }
0x28e: {  	v52 =	vld [tilespmem:s11+$0xFFFFF9F0];
	v11 =	vadd.f32 v57, v11;
	v0 =	vadd.f32 v59, v0  }
0x28f: {  	v55 =	vld [tilespmem:s11+$0xFFFFFA00];
	v16 =	vadd.f32 v58, v16;
	v10 =	vadd.f32 v17, v10  }
0x290: {  	v56 =	vld [tilespmem:s11+$0xFFFFFA10];
	v11 =	vadd.f32 v60, v11;
	v0 =	vadd.f32 v20, v0  }
0x291: {  	v59 =	vld [tilespmem:s11+$0xFFFFFA20];
	v16 =	vadd.f32 v61, v16;
	v10 =	vadd.f32 v21, v10  }
0x292: {  	v17 =	vld [tilespmem:s11+$0xFFFFFA30];
	v11 =	vadd.f32 v24, v11;
	v0 =	vadd.f32 v26, v0  }
0x293: {  	v60 =	vld [tilespmem:s11+$0xFFFFFA40];
	v16 =	vadd.f32 v25, v16;
	v10 =	vadd.f32 v27, v10  }
0x294: {  	v61 =	vld [tilespmem:s11+$0xFFFFFA50];
	v11 =	vadd.f32 v62, v11;
	v0 =	vadd.f32 v63, v0  }
0x295: {  	v20 =	vld [tilespmem:s11+$0xFFFFFA60];
	v16 =	vadd.f32 v29, v16;
	v10 =	vadd.f32 v43, v10  }
0x296: {  	v21 =	vld [tilespmem:s11+$0xFFFFFA70];
	v11 =	vadd.f32 v44, v11;
	v0 =	vadd.f32 v48, v0  }
0x297: {  	v63 =	vld [tilespmem:s11+$0xFFFFFA90];
	v16 =	vadd.f32 v47, v16;
	v10 =	vadd.f32 v51, v10  }
0x298: {  	v62 =	vld [tilespmem:s11+$0xFFFFFA80];
	v11 =	vadd.f32 v52, v11;
	v0 =	vadd.f32 v56, v0  }
0x299: {  	v37 =	vld [tilespmem:s11+$0xFFFFFAD0];
	v16 =	vadd.f32 v55, v16;
	v10 =	vadd.f32 v59, v10  }
0x29a: {  	s15 =	smin.u32 s4, $0x21;
	v11 =	vadd.f32 v17, v11;
	v17 =	vld [tilespmem:s11+$0xFFFFFAE0];
	v0 =	vadd.f32 v61, v0  }
0x29b: {  	v38 =	vld [tilespmem:s11+$0xFFFFFAF0];
	v24 =	vadd.s32 s15, v12;
	v16 =	vadd.f32 v60, v16;
	v10 =	vadd.f32 v20, v10  }
0x29c: {  	v39 =	vld [tilespmem:s11+$0xFFFFFB00];
	v25 =	vadd.s32 s15, v13;
	v11 =	vadd.f32 v21, v11;
	v0 =	vadd.f32 v63, v0  }
0x29d: {  	p0 =	slt.u32 s4, $0x21;
	s17 =	sadd.s32 $0xFFFFFFFF, s4;
	v26 =	vadd.s32 s15, v14;
	v16 =	vadd.f32 v62, v16;
	v10 =	vadd.f32 v34, v10  }
0x29e: {  	s17 =	simm.s32 @!p0 $0x21;
	v27 =	vadd.s32 s15, v15;
	v21 =	vld [tilespmem:$0x1FF80];
	v11 =	vadd.f32 v35, v11;
	v0 =	vadd.f32 v37, v0  }
0x29f: {  	v16 =	vadd.f32 v36, v16;
	v10 =	vadd.f32 v17, v10;
	v17 =	vadd.s32 s17, v12  }
0x2a0: {  	v40 =	vadd.s32 s17, v13;
	v11 =	vadd.f32 v38, v11;
	[tilespmem:v24+s1+$0x0] =	vst.idx.msk $0xffff, v0  }
0x2a1: {  	p0 =	sgt.u32 s4, $0x21;
	v41 =	vadd.s32 s17, v14;
	s15 =	sadd.s32 $0xFFFFFFFE, s4;
	v16 =	vadd.f32 v39, v16;
	[tilespmem:v25+s1+$0x0] =	vst.idx.msk $0xffff, v10  }
0x2a2: {  	s15 =	simm.s32 @p0 $0x21;
	v20 =	vadd.s32 s17, v15;
	[tilespmem:v26+s1+$0x0] =	vst.idx.msk $0xffff, v11  }
0x2a3: {  	v21 =	vadd.s32 s15, v21;
	[tilespmem:v27+s1+$0x0] =	vst.idx.msk $0xffff, v16  }
0x2a4: {  	[tilespmem:v17+s0+$0x0] =	vst.idx.msk $0xffff, v0;
	v17 =	vld [tilespmem:$0x1FF90]  }
0x2a5: {  	v42 =	vld [tilespmem:$0x1FFA0];
	[tilespmem:v40+s0+$0x0] =	vst.idx.msk $0xffff, v10  }
0x2a6: {  	v43 =	vld [tilespmem:$0x1FFB0];
	[tilespmem:v41+s0+$0x0] =	vst.idx.msk $0xffff, v11  }
0x2a7: {  	[tilespmem:v20+s0+$0x0] =	vst.idx.msk $0xffff, v16;
	v20 =	vld [tilespmem:$0x1FFC0]  }
0x2a8: {  	[tilespmem:v21+s0+$0x0] =	vst.idx.msk $0xffff, v0;
	v21 =	vld [tilespmem:$0x1FFD0]  }
0x2a9: {  	v17 =	vadd.s32 s15, v17  }
0x2aa: {  	v18 =	vadd.s32 s15, v42  }
0x2ab: {  	v19 =	vadd.s32 s15, v43;
	s17 =	sadd.s32 $0xFFFFFFFD, s4  }
0x2ac: {  	v20 =	vadd.s32 s17, v20  }
0x2ad: {  	v21 =	vadd.s32 s17, v21  }
0x2ae: {  	[tilespmem:v17+s0+$0x0] =	vst.idx.msk $0xffff, v10;
	v17 =	vadd.s32 s17, v22  }
0x2af: {  	v44 =	vadd.s32 s17, v23;
	[tilespmem:v18+s0+$0x0] =	vst.idx.msk $0xffff, v11  }
0x2b0: {  	[tilespmem:v19+s0+$0x0] =	vst.idx.msk $0xffff, v16  }
0x2b1: {  	[tilespmem:v20+s0+$0x0] =	vst.idx.msk $0xffff, v0  }
0x2b2: {  	[tilespmem:v21+s0+$0x0] =	vst.idx.msk $0xffff, v10  }
0x2b3: {  	[tilespmem:v17+s0+$0x0] =	vst.idx.msk $0xffff, v11  }
0x2b4: {  	[tilespmem:v44+s0+$0x0] =	vst.idx.msk $0xffff, v16  }
0x2b5: {  	v0 =	vld [tilespmem:s11+$0xFFFFFB10]  }
0x2b6: {  	v10 =	vld [tilespmem:s11+$0xFFFFFB20]  }
0x2b7: {  	v11 =	vld [tilespmem:s11+$0xFFFFFB30]  }
0x2b8: {  	v16 =	vld [tilespmem:s11+$0xFFFFFB40]  }
0x2b9: {  	v17 =	vld [tilespmem:s11+$0xFFFFFB50]  }
0x2ba: {  	v18 =	vld [tilespmem:s11+$0xFFFFFB60]  }
0x2bb: {  	v19 =	vld [tilespmem:s11+$0xFFFFFB70]  }
0x2bc: {  	v20 =	vld [tilespmem:s11+$0xFFFFFB80]  }
0x2bd: {  	v21 =	vld [tilespmem:s11+$0xFFFFFB90]  }
0x2be: {  	v28 =	vld [tilespmem:s11+$0xFFFFFBA0]  }
0x2bf: {  	v29 =	vld [tilespmem:s11+$0xFFFFFBB0]  }
0x2c0: {  	v30 =	vld [tilespmem:s11+$0xFFFFFBC0]  }
0x2c1: {  	v31 =	vld [tilespmem:s11+$0xFFFFFBD0]  }
0x2c2: {  	v32 =	vld [tilespmem:s11+$0xFFFFFBE0]  }
0x2c3: {  	v33 =	vld [tilespmem:s11+$0xFFFFFBF0]  }
0x2c4: {  	v34 =	vld [tilespmem:s11+$0xFFFFFC00]  }
0x2c5: {  	v35 =	vld [tilespmem:s11+$0xFFFFFC10]  }
0x2c6: {  	v36 =	vld [tilespmem:s11+$0xFFFFFC20]  }
0x2c7: {  	v37 =	vld [tilespmem:s11+$0xFFFFFC30]  }
0x2c8: {  	v38 =	vld [tilespmem:s11+$0xFFFFFC40]  }
0x2c9: {  	v39 =	vld [tilespmem:s11+$0xFFFFFC50]  }
0x2ca: {  	v40 =	vld [tilespmem:s11+$0xFFFFFC60]  }
0x2cb: {  	v41 =	vld [tilespmem:s11+$0xFFFFFC70]  }
0x2cc: {  	v42 =	vld [tilespmem:s11+$0xFFFFFC80]  }
0x2cd: {  	v43 =	vld [tilespmem:s11+$0xFFFFFC90]  }
0x2ce: {  	v44 =	vld [tilespmem:s11+$0xFFFFFCA0]  }
0x2cf: {  	v45 =	vld [tilespmem:s11+$0xFFFFFCB0]  }
0x2d0: {  	v46 =	vld [tilespmem:s11+$0xFFFFFCC0]  }
0x2d1: {  	v47 =	vld [tilespmem:s11+$0xFFFFFCD0]  }
0x2d2: {  	v48 =	vld [tilespmem:s11+$0xFFFFFCE0]  }
0x2d3: {  	v49 =	vld [tilespmem:s11+$0xFFFFFCF0]  }
0x2d4: {  	v50 =	vld [tilespmem:s11+$0xFFFFFD00]  }
0x2d5: {  	v51 =	vld [tilespmem:s11+$0xFFFFFD10]  }
0x2d6: {  	v52 =	vld [tilespmem:s11+$0xFFFFFD20]  }
0x2d7: {  	v53 =	vld [tilespmem:s11+$0xFFFFFD30]  }
0x2d8: {  	v54 =	vld [tilespmem:s11+$0xFFFFFD40]  }
0x2d9: {  	v55 =	vld [tilespmem:s11+$0xFFFFFD50]  }
0x2da: {  	v56 =	vld [tilespmem:s11+$0xFFFFFD60]  }
0x2db: {  	v57 =	vld [tilespmem:s11+$0xFFFFFD70]  }
0x2dc: {  	v58 =	vld [tilespmem:s11+$0xFFFFFD80]  }
0x2dd: {  	v59 =	vld [tilespmem:s11+$0xFFFFFD90]  }
0x2de: {  	v60 =	vld [tilespmem:s11+$0xFFFFFDA0]  }
0x2df: {  	v61 =	vld [tilespmem:s11+$0xFFFFFDB0]  }
0x2e0: {  	v62 =	vld [tilespmem:s11+$0xFFFFFDC0]  }
0x2e1: {  	v63 =	vld [tilespmem:s11+$0xFFFFFDD0]  }
0x2e2: {  	v0 =	vadd.f32 v17, v0;
	v17 =	vld [tilespmem:s11+$0xFFFFFDE0]  }
0x2e3: {  	v10 =	vadd.f32 v18, v10;
	v18 =	vld [tilespmem:s11+$0xFFFFFDF0]  }
0x2e4: {  	v11 =	vadd.f32 v19, v11;
	v19 =	vld [tilespmem:s11+$0xFFFFFE00];
	v0 =	vadd.f32 v21, v0  }
0x2e5: {  	v16 =	vadd.f32 v20, v16;
	v20 =	vld [tilespmem:s11+$0xFFFFFE10];
	v10 =	vadd.f32 v28, v10  }
0x2e6: {  	v11 =	vadd.f32 v29, v11;
	v21 =	vld [tilespmem:s11+$0xFFFFFE20];
	v0 =	vadd.f32 v31, v0  }
0x2e7: {  	v16 =	vadd.f32 v30, v16;
	v28 =	vld [tilespmem:s11+$0xFFFFFE30];
	v10 =	vadd.f32 v32, v10  }
0x2e8: {  	v29 =	vld [tilespmem:s11+$0xFFFFFE40];
	v11 =	vadd.f32 v33, v11;
	v0 =	vadd.f32 v35, v0  }
0x2e9: {  	v30 =	vld [tilespmem:s11+$0xFFFFFE50];
	v16 =	vadd.f32 v34, v16;
	v10 =	vadd.f32 v36, v10  }
0x2ea: {  	v31 =	vld [tilespmem:s11+$0xFFFFFE60];
	v11 =	vadd.f32 v37, v11;
	v0 =	vadd.f32 v39, v0  }
0x2eb: {  	v32 =	vld [tilespmem:s11+$0xFFFFFE70];
	v16 =	vadd.f32 v38, v16;
	v10 =	vadd.f32 v40, v10  }
0x2ec: {  	v33 =	vld [tilespmem:s11+$0xFFFFFE80];
	v11 =	vadd.f32 v41, v11;
	v0 =	vadd.f32 v43, v0  }
0x2ed: {  	v34 =	vld [tilespmem:s11+$0xFFFFFE90];
	v16 =	vadd.f32 v42, v16;
	v10 =	vadd.f32 v44, v10  }
0x2ee: {  	v11 =	vadd.f32 v45, v11;
	v45 =	vld [tilespmem:s11+$0xFFFFFEA0];
	v0 =	vadd.f32 v47, v0  }
0x2ef: {  	v16 =	vadd.f32 v46, v16;
	v46 =	vld [tilespmem:s11+$0xFFFFFEB0];
	v10 =	vadd.f32 v48, v10  }
0x2f0: {  	v11 =	vadd.f32 v49, v11;
	v47 =	vld [tilespmem:s11+$0xFFFFFEC0];
	v0 =	vadd.f32 v51, v0  }
0x2f1: {  	v16 =	vadd.f32 v50, v16;
	v48 =	vld [tilespmem:s11+$0xFFFFFED0];
	v10 =	vadd.f32 v52, v10  }
0x2f2: {  	v49 =	vld [tilespmem:s11+$0xFFFFFEE0];
	v11 =	vadd.f32 v53, v11;
	v0 =	vadd.f32 v55, v0  }
0x2f3: {  	v50 =	vld [tilespmem:s11+$0xFFFFFEF0];
	v16 =	vadd.f32 v54, v16;
	v10 =	vadd.f32 v56, v10  }
0x2f4: {  	v51 =	vld [tilespmem:s11+$0xFFFFFF00];
	v11 =	vadd.f32 v57, v11;
	v0 =	vadd.f32 v59, v0  }
0x2f5: {  	v52 =	vld [tilespmem:s11+$0xFFFFFF10];
	v16 =	vadd.f32 v58, v16;
	v10 =	vadd.f32 v60, v10  }
0x2f6: {  	v53 =	vld [tilespmem:s11+$0xFFFFFF20];
	v11 =	vadd.f32 v61, v11;
	v0 =	vadd.f32 v63, v0  }
0x2f7: {  	v54 =	vld [tilespmem:s11+$0xFFFFFF40];
	v16 =	vadd.f32 v62, v16;
	v10 =	vadd.f32 v17, v10  }
0x2f8: {  	v55 =	vld [tilespmem:s11+$0xFFFFFF50];
	v11 =	vadd.f32 v18, v11;
	v0 =	vadd.f32 v20, v0  }
0x2f9: {  	v56 =	vld [tilespmem:s11+$0xFFFFFF80];
	v16 =	vadd.f32 v19, v16;
	v10 =	vadd.f32 v21, v10  }
0x2fa: {  	v57 =	vld [tilespmem:s11+$0xFFFFFF90];
	v11 =	vadd.f32 v28, v11;
	v0 =	vadd.f32 v30, v0  }
0x2fb: {  	v58 =	vld [tilespmem:s11+$0xFFFFFFA0];
	v16 =	vadd.f32 v29, v16;
	v10 =	vadd.f32 v31, v10  }
0x2fc: {  	v59 =	vld [tilespmem:s11+$0xFFFFFFB0];
	v11 =	vadd.f32 v32, v11;
	v0 =	vadd.f32 v34, v0  }
0x2fd: {  	v17 =	vld [tilespmem:s11+$0xFFFFFF30];
	v16 =	vadd.f32 v33, v16;
	v10 =	vadd.f32 v45, v10  }
0x2fe: {  	v20 =	vld [tilespmem:s11+$0xFFFFFF60];
	v11 =	vadd.f32 v46, v11;
	v0 =	vadd.f32 v48, v0  }
0x2ff: {  	v21 =	vld [tilespmem:s11+$0xFFFFFF70];
	v16 =	vadd.f32 v47, v16;
	v10 =	vadd.f32 v49, v10  }
0x300: {  	v60 =	vld [tilespmem:s11+$0xFFFFFFC0];
	v11 =	vadd.f32 v50, v11;
	v0 =	vadd.f32 v52, v0  }
0x301: {  	v61 =	vld [tilespmem:s11+$0xFFFFFFD0];
	v16 =	vadd.f32 v51, v16;
	v10 =	vadd.f32 v53, v10  }
0x302: {  	v11 =	vadd.f32 v17, v11;
	v17 =	vld [tilespmem:s11+$0xFFFFFFE0];
	v0 =	vadd.f32 v55, v0  }
0x303: {  	v62 =	vld [tilespmem:s11+$0xFFFFFFF0];
	v16 =	vadd.f32 v54, v16;
	v10 =	vadd.f32 v20, v10  }
0x304: {  	v63 =	vld [tilespmem:s11+$0x0];
	v11 =	vadd.f32 v21, v11;
	v0 =	vadd.f32 v57, v0  }
0x305: {  	v16 =	vadd.f32 v56, v16;
	v10 =	vadd.f32 v58, v10  }
0x306: {  	p0 =	sne.s32 s4, $0x22;
	v11 =	vadd.f32 v59, v11;
	v0 =	vadd.f32 v61, v0  }
.Ltmp7:
0x307: {  	v16 =	vadd.f32 v60, v16;
	v10 =	vadd.f32 v17, v10;
	(pc) =	sbr.rel @p0 .LBB2_16-.Ltmp7, $4  }
0x308: {  	v11 =	vadd.f32 v62, v11;
	[tilespmem:v24+s12+$0x0] =	vst.idx.msk $0xffff, v0  }
0x309: {  	v0 =	vadd.f32 v63, v16;
	[tilespmem:v25+s12+$0x0] =	vst.idx.msk $0xffff, v10  }
0x30a: {  	[tilespmem:v26+s12+$0x0] =	vst.idx.msk $0xffff, v11  }
0x30b: {  	s4 =	sadd.s32 $0x1, s4;
	s11 =	sadd.s32 $0xA00, s11;
	[tilespmem:v27+s12+$0x0] =	vst.idx.msk $0xffff, v0  }
0x30c: {  	_ =	strace $0x90000051;
	s4 =	simm.s32 $0x18EC0  }
0x30d: {  	s11 =	simm.s32 $0x80;
	s17 =	sadd.s32 $0x0, s8;
	s15 =	simm.s32 $0x18EE8  }
.LBB2_18:
0x30e: {  	[hbm4b:s17+s3] =	stream.linear.scatter [tilespmem:s4], [sflag:$0x3], $0x20, $0x38;
	[tilespmem:$0x1D0C0] =	vst v63  }
0x30f: {  	s17 =	smov.u32 s11;
	s4 =	smov.u32 s15;
	p0 =	sne.s32 s11, $0x1F80  }
.Ltmp8:
0x310: {  	s11 =	sadd.s32 $0x80, s11;
	(pc) =	sbr.rel @p0 .LBB2_18-.Ltmp8, $2  }
0x311: {  	_ =	sdelay $0x2  }
0x312: {  	s15 =	sadd.s32 $0x28, s15;
	s17 =	sadd.s32 s17, s8  }
0x313: {  	[hbm4b:s17+s3] =	stream.linear.scatter [tilespmem:s4], [sflag:$0x3], $0x20, $0x38;
	[tilespmem:$0x1D0C0] =	vst v63  }
0x314: {  	s4 =	simm.s32 $0x198C0  }
0x315: {  	s11 =	simm.s32 $0x80;
	s17 =	sadd.s32 $0x0, s9;
	s15 =	simm.s32 $0x198E8  }
.LBB2_20:
0x316: {  	[hbm4b:s17+s3] =	stream.linear.scatter [tilespmem:s4], [sflag:$0x3], $0x20, $0x38;
	[tilespmem:$0x1D0C0] =	vst v63  }
0x317: {  	s17 =	smov.u32 s11;
	s4 =	smov.u32 s15;
	p0 =	sne.s32 s11, $0x1F80  }
.Ltmp9:
0x318: {  	s11 =	sadd.s32 $0x80, s11;
	(pc) =	sbr.rel @p0 .LBB2_20-.Ltmp9, $2  }
0x319: {  	_ =	sdelay $0x2  }
0x31a: {  	s15 =	sadd.s32 $0x28, s15;
	s17 =	sadd.s32 s17, s9  }
0x31b: {  	[hbm4b:s17+s3] =	stream.linear.scatter [tilespmem:s4], [sflag:$0x3], $0x20, $0x38;
	[tilespmem:$0x1D0C0] =	vst v63  }
0x31c: {  	s17 =	simm.s32 $0x1A2C0;
	s4 =	simm.s32 $0xA0;
	s11 =	smov.u32 s10  }
0x31d: {  	[hbm4b:s10+s3] =	stream.linear.scatter [tilespmem:s17], [sflag:$0x3], $0x20, $0x38;
	[tilespmem:$0x1D0C0] =	vst v63  }
.LBB2_22:
0x31e: {  	p0 =	sne.s32 s4, $0x7760  }
.Ltmp10:
0x31f: {  	_ = 	snop;
	(pc) =	sbr.rel @p0 .LBB2_22-.Ltmp10, $4  }
0x320: {  	_ = 	snop  }
0x321: {  	s15 =	sshra.s32 s4, $0x2;
	s4 =	sadd.s32 $0xA0, s4  }
0x322: {  	s11 =	sadd.s32 $0x80, s11;
	s15 =	sadd.s32 $0x1A2C0, s15  }
0x323: {  	[hbm4b:s11+s3] =	stream.linear.scatter [tilespmem:s15], [sflag:$0x3], $0x20, $0x38;
	[tilespmem:$0x1D0C0] =	vst v63  }
0x324: {  	_ =	strace $0x80000052  }
0x325: {  	_ =	swait.ge [sflag:s28], $0x800  }
0x326: {  	[sflag:s28] =	ssyncset.done $0x0  }
0x327: {  	[sflag:s28] =	ssyncadd.s32 $0xFFFFF800  }
0x328: {  	_ =	swait.ge [sflag:s28], $0x800  }
0x329: {  	[sflag:s28] =	ssyncset.done $0x0  }
0x32a: {  	[sflag:s28] =	ssyncadd.s32 $0xFFFFF800  }
0x32b: {  	_ =	swait.ge [sflag:s28], $0x1800  }
0x32c: {  	s29 =	sadd.s32 $0x1, s29;
	s4 =	rddreg [dreg:$0x7]  }
0x32d: {  	p0 =	sne.s32 s29, s4  }
.Ltmp11:
0x32e: {  	_ = 	snop;
	(pc) =	sbr.rel @p0 .LBB2_1-.Ltmp11, $4  }
0x32f: {  	_ = 	snop  }
0x330: {  	[sflag:s28] =	ssyncset.done $0x0  }
0x331: {  	[sflag:s28] =	ssyncadd.s32 $0xFFFFE800  }
0x332: {  	_ =	strace $0x90000052  }
0x333: {  	_ =	sfence.sel $0x180000  }
0x334: {  	[bflag:$0x0] =	sbarrier.arrive $0xFFFF  }
0x335: {  	_ =	strace $0x90000047  }
0x336: {  	s0 =	stileid.u32;
	[bflag:$0x2] =	sbarrier.arrive $0xFFFF  }
0x337: {  	p0 =	sne.s32 s0, $0x0;
	s0 =	rddreg [dreg:$0x5]  }
0x338: {  	s0 =	sadd.s32 @!p0 $0x100000, s0  }
0x339: {  	[sflag:s0] =	ssyncadd.tile.s32 @!p0 $0x1;
	_ =	shalt  }
.Lfunc_end2:
_tile_overlayer_lowered:
.L_overlay_start_2:
0x33a: {  	(tag) =	ssettag $0x2  }
0x33b: {  	s0 =	rddreg [dreg:$0x0];
	s2 =	stileid.u32  }
0x33c: {  	s1 =	rddreg [dreg:$0x1];
	p0 =	sne.s32 s2, $0x0  }
0x33d: {  	s3 =	rddreg [dreg:$0x2];
	[bflag:$0x3] =	sbarrier.arrive $0xFFFF;
	s2 =	simm.s32 @!p0 $0x1C10  }
0x33e: {  	[timem:s3], [sflag:s2] =	dma.local @!p0 [hbm:s0], s1  }
0x33f: {  	s0 =	simm.s32 @!p0 $0x10  }
0x340: {  	_ =	swait.ge @!p0 [sflag:s0], s1  }
0x341: {  	s1 =	ssub.s32 @!p0 $0x0, s1;
	[sflag:s0] =	ssyncset.done @!p0 $0x0  }
0x342: {  	[sflag:s0] =	ssyncadd.s32 @!p0 s1  }
0x343: {  	[bflag:$0x3] =	sbarrier.arrive $0xFFFF  }
0x344: {  	_ =	shalt  }

</sc_bundles>
